<compile_context>
chip_gen: v7x
topology: tpu7x:2x2x1
jax: 0.10.2.dev20260603
libtpu: 0.0.44.dev20260713+nightly
codegen_flags: <defaults>
</compile_context>

<pallas_src>
import functools

import jax
import jax.numpy as jnp
from jax import lax
from jax.experimental import pallas as pl
from jax.experimental.pallas import tpu as pltpu
from jax.experimental.pallas import tpu_sc as plsc

NUM_WORDS = 1000000
NUM_SUBWORDS = 5000
D_EMBED = 64
MAX_SUBWORDS = 5
BATCH = 16384

NUM_CORES = 2
NUM_SUBCORES = 16
NUM_WORKERS = NUM_CORES * NUM_SUBCORES
B_PER_W = BATCH // NUM_WORKERS
CHUNK = 128
N_CHUNKS = B_PER_W // CHUNK
LANES = 16
N_SUB_CHUNKS = MAX_SUBWORDS * N_CHUNKS
N_PAD_ROWS = 8


def _body(word_hbm, wt_hbm, sub_hbm, seqj_hbm, out_hbm,
          widx, craw, cidx, acc, tmp_a, tmp_b,
          sem_w, sem_b, sem_s, sem_o):
    wid = lax.axis_index("s") * NUM_CORES + lax.axis_index("c")
    gbase = wid * B_PER_W

    for c in range(N_CHUNKS):
        pltpu.sync_copy(word_hbm.at[pl.ds(gbase + CHUNK * c, CHUNK)],
                        widx.at[c])

    wdescs = [
        pltpu.async_copy(wt_hbm.at[widx.at[c]], acc.at[c], sem_w)
        for c in range(N_CHUNKS)
    ]

    bdescs = []
    for c in range(N_CHUNKS):
        for j in range(MAX_SUBWORDS):
            src = seqj_hbm.at[pl.ds(j * BATCH + gbase + CHUNK * c, CHUNK)]
            bdescs.append(
                pltpu.async_copy(src, craw.at[MAX_SUBWORDS * c + j], sem_b))
    for d in bdescs:
        d.wait()

    iota = lax.iota(jnp.int32, LANES)
    pad_row = jnp.int32(NUM_SUBWORDS) + (iota & jnp.int32(N_PAD_ROWS - 1))
    for rj in range(N_SUB_CHUNKS):
        for t in range(CHUNK // LANES):
            sl = pl.ds(LANES * t, LANES)
            v = craw[rj, sl]
            cidx[rj, sl] = jnp.where(v == 0, pad_row, v)

    bufs = (tmp_a, tmp_b)

    def fire(c, buf):
        return [
            pltpu.async_copy(sub_hbm.at[cidx.at[MAX_SUBWORDS * c + j]],
                             buf.at[j], sem_s)
            for j in range(MAX_SUBWORDS)
        ]

    odescs = []
    pend = fire(0, bufs[0])
    for c in range(N_CHUNKS):
        for d in pend:
            d.wait()
        if c + 1 < N_CHUNKS:
            pend = fire(c + 1, bufs[(c + 1) % 2])
        wdescs[c].wait()
        buf = bufs[c % 2]

        def r_body(r, _, c=c, buf=buf):
            for k in range(D_EMBED // LANES):
                sl = pl.ds(LANES * k, LANES)
                s01 = buf[0, r, sl] + buf[1, r, sl]
                s23 = buf[2, r, sl] + buf[3, r, sl]
                s = s01 + s23 + buf[4, r, sl]
                acc[c, r, sl] = acc[c, r, sl] + s
            return 0

        lax.fori_loop(0, CHUNK, r_body, 0)
        odescs.append(
            pltpu.async_copy(acc.at[c],
                             out_hbm.at[pl.ds(gbase + CHUNK * c, CHUNK)],
                             sem_o))
    for d in odescs:
        d.wait()


_mesh = plsc.VectorSubcoreMesh(core_axis_name="c", subcore_axis_name="s")

_sc_embed = functools.partial(
    pl.kernel,
    out_type=jax.ShapeDtypeStruct((BATCH, D_EMBED), jnp.float32),
    mesh=_mesh,
    scratch_types=[
        pltpu.VMEM((N_CHUNKS, CHUNK), jnp.int32),
        pltpu.VMEM((N_SUB_CHUNKS, CHUNK), jnp.int32),
        pltpu.VMEM((N_SUB_CHUNKS, CHUNK), jnp.int32),
        pltpu.VMEM((N_CHUNKS, CHUNK, D_EMBED), jnp.float32),
        pltpu.VMEM((MAX_SUBWORDS, CHUNK, D_EMBED), jnp.float32),
        pltpu.VMEM((MAX_SUBWORDS, CHUNK, D_EMBED), jnp.float32),
        pltpu.SemaphoreType.DMA,
        pltpu.SemaphoreType.DMA,
        pltpu.SemaphoreType.DMA,
        pltpu.SemaphoreType.DMA,
    ],
    compiler_params=pltpu.CompilerParams(use_tc_tiling_on_sc=False),
)(_body)


@jax.jit
def kernel(word, word_table, subword_table, word_to_subwords):
    word = word.astype(jnp.int32)
    seqj = jnp.take(word_to_subwords, word, axis=0).T.reshape(-1)
    seqj = seqj.astype(jnp.int32)
    sub_ext = jnp.concatenate(
        [subword_table,
         jnp.zeros((N_PAD_ROWS, D_EMBED), subword_table.dtype)], axis=0)
    return _sc_embed(word, word_table, sub_ext, seqj)

# --- scband reference (transcript-rebuilt; emitter-appended) ---
"""Pipeline reference for scband-subword-embedding-82136954569077 (READ-ONLY COPY).

The authoritative reference and input builder live on the scoring server;
editing this copy changes nothing except your own understanding.
"""

import jax, jax.numpy as jnp
import numpy as np

NUM_WORDS = 1000000
NUM_SUBWORDS = 5000
D_EMBED = 64
MAX_SUBWORDS = 5
BATCH = 16384


def setup_inputs(seed: int = 0) -> dict:
    key = jax.random.key(seed)
    k1, k2, k3, k4 = jax.random.split(key, 4)
    word = jax.random.randint(k1, (BATCH,), 0, NUM_WORDS, dtype=jnp.int64)
    word_table = jax.random.normal(k2, (NUM_WORDS, D_EMBED), dtype=jnp.float32)
    subword_table = jax.random.normal(k3, (NUM_SUBWORDS, D_EMBED), dtype=jnp.float32)
    # index 0 acts as padding (mask is applied where idx == 0), matching the torch module
    word_to_subwords = jax.random.randint(k4, (NUM_WORDS, MAX_SUBWORDS), 0, NUM_SUBWORDS, dtype=jnp.int64)
    return {
        "word": word,
        "word_table": word_table,
        "subword_table": subword_table,
        "word_to_subwords": word_to_subwords,
    }


def reference(word, word_table, subword_table, word_to_subwords):
    # word_embedding = self.word_embedding(word)
    word_embedding = jnp.take(word_table, word, axis=0)  # [B, D]
    # subword_embedding_seq = index_select(word_to_subwords, 0, word)
    subword_embedding_seq = jnp.take(word_to_subwords, word, axis=0)  # [B, MAX_SUBWORDS]
    # subword_embeddings = self.subword_embedding(subword_embedding_seq)
    subword_embeddings = jnp.take(subword_table, subword_embedding_seq, axis=0)  # [B, MAX_SUBWORDS, D]
    # mask = 1 - (subword_embedding_seq == 0).float()
    mask = 1.0 - (subword_embedding_seq == 0).astype(jnp.float32)  # [B, MAX_SUBWORDS]
    subword_embeddings = subword_embeddings * mask[:, :, None]
    return word_embedding + subword_embeddings.sum(axis=1)

if __name__ == "__main__":
    import jax
    _d = setup_inputs()
    print(jax.jit(kernel)(*tuple(_d.values())))

</pallas_src>

<mosaic_0001>
#map = affine_map<(d0, d1) -> (0)>
#map1 = affine_map<(d0, d1) -> (0, 0)>
module attributes {stable_mosaic.version = 14 : i64} {
  func.func @_body(%arg0: i32, %arg1: i32, %arg2: memref<16384xi32, #tpu.memory_space<hbm>>, %arg3: memref<1000000x64xf32, #tpu.memory_space<hbm>>, %arg4: memref<5008x64xf32, #tpu.memory_space<hbm>>, %arg5: memref<81920xi32, #tpu.memory_space<hbm>>, %arg6: memref<16384x64xf32, #tpu.memory_space<hbm>>, %arg7: memref<4x128xi32, #tpu.memory_space<vmem>>, %arg8: memref<20x128xi32, #tpu.memory_space<vmem>>, %arg9: memref<20x128xi32, #tpu.memory_space<vmem>>, %arg10: memref<4x128x64xf32, #tpu.memory_space<vmem>>, %arg11: memref<5x128x64xf32, #tpu.memory_space<vmem>>, %arg12: memref<5x128x64xf32, #tpu.memory_space<vmem>>, %arg13: memref<!tpu.dma_semaphore, #tpu.memory_space<semaphore_mem>>, %arg14: memref<!tpu.dma_semaphore, #tpu.memory_space<semaphore_mem>>, %arg15: memref<!tpu.dma_semaphore, #tpu.memory_space<semaphore_mem>>, %arg16: memref<!tpu.dma_semaphore, #tpu.memory_space<semaphore_mem>>) attributes {dimension_semantics = [#tpu.dimension_semantics<core_parallel>, #tpu.dimension_semantics<subcore_parallel>], iteration_bounds = array<i64: 2, 16>, scalar_prefetch = 0 : i64, scratch_operands = 10 : i64, tpu.core_type = #tpu.core_type<sc_vector_subcore>, window_params = [{transform_indices = #map}, {transform_indices = #map1}, {transform_indices = #map1}, {transform_indices = #map}, {transform_indices = #map1}]} {
    %mul3A = arith.constant 2 : i32
    %mul3A_0 = arith.muli %arg1, %mul3A : i32
    %add3A = arith.addi %mul3A_0, %arg0 : i32
    %mul3A_1 = arith.constant 512 : i32
    %mul3A_2 = arith.muli %add3A, %mul3A_1 : i32
    %add3A_3 = arith.constant 0 : i32
    %add3A_4 = arith.addi %mul3A_2, %add3A_3 : i32
    %run_scoped3A = arith.constant 0 : i32
    "tpu.region"() ({
      %run_scoped3A_3568 = tpu.sem_alloc : memref<!tpu.dma_semaphore, #tpu.memory_space<semaphore_mem>>
      %dma_start3A_3569 = arith.constant 0 : i32
      %dma_start3A_3570 = tpu.memref_slice %arg7[%run_scoped3A, %dma_start3A_3569] : memref<4x128xi32, #tpu.memory_space<vmem>> -> memref<1x128xi32, #tpu.memory_space<vmem>>
      %dma_start3A_3571 = tpu.memref_squeeze %dma_start3A_3570 : memref<1x128xi32, #tpu.memory_space<vmem>> -> memref<128xi32, #tpu.memory_space<vmem>>
      %dma_start3A_3572 = tpu.memref_slice %arg2[%add3A_4] : memref<16384xi32, #tpu.memory_space<hbm>> -> memref<128xi32, #tpu.memory_space<hbm>>
      %dma_start3A_3573 = arith.constant 0 : i32
      %dma_start3A_3574 = tpu.memref_slice %arg7[%run_scoped3A, %dma_start3A_3573] : memref<4x128xi32, #tpu.memory_space<vmem>> -> memref<1x128xi32, #tpu.memory_space<vmem>>
      %dma_start3A_3575 = tpu.memref_squeeze %dma_start3A_3574 : memref<1x128xi32, #tpu.memory_space<vmem>> -> memref<128xi32, #tpu.memory_space<vmem>>
      %dma_start3A_3576 = tpu.memref_slice %arg2[%add3A_4] : memref<16384xi32, #tpu.memory_space<hbm>> -> memref<128xi32, #tpu.memory_space<hbm>>
      tpu.enqueue_dma source(%dma_start3A_3576 : memref<128xi32, #tpu.memory_space<hbm>>) target(%dma_start3A_3575 : memref<128xi32, #tpu.memory_space<vmem>>) target_semaphore(%run_scoped3A_3568 : memref<!tpu.dma_semaphore, #tpu.memory_space<semaphore_mem>>)
      %dma_wait3A_3577 = arith.constant 0 : i32
      %dma_wait3A_3578 = tpu.memref_slice %arg7[%run_scoped3A, %dma_wait3A_3577] : memref<4x128xi32, #tpu.memory_space<vmem>> -> memref<1x128xi32, #tpu.memory_space<vmem>>
      %dma_wait3A_3579 = tpu.memref_squeeze %dma_wait3A_3578 : memref<1x128xi32, #tpu.memory_space<vmem>> -> memref<128xi32, #tpu.memory_space<vmem>>
      %dma_wait3A_3580 = tpu.memref_slice %arg2[%add3A_4] : memref<16384xi32, #tpu.memory_space<hbm>> -> memref<128xi32, #tpu.memory_space<hbm>>
      %dma_wait3A_3581 = arith.constant 0 : i32
      %dma_wait3A_3582 = tpu.memref_slice %arg7[%run_scoped3A, %dma_wait3A_3581] : memref<4x128xi32, #tpu.memory_space<vmem>> -> memref<1x128xi32, #tpu.memory_space<vmem>>
      %dma_wait3A_3583 = tpu.memref_squeeze %dma_wait3A_3582 : memref<1x128xi32, #tpu.memory_space<vmem>> -> memref<128xi32, #tpu.memory_space<vmem>>
      %dma_wait3A_3584 = tpu.memref_slice %arg2[%add3A_4] : memref<16384xi32, #tpu.memory_space<hbm>> -> memref<128xi32, #tpu.memory_space<hbm>>
      tpu.wait_dma2 semaphore(%run_scoped3A_3568 : memref<!tpu.dma_semaphore, #tpu.memory_space<semaphore_mem>>) src(%dma_wait3A_3584 : memref<128xi32, #tpu.memory_space<hbm>>) dst(%dma_wait3A_3583 : memref<128xi32, #tpu.memory_space<vmem>>)
      tpu.yield
    }) : () -> ()
    %add3A_5 = arith.constant 128 : i32
    %add3A_6 = arith.addi %mul3A_2, %add3A_5 : i32
    %run_scoped3A_7 = arith.constant 1 : i32
    "tpu.region"() ({
      %run_scoped3A_3568 = tpu.sem_alloc : memref<!tpu.dma_semaphore, #tpu.memory_space<semaphore_mem>>
      %dma_start3A_3569 = arith.constant 0 : i32
      %dma_start3A_3570 = tpu.memref_slice %arg7[%run_scoped3A_7, %dma_start3A_3569] : memref<4x128xi32, #tpu.memory_space<vmem>> -> memref<1x128xi32, #tpu.memory_space<vmem>>
      %dma_start3A_3571 = tpu.memref_squeeze %dma_start3A_3570 : memref<1x128xi32, #tpu.memory_space<vmem>> -> memref<128xi32, #tpu.memory_space<vmem>>
      %dma_start3A_3572 = tpu.memref_slice %arg2[%add3A_6] : memref<16384xi32, #tpu.memory_space<hbm>> -> memref<128xi32, #tpu.memory_space<hbm>>
      %dma_start3A_3573 = arith.constant 0 : i32
      %dma_start3A_3574 = tpu.memref_slice %arg7[%run_scoped3A_7, %dma_start3A_3573] : memref<4x128xi32, #tpu.memory_space<vmem>> -> memref<1x128xi32, #tpu.memory_space<vmem>>
      %dma_start3A_3575 = tpu.memref_squeeze %dma_start3A_3574 : memref<1x128xi32, #tpu.memory_space<vmem>> -> memref<128xi32, #tpu.memory_space<vmem>>
      %dma_start3A_3576 = tpu.memref_slice %arg2[%add3A_6] : memref<16384xi32, #tpu.memory_space<hbm>> -> memref<128xi32, #tpu.memory_space<hbm>>
      tpu.enqueue_dma source(%dma_start3A_3576 : memref<128xi32, #tpu.memory_space<hbm>>) target(%dma_start3A_3575 : memref<128xi32, #tpu.memory_space<vmem>>) target_semaphore(%run_scoped3A_3568 : memref<!tpu.dma_semaphore, #tpu.memory_space<semaphore_mem>>)
      %dma_wait3A_3577 = arith.constant 0 : i32
      %dma_wait3A_3578 = tpu.memref_slice %arg7[%run_scoped3A_7, %dma_wait3A_3577] : memref<4x128xi32, #tpu.memory_space<vmem>> -> memref<1x128xi32, #tpu.memory_space<vmem>>
      %dma_wait3A_3579 = tpu.memref_squeeze %dma_wait3A_3578 : memref<1x128xi32, #tpu.memory_space<vmem>> -> memref<128xi32, #tpu.memory_space<vmem>>
      %dma_wait3A_3580 = tpu.memref_slice %arg2[%add3A_6] : memref<16384xi32, #tpu.memory_space<hbm>> -> memref<128xi32, #tpu.memory_space<hbm>>
      %dma_wait3A_3581 = arith.constant 0 : i32
      %dma_wait3A_3582 = tpu.memref_slice %arg7[%run_scoped3A_7, %dma_wait3A_3581] : memref<4x128xi32, #tpu.memory_space<vmem>> -> memref<1x128xi32, #tpu.memory_space<vmem>>
      %dma_wait3A_3583 = tpu.memref_squeeze %dma_wait3A_3582 : memref<1x128xi32, #tpu.memory_space<vmem>> -> memref<128xi32, #tpu.memory_space<vmem>>
      %dma_wait3A_3584 = tpu.memref_slice %arg2[%add3A_6] : memref<16384xi32, #tpu.memory_space<hbm>> -> memref<128xi32, #tpu.memory_space<hbm>>
      tpu.wait_dma2 semaphore(%run_scoped3A_3568 : memref<!tpu.dma_semaphore, #tpu.memory_space<semaphore_mem>>) src(%dma_wait3A_3584 : memref<128xi32, #tpu.memory_space<hbm>>) dst(%dma_wait3A_3583 : memref<128xi32, #tpu.memory_space<vmem>>)
      tpu.yield
    }) : () -> ()
    %add3A_8 = arith.constant 256 : i32
    %add3A_9 = arith.addi %mul3A_2, %add3A_8 : i32
    %run_scoped3A_10 = arith.constant 2 : i32
    "tpu.region"() ({
      %run_scoped3A_3568 = tpu.sem_alloc : memref<!tpu.dma_semaphore, #tpu.memory_space<semaphore_mem>>
      %dma_start3A_3569 = arith.constant 0 : i32
      %dma_start3A_3570 = tpu.memref_slice %arg7[%run_scoped3A_10, %dma_start3A_3569] : memref<4x128xi32, #tpu.memory_space<vmem>> -> memref<1x128xi32, #tpu.memory_space<vmem>>
      %dma_start3A_3571 = tpu.memref_squeeze %dma_start3A_3570 : memref<1x128xi32, #tpu.memory_space<vmem>> -> memref<128xi32, #tpu.memory_space<vmem>>
      %dma_start3A_3572 = tpu.memref_slice %arg2[%add3A_9] : memref<16384xi32, #tpu.memory_space<hbm>> -> memref<128xi32, #tpu.memory_space<hbm>>
      %dma_start3A_3573 = arith.constant 0 : i32
      %dma_start3A_3574 = tpu.memref_slice %arg7[%run_scoped3A_10, %dma_start3A_3573] : memref<4x128xi32, #tpu.memory_space<vmem>> -> memref<1x128xi32, #tpu.memory_space<vmem>>
      %dma_start3A_3575 = tpu.memref_squeeze %dma_start3A_3574 : memref<1x128xi32, #tpu.memory_space<vmem>> -> memref<128xi32, #tpu.memory_space<vmem>>
      %dma_start3A_3576 = tpu.memref_slice %arg2[%add3A_9] : memref<16384xi32, #tpu.memory_space<hbm>> -> memref<128xi32, #tpu.memory_space<hbm>>
      tpu.enqueue_dma source(%dma_start3A_3576 : memref<128xi32, #tpu.memory_space<hbm>>) target(%dma_start3A_3575 : memref<128xi32, #tpu.memory_space<vmem>>) target_semaphore(%run_scoped3A_3568 : memref<!tpu.dma_semaphore, #tpu.memory_space<semaphore_mem>>)
      %dma_wait3A_3577 = arith.constant 0 : i32
      %dma_wait3A_3578 = tpu.memref_slice %arg7[%run_scoped3A_10, %dma_wait3A_3577] : memref<4x128xi32, #tpu.memory_space<vmem>> -> memref<1x128xi32, #tpu.memory_space<vmem>>
      %dma_wait3A_3579 = tpu.memref_squeeze %dma_wait3A_3578 : memref<1x128xi32, #tpu.memory_space<vmem>> -> memref<128xi32, #tpu.memory_space<vmem>>
      %dma_wait3A_3580 = tpu.memref_slice %arg2[%add3A_9] : memref<16384xi32, #tpu.memory_space<hbm>> -> memref<128xi32, #tpu.memory_space<hbm>>
      %dma_wait3A_3581 = arith.constant 0 : i32
      %dma_wait3A_3582 = tpu.memref_slice %arg7[%run_scoped3A_10, %dma_wait3A_3581] : memref<4x128xi32, #tpu.memory_space<vmem>> -> memref<1x128xi32, #tpu.memory_space<vmem>>
      %dma_wait3A_3583 = tpu.memref_squeeze %dma_wait3A_3582 : memref<1x128xi32, #tpu.memory_space<vmem>> -> memref<128xi32, #tpu.memory_space<vmem>>
      %dma_wait3A_3584 = tpu.memref_slice %arg2[%add3A_9] : memref<16384xi32, #tpu.memory_space<hbm>> -> memref<128xi32, #tpu.memory_space<hbm>>
      tpu.wait_dma2 semaphore(%run_scoped3A_3568 : memref<!tpu.dma_semaphore, #tpu.memory_space<semaphore_mem>>) src(%dma_wait3A_3584 : memref<128xi32, #tpu.memory_space<hbm>>) dst(%dma_wait3A_3583 : memref<128xi32, #tpu.memory_space<vmem>>)
      tpu.yield
    }) : () -> ()
    %add3A_11 = arith.constant 384 : i32
    %add3A_12 = arith.addi %mul3A_2, %add3A_11 : i32
    %run_scoped3A_13 = arith.constant 3 : i32
    "tpu.region"() ({
      %run_scoped3A_3568 = tpu.sem_alloc : memref<!tpu.dma_semaphore, #tpu.memory_space<semaphore_mem>>
      %dma_start3A_3569 = arith.constant 0 : i32
      %dma_start3A_3570 = tpu.memref_slice %arg7[%run_scoped3A_13, %dma_start3A_3569] : memref<4x128xi32, #tpu.memory_space<vmem>> -> memref<1x128xi32, #tpu.memory_space<vmem>>
      %dma_start3A_3571 = tpu.memref_squeeze %dma_start3A_3570 : memref<1x128xi32, #tpu.memory_space<vmem>> -> memref<128xi32, #tpu.memory_space<vmem>>
      %dma_start3A_3572 = tpu.memref_slice %arg2[%add3A_12] : memref<16384xi32, #tpu.memory_space<hbm>> -> memref<128xi32, #tpu.memory_space<hbm>>
      %dma_start3A_3573 = arith.constant 0 : i32
      %dma_start3A_3574 = tpu.memref_slice %arg7[%run_scoped3A_13, %dma_start3A_3573] : memref<4x128xi32, #tpu.memory_space<vmem>> -> memref<1x128xi32, #tpu.memory_space<vmem>>
      %dma_start3A_3575 = tpu.memref_squeeze %dma_start3A_3574 : memref<1x128xi32, #tpu.memory_space<vmem>> -> memref<128xi32, #tpu.memory_space<vmem>>
      %dma_start3A_3576 = tpu.memref_slice %arg2[%add3A_12] : memref<16384xi32, #tpu.memory_space<hbm>> -> memref<128xi32, #tpu.memory_space<hbm>>
      tpu.enqueue_dma source(%dma_start3A_3576 : memref<128xi32, #tpu.memory_space<hbm>>) target(%dma_start3A_3575 : memref<128xi32, #tpu.memory_space<vmem>>) target_semaphore(%run_scoped3A_3568 : memref<!tpu.dma_semaphore, #tpu.memory_space<semaphore_mem>>)
      %dma_wait3A_3577 = arith.constant 0 : i32
      %dma_wait3A_3578 = tpu.memref_slice %arg7[%run_scoped3A_13, %dma_wait3A_3577] : memref<4x128xi32, #tpu.memory_space<vmem>> -> memref<1x128xi32, #tpu.memory_space<vmem>>
      %dma_wait3A_3579 = tpu.memref_squeeze %dma_wait3A_3578 : memref<1x128xi32, #tpu.memory_space<vmem>> -> memref<128xi32, #tpu.memory_space<vmem>>
      %dma_wait3A_3580 = tpu.memref_slice %arg2[%add3A_12] : memref<16384xi32, #tpu.memory_space<hbm>> -> memref<128xi32, #tpu.memory_space<hbm>>
      %dma_wait3A_3581 = arith.constant 0 : i32
      %dma_wait3A_3582 = tpu.memref_slice %arg7[%run_scoped3A_13, %dma_wait3A_3581] : memref<4x128xi32, #tpu.memory_space<vmem>> -> memref<1x128xi32, #tpu.memory_space<vmem>>
      %dma_wait3A_3583 = tpu.memref_squeeze %dma_wait3A_3582 : memref<1x128xi32, #tpu.memory_space<vmem>> -> memref<128xi32, #tpu.memory_space<vmem>>
      %dma_wait3A_3584 = tpu.memref_slice %arg2[%add3A_12] : memref<16384xi32, #tpu.memory_space<hbm>> -> memref<128xi32, #tpu.memory_space<hbm>>
      tpu.wait_dma2 semaphore(%run_scoped3A_3568 : memref<!tpu.dma_semaphore, #tpu.memory_space<semaphore_mem>>) src(%dma_wait3A_3584 : memref<128xi32, #tpu.memory_space<hbm>>) dst(%dma_wait3A_3583 : memref<128xi32, #tpu.memory_space<vmem>>)
      tpu.yield
    }) : () -> ()
    %dma_start3A = arith.constant 0 : i32
    %dma_start3A_14 = arith.constant 0 : i32
    %dma_start3A_15 = arith.constant 0 : i32
    %dma_start3A_16 = arith.constant 0 : i32
    %dma_start3A_17 = tpu.memref_slice %arg10[%dma_start3A_14, %dma_start3A_15, %dma_start3A_16] : memref<4x128x64xf32, #tpu.memory_space<vmem>> -> memref<1x128x64xf32, #tpu.memory_space<vmem>>
    %dma_start3A_18 = tpu.memref_squeeze %dma_start3A_17 : memref<1x128x64xf32, #tpu.memory_space<vmem>> -> memref<128x64xf32, #tpu.memory_space<vmem>>
    %dma_start3A_19 = arith.constant 0 : i32
    %dma_start3A_20 = tpu.memref_slice %arg7[%dma_start3A, %dma_start3A_19] : memref<4x128xi32, #tpu.memory_space<vmem>> -> memref<1x128xi32, #tpu.memory_space<vmem>>
    %dma_start3A_21 = tpu.memref_squeeze %dma_start3A_20 : memref<1x128xi32, #tpu.memory_space<vmem>> -> memref<128xi32, #tpu.memory_space<vmem>>
    %dma_start3A_22 = arith.constant 0 : i32
    %dma_start3A_23 = arith.constant 0 : i32
    %dma_start3A_24 = tpu.memref_slice %arg3[%dma_start3A_22, %dma_start3A_23] : memref<1000000x64xf32, #tpu.memory_space<hbm>> -> memref<1000000x64xf32, #tpu.memory_space<hbm>>
    tpu.enqueue_indirect_dma source(%dma_start3A_24 : memref<1000000x64xf32, #tpu.memory_space<hbm>>) target(%dma_start3A_18 : memref<128x64xf32, #tpu.memory_space<vmem>>) offsets(%dma_start3A_21 : memref<128xi32, #tpu.memory_space<vmem>>) semaphore(%arg13 : memref<!tpu.dma_semaphore, #tpu.memory_space<semaphore_mem>>)
    %dma_start3A_25 = arith.constant 1 : i32
    %dma_start3A_26 = arith.constant 1 : i32
    %dma_start3A_27 = arith.constant 0 : i32
    %dma_start3A_28 = arith.constant 0 : i32
    %dma_start3A_29 = tpu.memref_slice %arg10[%dma_start3A_26, %dma_start3A_27, %dma_start3A_28] : memref<4x128x64xf32, #tpu.memory_space<vmem>> -> memref<1x128x64xf32, #tpu.memory_space<vmem>>
    %dma_start3A_30 = tpu.memref_squeeze %dma_start3A_29 : memref<1x128x64xf32, #tpu.memory_space<vmem>> -> memref<128x64xf32, #tpu.memory_space<vmem>>
    %dma_start3A_31 = arith.constant 0 : i32
    %dma_start3A_32 = tpu.memref_slice %arg7[%dma_start3A_25, %dma_start3A_31] : memref<4x128xi32, #tpu.memory_space<vmem>> -> memref<1x128xi32, #tpu.memory_space<vmem>>
    %dma_start3A_33 = tpu.memref_squeeze %dma_start3A_32 : memref<1x128xi32, #tpu.memory_space<vmem>> -> memref<128xi32, #tpu.memory_space<vmem>>
    %dma_start3A_34 = arith.constant 0 : i32
    %dma_start3A_35 = arith.constant 0 : i32
    %dma_start3A_36 = tpu.memref_slice %arg3[%dma_start3A_34, %dma_start3A_35] : memref<1000000x64xf32, #tpu.memory_space<hbm>> -> memref<1000000x64xf32, #tpu.memory_space<hbm>>
    tpu.enqueue_indirect_dma source(%dma_start3A_36 : memref<1000000x64xf32, #tpu.memory_space<hbm>>) target(%dma_start3A_30 : memref<128x64xf32, #tpu.memory_space<vmem>>) offsets(%dma_start3A_33 : memref<128xi32, #tpu.memory_space<vmem>>) semaphore(%arg13 : memref<!tpu.dma_semaphore, #tpu.memory_space<semaphore_mem>>)
    %dma_start3A_37 = arith.constant 2 : i32
    %dma_start3A_38 = arith.constant 2 : i32
    %dma_start3A_39 = arith.constant 0 : i32
    %dma_start3A_40 = arith.constant 0 : i32
    %dma_start3A_41 = tpu.memref_slice %arg10[%dma_start3A_38, %dma_start3A_39, %dma_start3A_40] : memref<4x128x64xf32, #tpu.memory_space<vmem>> -> memref<1x128x64xf32, #tpu.memory_space<vmem>>
    %dma_start3A_42 = tpu.memref_squeeze %dma_start3A_41 : memref<1x128x64xf32, #tpu.memory_space<vmem>> -> memref<128x64xf32, #tpu.memory_space<vmem>>
    %dma_start3A_43 = arith.constant 0 : i32
    %dma_start3A_44 = tpu.memref_slice %arg7[%dma_start3A_37, %dma_start3A_43] : memref<4x128xi32, #tpu.memory_space<vmem>> -> memref<1x128xi32, #tpu.memory_space<vmem>>
    %dma_start3A_45 = tpu.memref_squeeze %dma_start3A_44 : memref<1x128xi32, #tpu.memory_space<vmem>> -> memref<128xi32, #tpu.memory_space<vmem>>
    %dma_start3A_46 = arith.constant 0 : i32
    %dma_start3A_47 = arith.constant 0 : i32
    %dma_start3A_48 = tpu.memref_slice %arg3[%dma_start3A_46, %dma_start3A_47] : memref<1000000x64xf32, #tpu.memory_space<hbm>> -> memref<1000000x64xf32, #tpu.memory_space<hbm>>
    tpu.enqueue_indirect_dma source(%dma_start3A_48 : memref<1000000x64xf32, #tpu.memory_space<hbm>>) target(%dma_start3A_42 : memref<128x64xf32, #tpu.memory_space<vmem>>) offsets(%dma_start3A_45 : memref<128xi32, #tpu.memory_space<vmem>>) semaphore(%arg13 : memref<!tpu.dma_semaphore, #tpu.memory_space<semaphore_mem>>)
    %dma_start3A_49 = arith.constant 3 : i32
    %dma_start3A_50 = arith.constant 3 : i32
    %dma_start3A_51 = arith.constant 0 : i32
    %dma_start3A_52 = arith.constant 0 : i32
    %dma_start3A_53 = tpu.memref_slice %arg10[%dma_start3A_50, %dma_start3A_51, %dma_start3A_52] : memref<4x128x64xf32, #tpu.memory_space<vmem>> -> memref<1x128x64xf32, #tpu.memory_space<vmem>>
    %dma_start3A_54 = tpu.memref_squeeze %dma_start3A_53 : memref<1x128x64xf32, #tpu.memory_space<vmem>> -> memref<128x64xf32, #tpu.memory_space<vmem>>
    %dma_start3A_55 = arith.constant 0 : i32
    %dma_start3A_56 = tpu.memref_slice %arg7[%dma_start3A_49, %dma_start3A_55] : memref<4x128xi32, #tpu.memory_space<vmem>> -> memref<1x128xi32, #tpu.memory_space<vmem>>
    %dma_start3A_57 = tpu.memref_squeeze %dma_start3A_56 : memref<1x128xi32, #tpu.memory_space<vmem>> -> memref<128xi32, #tpu.memory_space<vmem>>
    %dma_start3A_58 = arith.constant 0 : i32
    %dma_start3A_59 = arith.constant 0 : i32
    %dma_start3A_60 = tpu.memref_slice %arg3[%dma_start3A_58, %dma_start3A_59] : memref<1000000x64xf32, #tpu.memory_space<hbm>> -> memref<1000000x64xf32, #tpu.memory_space<hbm>>
    tpu.enqueue_indirect_dma source(%dma_start3A_60 : memref<1000000x64xf32, #tpu.memory_space<hbm>>) target(%dma_start3A_54 : memref<128x64xf32, #tpu.memory_space<vmem>>) offsets(%dma_start3A_57 : memref<128xi32, #tpu.memory_space<vmem>>) semaphore(%arg13 : memref<!tpu.dma_semaphore, #tpu.memory_space<semaphore_mem>>)
    %add3A_61 = arith.constant 0 : i32
    %add3A_62 = arith.addi %add3A_61, %mul3A_2 : i32
    %add3A_63 = arith.constant 0 : i32
    %add3A_64 = arith.addi %add3A_62, %add3A_63 : i32
    %dma_start3A_65 = arith.constant 0 : i32
    %dma_start3A_66 = arith.constant 0 : i32
    %dma_start3A_67 = tpu.memref_slice %arg8[%dma_start3A_65, %dma_start3A_66] : memref<20x128xi32, #tpu.memory_space<vmem>> -> memref<1x128xi32, #tpu.memory_space<vmem>>
    %dma_start3A_68 = tpu.memref_squeeze %dma_start3A_67 : memref<1x128xi32, #tpu.memory_space<vmem>> -> memref<128xi32, #tpu.memory_space<vmem>>
    %dma_start3A_69 = tpu.memref_slice %arg5[%add3A_64] : memref<81920xi32, #tpu.memory_space<hbm>> -> memref<128xi32, #tpu.memory_space<hbm>>
    %dma_start3A_70 = arith.constant 0 : i32
    %dma_start3A_71 = tpu.memref_slice %arg8[%dma_start3A_65, %dma_start3A_70] : memref<20x128xi32, #tpu.memory_space<vmem>> -> memref<1x128xi32, #tpu.memory_space<vmem>>
    %dma_start3A_72 = tpu.memref_squeeze %dma_start3A_71 : memref<1x128xi32, #tpu.memory_space<vmem>> -> memref<128xi32, #tpu.memory_space<vmem>>
    %dma_start3A_73 = tpu.memref_slice %arg5[%add3A_64] : memref<81920xi32, #tpu.memory_space<hbm>> -> memref<128xi32, #tpu.memory_space<hbm>>
    tpu.enqueue_dma source(%dma_start3A_73 : memref<128xi32, #tpu.memory_space<hbm>>) target(%dma_start3A_72 : memref<128xi32, #tpu.memory_space<vmem>>) target_semaphore(%arg14 : memref<!tpu.dma_semaphore, #tpu.memory_space<semaphore_mem>>)
    %add3A_74 = arith.constant 16384 : i32
    %add3A_75 = arith.addi %add3A_74, %mul3A_2 : i32
    %add3A_76 = arith.constant 0 : i32
    %add3A_77 = arith.addi %add3A_75, %add3A_76 : i32
    %dma_start3A_78 = arith.constant 1 : i32
    %dma_start3A_79 = arith.constant 0 : i32
    %dma_start3A_80 = tpu.memref_slice %arg8[%dma_start3A_78, %dma_start3A_79] : memref<20x128xi32, #tpu.memory_space<vmem>> -> memref<1x128xi32, #tpu.memory_space<vmem>>
    %dma_start3A_81 = tpu.memref_squeeze %dma_start3A_80 : memref<1x128xi32, #tpu.memory_space<vmem>> -> memref<128xi32, #tpu.memory_space<vmem>>
    %dma_start3A_82 = tpu.memref_slice %arg5[%add3A_77] : memref<81920xi32, #tpu.memory_space<hbm>> -> memref<128xi32, #tpu.memory_space<hbm>>
    %dma_start3A_83 = arith.constant 0 : i32
    %dma_start3A_84 = tpu.memref_slice %arg8[%dma_start3A_78, %dma_start3A_83] : memref<20x128xi32, #tpu.memory_space<vmem>> -> memref<1x128xi32, #tpu.memory_space<vmem>>
    %dma_start3A_85 = tpu.memref_squeeze %dma_start3A_84 : memref<1x128xi32, #tpu.memory_space<vmem>> -> memref<128xi32, #tpu.memory_space<vmem>>
    %dma_start3A_86 = tpu.memref_slice %arg5[%add3A_77] : memref<81920xi32, #tpu.memory_space<hbm>> -> memref<128xi32, #tpu.memory_space<hbm>>
    tpu.enqueue_dma source(%dma_start3A_86 : memref<128xi32, #tpu.memory_space<hbm>>) target(%dma_start3A_85 : memref<128xi32, #tpu.memory_space<vmem>>) target_semaphore(%arg14 : memref<!tpu.dma_semaphore, #tpu.memory_space<semaphore_mem>>)
    %add3A_87 = arith.constant 32768 : i32
    %add3A_88 = arith.addi %add3A_87, %mul3A_2 : i32
    %add3A_89 = arith.constant 0 : i32
    %add3A_90 = arith.addi %add3A_88, %add3A_89 : i32
    %dma_start3A_91 = arith.constant 2 : i32
    %dma_start3A_92 = arith.constant 0 : i32
    %dma_start3A_93 = tpu.memref_slice %arg8[%dma_start3A_91, %dma_start3A_92] : memref<20x128xi32, #tpu.memory_space<vmem>> -> memref<1x128xi32, #tpu.memory_space<vmem>>
    %dma_start3A_94 = tpu.memref_squeeze %dma_start3A_93 : memref<1x128xi32, #tpu.memory_space<vmem>> -> memref<128xi32, #tpu.memory_space<vmem>>
    %dma_start3A_95 = tpu.memref_slice %arg5[%add3A_90] : memref<81920xi32, #tpu.memory_space<hbm>> -> memref<128xi32, #tpu.memory_space<hbm>>
    %dma_start3A_96 = arith.constant 0 : i32
    %dma_start3A_97 = tpu.memref_slice %arg8[%dma_start3A_91, %dma_start3A_96] : memref<20x128xi32, #tpu.memory_space<vmem>> -> memref<1x128xi32, #tpu.memory_space<vmem>>
    %dma_start3A_98 = tpu.memref_squeeze %dma_start3A_97 : memref<1x128xi32, #tpu.memory_space<vmem>> -> memref<128xi32, #tpu.memory_space<vmem>>
    %dma_start3A_99 = tpu.memref_slice %arg5[%add3A_90] : memref<81920xi32, #tpu.memory_space<hbm>> -> memref<128xi32, #tpu.memory_space<hbm>>
    tpu.enqueue_dma source(%dma_start3A_99 : memref<128xi32, #tpu.memory_space<hbm>>) target(%dma_start3A_98 : memref<128xi32, #tpu.memory_space<vmem>>) target_semaphore(%arg14 : memref<!tpu.dma_semaphore, #tpu.memory_space<semaphore_mem>>)
    %add3A_100 = arith.constant 49152 : i32
    %add3A_101 = arith.addi %add3A_100, %mul3A_2 : i32
    %add3A_102 = arith.constant 0 : i32
    %add3A_103 = arith.addi %add3A_101, %add3A_102 : i32
    %dma_start3A_104 = arith.constant 3 : i32
    %dma_start3A_105 = arith.constant 0 : i32
    %dma_start3A_106 = tpu.memref_slice %arg8[%dma_start3A_104, %dma_start3A_105] : memref<20x128xi32, #tpu.memory_space<vmem>> -> memref<1x128xi32, #tpu.memory_space<vmem>>
    %dma_start3A_107 = tpu.memref_squeeze %dma_start3A_106 : memref<1x128xi32, #tpu.memory_space<vmem>> -> memref<128xi32, #tpu.memory_space<vmem>>
    %dma_start3A_108 = tpu.memref_slice %arg5[%add3A_103] : memref<81920xi32, #tpu.memory_space<hbm>> -> memref<128xi32, #tpu.memory_space<hbm>>
    %dma_start3A_109 = arith.constant 0 : i32
    %dma_start3A_110 = tpu.memref_slice %arg8[%dma_start3A_104, %dma_start3A_109] : memref<20x128xi32, #tpu.memory_space<vmem>> -> memref<1x128xi32, #tpu.memory_space<vmem>>
    %dma_start3A_111 = tpu.memref_squeeze %dma_start3A_110 : memref<1x128xi32, #tpu.memory_space<vmem>> -> memref<128xi32, #tpu.memory_space<vmem>>
    %dma_start3A_112 = tpu.memref_slice %arg5[%add3A_103] : memref<81920xi32, #tpu.memory_space<hbm>> -> memref<128xi32, #tpu.memory_space<hbm>>
    tpu.enqueue_dma source(%dma_start3A_112 : memref<128xi32, #tpu.memory_space<hbm>>) target(%dma_start3A_111 : memref<128xi32, #tpu.memory_space<vmem>>) target_semaphore(%arg14 : memref<!tpu.dma_semaphore, #tpu.memory_space<semaphore_mem>>)
    %add3A_113 = arith.constant 65536 : i32
    %add3A_114 = arith.addi %add3A_113, %mul3A_2 : i32
    %add3A_115 = arith.constant 0 : i32
    %add3A_116 = arith.addi %add3A_114, %add3A_115 : i32
    %dma_start3A_117 = arith.constant 4 : i32
    %dma_start3A_118 = arith.constant 0 : i32
    %dma_start3A_119 = tpu.memref_slice %arg8[%dma_start3A_117, %dma_start3A_118] : memref<20x128xi32, #tpu.memory_space<vmem>> -> memref<1x128xi32, #tpu.memory_space<vmem>>
    %dma_start3A_120 = tpu.memref_squeeze %dma_start3A_119 : memref<1x128xi32, #tpu.memory_space<vmem>> -> memref<128xi32, #tpu.memory_space<vmem>>
    %dma_start3A_121 = tpu.memref_slice %arg5[%add3A_116] : memref<81920xi32, #tpu.memory_space<hbm>> -> memref<128xi32, #tpu.memory_space<hbm>>
    %dma_start3A_122 = arith.constant 0 : i32
    %dma_start3A_123 = tpu.memref_slice %arg8[%dma_start3A_117, %dma_start3A_122] : memref<20x128xi32, #tpu.memory_space<vmem>> -> memref<1x128xi32, #tpu.memory_space<vmem>>
    %dma_start3A_124 = tpu.memref_squeeze %dma_start3A_123 : memref<1x128xi32, #tpu.memory_space<vmem>> -> memref<128xi32, #tpu.memory_space<vmem>>
    %dma_start3A_125 = tpu.memref_slice %arg5[%add3A_116] : memref<81920xi32, #tpu.memory_space<hbm>> -> memref<128xi32, #tpu.memory_space<hbm>>
    tpu.enqueue_dma source(%dma_start3A_125 : memref<128xi32, #tpu.memory_space<hbm>>) target(%dma_start3A_124 : memref<128xi32, #tpu.memory_space<vmem>>) target_semaphore(%arg14 : memref<!tpu.dma_semaphore, #tpu.memory_space<semaphore_mem>>)
    %add3A_126 = arith.constant 0 : i32
    %add3A_127 = arith.addi %add3A_126, %mul3A_2 : i32
    %add3A_128 = arith.constant 128 : i32
    %add3A_129 = arith.addi %add3A_127, %add3A_128 : i32
    %dma_start3A_130 = arith.constant 5 : i32
    %dma_start3A_131 = arith.constant 0 : i32
    %dma_start3A_132 = tpu.memref_slice %arg8[%dma_start3A_130, %dma_start3A_131] : memref<20x128xi32, #tpu.memory_space<vmem>> -> memref<1x128xi32, #tpu.memory_space<vmem>>
    %dma_start3A_133 = tpu.memref_squeeze %dma_start3A_132 : memref<1x128xi32, #tpu.memory_space<vmem>> -> memref<128xi32, #tpu.memory_space<vmem>>
    %dma_start3A_134 = tpu.memref_slice %arg5[%add3A_129] : memref<81920xi32, #tpu.memory_space<hbm>> -> memref<128xi32, #tpu.memory_space<hbm>>
    %dma_start3A_135 = arith.constant 0 : i32
    %dma_start3A_136 = tpu.memref_slice %arg8[%dma_start3A_130, %dma_start3A_135] : memref<20x128xi32, #tpu.memory_space<vmem>> -> memref<1x128xi32, #tpu.memory_space<vmem>>
    %dma_start3A_137 = tpu.memref_squeeze %dma_start3A_136 : memref<1x128xi32, #tpu.memory_space<vmem>> -> memref<128xi32, #tpu.memory_space<vmem>>
    %dma_start3A_138 = tpu.memref_slice %arg5[%add3A_129] : memref<81920xi32, #tpu.memory_space<hbm>> -> memref<128xi32, #tpu.memory_space<hbm>>
    tpu.enqueue_dma source(%dma_start3A_138 : memref<128xi32, #tpu.memory_space<hbm>>) target(%dma_start3A_137 : memref<128xi32, #tpu.memory_space<vmem>>) target_semaphore(%arg14 : memref<!tpu.dma_semaphore, #tpu.memory_space<semaphore_mem>>)
    %add3A_139 = arith.constant 16384 : i32
    %add3A_140 = arith.addi %add3A_139, %mul3A_2 : i32
    %add3A_141 = arith.constant 128 : i32
    %add3A_142 = arith.addi %add3A_140, %add3A_141 : i32
    %dma_start3A_143 = arith.constant 6 : i32
    %dma_start3A_144 = arith.constant 0 : i32
    %dma_start3A_145 = tpu.memref_slice %arg8[%dma_start3A_143, %dma_start3A_144] : memref<20x128xi32, #tpu.memory_space<vmem>> -> memref<1x128xi32, #tpu.memory_space<vmem>>
    %dma_start3A_146 = tpu.memref_squeeze %dma_start3A_145 : memref<1x128xi32, #tpu.memory_space<vmem>> -> memref<128xi32, #tpu.memory_space<vmem>>
    %dma_start3A_147 = tpu.memref_slice %arg5[%add3A_142] : memref<81920xi32, #tpu.memory_space<hbm>> -> memref<128xi32, #tpu.memory_space<hbm>>
    %dma_start3A_148 = arith.constant 0 : i32
    %dma_start3A_149 = tpu.memref_slice %arg8[%dma_start3A_143, %dma_start3A_148] : memref<20x128xi32, #tpu.memory_space<vmem>> -> memref<1x128xi32, #tpu.memory_space<vmem>>
    %dma_start3A_150 = tpu.memref_squeeze %dma_start3A_149 : memref<1x128xi32, #tpu.memory_space<vmem>> -> memref<128xi32, #tpu.memory_space<vmem>>
    %dma_start3A_151 = tpu.memref_slice %arg5[%add3A_142] : memref<81920xi32, #tpu.memory_space<hbm>> -> memref<128xi32, #tpu.memory_space<hbm>>
    tpu.enqueue_dma source(%dma_start3A_151 : memref<128xi32, #tpu.memory_space<hbm>>) target(%dma_start3A_150 : memref<128xi32, #tpu.memory_space<vmem>>) target_semaphore(%arg14 : memref<!tpu.dma_semaphore, #tpu.memory_space<semaphore_mem>>)
    %add3A_152 = arith.constant 32768 : i32
    %add3A_153 = arith.addi %add3A_152, %mul3A_2 : i32
    %add3A_154 = arith.constant 128 : i32
    %add3A_155 = arith.addi %add3A_153, %add3A_154 : i32
    %dma_start3A_156 = arith.constant 7 : i32
    %dma_start3A_157 = arith.constant 0 : i32
    %dma_start3A_158 = tpu.memref_slice %arg8[%dma_start3A_156, %dma_start3A_157] : memref<20x128xi32, #tpu.memory_space<vmem>> -> memref<1x128xi32, #tpu.memory_space<vmem>>
    %dma_start3A_159 = tpu.memref_squeeze %dma_start3A_158 : memref<1x128xi32, #tpu.memory_space<vmem>> -> memref<128xi32, #tpu.memory_space<vmem>>
    %dma_start3A_160 = tpu.memref_slice %arg5[%add3A_155] : memref<81920xi32, #tpu.memory_space<hbm>> -> memref<128xi32, #tpu.memory_space<hbm>>
    %dma_start3A_161 = arith.constant 0 : i32
    %dma_start3A_162 = tpu.memref_slice %arg8[%dma_start3A_156, %dma_start3A_161] : memref<20x128xi32, #tpu.memory_space<vmem>> -> memref<1x128xi32, #tpu.memory_space<vmem>>
    %dma_start3A_163 = tpu.memref_squeeze %dma_start3A_162 : memref<1x128xi32, #tpu.memory_space<vmem>> -> memref<128xi32, #tpu.memory_space<vmem>>
    %dma_start3A_164 = tpu.memref_slice %arg5[%add3A_155] : memref<81920xi32, #tpu.memory_space<hbm>> -> memref<128xi32, #tpu.memory_space<hbm>>
    tpu.enqueue_dma source(%dma_start3A_164 : memref<128xi32, #tpu.memory_space<hbm>>) target(%dma_start3A_163 : memref<128xi32, #tpu.memory_space<vmem>>) target_semaphore(%arg14 : memref<!tpu.dma_semaphore, #tpu.memory_space<semaphore_mem>>)
    %add3A_165 = arith.constant 49152 : i32
    %add3A_166 = arith.addi %add3A_165, %mul3A_2 : i32
    %add3A_167 = arith.constant 128 : i32
    %add3A_168 = arith.addi %add3A_166, %add3A_167 : i32
    %dma_start3A_169 = arith.constant 8 : i32
    %dma_start3A_170 = arith.constant 0 : i32
    %dma_start3A_171 = tpu.memref_slice %arg8[%dma_start3A_169, %dma_start3A_170] : memref<20x128xi32, #tpu.memory_space<vmem>> -> memref<1x128xi32, #tpu.memory_space<vmem>>
    %dma_start3A_172 = tpu.memref_squeeze %dma_start3A_171 : memref<1x128xi32, #tpu.memory_space<vmem>> -> memref<128xi32, #tpu.memory_space<vmem>>
    %dma_start3A_173 = tpu.memref_slice %arg5[%add3A_168] : memref<81920xi32, #tpu.memory_space<hbm>> -> memref<128xi32, #tpu.memory_space<hbm>>
    %dma_start3A_174 = arith.constant 0 : i32
    %dma_start3A_175 = tpu.memref_slice %arg8[%dma_start3A_169, %dma_start3A_174] : memref<20x128xi32, #tpu.memory_space<vmem>> -> memref<1x128xi32, #tpu.memory_space<vmem>>
    %dma_start3A_176 = tpu.memref_squeeze %dma_start3A_175 : memref<1x128xi32, #tpu.memory_space<vmem>> -> memref<128xi32, #tpu.memory_space<vmem>>
    %dma_start3A_177 = tpu.memref_slice %arg5[%add3A_168] : memref<81920xi32, #tpu.memory_space<hbm>> -> memref<128xi32, #tpu.memory_space<hbm>>
    tpu.enqueue_dma source(%dma_start3A_177 : memref<128xi32, #tpu.memory_space<hbm>>) target(%dma_start3A_176 : memref<128xi32, #tpu.memory_space<vmem>>) target_semaphore(%arg14 : memref<!tpu.dma_semaphore, #tpu.memory_space<semaphore_mem>>)
    %add3A_178 = arith.constant 65536 : i32
    %add3A_179 = arith.addi %add3A_178, %mul3A_2 : i32
    %add3A_180 = arith.constant 128 : i32
    %add3A_181 = arith.addi %add3A_179, %add3A_180 : i32
    %dma_start3A_182 = arith.constant 9 : i32
    %dma_start3A_183 = arith.constant 0 : i32
    %dma_start3A_184 = tpu.memref_slice %arg8[%dma_start3A_182, %dma_start3A_183] : memref<20x128xi32, #tpu.memory_space<vmem>> -> memref<1x128xi32, #tpu.memory_space<vmem>>
    %dma_start3A_185 = tpu.memref_squeeze %dma_start3A_184 : memref<1x128xi32, #tpu.memory_space<vmem>> -> memref<128xi32, #tpu.memory_space<vmem>>
    %dma_start3A_186 = tpu.memref_slice %arg5[%add3A_181] : memref<81920xi32, #tpu.memory_space<hbm>> -> memref<128xi32, #tpu.memory_space<hbm>>
    %dma_start3A_187 = arith.constant 0 : i32
    %dma_start3A_188 = tpu.memref_slice %arg8[%dma_start3A_182, %dma_start3A_187] : memref<20x128xi32, #tpu.memory_space<vmem>> -> memref<1x128xi32, #tpu.memory_space<vmem>>
    %dma_start3A_189 = tpu.memref_squeeze %dma_start3A_188 : memref<1x128xi32, #tpu.memory_space<vmem>> -> memref<128xi32, #tpu.memory_space<vmem>>
    %dma_start3A_190 = tpu.memref_slice %arg5[%add3A_181] : memref<81920xi32, #tpu.memory_space<hbm>> -> memref<128xi32, #tpu.memory_space<hbm>>
    tpu.enqueue_dma source(%dma_start3A_190 : memref<128xi32, #tpu.memory_space<hbm>>) target(%dma_start3A_189 : memref<128xi32, #tpu.memory_space<vmem>>) target_semaphore(%arg14 : memref<!tpu.dma_semaphore, #tpu.memory_space<semaphore_mem>>)
    %add3A_191 = arith.constant 0 : i32
    %add3A_192 = arith.addi %add3A_191, %mul3A_2 : i32
    %add3A_193 = arith.constant 256 : i32
    %add3A_194 = arith.addi %add3A_192, %add3A_193 : i32
    %dma_start3A_195 = arith.constant 10 : i32
    %dma_start3A_196 = arith.constant 0 : i32
    %dma_start3A_197 = tpu.memref_slice %arg8[%dma_start3A_195, %dma_start3A_196] : memref<20x128xi32, #tpu.memory_space<vmem>> -> memref<1x128xi32, #tpu.memory_space<vmem>>
    %dma_start3A_198 = tpu.memref_squeeze %dma_start3A_197 : memref<1x128xi32, #tpu.memory_space<vmem>> -> memref<128xi32, #tpu.memory_space<vmem>>
    %dma_start3A_199 = tpu.memref_slice %arg5[%add3A_194] : memref<81920xi32, #tpu.memory_space<hbm>> -> memref<128xi32, #tpu.memory_space<hbm>>
    %dma_start3A_200 = arith.constant 0 : i32
    %dma_start3A_201 = tpu.memref_slice %arg8[%dma_start3A_195, %dma_start3A_200] : memref<20x128xi32, #tpu.memory_space<vmem>> -> memref<1x128xi32, #tpu.memory_space<vmem>>
    %dma_start3A_202 = tpu.memref_squeeze %dma_start3A_201 : memref<1x128xi32, #tpu.memory_space<vmem>> -> memref<128xi32, #tpu.memory_space<vmem>>
    %dma_start3A_203 = tpu.memref_slice %arg5[%add3A_194] : memref<81920xi32, #tpu.memory_space<hbm>> -> memref<128xi32, #tpu.memory_space<hbm>>
    tpu.enqueue_dma source(%dma_start3A_203 : memref<128xi32, #tpu.memory_space<hbm>>) target(%dma_start3A_202 : memref<128xi32, #tpu.memory_space<vmem>>) target_semaphore(%arg14 : memref<!tpu.dma_semaphore, #tpu.memory_space<semaphore_mem>>)
    %add3A_204 = arith.constant 16384 : i32
    %add3A_205 = arith.addi %add3A_204, %mul3A_2 : i32
    %add3A_206 = arith.constant 256 : i32
    %add3A_207 = arith.addi %add3A_205, %add3A_206 : i32
    %dma_start3A_208 = arith.constant 11 : i32
    %dma_start3A_209 = arith.constant 0 : i32
    %dma_start3A_210 = tpu.memref_slice %arg8[%dma_start3A_208, %dma_start3A_209] : memref<20x128xi32, #tpu.memory_space<vmem>> -> memref<1x128xi32, #tpu.memory_space<vmem>>
    %dma_start3A_211 = tpu.memref_squeeze %dma_start3A_210 : memref<1x128xi32, #tpu.memory_space<vmem>> -> memref<128xi32, #tpu.memory_space<vmem>>
    %dma_start3A_212 = tpu.memref_slice %arg5[%add3A_207] : memref<81920xi32, #tpu.memory_space<hbm>> -> memref<128xi32, #tpu.memory_space<hbm>>
    %dma_start3A_213 = arith.constant 0 : i32
    %dma_start3A_214 = tpu.memref_slice %arg8[%dma_start3A_208, %dma_start3A_213] : memref<20x128xi32, #tpu.memory_space<vmem>> -> memref<1x128xi32, #tpu.memory_space<vmem>>
    %dma_start3A_215 = tpu.memref_squeeze %dma_start3A_214 : memref<1x128xi32, #tpu.memory_space<vmem>> -> memref<128xi32, #tpu.memory_space<vmem>>
    %dma_start3A_216 = tpu.memref_slice %arg5[%add3A_207] : memref<81920xi32, #tpu.memory_space<hbm>> -> memref<128xi32, #tpu.memory_space<hbm>>
    tpu.enqueue_dma source(%dma_start3A_216 : memref<128xi32, #tpu.memory_space<hbm>>) target(%dma_start3A_215 : memref<128xi32, #tpu.memory_space<vmem>>) target_semaphore(%arg14 : memref<!tpu.dma_semaphore, #tpu.memory_space<semaphore_mem>>)
    %add3A_217 = arith.constant 32768 : i32
    %add3A_218 = arith.addi %add3A_217, %mul3A_2 : i32
    %add3A_219 = arith.constant 256 : i32
    %add3A_220 = arith.addi %add3A_218, %add3A_219 : i32
    %dma_start3A_221 = arith.constant 12 : i32
    %dma_start3A_222 = arith.constant 0 : i32
    %dma_start3A_223 = tpu.memref_slice %arg8[%dma_start3A_221, %dma_start3A_222] : memref<20x128xi32, #tpu.memory_space<vmem>> -> memref<1x128xi32, #tpu.memory_space<vmem>>
    %dma_start3A_224 = tpu.memref_squeeze %dma_start3A_223 : memref<1x128xi32, #tpu.memory_space<vmem>> -> memref<128xi32, #tpu.memory_space<vmem>>
    %dma_start3A_225 = tpu.memref_slice %arg5[%add3A_220] : memref<81920xi32, #tpu.memory_space<hbm>> -> memref<128xi32, #tpu.memory_space<hbm>>
    %dma_start3A_226 = arith.constant 0 : i32
    %dma_start3A_227 = tpu.memref_slice %arg8[%dma_start3A_221, %dma_start3A_226] : memref<20x128xi32, #tpu.memory_space<vmem>> -> memref<1x128xi32, #tpu.memory_space<vmem>>
    %dma_start3A_228 = tpu.memref_squeeze %dma_start3A_227 : memref<1x128xi32, #tpu.memory_space<vmem>> -> memref<128xi32, #tpu.memory_space<vmem>>
    %dma_start3A_229 = tpu.memref_slice %arg5[%add3A_220] : memref<81920xi32, #tpu.memory_space<hbm>> -> memref<128xi32, #tpu.memory_space<hbm>>
    tpu.enqueue_dma source(%dma_start3A_229 : memref<128xi32, #tpu.memory_space<hbm>>) target(%dma_start3A_228 : memref<128xi32, #tpu.memory_space<vmem>>) target_semaphore(%arg14 : memref<!tpu.dma_semaphore, #tpu.memory_space<semaphore_mem>>)
    %add3A_230 = arith.constant 49152 : i32
    %add3A_231 = arith.addi %add3A_230, %mul3A_2 : i32
    %add3A_232 = arith.constant 256 : i32
    %add3A_233 = arith.addi %add3A_231, %add3A_232 : i32
    %dma_start3A_234 = arith.constant 13 : i32
    %dma_start3A_235 = arith.constant 0 : i32
    %dma_start3A_236 = tpu.memref_slice %arg8[%dma_start3A_234, %dma_start3A_235] : memref<20x128xi32, #tpu.memory_space<vmem>> -> memref<1x128xi32, #tpu.memory_space<vmem>>
    %dma_start3A_237 = tpu.memref_squeeze %dma_start3A_236 : memref<1x128xi32, #tpu.memory_space<vmem>> -> memref<128xi32, #tpu.memory_space<vmem>>
    %dma_start3A_238 = tpu.memref_slice %arg5[%add3A_233] : memref<81920xi32, #tpu.memory_space<hbm>> -> memref<128xi32, #tpu.memory_space<hbm>>
    %dma_start3A_239 = arith.constant 0 : i32
    %dma_start3A_240 = tpu.memref_slice %arg8[%dma_start3A_234, %dma_start3A_239] : memref<20x128xi32, #tpu.memory_space<vmem>> -> memref<1x128xi32, #tpu.memory_space<vmem>>
    %dma_start3A_241 = tpu.memref_squeeze %dma_start3A_240 : memref<1x128xi32, #tpu.memory_space<vmem>> -> memref<128xi32, #tpu.memory_space<vmem>>
    %dma_start3A_242 = tpu.memref_slice %arg5[%add3A_233] : memref<81920xi32, #tpu.memory_space<hbm>> -> memref<128xi32, #tpu.memory_space<hbm>>
    tpu.enqueue_dma source(%dma_start3A_242 : memref<128xi32, #tpu.memory_space<hbm>>) target(%dma_start3A_241 : memref<128xi32, #tpu.memory_space<vmem>>) target_semaphore(%arg14 : memref<!tpu.dma_semaphore, #tpu.memory_space<semaphore_mem>>)
    %add3A_243 = arith.constant 65536 : i32
    %add3A_244 = arith.addi %add3A_243, %mul3A_2 : i32
    %add3A_245 = arith.constant 256 : i32
    %add3A_246 = arith.addi %add3A_244, %add3A_245 : i32
    %dma_start3A_247 = arith.constant 14 : i32
    %dma_start3A_248 = arith.constant 0 : i32
    %dma_start3A_249 = tpu.memref_slice %arg8[%dma_start3A_247, %dma_start3A_248] : memref<20x128xi32, #tpu.memory_space<vmem>> -> memref<1x128xi32, #tpu.memory_space<vmem>>
    %dma_start3A_250 = tpu.memref_squeeze %dma_start3A_249 : memref<1x128xi32, #tpu.memory_space<vmem>> -> memref<128xi32, #tpu.memory_space<vmem>>
    %dma_start3A_251 = tpu.memref_slice %arg5[%add3A_246] : memref<81920xi32, #tpu.memory_space<hbm>> -> memref<128xi32, #tpu.memory_space<hbm>>
    %dma_start3A_252 = arith.constant 0 : i32
    %dma_start3A_253 = tpu.memref_slice %arg8[%dma_start3A_247, %dma_start3A_252] : memref<20x128xi32, #tpu.memory_space<vmem>> -> memref<1x128xi32, #tpu.memory_space<vmem>>
    %dma_start3A_254 = tpu.memref_squeeze %dma_start3A_253 : memref<1x128xi32, #tpu.memory_space<vmem>> -> memref<128xi32, #tpu.memory_space<vmem>>
    %dma_start3A_255 = tpu.memref_slice %arg5[%add3A_246] : memref<81920xi32, #tpu.memory_space<hbm>> -> memref<128xi32, #tpu.memory_space<hbm>>
    tpu.enqueue_dma source(%dma_start3A_255 : memref<128xi32, #tpu.memory_space<hbm>>) target(%dma_start3A_254 : memref<128xi32, #tpu.memory_space<vmem>>) target_semaphore(%arg14 : memref<!tpu.dma_semaphore, #tpu.memory_space<semaphore_mem>>)
    %add3A_256 = arith.constant 0 : i32
    %add3A_257 = arith.addi %add3A_256, %mul3A_2 : i32
    %add3A_258 = arith.constant 384 : i32
    %add3A_259 = arith.addi %add3A_257, %add3A_258 : i32
    %dma_start3A_260 = arith.constant 15 : i32
    %dma_start3A_261 = arith.constant 0 : i32
    %dma_start3A_262 = tpu.memref_slice %arg8[%dma_start3A_260, %dma_start3A_261] : memref<20x128xi32, #tpu.memory_space<vmem>> -> memref<1x128xi32, #tpu.memory_space<vmem>>
    %dma_start3A_263 = tpu.memref_squeeze %dma_start3A_262 : memref<1x128xi32, #tpu.memory_space<vmem>> -> memref<128xi32, #tpu.memory_space<vmem>>
    %dma_start3A_264 = tpu.memref_slice %arg5[%add3A_259] : memref<81920xi32, #tpu.memory_space<hbm>> -> memref<128xi32, #tpu.memory_space<hbm>>
    %dma_start3A_265 = arith.constant 0 : i32
    %dma_start3A_266 = tpu.memref_slice %arg8[%dma_start3A_260, %dma_start3A_265] : memref<20x128xi32, #tpu.memory_space<vmem>> -> memref<1x128xi32, #tpu.memory_space<vmem>>
    %dma_start3A_267 = tpu.memref_squeeze %dma_start3A_266 : memref<1x128xi32, #tpu.memory_space<vmem>> -> memref<128xi32, #tpu.memory_space<vmem>>
    %dma_start3A_268 = tpu.memref_slice %arg5[%add3A_259] : memref<81920xi32, #tpu.memory_space<hbm>> -> memref<128xi32, #tpu.memory_space<hbm>>
    tpu.enqueue_dma source(%dma_start3A_268 : memref<128xi32, #tpu.memory_space<hbm>>) target(%dma_start3A_267 : memref<128xi32, #tpu.memory_space<vmem>>) target_semaphore(%arg14 : memref<!tpu.dma_semaphore, #tpu.memory_space<semaphore_mem>>)
    %add3A_269 = arith.constant 16384 : i32
    %add3A_270 = arith.addi %add3A_269, %mul3A_2 : i32
    %add3A_271 = arith.constant 384 : i32
    %add3A_272 = arith.addi %add3A_270, %add3A_271 : i32
    %dma_start3A_273 = arith.constant 16 : i32
    %dma_start3A_274 = arith.constant 0 : i32
    %dma_start3A_275 = tpu.memref_slice %arg8[%dma_start3A_273, %dma_start3A_274] : memref<20x128xi32, #tpu.memory_space<vmem>> -> memref<1x128xi32, #tpu.memory_space<vmem>>
    %dma_start3A_276 = tpu.memref_squeeze %dma_start3A_275 : memref<1x128xi32, #tpu.memory_space<vmem>> -> memref<128xi32, #tpu.memory_space<vmem>>
    %dma_start3A_277 = tpu.memref_slice %arg5[%add3A_272] : memref<81920xi32, #tpu.memory_space<hbm>> -> memref<128xi32, #tpu.memory_space<hbm>>
    %dma_start3A_278 = arith.constant 0 : i32
    %dma_start3A_279 = tpu.memref_slice %arg8[%dma_start3A_273, %dma_start3A_278] : memref<20x128xi32, #tpu.memory_space<vmem>> -> memref<1x128xi32, #tpu.memory_space<vmem>>
    %dma_start3A_280 = tpu.memref_squeeze %dma_start3A_279 : memref<1x128xi32, #tpu.memory_space<vmem>> -> memref<128xi32, #tpu.memory_space<vmem>>
    %dma_start3A_281 = tpu.memref_slice %arg5[%add3A_272] : memref<81920xi32, #tpu.memory_space<hbm>> -> memref<128xi32, #tpu.memory_space<hbm>>
    tpu.enqueue_dma source(%dma_start3A_281 : memref<128xi32, #tpu.memory_space<hbm>>) target(%dma_start3A_280 : memref<128xi32, #tpu.memory_space<vmem>>) target_semaphore(%arg14 : memref<!tpu.dma_semaphore, #tpu.memory_space<semaphore_mem>>)
    %add3A_282 = arith.constant 32768 : i32
    %add3A_283 = arith.addi %add3A_282, %mul3A_2 : i32
    %add3A_284 = arith.constant 384 : i32
    %add3A_285 = arith.addi %add3A_283, %add3A_284 : i32
    %dma_start3A_286 = arith.constant 17 : i32
    %dma_start3A_287 = arith.constant 0 : i32
    %dma_start3A_288 = tpu.memref_slice %arg8[%dma_start3A_286, %dma_start3A_287] : memref<20x128xi32, #tpu.memory_space<vmem>> -> memref<1x128xi32, #tpu.memory_space<vmem>>
    %dma_start3A_289 = tpu.memref_squeeze %dma_start3A_288 : memref<1x128xi32, #tpu.memory_space<vmem>> -> memref<128xi32, #tpu.memory_space<vmem>>
    %dma_start3A_290 = tpu.memref_slice %arg5[%add3A_285] : memref<81920xi32, #tpu.memory_space<hbm>> -> memref<128xi32, #tpu.memory_space<hbm>>
    %dma_start3A_291 = arith.constant 0 : i32
    %dma_start3A_292 = tpu.memref_slice %arg8[%dma_start3A_286, %dma_start3A_291] : memref<20x128xi32, #tpu.memory_space<vmem>> -> memref<1x128xi32, #tpu.memory_space<vmem>>
    %dma_start3A_293 = tpu.memref_squeeze %dma_start3A_292 : memref<1x128xi32, #tpu.memory_space<vmem>> -> memref<128xi32, #tpu.memory_space<vmem>>
    %dma_start3A_294 = tpu.memref_slice %arg5[%add3A_285] : memref<81920xi32, #tpu.memory_space<hbm>> -> memref<128xi32, #tpu.memory_space<hbm>>
    tpu.enqueue_dma source(%dma_start3A_294 : memref<128xi32, #tpu.memory_space<hbm>>) target(%dma_start3A_293 : memref<128xi32, #tpu.memory_space<vmem>>) target_semaphore(%arg14 : memref<!tpu.dma_semaphore, #tpu.memory_space<semaphore_mem>>)
    %add3A_295 = arith.constant 49152 : i32
    %add3A_296 = arith.addi %add3A_295, %mul3A_2 : i32
    %add3A_297 = arith.constant 384 : i32
    %add3A_298 = arith.addi %add3A_296, %add3A_297 : i32
    %dma_start3A_299 = arith.constant 18 : i32
    %dma_start3A_300 = arith.constant 0 : i32
    %dma_start3A_301 = tpu.memref_slice %arg8[%dma_start3A_299, %dma_start3A_300] : memref<20x128xi32, #tpu.memory_space<vmem>> -> memref<1x128xi32, #tpu.memory_space<vmem>>
    %dma_start3A_302 = tpu.memref_squeeze %dma_start3A_301 : memref<1x128xi32, #tpu.memory_space<vmem>> -> memref<128xi32, #tpu.memory_space<vmem>>
    %dma_start3A_303 = tpu.memref_slice %arg5[%add3A_298] : memref<81920xi32, #tpu.memory_space<hbm>> -> memref<128xi32, #tpu.memory_space<hbm>>
    %dma_start3A_304 = arith.constant 0 : i32
    %dma_start3A_305 = tpu.memref_slice %arg8[%dma_start3A_299, %dma_start3A_304] : memref<20x128xi32, #tpu.memory_space<vmem>> -> memref<1x128xi32, #tpu.memory_space<vmem>>
    %dma_start3A_306 = tpu.memref_squeeze %dma_start3A_305 : memref<1x128xi32, #tpu.memory_space<vmem>> -> memref<128xi32, #tpu.memory_space<vmem>>
    %dma_start3A_307 = tpu.memref_slice %arg5[%add3A_298] : memref<81920xi32, #tpu.memory_space<hbm>> -> memref<128xi32, #tpu.memory_space<hbm>>
    tpu.enqueue_dma source(%dma_start3A_307 : memref<128xi32, #tpu.memory_space<hbm>>) target(%dma_start3A_306 : memref<128xi32, #tpu.memory_space<vmem>>) target_semaphore(%arg14 : memref<!tpu.dma_semaphore, #tpu.memory_space<semaphore_mem>>)
    %add3A_308 = arith.constant 65536 : i32
    %add3A_309 = arith.addi %add3A_308, %mul3A_2 : i32
    %add3A_310 = arith.constant 384 : i32
    %add3A_311 = arith.addi %add3A_309, %add3A_310 : i32
    %dma_start3A_312 = arith.constant 19 : i32
    %dma_start3A_313 = arith.constant 0 : i32
    %dma_start3A_314 = tpu.memref_slice %arg8[%dma_start3A_312, %dma_start3A_313] : memref<20x128xi32, #tpu.memory_space<vmem>> -> memref<1x128xi32, #tpu.memory_space<vmem>>
    %dma_start3A_315 = tpu.memref_squeeze %dma_start3A_314 : memref<1x128xi32, #tpu.memory_space<vmem>> -> memref<128xi32, #tpu.memory_space<vmem>>
    %dma_start3A_316 = tpu.memref_slice %arg5[%add3A_311] : memref<81920xi32, #tpu.memory_space<hbm>> -> memref<128xi32, #tpu.memory_space<hbm>>
    %dma_start3A_317 = arith.constant 0 : i32
    %dma_start3A_318 = tpu.memref_slice %arg8[%dma_start3A_312, %dma_start3A_317] : memref<20x128xi32, #tpu.memory_space<vmem>> -> memref<1x128xi32, #tpu.memory_space<vmem>>
    %dma_start3A_319 = tpu.memref_squeeze %dma_start3A_318 : memref<1x128xi32, #tpu.memory_space<vmem>> -> memref<128xi32, #tpu.memory_space<vmem>>
    %dma_start3A_320 = tpu.memref_slice %arg5[%add3A_311] : memref<81920xi32, #tpu.memory_space<hbm>> -> memref<128xi32, #tpu.memory_space<hbm>>
    tpu.enqueue_dma source(%dma_start3A_320 : memref<128xi32, #tpu.memory_space<hbm>>) target(%dma_start3A_319 : memref<128xi32, #tpu.memory_space<vmem>>) target_semaphore(%arg14 : memref<!tpu.dma_semaphore, #tpu.memory_space<semaphore_mem>>)
    %dma_wait3A = arith.constant 0 : i32
    %dma_wait3A_321 = arith.constant 0 : i32
    %dma_wait3A_322 = tpu.memref_slice %arg8[%dma_wait3A, %dma_wait3A_321] : memref<20x128xi32, #tpu.memory_space<vmem>> -> memref<1x128xi32, #tpu.memory_space<vmem>>
    %dma_wait3A_323 = tpu.memref_squeeze %dma_wait3A_322 : memref<1x128xi32, #tpu.memory_space<vmem>> -> memref<128xi32, #tpu.memory_space<vmem>>
    %dma_wait3A_324 = tpu.memref_slice %arg5[%add3A_64] : memref<81920xi32, #tpu.memory_space<hbm>> -> memref<128xi32, #tpu.memory_space<hbm>>
    %dma_wait3A_325 = arith.constant 0 : i32
    %dma_wait3A_326 = tpu.memref_slice %arg8[%dma_wait3A, %dma_wait3A_325] : memref<20x128xi32, #tpu.memory_space<vmem>> -> memref<1x128xi32, #tpu.memory_space<vmem>>
    %dma_wait3A_327 = tpu.memref_squeeze %dma_wait3A_326 : memref<1x128xi32, #tpu.memory_space<vmem>> -> memref<128xi32, #tpu.memory_space<vmem>>
    %dma_wait3A_328 = tpu.memref_slice %arg5[%add3A_64] : memref<81920xi32, #tpu.memory_space<hbm>> -> memref<128xi32, #tpu.memory_space<hbm>>
    tpu.wait_dma2 semaphore(%arg14 : memref<!tpu.dma_semaphore, #tpu.memory_space<semaphore_mem>>) src(%dma_wait3A_328 : memref<128xi32, #tpu.memory_space<hbm>>) dst(%dma_wait3A_327 : memref<128xi32, #tpu.memory_space<vmem>>)
    %dma_wait3A_329 = arith.constant 1 : i32
    %dma_wait3A_330 = arith.constant 0 : i32
    %dma_wait3A_331 = tpu.memref_slice %arg8[%dma_wait3A_329, %dma_wait3A_330] : memref<20x128xi32, #tpu.memory_space<vmem>> -> memref<1x128xi32, #tpu.memory_space<vmem>>
    %dma_wait3A_332 = tpu.memref_squeeze %dma_wait3A_331 : memref<1x128xi32, #tpu.memory_space<vmem>> -> memref<128xi32, #tpu.memory_space<vmem>>
    %dma_wait3A_333 = tpu.memref_slice %arg5[%add3A_77] : memref<81920xi32, #tpu.memory_space<hbm>> -> memref<128xi32, #tpu.memory_space<hbm>>
    %dma_wait3A_334 = arith.constant 0 : i32
    %dma_wait3A_335 = tpu.memref_slice %arg8[%dma_wait3A_329, %dma_wait3A_334] : memref<20x128xi32, #tpu.memory_space<vmem>> -> memref<1x128xi32, #tpu.memory_space<vmem>>
    %dma_wait3A_336 = tpu.memref_squeeze %dma_wait3A_335 : memref<1x128xi32, #tpu.memory_space<vmem>> -> memref<128xi32, #tpu.memory_space<vmem>>
    %dma_wait3A_337 = tpu.memref_slice %arg5[%add3A_77] : memref<81920xi32, #tpu.memory_space<hbm>> -> memref<128xi32, #tpu.memory_space<hbm>>
    tpu.wait_dma2 semaphore(%arg14 : memref<!tpu.dma_semaphore, #tpu.memory_space<semaphore_mem>>) src(%dma_wait3A_337 : memref<128xi32, #tpu.memory_space<hbm>>) dst(%dma_wait3A_336 : memref<128xi32, #tpu.memory_space<vmem>>)
    %dma_wait3A_338 = arith.constant 2 : i32
    %dma_wait3A_339 = arith.constant 0 : i32
    %dma_wait3A_340 = tpu.memref_slice %arg8[%dma_wait3A_338, %dma_wait3A_339] : memref<20x128xi32, #tpu.memory_space<vmem>> -> memref<1x128xi32, #tpu.memory_space<vmem>>
    %dma_wait3A_341 = tpu.memref_squeeze %dma_wait3A_340 : memref<1x128xi32, #tpu.memory_space<vmem>> -> memref<128xi32, #tpu.memory_space<vmem>>
    %dma_wait3A_342 = tpu.memref_slice %arg5[%add3A_90] : memref<81920xi32, #tpu.memory_space<hbm>> -> memref<128xi32, #tpu.memory_space<hbm>>
    %dma_wait3A_343 = arith.constant 0 : i32
    %dma_wait3A_344 = tpu.memref_slice %arg8[%dma_wait3A_338, %dma_wait3A_343] : memref<20x128xi32, #tpu.memory_space<vmem>> -> memref<1x128xi32, #tpu.memory_space<vmem>>
    %dma_wait3A_345 = tpu.memref_squeeze %dma_wait3A_344 : memref<1x128xi32, #tpu.memory_space<vmem>> -> memref<128xi32, #tpu.memory_space<vmem>>
    %dma_wait3A_346 = tpu.memref_slice %arg5[%add3A_90] : memref<81920xi32, #tpu.memory_space<hbm>> -> memref<128xi32, #tpu.memory_space<hbm>>
    tpu.wait_dma2 semaphore(%arg14 : memref<!tpu.dma_semaphore, #tpu.memory_space<semaphore_mem>>) src(%dma_wait3A_346 : memref<128xi32, #tpu.memory_space<hbm>>) dst(%dma_wait3A_345 : memref<128xi32, #tpu.memory_space<vmem>>)
    %dma_wait3A_347 = arith.constant 3 : i32
    %dma_wait3A_348 = arith.constant 0 : i32
    %dma_wait3A_349 = tpu.memref_slice %arg8[%dma_wait3A_347, %dma_wait3A_348] : memref<20x128xi32, #tpu.memory_space<vmem>> -> memref<1x128xi32, #tpu.memory_space<vmem>>
    %dma_wait3A_350 = tpu.memref_squeeze %dma_wait3A_349 : memref<1x128xi32, #tpu.memory_space<vmem>> -> memref<128xi32, #tpu.memory_space<vmem>>
    %dma_wait3A_351 = tpu.memref_slice %arg5[%add3A_103] : memref<81920xi32, #tpu.memory_space<hbm>> -> memref<128xi32, #tpu.memory_space<hbm>>
    %dma_wait3A_352 = arith.constant 0 : i32
    %dma_wait3A_353 = tpu.memref_slice %arg8[%dma_wait3A_347, %dma_wait3A_352] : memref<20x128xi32, #tpu.memory_space<vmem>> -> memref<1x128xi32, #tpu.memory_space<vmem>>
    %dma_wait3A_354 = tpu.memref_squeeze %dma_wait3A_353 : memref<1x128xi32, #tpu.memory_space<vmem>> -> memref<128xi32, #tpu.memory_space<vmem>>
    %dma_wait3A_355 = tpu.memref_slice %arg5[%add3A_103] : memref<81920xi32, #tpu.memory_space<hbm>> -> memref<128xi32, #tpu.memory_space<hbm>>
    tpu.wait_dma2 semaphore(%arg14 : memref<!tpu.dma_semaphore, #tpu.memory_space<semaphore_mem>>) src(%dma_wait3A_355 : memref<128xi32, #tpu.memory_space<hbm>>) dst(%dma_wait3A_354 : memref<128xi32, #tpu.memory_space<vmem>>)
    %dma_wait3A_356 = arith.constant 4 : i32
    %dma_wait3A_357 = arith.constant 0 : i32
    %dma_wait3A_358 = tpu.memref_slice %arg8[%dma_wait3A_356, %dma_wait3A_357] : memref<20x128xi32, #tpu.memory_space<vmem>> -> memref<1x128xi32, #tpu.memory_space<vmem>>
    %dma_wait3A_359 = tpu.memref_squeeze %dma_wait3A_358 : memref<1x128xi32, #tpu.memory_space<vmem>> -> memref<128xi32, #tpu.memory_space<vmem>>
    %dma_wait3A_360 = tpu.memref_slice %arg5[%add3A_116] : memref<81920xi32, #tpu.memory_space<hbm>> -> memref<128xi32, #tpu.memory_space<hbm>>
    %dma_wait3A_361 = arith.constant 0 : i32
    %dma_wait3A_362 = tpu.memref_slice %arg8[%dma_wait3A_356, %dma_wait3A_361] : memref<20x128xi32, #tpu.memory_space<vmem>> -> memref<1x128xi32, #tpu.memory_space<vmem>>
    %dma_wait3A_363 = tpu.memref_squeeze %dma_wait3A_362 : memref<1x128xi32, #tpu.memory_space<vmem>> -> memref<128xi32, #tpu.memory_space<vmem>>
    %dma_wait3A_364 = tpu.memref_slice %arg5[%add3A_116] : memref<81920xi32, #tpu.memory_space<hbm>> -> memref<128xi32, #tpu.memory_space<hbm>>
    tpu.wait_dma2 semaphore(%arg14 : memref<!tpu.dma_semaphore, #tpu.memory_space<semaphore_mem>>) src(%dma_wait3A_364 : memref<128xi32, #tpu.memory_space<hbm>>) dst(%dma_wait3A_363 : memref<128xi32, #tpu.memory_space<vmem>>)
    %dma_wait3A_365 = arith.constant 5 : i32
    %dma_wait3A_366 = arith.constant 0 : i32
    %dma_wait3A_367 = tpu.memref_slice %arg8[%dma_wait3A_365, %dma_wait3A_366] : memref<20x128xi32, #tpu.memory_space<vmem>> -> memref<1x128xi32, #tpu.memory_space<vmem>>
    %dma_wait3A_368 = tpu.memref_squeeze %dma_wait3A_367 : memref<1x128xi32, #tpu.memory_space<vmem>> -> memref<128xi32, #tpu.memory_space<vmem>>
    %dma_wait3A_369 = tpu.memref_slice %arg5[%add3A_129] : memref<81920xi32, #tpu.memory_space<hbm>> -> memref<128xi32, #tpu.memory_space<hbm>>
    %dma_wait3A_370 = arith.constant 0 : i32
    %dma_wait3A_371 = tpu.memref_slice %arg8[%dma_wait3A_365, %dma_wait3A_370] : memref<20x128xi32, #tpu.memory_space<vmem>> -> memref<1x128xi32, #tpu.memory_space<vmem>>
    %dma_wait3A_372 = tpu.memref_squeeze %dma_wait3A_371 : memref<1x128xi32, #tpu.memory_space<vmem>> -> memref<128xi32, #tpu.memory_space<vmem>>
    %dma_wait3A_373 = tpu.memref_slice %arg5[%add3A_129] : memref<81920xi32, #tpu.memory_space<hbm>> -> memref<128xi32, #tpu.memory_space<hbm>>
    tpu.wait_dma2 semaphore(%arg14 : memref<!tpu.dma_semaphore, #tpu.memory_space<semaphore_mem>>) src(%dma_wait3A_373 : memref<128xi32, #tpu.memory_space<hbm>>) dst(%dma_wait3A_372 : memref<128xi32, #tpu.memory_space<vmem>>)
    %dma_wait3A_374 = arith.constant 6 : i32
    %dma_wait3A_375 = arith.constant 0 : i32
    %dma_wait3A_376 = tpu.memref_slice %arg8[%dma_wait3A_374, %dma_wait3A_375] : memref<20x128xi32, #tpu.memory_space<vmem>> -> memref<1x128xi32, #tpu.memory_space<vmem>>
    %dma_wait3A_377 = tpu.memref_squeeze %dma_wait3A_376 : memref<1x128xi32, #tpu.memory_space<vmem>> -> memref<128xi32, #tpu.memory_space<vmem>>
    %dma_wait3A_378 = tpu.memref_slice %arg5[%add3A_142] : memref<81920xi32, #tpu.memory_space<hbm>> -> memref<128xi32, #tpu.memory_space<hbm>>
    %dma_wait3A_379 = arith.constant 0 : i32
    %dma_wait3A_380 = tpu.memref_slice %arg8[%dma_wait3A_374, %dma_wait3A_379] : memref<20x128xi32, #tpu.memory_space<vmem>> -> memref<1x128xi32, #tpu.memory_space<vmem>>
    %dma_wait3A_381 = tpu.memref_squeeze %dma_wait3A_380 : memref<1x128xi32, #tpu.memory_space<vmem>> -> memref<128xi32, #tpu.memory_space<vmem>>
    %dma_wait3A_382 = tpu.memref_slice %arg5[%add3A_142] : memref<81920xi32, #tpu.memory_space<hbm>> -> memref<128xi32, #tpu.memory_space<hbm>>
    tpu.wait_dma2 semaphore(%arg14 : memref<!tpu.dma_semaphore, #tpu.memory_space<semaphore_mem>>) src(%dma_wait3A_382 : memref<128xi32, #tpu.memory_space<hbm>>) dst(%dma_wait3A_381 : memref<128xi32, #tpu.memory_space<vmem>>)
    %dma_wait3A_383 = arith.constant 7 : i32
    %dma_wait3A_384 = arith.constant 0 : i32
    %dma_wait3A_385 = tpu.memref_slice %arg8[%dma_wait3A_383, %dma_wait3A_384] : memref<20x128xi32, #tpu.memory_space<vmem>> -> memref<1x128xi32, #tpu.memory_space<vmem>>
    %dma_wait3A_386 = tpu.memref_squeeze %dma_wait3A_385 : memref<1x128xi32, #tpu.memory_space<vmem>> -> memref<128xi32, #tpu.memory_space<vmem>>
    %dma_wait3A_387 = tpu.memref_slice %arg5[%add3A_155] : memref<81920xi32, #tpu.memory_space<hbm>> -> memref<128xi32, #tpu.memory_space<hbm>>
    %dma_wait3A_388 = arith.constant 0 : i32
    %dma_wait3A_389 = tpu.memref_slice %arg8[%dma_wait3A_383, %dma_wait3A_388] : memref<20x128xi32, #tpu.memory_space<vmem>> -> memref<1x128xi32, #tpu.memory_space<vmem>>
    %dma_wait3A_390 = tpu.memref_squeeze %dma_wait3A_389 : memref<1x128xi32, #tpu.memory_space<vmem>> -> memref<128xi32, #tpu.memory_space<vmem>>
    %dma_wait3A_391 = tpu.memref_slice %arg5[%add3A_155] : memref<81920xi32, #tpu.memory_space<hbm>> -> memref<128xi32, #tpu.memory_space<hbm>>
    tpu.wait_dma2 semaphore(%arg14 : memref<!tpu.dma_semaphore, #tpu.memory_space<semaphore_mem>>) src(%dma_wait3A_391 : memref<128xi32, #tpu.memory_space<hbm>>) dst(%dma_wait3A_390 : memref<128xi32, #tpu.memory_space<vmem>>)
    %dma_wait3A_392 = arith.constant 8 : i32
    %dma_wait3A_393 = arith.constant 0 : i32
    %dma_wait3A_394 = tpu.memref_slice %arg8[%dma_wait3A_392, %dma_wait3A_393] : memref<20x128xi32, #tpu.memory_space<vmem>> -> memref<1x128xi32, #tpu.memory_space<vmem>>
    %dma_wait3A_395 = tpu.memref_squeeze %dma_wait3A_394 : memref<1x128xi32, #tpu.memory_space<vmem>> -> memref<128xi32, #tpu.memory_space<vmem>>
    %dma_wait3A_396 = tpu.memref_slice %arg5[%add3A_168] : memref<81920xi32, #tpu.memory_space<hbm>> -> memref<128xi32, #tpu.memory_space<hbm>>
    %dma_wait3A_397 = arith.constant 0 : i32
    %dma_wait3A_398 = tpu.memref_slice %arg8[%dma_wait3A_392, %dma_wait3A_397] : memref<20x128xi32, #tpu.memory_space<vmem>> -> memref<1x128xi32, #tpu.memory_space<vmem>>
    %dma_wait3A_399 = tpu.memref_squeeze %dma_wait3A_398 : memref<1x128xi32, #tpu.memory_space<vmem>> -> memref<128xi32, #tpu.memory_space<vmem>>
    %dma_wait3A_400 = tpu.memref_slice %arg5[%add3A_168] : memref<81920xi32, #tpu.memory_space<hbm>> -> memref<128xi32, #tpu.memory_space<hbm>>
    tpu.wait_dma2 semaphore(%arg14 : memref<!tpu.dma_semaphore, #tpu.memory_space<semaphore_mem>>) src(%dma_wait3A_400 : memref<128xi32, #tpu.memory_space<hbm>>) dst(%dma_wait3A_399 : memref<128xi32, #tpu.memory_space<vmem>>)
    %dma_wait3A_401 = arith.constant 9 : i32
    %dma_wait3A_402 = arith.constant 0 : i32
    %dma_wait3A_403 = tpu.memref_slice %arg8[%dma_wait3A_401, %dma_wait3A_402] : memref<20x128xi32, #tpu.memory_space<vmem>> -> memref<1x128xi32, #tpu.memory_space<vmem>>
    %dma_wait3A_404 = tpu.memref_squeeze %dma_wait3A_403 : memref<1x128xi32, #tpu.memory_space<vmem>> -> memref<128xi32, #tpu.memory_space<vmem>>
    %dma_wait3A_405 = tpu.memref_slice %arg5[%add3A_181] : memref<81920xi32, #tpu.memory_space<hbm>> -> memref<128xi32, #tpu.memory_space<hbm>>
    %dma_wait3A_406 = arith.constant 0 : i32
    %dma_wait3A_407 = tpu.memref_slice %arg8[%dma_wait3A_401, %dma_wait3A_406] : memref<20x128xi32, #tpu.memory_space<vmem>> -> memref<1x128xi32, #tpu.memory_space<vmem>>
    %dma_wait3A_408 = tpu.memref_squeeze %dma_wait3A_407 : memref<1x128xi32, #tpu.memory_space<vmem>> -> memref<128xi32, #tpu.memory_space<vmem>>
    %dma_wait3A_409 = tpu.memref_slice %arg5[%add3A_181] : memref<81920xi32, #tpu.memory_space<hbm>> -> memref<128xi32, #tpu.memory_space<hbm>>
    tpu.wait_dma2 semaphore(%arg14 : memref<!tpu.dma_semaphore, #tpu.memory_space<semaphore_mem>>) src(%dma_wait3A_409 : memref<128xi32, #tpu.memory_space<hbm>>) dst(%dma_wait3A_408 : memref<128xi32, #tpu.memory_space<vmem>>)
    %dma_wait3A_410 = arith.constant 10 : i32
    %dma_wait3A_411 = arith.constant 0 : i32
    %dma_wait3A_412 = tpu.memref_slice %arg8[%dma_wait3A_410, %dma_wait3A_411] : memref<20x128xi32, #tpu.memory_space<vmem>> -> memref<1x128xi32, #tpu.memory_space<vmem>>
    %dma_wait3A_413 = tpu.memref_squeeze %dma_wait3A_412 : memref<1x128xi32, #tpu.memory_space<vmem>> -> memref<128xi32, #tpu.memory_space<vmem>>
    %dma_wait3A_414 = tpu.memref_slice %arg5[%add3A_194] : memref<81920xi32, #tpu.memory_space<hbm>> -> memref<128xi32, #tpu.memory_space<hbm>>
    %dma_wait3A_415 = arith.constant 0 : i32
    %dma_wait3A_416 = tpu.memref_slice %arg8[%dma_wait3A_410, %dma_wait3A_415] : memref<20x128xi32, #tpu.memory_space<vmem>> -> memref<1x128xi32, #tpu.memory_space<vmem>>
    %dma_wait3A_417 = tpu.memref_squeeze %dma_wait3A_416 : memref<1x128xi32, #tpu.memory_space<vmem>> -> memref<128xi32, #tpu.memory_space<vmem>>
    %dma_wait3A_418 = tpu.memref_slice %arg5[%add3A_194] : memref<81920xi32, #tpu.memory_space<hbm>> -> memref<128xi32, #tpu.memory_space<hbm>>
    tpu.wait_dma2 semaphore(%arg14 : memref<!tpu.dma_semaphore, #tpu.memory_space<semaphore_mem>>) src(%dma_wait3A_418 : memref<128xi32, #tpu.memory_space<hbm>>) dst(%dma_wait3A_417 : memref<128xi32, #tpu.memory_space<vmem>>)
    %dma_wait3A_419 = arith.constant 11 : i32
    %dma_wait3A_420 = arith.constant 0 : i32
    %dma_wait3A_421 = tpu.memref_slice %arg8[%dma_wait3A_419, %dma_wait3A_420] : memref<20x128xi32, #tpu.memory_space<vmem>> -> memref<1x128xi32, #tpu.memory_space<vmem>>
    %dma_wait3A_422 = tpu.memref_squeeze %dma_wait3A_421 : memref<1x128xi32, #tpu.memory_space<vmem>> -> memref<128xi32, #tpu.memory_space<vmem>>
    %dma_wait3A_423 = tpu.memref_slice %arg5[%add3A_207] : memref<81920xi32, #tpu.memory_space<hbm>> -> memref<128xi32, #tpu.memory_space<hbm>>
    %dma_wait3A_424 = arith.constant 0 : i32
    %dma_wait3A_425 = tpu.memref_slice %arg8[%dma_wait3A_419, %dma_wait3A_424] : memref<20x128xi32, #tpu.memory_space<vmem>> -> memref<1x128xi32, #tpu.memory_space<vmem>>
    %dma_wait3A_426 = tpu.memref_squeeze %dma_wait3A_425 : memref<1x128xi32, #tpu.memory_space<vmem>> -> memref<128xi32, #tpu.memory_space<vmem>>
    %dma_wait3A_427 = tpu.memref_slice %arg5[%add3A_207] : memref<81920xi32, #tpu.memory_space<hbm>> -> memref<128xi32, #tpu.memory_space<hbm>>
    tpu.wait_dma2 semaphore(%arg14 : memref<!tpu.dma_semaphore, #tpu.memory_space<semaphore_mem>>) src(%dma_wait3A_427 : memref<128xi32, #tpu.memory_space<hbm>>) dst(%dma_wait3A_426 : memref<128xi32, #tpu.memory_space<vmem>>)
    %dma_wait3A_428 = arith.constant 12 : i32
    %dma_wait3A_429 = arith.constant 0 : i32
    %dma_wait3A_430 = tpu.memref_slice %arg8[%dma_wait3A_428, %dma_wait3A_429] : memref<20x128xi32, #tpu.memory_space<vmem>> -> memref<1x128xi32, #tpu.memory_space<vmem>>
    %dma_wait3A_431 = tpu.memref_squeeze %dma_wait3A_430 : memref<1x128xi32, #tpu.memory_space<vmem>> -> memref<128xi32, #tpu.memory_space<vmem>>
    %dma_wait3A_432 = tpu.memref_slice %arg5[%add3A_220] : memref<81920xi32, #tpu.memory_space<hbm>> -> memref<128xi32, #tpu.memory_space<hbm>>
    %dma_wait3A_433 = arith.constant 0 : i32
    %dma_wait3A_434 = tpu.memref_slice %arg8[%dma_wait3A_428, %dma_wait3A_433] : memref<20x128xi32, #tpu.memory_space<vmem>> -> memref<1x128xi32, #tpu.memory_space<vmem>>
    %dma_wait3A_435 = tpu.memref_squeeze %dma_wait3A_434 : memref<1x128xi32, #tpu.memory_space<vmem>> -> memref<128xi32, #tpu.memory_space<vmem>>
    %dma_wait3A_436 = tpu.memref_slice %arg5[%add3A_220] : memref<81920xi32, #tpu.memory_space<hbm>> -> memref<128xi32, #tpu.memory_space<hbm>>
    tpu.wait_dma2 semaphore(%arg14 : memref<!tpu.dma_semaphore, #tpu.memory_space<semaphore_mem>>) src(%dma_wait3A_436 : memref<128xi32, #tpu.memory_space<hbm>>) dst(%dma_wait3A_435 : memref<128xi32, #tpu.memory_space<vmem>>)
    %dma_wait3A_437 = arith.constant 13 : i32
    %dma_wait3A_438 = arith.constant 0 : i32
    %dma_wait3A_439 = tpu.memref_slice %arg8[%dma_wait3A_437, %dma_wait3A_438] : memref<20x128xi32, #tpu.memory_space<vmem>> -> memref<1x128xi32, #tpu.memory_space<vmem>>
    %dma_wait3A_440 = tpu.memref_squeeze %dma_wait3A_439 : memref<1x128xi32, #tpu.memory_space<vmem>> -> memref<128xi32, #tpu.memory_space<vmem>>
    %dma_wait3A_441 = tpu.memref_slice %arg5[%add3A_233] : memref<81920xi32, #tpu.memory_space<hbm>> -> memref<128xi32, #tpu.memory_space<hbm>>
    %dma_wait3A_442 = arith.constant 0 : i32
    %dma_wait3A_443 = tpu.memref_slice %arg8[%dma_wait3A_437, %dma_wait3A_442] : memref<20x128xi32, #tpu.memory_space<vmem>> -> memref<1x128xi32, #tpu.memory_space<vmem>>
    %dma_wait3A_444 = tpu.memref_squeeze %dma_wait3A_443 : memref<1x128xi32, #tpu.memory_space<vmem>> -> memref<128xi32, #tpu.memory_space<vmem>>
    %dma_wait3A_445 = tpu.memref_slice %arg5[%add3A_233] : memref<81920xi32, #tpu.memory_space<hbm>> -> memref<128xi32, #tpu.memory_space<hbm>>
    tpu.wait_dma2 semaphore(%arg14 : memref<!tpu.dma_semaphore, #tpu.memory_space<semaphore_mem>>) src(%dma_wait3A_445 : memref<128xi32, #tpu.memory_space<hbm>>) dst(%dma_wait3A_444 : memref<128xi32, #tpu.memory_space<vmem>>)
    %dma_wait3A_446 = arith.constant 14 : i32
    %dma_wait3A_447 = arith.constant 0 : i32
    %dma_wait3A_448 = tpu.memref_slice %arg8[%dma_wait3A_446, %dma_wait3A_447] : memref<20x128xi32, #tpu.memory_space<vmem>> -> memref<1x128xi32, #tpu.memory_space<vmem>>
    %dma_wait3A_449 = tpu.memref_squeeze %dma_wait3A_448 : memref<1x128xi32, #tpu.memory_space<vmem>> -> memref<128xi32, #tpu.memory_space<vmem>>
    %dma_wait3A_450 = tpu.memref_slice %arg5[%add3A_246] : memref<81920xi32, #tpu.memory_space<hbm>> -> memref<128xi32, #tpu.memory_space<hbm>>
    %dma_wait3A_451 = arith.constant 0 : i32
    %dma_wait3A_452 = tpu.memref_slice %arg8[%dma_wait3A_446, %dma_wait3A_451] : memref<20x128xi32, #tpu.memory_space<vmem>> -> memref<1x128xi32, #tpu.memory_space<vmem>>
    %dma_wait3A_453 = tpu.memref_squeeze %dma_wait3A_452 : memref<1x128xi32, #tpu.memory_space<vmem>> -> memref<128xi32, #tpu.memory_space<vmem>>
    %dma_wait3A_454 = tpu.memref_slice %arg5[%add3A_246] : memref<81920xi32, #tpu.memory_space<hbm>> -> memref<128xi32, #tpu.memory_space<hbm>>
    tpu.wait_dma2 semaphore(%arg14 : memref<!tpu.dma_semaphore, #tpu.memory_space<semaphore_mem>>) src(%dma_wait3A_454 : memref<128xi32, #tpu.memory_space<hbm>>) dst(%dma_wait3A_453 : memref<128xi32, #tpu.memory_space<vmem>>)
    %dma_wait3A_455 = arith.constant 15 : i32
    %dma_wait3A_456 = arith.constant 0 : i32
    %dma_wait3A_457 = tpu.memref_slice %arg8[%dma_wait3A_455, %dma_wait3A_456] : memref<20x128xi32, #tpu.memory_space<vmem>> -> memref<1x128xi32, #tpu.memory_space<vmem>>
    %dma_wait3A_458 = tpu.memref_squeeze %dma_wait3A_457 : memref<1x128xi32, #tpu.memory_space<vmem>> -> memref<128xi32, #tpu.memory_space<vmem>>
    %dma_wait3A_459 = tpu.memref_slice %arg5[%add3A_259] : memref<81920xi32, #tpu.memory_space<hbm>> -> memref<128xi32, #tpu.memory_space<hbm>>
    %dma_wait3A_460 = arith.constant 0 : i32
    %dma_wait3A_461 = tpu.memref_slice %arg8[%dma_wait3A_455, %dma_wait3A_460] : memref<20x128xi32, #tpu.memory_space<vmem>> -> memref<1x128xi32, #tpu.memory_space<vmem>>
    %dma_wait3A_462 = tpu.memref_squeeze %dma_wait3A_461 : memref<1x128xi32, #tpu.memory_space<vmem>> -> memref<128xi32, #tpu.memory_space<vmem>>
    %dma_wait3A_463 = tpu.memref_slice %arg5[%add3A_259] : memref<81920xi32, #tpu.memory_space<hbm>> -> memref<128xi32, #tpu.memory_space<hbm>>
    tpu.wait_dma2 semaphore(%arg14 : memref<!tpu.dma_semaphore, #tpu.memory_space<semaphore_mem>>) src(%dma_wait3A_463 : memref<128xi32, #tpu.memory_space<hbm>>) dst(%dma_wait3A_462 : memref<128xi32, #tpu.memory_space<vmem>>)
    %dma_wait3A_464 = arith.constant 16 : i32
    %dma_wait3A_465 = arith.constant 0 : i32
    %dma_wait3A_466 = tpu.memref_slice %arg8[%dma_wait3A_464, %dma_wait3A_465] : memref<20x128xi32, #tpu.memory_space<vmem>> -> memref<1x128xi32, #tpu.memory_space<vmem>>
    %dma_wait3A_467 = tpu.memref_squeeze %dma_wait3A_466 : memref<1x128xi32, #tpu.memory_space<vmem>> -> memref<128xi32, #tpu.memory_space<vmem>>
    %dma_wait3A_468 = tpu.memref_slice %arg5[%add3A_272] : memref<81920xi32, #tpu.memory_space<hbm>> -> memref<128xi32, #tpu.memory_space<hbm>>
    %dma_wait3A_469 = arith.constant 0 : i32
    %dma_wait3A_470 = tpu.memref_slice %arg8[%dma_wait3A_464, %dma_wait3A_469] : memref<20x128xi32, #tpu.memory_space<vmem>> -> memref<1x128xi32, #tpu.memory_space<vmem>>
    %dma_wait3A_471 = tpu.memref_squeeze %dma_wait3A_470 : memref<1x128xi32, #tpu.memory_space<vmem>> -> memref<128xi32, #tpu.memory_space<vmem>>
    %dma_wait3A_472 = tpu.memref_slice %arg5[%add3A_272] : memref<81920xi32, #tpu.memory_space<hbm>> -> memref<128xi32, #tpu.memory_space<hbm>>
    tpu.wait_dma2 semaphore(%arg14 : memref<!tpu.dma_semaphore, #tpu.memory_space<semaphore_mem>>) src(%dma_wait3A_472 : memref<128xi32, #tpu.memory_space<hbm>>) dst(%dma_wait3A_471 : memref<128xi32, #tpu.memory_space<vmem>>)
    %dma_wait3A_473 = arith.constant 17 : i32
    %dma_wait3A_474 = arith.constant 0 : i32
    %dma_wait3A_475 = tpu.memref_slice %arg8[%dma_wait3A_473, %dma_wait3A_474] : memref<20x128xi32, #tpu.memory_space<vmem>> -> memref<1x128xi32, #tpu.memory_space<vmem>>
    %dma_wait3A_476 = tpu.memref_squeeze %dma_wait3A_475 : memref<1x128xi32, #tpu.memory_space<vmem>> -> memref<128xi32, #tpu.memory_space<vmem>>
    %dma_wait3A_477 = tpu.memref_slice %arg5[%add3A_285] : memref<81920xi32, #tpu.memory_space<hbm>> -> memref<128xi32, #tpu.memory_space<hbm>>
    %dma_wait3A_478 = arith.constant 0 : i32
    %dma_wait3A_479 = tpu.memref_slice %arg8[%dma_wait3A_473, %dma_wait3A_478] : memref<20x128xi32, #tpu.memory_space<vmem>> -> memref<1x128xi32, #tpu.memory_space<vmem>>
    %dma_wait3A_480 = tpu.memref_squeeze %dma_wait3A_479 : memref<1x128xi32, #tpu.memory_space<vmem>> -> memref<128xi32, #tpu.memory_space<vmem>>
    %dma_wait3A_481 = tpu.memref_slice %arg5[%add3A_285] : memref<81920xi32, #tpu.memory_space<hbm>> -> memref<128xi32, #tpu.memory_space<hbm>>
    tpu.wait_dma2 semaphore(%arg14 : memref<!tpu.dma_semaphore, #tpu.memory_space<semaphore_mem>>) src(%dma_wait3A_481 : memref<128xi32, #tpu.memory_space<hbm>>) dst(%dma_wait3A_480 : memref<128xi32, #tpu.memory_space<vmem>>)
    %dma_wait3A_482 = arith.constant 18 : i32
    %dma_wait3A_483 = arith.constant 0 : i32
    %dma_wait3A_484 = tpu.memref_slice %arg8[%dma_wait3A_482, %dma_wait3A_483] : memref<20x128xi32, #tpu.memory_space<vmem>> -> memref<1x128xi32, #tpu.memory_space<vmem>>
    %dma_wait3A_485 = tpu.memref_squeeze %dma_wait3A_484 : memref<1x128xi32, #tpu.memory_space<vmem>> -> memref<128xi32, #tpu.memory_space<vmem>>
    %dma_wait3A_486 = tpu.memref_slice %arg5[%add3A_298] : memref<81920xi32, #tpu.memory_space<hbm>> -> memref<128xi32, #tpu.memory_space<hbm>>
    %dma_wait3A_487 = arith.constant 0 : i32
    %dma_wait3A_488 = tpu.memref_slice %arg8[%dma_wait3A_482, %dma_wait3A_487] : memref<20x128xi32, #tpu.memory_space<vmem>> -> memref<1x128xi32, #tpu.memory_space<vmem>>
    %dma_wait3A_489 = tpu.memref_squeeze %dma_wait3A_488 : memref<1x128xi32, #tpu.memory_space<vmem>> -> memref<128xi32, #tpu.memory_space<vmem>>
    %dma_wait3A_490 = tpu.memref_slice %arg5[%add3A_298] : memref<81920xi32, #tpu.memory_space<hbm>> -> memref<128xi32, #tpu.memory_space<hbm>>
    tpu.wait_dma2 semaphore(%arg14 : memref<!tpu.dma_semaphore, #tpu.memory_space<semaphore_mem>>) src(%dma_wait3A_490 : memref<128xi32, #tpu.memory_space<hbm>>) dst(%dma_wait3A_489 : memref<128xi32, #tpu.memory_space<vmem>>)
    %dma_wait3A_491 = arith.constant 19 : i32
    %dma_wait3A_492 = arith.constant 0 : i32
    %dma_wait3A_493 = tpu.memref_slice %arg8[%dma_wait3A_491, %dma_wait3A_492] : memref<20x128xi32, #tpu.memory_space<vmem>> -> memref<1x128xi32, #tpu.memory_space<vmem>>
    %dma_wait3A_494 = tpu.memref_squeeze %dma_wait3A_493 : memref<1x128xi32, #tpu.memory_space<vmem>> -> memref<128xi32, #tpu.memory_space<vmem>>
    %dma_wait3A_495 = tpu.memref_slice %arg5[%add3A_311] : memref<81920xi32, #tpu.memory_space<hbm>> -> memref<128xi32, #tpu.memory_space<hbm>>
    %dma_wait3A_496 = arith.constant 0 : i32
    %dma_wait3A_497 = tpu.memref_slice %arg8[%dma_wait3A_491, %dma_wait3A_496] : memref<20x128xi32, #tpu.memory_space<vmem>> -> memref<1x128xi32, #tpu.memory_space<vmem>>
    %dma_wait3A_498 = tpu.memref_squeeze %dma_wait3A_497 : memref<1x128xi32, #tpu.memory_space<vmem>> -> memref<128xi32, #tpu.memory_space<vmem>>
    %dma_wait3A_499 = tpu.memref_slice %arg5[%add3A_311] : memref<81920xi32, #tpu.memory_space<hbm>> -> memref<128xi32, #tpu.memory_space<hbm>>
    tpu.wait_dma2 semaphore(%arg14 : memref<!tpu.dma_semaphore, #tpu.memory_space<semaphore_mem>>) src(%dma_wait3A_499 : memref<128xi32, #tpu.memory_space<hbm>>) dst(%dma_wait3A_498 : memref<128xi32, #tpu.memory_space<vmem>>)
    %iota3A = tpu.iota {dimensions = array<i32: 0>} : vector<16xi32>
    %and3A = arith.constant 7 : i32
    %and3A_500 = vector.broadcast %and3A : i32 to vector<16xi32>
    %and3A_501 = arith.andi %iota3A, %and3A_500 : vector<16xi32>
    %add3A_502 = arith.constant 5000 : i32
    %add3A_503 = vector.broadcast %add3A_502 : i32 to vector<16xi32>
    %add3A_504 = arith.addi %add3A_503, %and3A_501 : vector<16xi32>
    %get3A = arith.constant 0 : i32
    %get3A_505 = arith.index_cast %get3A : i32 to index
    %get3A_506 = arith.constant 0 : index
    %get3A_507 = tpu.vector_load %arg8[%get3A_505, %get3A_506] {strides = array<i32>} : memref<20x128xi32, #tpu.memory_space<vmem>>, vector<1x16xi32>,
    %get3A_508 = vector.shape_cast %get3A_507 : vector<1x16xi32> to vector<16xi32>
    %eq3A = arith.constant 0 : i32
    %eq3A_509 = vector.broadcast %eq3A : i32 to vector<16xi32>
    %eq3A_510 = arith.cmpi eq, %get3A_508, %eq3A_509 : vector<16xi32>
    %select_n3A = arith.select %eq3A_510, %add3A_504, %get3A_508 : vector<16xi1>, vector<16xi32>
    %swap3A = arith.constant 0 : i32
    %swap3A_511 = arith.index_cast %swap3A : i32 to index
    %swap3A_512 = arith.constant 0 : index
    %swap3A_513 = tpu.vector_load %arg9[%swap3A_511, %swap3A_512] {strides = array<i32>} : memref<20x128xi32, #tpu.memory_space<vmem>>, vector<1x16xi32>,
    %swap3A_514 = vector.shape_cast %swap3A_513 : vector<1x16xi32> to vector<16xi32>
    %swap3A_515 = vector.shape_cast %select_n3A : vector<16xi32> to vector<1x16xi32>
    tpu.vector_store %arg9[%swap3A_511, %swap3A_512], %swap3A_515 {strides = array<i32>} : memref<20x128xi32, #tpu.memory_space<vmem>>, vector<1x16xi32>,
    %get3A_516 = arith.constant 0 : i32
    %get3A_517 = arith.index_cast %get3A_516 : i32 to index
    %get3A_518 = arith.constant 16 : index
    %get3A_519 = tpu.vector_load %arg8[%get3A_517, %get3A_518] {strides = array<i32>} : memref<20x128xi32, #tpu.memory_space<vmem>>, vector<1x16xi32>,
    %get3A_520 = vector.shape_cast %get3A_519 : vector<1x16xi32> to vector<16xi32>
    %eq3A_521 = arith.constant 0 : i32
    %eq3A_522 = vector.broadcast %eq3A_521 : i32 to vector<16xi32>
    %eq3A_523 = arith.cmpi eq, %get3A_520, %eq3A_522 : vector<16xi32>
    %select_n3A_524 = arith.select %eq3A_523, %add3A_504, %get3A_520 : vector<16xi1>, vector<16xi32>
    %swap3A_525 = arith.constant 0 : i32
    %swap3A_526 = arith.index_cast %swap3A_525 : i32 to index
    %swap3A_527 = arith.constant 16 : index
    %swap3A_528 = tpu.vector_load %arg9[%swap3A_526, %swap3A_527] {strides = array<i32>} : memref<20x128xi32, #tpu.memory_space<vmem>>, vector<1x16xi32>,
    %swap3A_529 = vector.shape_cast %swap3A_528 : vector<1x16xi32> to vector<16xi32>
    %swap3A_530 = vector.shape_cast %select_n3A_524 : vector<16xi32> to vector<1x16xi32>
    tpu.vector_store %arg9[%swap3A_526, %swap3A_527], %swap3A_530 {strides = array<i32>} : memref<20x128xi32, #tpu.memory_space<vmem>>, vector<1x16xi32>,
    %get3A_531 = arith.constant 0 : i32
    %get3A_532 = arith.index_cast %get3A_531 : i32 to index
    %get3A_533 = arith.constant 32 : index
    %get3A_534 = tpu.vector_load %arg8[%get3A_532, %get3A_533] {strides = array<i32>} : memref<20x128xi32, #tpu.memory_space<vmem>>, vector<1x16xi32>,
    %get3A_535 = vector.shape_cast %get3A_534 : vector<1x16xi32> to vector<16xi32>
    %eq3A_536 = arith.constant 0 : i32
    %eq3A_537 = vector.broadcast %eq3A_536 : i32 to vector<16xi32>
    %eq3A_538 = arith.cmpi eq, %get3A_535, %eq3A_537 : vector<16xi32>
    %select_n3A_539 = arith.select %eq3A_538, %add3A_504, %get3A_535 : vector<16xi1>, vector<16xi32>
    %swap3A_540 = arith.constant 0 : i32
    %swap3A_541 = arith.index_cast %swap3A_540 : i32 to index
    %swap3A_542 = arith.constant 32 : index
    %swap3A_543 = tpu.vector_load %arg9[%swap3A_541, %swap3A_542] {strides = array<i32>} : memref<20x128xi32, #tpu.memory_space<vmem>>, vector<1x16xi32>,
    %swap3A_544 = vector.shape_cast %swap3A_543 : vector<1x16xi32> to vector<16xi32>
    %swap3A_545 = vector.shape_cast %select_n3A_539 : vector<16xi32> to vector<1x16xi32>
    tpu.vector_store %arg9[%swap3A_541, %swap3A_542], %swap3A_545 {strides = array<i32>} : memref<20x128xi32, #tpu.memory_space<vmem>>, vector<1x16xi32>,
    %get3A_546 = arith.constant 0 : i32
    %get3A_547 = arith.index_cast %get3A_546 : i32 to index
    %get3A_548 = arith.constant 48 : index
    %get3A_549 = tpu.vector_load %arg8[%get3A_547, %get3A_548] {strides = array<i32>} : memref<20x128xi32, #tpu.memory_space<vmem>>, vector<1x16xi32>,
    %get3A_550 = vector.shape_cast %get3A_549 : vector<1x16xi32> to vector<16xi32>
    %eq3A_551 = arith.constant 0 : i32
    %eq3A_552 = vector.broadcast %eq3A_551 : i32 to vector<16xi32>
    %eq3A_553 = arith.cmpi eq, %get3A_550, %eq3A_552 : vector<16xi32>
    %select_n3A_554 = arith.select %eq3A_553, %add3A_504, %get3A_550 : vector<16xi1>, vector<16xi32>
    %swap3A_555 = arith.constant 0 : i32
    %swap3A_556 = arith.index_cast %swap3A_555 : i32 to index
    %swap3A_557 = arith.constant 48 : index
    %swap3A_558 = tpu.vector_load %arg9[%swap3A_556, %swap3A_557] {strides = array<i32>} : memref<20x128xi32, #tpu.memory_space<vmem>>, vector<1x16xi32>,
    %swap3A_559 = vector.shape_cast %swap3A_558 : vector<1x16xi32> to vector<16xi32>
    %swap3A_560 = vector.shape_cast %select_n3A_554 : vector<16xi32> to vector<1x16xi32>
    tpu.vector_store %arg9[%swap3A_556, %swap3A_557], %swap3A_560 {strides = array<i32>} : memref<20x128xi32, #tpu.memory_space<vmem>>, vector<1x16xi32>,
    %get3A_561 = arith.constant 0 : i32
    %get3A_562 = arith.index_cast %get3A_561 : i32 to index
    %get3A_563 = arith.constant 64 : index
    %get3A_564 = tpu.vector_load %arg8[%get3A_562, %get3A_563] {strides = array<i32>} : memref<20x128xi32, #tpu.memory_space<vmem>>, vector<1x16xi32>,
    %get3A_565 = vector.shape_cast %get3A_564 : vector<1x16xi32> to vector<16xi32>
    %eq3A_566 = arith.constant 0 : i32
    %eq3A_567 = vector.broadcast %eq3A_566 : i32 to vector<16xi32>
    %eq3A_568 = arith.cmpi eq, %get3A_565, %eq3A_567 : vector<16xi32>
    %select_n3A_569 = arith.select %eq3A_568, %add3A_504, %get3A_565 : vector<16xi1>, vector<16xi32>
    %swap3A_570 = arith.constant 0 : i32
    %swap3A_571 = arith.index_cast %swap3A_570 : i32 to index
    %swap3A_572 = arith.constant 64 : index
    %swap3A_573 = tpu.vector_load %arg9[%swap3A_571, %swap3A_572] {strides = array<i32>} : memref<20x128xi32, #tpu.memory_space<vmem>>, vector<1x16xi32>,
    %swap3A_574 = vector.shape_cast %swap3A_573 : vector<1x16xi32> to vector<16xi32>
    %swap3A_575 = vector.shape_cast %select_n3A_569 : vector<16xi32> to vector<1x16xi32>
    tpu.vector_store %arg9[%swap3A_571, %swap3A_572], %swap3A_575 {strides = array<i32>} : memref<20x128xi32, #tpu.memory_space<vmem>>, vector<1x16xi32>,
    %get3A_576 = arith.constant 0 : i32
    %get3A_577 = arith.index_cast %get3A_576 : i32 to index
    %get3A_578 = arith.constant 80 : index
    %get3A_579 = tpu.vector_load %arg8[%get3A_577, %get3A_578] {strides = array<i32>} : memref<20x128xi32, #tpu.memory_space<vmem>>, vector<1x16xi32>,
    %get3A_580 = vector.shape_cast %get3A_579 : vector<1x16xi32> to vector<16xi32>
    %eq3A_581 = arith.constant 0 : i32
    %eq3A_582 = vector.broadcast %eq3A_581 : i32 to vector<16xi32>
    %eq3A_583 = arith.cmpi eq, %get3A_580, %eq3A_582 : vector<16xi32>
    %select_n3A_584 = arith.select %eq3A_583, %add3A_504, %get3A_580 : vector<16xi1>, vector<16xi32>
    %swap3A_585 = arith.constant 0 : i32
    %swap3A_586 = arith.index_cast %swap3A_585 : i32 to index
    %swap3A_587 = arith.constant 80 : index
    %swap3A_588 = tpu.vector_load %arg9[%swap3A_586, %swap3A_587] {strides = array<i32>} : memref<20x128xi32, #tpu.memory_space<vmem>>, vector<1x16xi32>,
    %swap3A_589 = vector.shape_cast %swap3A_588 : vector<1x16xi32> to vector<16xi32>
    %swap3A_590 = vector.shape_cast %select_n3A_584 : vector<16xi32> to vector<1x16xi32>
    tpu.vector_store %arg9[%swap3A_586, %swap3A_587], %swap3A_590 {strides = array<i32>} : memref<20x128xi32, #tpu.memory_space<vmem>>, vector<1x16xi32>,
    %get3A_591 = arith.constant 0 : i32
    %get3A_592 = arith.index_cast %get3A_591 : i32 to index
    %get3A_593 = arith.constant 96 : index
    %get3A_594 = tpu.vector_load %arg8[%get3A_592, %get3A_593] {strides = array<i32>} : memref<20x128xi32, #tpu.memory_space<vmem>>, vector<1x16xi32>,
    %get3A_595 = vector.shape_cast %get3A_594 : vector<1x16xi32> to vector<16xi32>
    %eq3A_596 = arith.constant 0 : i32
    %eq3A_597 = vector.broadcast %eq3A_596 : i32 to vector<16xi32>
    %eq3A_598 = arith.cmpi eq, %get3A_595, %eq3A_597 : vector<16xi32>
    %select_n3A_599 = arith.select %eq3A_598, %add3A_504, %get3A_595 : vector<16xi1>, vector<16xi32>
    %swap3A_600 = arith.constant 0 : i32
    %swap3A_601 = arith.index_cast %swap3A_600 : i32 to index
    %swap3A_602 = arith.constant 96 : index
    %swap3A_603 = tpu.vector_load %arg9[%swap3A_601, %swap3A_602] {strides = array<i32>} : memref<20x128xi32, #tpu.memory_space<vmem>>, vector<1x16xi32>,
    %swap3A_604 = vector.shape_cast %swap3A_603 : vector<1x16xi32> to vector<16xi32>
    %swap3A_605 = vector.shape_cast %select_n3A_599 : vector<16xi32> to vector<1x16xi32>
    tpu.vector_store %arg9[%swap3A_601, %swap3A_602], %swap3A_605 {strides = array<i32>} : memref<20x128xi32, #tpu.memory_space<vmem>>, vector<1x16xi32>,
    %get3A_606 = arith.constant 0 : i32
    %get3A_607 = arith.index_cast %get3A_606 : i32 to index
    %get3A_608 = arith.constant 112 : index
    %get3A_609 = tpu.vector_load %arg8[%get3A_607, %get3A_608] {strides = array<i32>} : memref<20x128xi32, #tpu.memory_space<vmem>>, vector<1x16xi32>,
    %get3A_610 = vector.shape_cast %get3A_609 : vector<1x16xi32> to vector<16xi32>
    %eq3A_611 = arith.constant 0 : i32
    %eq3A_612 = vector.broadcast %eq3A_611 : i32 to vector<16xi32>
    %eq3A_613 = arith.cmpi eq, %get3A_610, %eq3A_612 : vector<16xi32>
    %select_n3A_614 = arith.select %eq3A_613, %add3A_504, %get3A_610 : vector<16xi1>, vector<16xi32>
    %swap3A_615 = arith.constant 0 : i32
    %swap3A_616 = arith.index_cast %swap3A_615 : i32 to index
    %swap3A_617 = arith.constant 112 : index
    %swap3A_618 = tpu.vector_load %arg9[%swap3A_616, %swap3A_617] {strides = array<i32>} : memref<20x128xi32, #tpu.memory_space<vmem>>, vector<1x16xi32>,
    %swap3A_619 = vector.shape_cast %swap3A_618 : vector<1x16xi32> to vector<16xi32>
    %swap3A_620 = vector.shape_cast %select_n3A_614 : vector<16xi32> to vector<1x16xi32>
    tpu.vector_store %arg9[%swap3A_616, %swap3A_617], %swap3A_620 {strides = array<i32>} : memref<20x128xi32, #tpu.memory_space<vmem>>, vector<1x16xi32>,
    %get3A_621 = arith.constant 1 : i32
    %get3A_622 = arith.index_cast %get3A_621 : i32 to index
    %get3A_623 = arith.constant 0 : index
    %get3A_624 = tpu.vector_load %arg8[%get3A_622, %get3A_623] {strides = array<i32>} : memref<20x128xi32, #tpu.memory_space<vmem>>, vector<1x16xi32>,
    %get3A_625 = vector.shape_cast %get3A_624 : vector<1x16xi32> to vector<16xi32>
    %eq3A_626 = arith.constant 0 : i32
    %eq3A_627 = vector.broadcast %eq3A_626 : i32 to vector<16xi32>
    %eq3A_628 = arith.cmpi eq, %get3A_625, %eq3A_627 : vector<16xi32>
    %select_n3A_629 = arith.select %eq3A_628, %add3A_504, %get3A_625 : vector<16xi1>, vector<16xi32>
    %swap3A_630 = arith.constant 1 : i32
    %swap3A_631 = arith.index_cast %swap3A_630 : i32 to index
    %swap3A_632 = arith.constant 0 : index
    %swap3A_633 = tpu.vector_load %arg9[%swap3A_631, %swap3A_632] {strides = array<i32>} : memref<20x128xi32, #tpu.memory_space<vmem>>, vector<1x16xi32>,
    %swap3A_634 = vector.shape_cast %swap3A_633 : vector<1x16xi32> to vector<16xi32>
    %swap3A_635 = vector.shape_cast %select_n3A_629 : vector<16xi32> to vector<1x16xi32>
    tpu.vector_store %arg9[%swap3A_631, %swap3A_632], %swap3A_635 {strides = array<i32>} : memref<20x128xi32, #tpu.memory_space<vmem>>, vector<1x16xi32>,
    %get3A_636 = arith.constant 1 : i32
    %get3A_637 = arith.index_cast %get3A_636 : i32 to index
    %get3A_638 = arith.constant 16 : index
    %get3A_639 = tpu.vector_load %arg8[%get3A_637, %get3A_638] {strides = array<i32>} : memref<20x128xi32, #tpu.memory_space<vmem>>, vector<1x16xi32>,
    %get3A_640 = vector.shape_cast %get3A_639 : vector<1x16xi32> to vector<16xi32>
    %eq3A_641 = arith.constant 0 : i32
    %eq3A_642 = vector.broadcast %eq3A_641 : i32 to vector<16xi32>
    %eq3A_643 = arith.cmpi eq, %get3A_640, %eq3A_642 : vector<16xi32>
    %select_n3A_644 = arith.select %eq3A_643, %add3A_504, %get3A_640 : vector<16xi1>, vector<16xi32>
    %swap3A_645 = arith.constant 1 : i32
    %swap3A_646 = arith.index_cast %swap3A_645 : i32 to index
    %swap3A_647 = arith.constant 16 : index
    %swap3A_648 = tpu.vector_load %arg9[%swap3A_646, %swap3A_647] {strides = array<i32>} : memref<20x128xi32, #tpu.memory_space<vmem>>, vector<1x16xi32>,
    %swap3A_649 = vector.shape_cast %swap3A_648 : vector<1x16xi32> to vector<16xi32>
    %swap3A_650 = vector.shape_cast %select_n3A_644 : vector<16xi32> to vector<1x16xi32>
    tpu.vector_store %arg9[%swap3A_646, %swap3A_647], %swap3A_650 {strides = array<i32>} : memref<20x128xi32, #tpu.memory_space<vmem>>, vector<1x16xi32>,
    %get3A_651 = arith.constant 1 : i32
    %get3A_652 = arith.index_cast %get3A_651 : i32 to index
    %get3A_653 = arith.constant 32 : index
    %get3A_654 = tpu.vector_load %arg8[%get3A_652, %get3A_653] {strides = array<i32>} : memref<20x128xi32, #tpu.memory_space<vmem>>, vector<1x16xi32>,
    %get3A_655 = vector.shape_cast %get3A_654 : vector<1x16xi32> to vector<16xi32>
    %eq3A_656 = arith.constant 0 : i32
    %eq3A_657 = vector.broadcast %eq3A_656 : i32 to vector<16xi32>
    %eq3A_658 = arith.cmpi eq, %get3A_655, %eq3A_657 : vector<16xi32>
    %select_n3A_659 = arith.select %eq3A_658, %add3A_504, %get3A_655 : vector<16xi1>, vector<16xi32>
    %swap3A_660 = arith.constant 1 : i32
    %swap3A_661 = arith.index_cast %swap3A_660 : i32 to index
    %swap3A_662 = arith.constant 32 : index
    %swap3A_663 = tpu.vector_load %arg9[%swap3A_661, %swap3A_662] {strides = array<i32>} : memref<20x128xi32, #tpu.memory_space<vmem>>, vector<1x16xi32>,
    %swap3A_664 = vector.shape_cast %swap3A_663 : vector<1x16xi32> to vector<16xi32>
    %swap3A_665 = vector.shape_cast %select_n3A_659 : vector<16xi32> to vector<1x16xi32>
    tpu.vector_store %arg9[%swap3A_661, %swap3A_662], %swap3A_665 {strides = array<i32>} : memref<20x128xi32, #tpu.memory_space<vmem>>, vector<1x16xi32>,
    %get3A_666 = arith.constant 1 : i32
    %get3A_667 = arith.index_cast %get3A_666 : i32 to index
    %get3A_668 = arith.constant 48 : index
    %get3A_669 = tpu.vector_load %arg8[%get3A_667, %get3A_668] {strides = array<i32>} : memref<20x128xi32, #tpu.memory_space<vmem>>, vector<1x16xi32>,
    %get3A_670 = vector.shape_cast %get3A_669 : vector<1x16xi32> to vector<16xi32>
    %eq3A_671 = arith.constant 0 : i32
    %eq3A_672 = vector.broadcast %eq3A_671 : i32 to vector<16xi32>
    %eq3A_673 = arith.cmpi eq, %get3A_670, %eq3A_672 : vector<16xi32>
    %select_n3A_674 = arith.select %eq3A_673, %add3A_504, %get3A_670 : vector<16xi1>, vector<16xi32>
    %swap3A_675 = arith.constant 1 : i32
    %swap3A_676 = arith.index_cast %swap3A_675 : i32 to index
    %swap3A_677 = arith.constant 48 : index
    %swap3A_678 = tpu.vector_load %arg9[%swap3A_676, %swap3A_677] {strides = array<i32>} : memref<20x128xi32, #tpu.memory_space<vmem>>, vector<1x16xi32>,
    %swap3A_679 = vector.shape_cast %swap3A_678 : vector<1x16xi32> to vector<16xi32>
    %swap3A_680 = vector.shape_cast %select_n3A_674 : vector<16xi32> to vector<1x16xi32>
    tpu.vector_store %arg9[%swap3A_676, %swap3A_677], %swap3A_680 {strides = array<i32>} : memref<20x128xi32, #tpu.memory_space<vmem>>, vector<1x16xi32>,
    %get3A_681 = arith.constant 1 : i32
    %get3A_682 = arith.index_cast %get3A_681 : i32 to index
    %get3A_683 = arith.constant 64 : index
    %get3A_684 = tpu.vector_load %arg8[%get3A_682, %get3A_683] {strides = array<i32>} : memref<20x128xi32, #tpu.memory_space<vmem>>, vector<1x16xi32>,
    %get3A_685 = vector.shape_cast %get3A_684 : vector<1x16xi32> to vector<16xi32>
    %eq3A_686 = arith.constant 0 : i32
    %eq3A_687 = vector.broadcast %eq3A_686 : i32 to vector<16xi32>
    %eq3A_688 = arith.cmpi eq, %get3A_685, %eq3A_687 : vector<16xi32>
    %select_n3A_689 = arith.select %eq3A_688, %add3A_504, %get3A_685 : vector<16xi1>, vector<16xi32>
    %swap3A_690 = arith.constant 1 : i32
    %swap3A_691 = arith.index_cast %swap3A_690 : i32 to index
    %swap3A_692 = arith.constant 64 : index
    %swap3A_693 = tpu.vector_load %arg9[%swap3A_691, %swap3A_692] {strides = array<i32>} : memref<20x128xi32, #tpu.memory_space<vmem>>, vector<1x16xi32>,
    %swap3A_694 = vector.shape_cast %swap3A_693 : vector<1x16xi32> to vector<16xi32>
    %swap3A_695 = vector.shape_cast %select_n3A_689 : vector<16xi32> to vector<1x16xi32>
    tpu.vector_store %arg9[%swap3A_691, %swap3A_692], %swap3A_695 {strides = array<i32>} : memref<20x128xi32, #tpu.memory_space<vmem>>, vector<1x16xi32>,
    %get3A_696 = arith.constant 1 : i32
    %get3A_697 = arith.index_cast %get3A_696 : i32 to index
    %get3A_698 = arith.constant 80 : index
    %get3A_699 = tpu.vector_load %arg8[%get3A_697, %get3A_698] {strides = array<i32>} : memref<20x128xi32, #tpu.memory_space<vmem>>, vector<1x16xi32>,
    %get3A_700 = vector.shape_cast %get3A_699 : vector<1x16xi32> to vector<16xi32>
    %eq3A_701 = arith.constant 0 : i32
    %eq3A_702 = vector.broadcast %eq3A_701 : i32 to vector<16xi32>
    %eq3A_703 = arith.cmpi eq, %get3A_700, %eq3A_702 : vector<16xi32>
    %select_n3A_704 = arith.select %eq3A_703, %add3A_504, %get3A_700 : vector<16xi1>, vector<16xi32>
    %swap3A_705 = arith.constant 1 : i32
    %swap3A_706 = arith.index_cast %swap3A_705 : i32 to index
    %swap3A_707 = arith.constant 80 : index
    %swap3A_708 = tpu.vector_load %arg9[%swap3A_706, %swap3A_707] {strides = array<i32>} : memref<20x128xi32, #tpu.memory_space<vmem>>, vector<1x16xi32>,
    %swap3A_709 = vector.shape_cast %swap3A_708 : vector<1x16xi32> to vector<16xi32>
    %swap3A_710 = vector.shape_cast %select_n3A_704 : vector<16xi32> to vector<1x16xi32>
    tpu.vector_store %arg9[%swap3A_706, %swap3A_707], %swap3A_710 {strides = array<i32>} : memref<20x128xi32, #tpu.memory_space<vmem>>, vector<1x16xi32>,
    %get3A_711 = arith.constant 1 : i32
    %get3A_712 = arith.index_cast %get3A_711 : i32 to index
    %get3A_713 = arith.constant 96 : index
    %get3A_714 = tpu.vector_load %arg8[%get3A_712, %get3A_713] {strides = array<i32>} : memref<20x128xi32, #tpu.memory_space<vmem>>, vector<1x16xi32>,
    %get3A_715 = vector.shape_cast %get3A_714 : vector<1x16xi32> to vector<16xi32>
    %eq3A_716 = arith.constant 0 : i32
    %eq3A_717 = vector.broadcast %eq3A_716 : i32 to vector<16xi32>
    %eq3A_718 = arith.cmpi eq, %get3A_715, %eq3A_717 : vector<16xi32>
    %select_n3A_719 = arith.select %eq3A_718, %add3A_504, %get3A_715 : vector<16xi1>, vector<16xi32>
    %swap3A_720 = arith.constant 1 : i32
    %swap3A_721 = arith.index_cast %swap3A_720 : i32 to index
    %swap3A_722 = arith.constant 96 : index
    %swap3A_723 = tpu.vector_load %arg9[%swap3A_721, %swap3A_722] {strides = array<i32>} : memref<20x128xi32, #tpu.memory_space<vmem>>, vector<1x16xi32>,
    %swap3A_724 = vector.shape_cast %swap3A_723 : vector<1x16xi32> to vector<16xi32>
    %swap3A_725 = vector.shape_cast %select_n3A_719 : vector<16xi32> to vector<1x16xi32>
    tpu.vector_store %arg9[%swap3A_721, %swap3A_722], %swap3A_725 {strides = array<i32>} : memref<20x128xi32, #tpu.memory_space<vmem>>, vector<1x16xi32>,
    %get3A_726 = arith.constant 1 : i32
    %get3A_727 = arith.index_cast %get3A_726 : i32 to index
    %get3A_728 = arith.constant 112 : index
    %get3A_729 = tpu.vector_load %arg8[%get3A_727, %get3A_728] {strides = array<i32>} : memref<20x128xi32, #tpu.memory_space<vmem>>, vector<1x16xi32>,
    %get3A_730 = vector.shape_cast %get3A_729 : vector<1x16xi32> to vector<16xi32>
    %eq3A_731 = arith.constant 0 : i32
    %eq3A_732 = vector.broadcast %eq3A_731 : i32 to vector<16xi32>
    %eq3A_733 = arith.cmpi eq, %get3A_730, %eq3A_732 : vector<16xi32>
    %select_n3A_734 = arith.select %eq3A_733, %add3A_504, %get3A_730 : vector<16xi1>, vector<16xi32>
    %swap3A_735 = arith.constant 1 : i32
    %swap3A_736 = arith.index_cast %swap3A_735 : i32 to index
    %swap3A_737 = arith.constant 112 : index
    %swap3A_738 = tpu.vector_load %arg9[%swap3A_736, %swap3A_737] {strides = array<i32>} : memref<20x128xi32, #tpu.memory_space<vmem>>, vector<1x16xi32>,
    %swap3A_739 = vector.shape_cast %swap3A_738 : vector<1x16xi32> to vector<16xi32>
    %swap3A_740 = vector.shape_cast %select_n3A_734 : vector<16xi32> to vector<1x16xi32>
    tpu.vector_store %arg9[%swap3A_736, %swap3A_737], %swap3A_740 {strides = array<i32>} : memref<20x128xi32, #tpu.memory_space<vmem>>, vector<1x16xi32>,
    %get3A_741 = arith.constant 2 : i32
    %get3A_742 = arith.index_cast %get3A_741 : i32 to index
    %get3A_743 = arith.constant 0 : index
    %get3A_744 = tpu.vector_load %arg8[%get3A_742, %get3A_743] {strides = array<i32>} : memref<20x128xi32, #tpu.memory_space<vmem>>, vector<1x16xi32>,
    %get3A_745 = vector.shape_cast %get3A_744 : vector<1x16xi32> to vector<16xi32>
    %eq3A_746 = arith.constant 0 : i32
    %eq3A_747 = vector.broadcast %eq3A_746 : i32 to vector<16xi32>
    %eq3A_748 = arith.cmpi eq, %get3A_745, %eq3A_747 : vector<16xi32>
    %select_n3A_749 = arith.select %eq3A_748, %add3A_504, %get3A_745 : vector<16xi1>, vector<16xi32>
    %swap3A_750 = arith.constant 2 : i32
    %swap3A_751 = arith.index_cast %swap3A_750 : i32 to index
    %swap3A_752 = arith.constant 0 : index
    %swap3A_753 = tpu.vector_load %arg9[%swap3A_751, %swap3A_752] {strides = array<i32>} : memref<20x128xi32, #tpu.memory_space<vmem>>, vector<1x16xi32>,
    %swap3A_754 = vector.shape_cast %swap3A_753 : vector<1x16xi32> to vector<16xi32>
    %swap3A_755 = vector.shape_cast %select_n3A_749 : vector<16xi32> to vector<1x16xi32>
    tpu.vector_store %arg9[%swap3A_751, %swap3A_752], %swap3A_755 {strides = array<i32>} : memref<20x128xi32, #tpu.memory_space<vmem>>, vector<1x16xi32>,
    %get3A_756 = arith.constant 2 : i32
    %get3A_757 = arith.index_cast %get3A_756 : i32 to index
    %get3A_758 = arith.constant 16 : index
    %get3A_759 = tpu.vector_load %arg8[%get3A_757, %get3A_758] {strides = array<i32>} : memref<20x128xi32, #tpu.memory_space<vmem>>, vector<1x16xi32>,
    %get3A_760 = vector.shape_cast %get3A_759 : vector<1x16xi32> to vector<16xi32>
    %eq3A_761 = arith.constant 0 : i32
    %eq3A_762 = vector.broadcast %eq3A_761 : i32 to vector<16xi32>
    %eq3A_763 = arith.cmpi eq, %get3A_760, %eq3A_762 : vector<16xi32>
    %select_n3A_764 = arith.select %eq3A_763, %add3A_504, %get3A_760 : vector<16xi1>, vector<16xi32>
    %swap3A_765 = arith.constant 2 : i32
    %swap3A_766 = arith.index_cast %swap3A_765 : i32 to index
    %swap3A_767 = arith.constant 16 : index
    %swap3A_768 = tpu.vector_load %arg9[%swap3A_766, %swap3A_767] {strides = array<i32>} : memref<20x128xi32, #tpu.memory_space<vmem>>, vector<1x16xi32>,
    %swap3A_769 = vector.shape_cast %swap3A_768 : vector<1x16xi32> to vector<16xi32>
    %swap3A_770 = vector.shape_cast %select_n3A_764 : vector<16xi32> to vector<1x16xi32>
    tpu.vector_store %arg9[%swap3A_766, %swap3A_767], %swap3A_770 {strides = array<i32>} : memref<20x128xi32, #tpu.memory_space<vmem>>, vector<1x16xi32>,
    %get3A_771 = arith.constant 2 : i32
    %get3A_772 = arith.index_cast %get3A_771 : i32 to index
    %get3A_773 = arith.constant 32 : index
    %get3A_774 = tpu.vector_load %arg8[%get3A_772, %get3A_773] {strides = array<i32>} : memref<20x128xi32, #tpu.memory_space<vmem>>, vector<1x16xi32>,
    %get3A_775 = vector.shape_cast %get3A_774 : vector<1x16xi32> to vector<16xi32>
    %eq3A_776 = arith.constant 0 : i32
    %eq3A_777 = vector.broadcast %eq3A_776 : i32 to vector<16xi32>
    %eq3A_778 = arith.cmpi eq, %get3A_775, %eq3A_777 : vector<16xi32>
    %select_n3A_779 = arith.select %eq3A_778, %add3A_504, %get3A_775 : vector<16xi1>, vector<16xi32>
    %swap3A_780 = arith.constant 2 : i32
    %swap3A_781 = arith.index_cast %swap3A_780 : i32 to index
    %swap3A_782 = arith.constant 32 : index
    %swap3A_783 = tpu.vector_load %arg9[%swap3A_781, %swap3A_782] {strides = array<i32>} : memref<20x128xi32, #tpu.memory_space<vmem>>, vector<1x16xi32>,
    %swap3A_784 = vector.shape_cast %swap3A_783 : vector<1x16xi32> to vector<16xi32>
    %swap3A_785 = vector.shape_cast %select_n3A_779 : vector<16xi32> to vector<1x16xi32>
    tpu.vector_store %arg9[%swap3A_781, %swap3A_782], %swap3A_785 {strides = array<i32>} : memref<20x128xi32, #tpu.memory_space<vmem>>, vector<1x16xi32>,
    %get3A_786 = arith.constant 2 : i32
    %get3A_787 = arith.index_cast %get3A_786 : i32 to index
    %get3A_788 = arith.constant 48 : index
    %get3A_789 = tpu.vector_load %arg8[%get3A_787, %get3A_788] {strides = array<i32>} : memref<20x128xi32, #tpu.memory_space<vmem>>, vector<1x16xi32>,
    %get3A_790 = vector.shape_cast %get3A_789 : vector<1x16xi32> to vector<16xi32>
    %eq3A_791 = arith.constant 0 : i32
    %eq3A_792 = vector.broadcast %eq3A_791 : i32 to vector<16xi32>
    %eq3A_793 = arith.cmpi eq, %get3A_790, %eq3A_792 : vector<16xi32>
    %select_n3A_794 = arith.select %eq3A_793, %add3A_504, %get3A_790 : vector<16xi1>, vector<16xi32>
    %swap3A_795 = arith.constant 2 : i32
    %swap3A_796 = arith.index_cast %swap3A_795 : i32 to index
    %swap3A_797 = arith.constant 48 : index
    %swap3A_798 = tpu.vector_load %arg9[%swap3A_796, %swap3A_797] {strides = array<i32>} : memref<20x128xi32, #tpu.memory_space<vmem>>, vector<1x16xi32>,
    %swap3A_799 = vector.shape_cast %swap3A_798 : vector<1x16xi32> to vector<16xi32>
    %swap3A_800 = vector.shape_cast %select_n3A_794 : vector<16xi32> to vector<1x16xi32>
    tpu.vector_store %arg9[%swap3A_796, %swap3A_797], %swap3A_800 {strides = array<i32>} : memref<20x128xi32, #tpu.memory_space<vmem>>, vector<1x16xi32>,
    %get3A_801 = arith.constant 2 : i32
    %get3A_802 = arith.index_cast %get3A_801 : i32 to index
    %get3A_803 = arith.constant 64 : index
    %get3A_804 = tpu.vector_load %arg8[%get3A_802, %get3A_803] {strides = array<i32>} : memref<20x128xi32, #tpu.memory_space<vmem>>, vector<1x16xi32>,
    %get3A_805 = vector.shape_cast %get3A_804 : vector<1x16xi32> to vector<16xi32>
    %eq3A_806 = arith.constant 0 : i32
    %eq3A_807 = vector.broadcast %eq3A_806 : i32 to vector<16xi32>
    %eq3A_808 = arith.cmpi eq, %get3A_805, %eq3A_807 : vector<16xi32>
    %select_n3A_809 = arith.select %eq3A_808, %add3A_504, %get3A_805 : vector<16xi1>, vector<16xi32>
    %swap3A_810 = arith.constant 2 : i32
    %swap3A_811 = arith.index_cast %swap3A_810 : i32 to index
    %swap3A_812 = arith.constant 64 : index
    %swap3A_813 = tpu.vector_load %arg9[%swap3A_811, %swap3A_812] {strides = array<i32>} : memref<20x128xi32, #tpu.memory_space<vmem>>, vector<1x16xi32>,
    %swap3A_814 = vector.shape_cast %swap3A_813 : vector<1x16xi32> to vector<16xi32>
    %swap3A_815 = vector.shape_cast %select_n3A_809 : vector<16xi32> to vector<1x16xi32>
    tpu.vector_store %arg9[%swap3A_811, %swap3A_812], %swap3A_815 {strides = array<i32>} : memref<20x128xi32, #tpu.memory_space<vmem>>, vector<1x16xi32>,
    %get3A_816 = arith.constant 2 : i32
    %get3A_817 = arith.index_cast %get3A_816 : i32 to index
    %get3A_818 = arith.constant 80 : index
    %get3A_819 = tpu.vector_load %arg8[%get3A_817, %get3A_818] {strides = array<i32>} : memref<20x128xi32, #tpu.memory_space<vmem>>, vector<1x16xi32>,
    %get3A_820 = vector.shape_cast %get3A_819 : vector<1x16xi32> to vector<16xi32>
    %eq3A_821 = arith.constant 0 : i32
    %eq3A_822 = vector.broadcast %eq3A_821 : i32 to vector<16xi32>
    %eq3A_823 = arith.cmpi eq, %get3A_820, %eq3A_822 : vector<16xi32>
    %select_n3A_824 = arith.select %eq3A_823, %add3A_504, %get3A_820 : vector<16xi1>, vector<16xi32>
    %swap3A_825 = arith.constant 2 : i32
    %swap3A_826 = arith.index_cast %swap3A_825 : i32 to index
    %swap3A_827 = arith.constant 80 : index
    %swap3A_828 = tpu.vector_load %arg9[%swap3A_826, %swap3A_827] {strides = array<i32>} : memref<20x128xi32, #tpu.memory_space<vmem>>, vector<1x16xi32>,
    %swap3A_829 = vector.shape_cast %swap3A_828 : vector<1x16xi32> to vector<16xi32>
    %swap3A_830 = vector.shape_cast %select_n3A_824 : vector<16xi32> to vector<1x16xi32>
    tpu.vector_store %arg9[%swap3A_826, %swap3A_827], %swap3A_830 {strides = array<i32>} : memref<20x128xi32, #tpu.memory_space<vmem>>, vector<1x16xi32>,
    %get3A_831 = arith.constant 2 : i32
    %get3A_832 = arith.index_cast %get3A_831 : i32 to index
    %get3A_833 = arith.constant 96 : index
    %get3A_834 = tpu.vector_load %arg8[%get3A_832, %get3A_833] {strides = array<i32>} : memref<20x128xi32, #tpu.memory_space<vmem>>, vector<1x16xi32>,
    %get3A_835 = vector.shape_cast %get3A_834 : vector<1x16xi32> to vector<16xi32>
    %eq3A_836 = arith.constant 0 : i32
    %eq3A_837 = vector.broadcast %eq3A_836 : i32 to vector<16xi32>
    %eq3A_838 = arith.cmpi eq, %get3A_835, %eq3A_837 : vector<16xi32>
    %select_n3A_839 = arith.select %eq3A_838, %add3A_504, %get3A_835 : vector<16xi1>, vector<16xi32>
    %swap3A_840 = arith.constant 2 : i32
    %swap3A_841 = arith.index_cast %swap3A_840 : i32 to index
    %swap3A_842 = arith.constant 96 : index
    %swap3A_843 = tpu.vector_load %arg9[%swap3A_841, %swap3A_842] {strides = array<i32>} : memref<20x128xi32, #tpu.memory_space<vmem>>, vector<1x16xi32>,
    %swap3A_844 = vector.shape_cast %swap3A_843 : vector<1x16xi32> to vector<16xi32>
    %swap3A_845 = vector.shape_cast %select_n3A_839 : vector<16xi32> to vector<1x16xi32>
    tpu.vector_store %arg9[%swap3A_841, %swap3A_842], %swap3A_845 {strides = array<i32>} : memref<20x128xi32, #tpu.memory_space<vmem>>, vector<1x16xi32>,
    %get3A_846 = arith.constant 2 : i32
    %get3A_847 = arith.index_cast %get3A_846 : i32 to index
    %get3A_848 = arith.constant 112 : index
    %get3A_849 = tpu.vector_load %arg8[%get3A_847, %get3A_848] {strides = array<i32>} : memref<20x128xi32, #tpu.memory_space<vmem>>, vector<1x16xi32>,
    %get3A_850 = vector.shape_cast %get3A_849 : vector<1x16xi32> to vector<16xi32>
    %eq3A_851 = arith.constant 0 : i32
    %eq3A_852 = vector.broadcast %eq3A_851 : i32 to vector<16xi32>
    %eq3A_853 = arith.cmpi eq, %get3A_850, %eq3A_852 : vector<16xi32>
    %select_n3A_854 = arith.select %eq3A_853, %add3A_504, %get3A_850 : vector<16xi1>, vector<16xi32>
    %swap3A_855 = arith.constant 2 : i32
    %swap3A_856 = arith.index_cast %swap3A_855 : i32 to index
    %swap3A_857 = arith.constant 112 : index
    %swap3A_858 = tpu.vector_load %arg9[%swap3A_856, %swap3A_857] {strides = array<i32>} : memref<20x128xi32, #tpu.memory_space<vmem>>, vector<1x16xi32>,
    %swap3A_859 = vector.shape_cast %swap3A_858 : vector<1x16xi32> to vector<16xi32>
    %swap3A_860 = vector.shape_cast %select_n3A_854 : vector<16xi32> to vector<1x16xi32>
    tpu.vector_store %arg9[%swap3A_856, %swap3A_857], %swap3A_860 {strides = array<i32>} : memref<20x128xi32, #tpu.memory_space<vmem>>, vector<1x16xi32>,
    %get3A_861 = arith.constant 3 : i32
    %get3A_862 = arith.index_cast %get3A_861 : i32 to index
    %get3A_863 = arith.constant 0 : index
    %get3A_864 = tpu.vector_load %arg8[%get3A_862, %get3A_863] {strides = array<i32>} : memref<20x128xi32, #tpu.memory_space<vmem>>, vector<1x16xi32>,
    %get3A_865 = vector.shape_cast %get3A_864 : vector<1x16xi32> to vector<16xi32>
    %eq3A_866 = arith.constant 0 : i32
    %eq3A_867 = vector.broadcast %eq3A_866 : i32 to vector<16xi32>
    %eq3A_868 = arith.cmpi eq, %get3A_865, %eq3A_867 : vector<16xi32>
    %select_n3A_869 = arith.select %eq3A_868, %add3A_504, %get3A_865 : vector<16xi1>, vector<16xi32>
    %swap3A_870 = arith.constant 3 : i32
    %swap3A_871 = arith.index_cast %swap3A_870 : i32 to index
    %swap3A_872 = arith.constant 0 : index
    %swap3A_873 = tpu.vector_load %arg9[%swap3A_871, %swap3A_872] {strides = array<i32>} : memref<20x128xi32, #tpu.memory_space<vmem>>, vector<1x16xi32>,
    %swap3A_874 = vector.shape_cast %swap3A_873 : vector<1x16xi32> to vector<16xi32>
    %swap3A_875 = vector.shape_cast %select_n3A_869 : vector<16xi32> to vector<1x16xi32>
    tpu.vector_store %arg9[%swap3A_871, %swap3A_872], %swap3A_875 {strides = array<i32>} : memref<20x128xi32, #tpu.memory_space<vmem>>, vector<1x16xi32>,
    %get3A_876 = arith.constant 3 : i32
    %get3A_877 = arith.index_cast %get3A_876 : i32 to index
    %get3A_878 = arith.constant 16 : index
    %get3A_879 = tpu.vector_load %arg8[%get3A_877, %get3A_878] {strides = array<i32>} : memref<20x128xi32, #tpu.memory_space<vmem>>, vector<1x16xi32>,
    %get3A_880 = vector.shape_cast %get3A_879 : vector<1x16xi32> to vector<16xi32>
    %eq3A_881 = arith.constant 0 : i32
    %eq3A_882 = vector.broadcast %eq3A_881 : i32 to vector<16xi32>
    %eq3A_883 = arith.cmpi eq, %get3A_880, %eq3A_882 : vector<16xi32>
    %select_n3A_884 = arith.select %eq3A_883, %add3A_504, %get3A_880 : vector<16xi1>, vector<16xi32>
    %swap3A_885 = arith.constant 3 : i32
    %swap3A_886 = arith.index_cast %swap3A_885 : i32 to index
    %swap3A_887 = arith.constant 16 : index
    %swap3A_888 = tpu.vector_load %arg9[%swap3A_886, %swap3A_887] {strides = array<i32>} : memref<20x128xi32, #tpu.memory_space<vmem>>, vector<1x16xi32>,
    %swap3A_889 = vector.shape_cast %swap3A_888 : vector<1x16xi32> to vector<16xi32>
    %swap3A_890 = vector.shape_cast %select_n3A_884 : vector<16xi32> to vector<1x16xi32>
    tpu.vector_store %arg9[%swap3A_886, %swap3A_887], %swap3A_890 {strides = array<i32>} : memref<20x128xi32, #tpu.memory_space<vmem>>, vector<1x16xi32>,
    %get3A_891 = arith.constant 3 : i32
    %get3A_892 = arith.index_cast %get3A_891 : i32 to index
    %get3A_893 = arith.constant 32 : index
    %get3A_894 = tpu.vector_load %arg8[%get3A_892, %get3A_893] {strides = array<i32>} : memref<20x128xi32, #tpu.memory_space<vmem>>, vector<1x16xi32>,
    %get3A_895 = vector.shape_cast %get3A_894 : vector<1x16xi32> to vector<16xi32>
    %eq3A_896 = arith.constant 0 : i32
    %eq3A_897 = vector.broadcast %eq3A_896 : i32 to vector<16xi32>
    %eq3A_898 = arith.cmpi eq, %get3A_895, %eq3A_897 : vector<16xi32>
    %select_n3A_899 = arith.select %eq3A_898, %add3A_504, %get3A_895 : vector<16xi1>, vector<16xi32>
    %swap3A_900 = arith.constant 3 : i32
    %swap3A_901 = arith.index_cast %swap3A_900 : i32 to index
    %swap3A_902 = arith.constant 32 : index
    %swap3A_903 = tpu.vector_load %arg9[%swap3A_901, %swap3A_902] {strides = array<i32>} : memref<20x128xi32, #tpu.memory_space<vmem>>, vector<1x16xi32>,
    %swap3A_904 = vector.shape_cast %swap3A_903 : vector<1x16xi32> to vector<16xi32>
    %swap3A_905 = vector.shape_cast %select_n3A_899 : vector<16xi32> to vector<1x16xi32>
    tpu.vector_store %arg9[%swap3A_901, %swap3A_902], %swap3A_905 {strides = array<i32>} : memref<20x128xi32, #tpu.memory_space<vmem>>, vector<1x16xi32>,
    %get3A_906 = arith.constant 3 : i32
    %get3A_907 = arith.index_cast %get3A_906 : i32 to index
    %get3A_908 = arith.constant 48 : index
    %get3A_909 = tpu.vector_load %arg8[%get3A_907, %get3A_908] {strides = array<i32>} : memref<20x128xi32, #tpu.memory_space<vmem>>, vector<1x16xi32>,
    %get3A_910 = vector.shape_cast %get3A_909 : vector<1x16xi32> to vector<16xi32>
    %eq3A_911 = arith.constant 0 : i32
    %eq3A_912 = vector.broadcast %eq3A_911 : i32 to vector<16xi32>
    %eq3A_913 = arith.cmpi eq, %get3A_910, %eq3A_912 : vector<16xi32>
    %select_n3A_914 = arith.select %eq3A_913, %add3A_504, %get3A_910 : vector<16xi1>, vector<16xi32>
    %swap3A_915 = arith.constant 3 : i32
    %swap3A_916 = arith.index_cast %swap3A_915 : i32 to index
    %swap3A_917 = arith.constant 48 : index
    %swap3A_918 = tpu.vector_load %arg9[%swap3A_916, %swap3A_917] {strides = array<i32>} : memref<20x128xi32, #tpu.memory_space<vmem>>, vector<1x16xi32>,
    %swap3A_919 = vector.shape_cast %swap3A_918 : vector<1x16xi32> to vector<16xi32>
    %swap3A_920 = vector.shape_cast %select_n3A_914 : vector<16xi32> to vector<1x16xi32>
    tpu.vector_store %arg9[%swap3A_916, %swap3A_917], %swap3A_920 {strides = array<i32>} : memref<20x128xi32, #tpu.memory_space<vmem>>, vector<1x16xi32>,
    %get3A_921 = arith.constant 3 : i32
    %get3A_922 = arith.index_cast %get3A_921 : i32 to index
    %get3A_923 = arith.constant 64 : index
    %get3A_924 = tpu.vector_load %arg8[%get3A_922, %get3A_923] {strides = array<i32>} : memref<20x128xi32, #tpu.memory_space<vmem>>, vector<1x16xi32>,
    %get3A_925 = vector.shape_cast %get3A_924 : vector<1x16xi32> to vector<16xi32>
    %eq3A_926 = arith.constant 0 : i32
    %eq3A_927 = vector.broadcast %eq3A_926 : i32 to vector<16xi32>
    %eq3A_928 = arith.cmpi eq, %get3A_925, %eq3A_927 : vector<16xi32>
    %select_n3A_929 = arith.select %eq3A_928, %add3A_504, %get3A_925 : vector<16xi1>, vector<16xi32>
    %swap3A_930 = arith.constant 3 : i32
    %swap3A_931 = arith.index_cast %swap3A_930 : i32 to index
    %swap3A_932 = arith.constant 64 : index
    %swap3A_933 = tpu.vector_load %arg9[%swap3A_931, %swap3A_932] {strides = array<i32>} : memref<20x128xi32, #tpu.memory_space<vmem>>, vector<1x16xi32>,
    %swap3A_934 = vector.shape_cast %swap3A_933 : vector<1x16xi32> to vector<16xi32>
    %swap3A_935 = vector.shape_cast %select_n3A_929 : vector<16xi32> to vector<1x16xi32>
    tpu.vector_store %arg9[%swap3A_931, %swap3A_932], %swap3A_935 {strides = array<i32>} : memref<20x128xi32, #tpu.memory_space<vmem>>, vector<1x16xi32>,
    %get3A_936 = arith.constant 3 : i32
    %get3A_937 = arith.index_cast %get3A_936 : i32 to index
    %get3A_938 = arith.constant 80 : index
    %get3A_939 = tpu.vector_load %arg8[%get3A_937, %get3A_938] {strides = array<i32>} : memref<20x128xi32, #tpu.memory_space<vmem>>, vector<1x16xi32>,
    %get3A_940 = vector.shape_cast %get3A_939 : vector<1x16xi32> to vector<16xi32>
    %eq3A_941 = arith.constant 0 : i32
    %eq3A_942 = vector.broadcast %eq3A_941 : i32 to vector<16xi32>
    %eq3A_943 = arith.cmpi eq, %get3A_940, %eq3A_942 : vector<16xi32>
    %select_n3A_944 = arith.select %eq3A_943, %add3A_504, %get3A_940 : vector<16xi1>, vector<16xi32>
    %swap3A_945 = arith.constant 3 : i32
    %swap3A_946 = arith.index_cast %swap3A_945 : i32 to index
    %swap3A_947 = arith.constant 80 : index
    %swap3A_948 = tpu.vector_load %arg9[%swap3A_946, %swap3A_947] {strides = array<i32>} : memref<20x128xi32, #tpu.memory_space<vmem>>, vector<1x16xi32>,
    %swap3A_949 = vector.shape_cast %swap3A_948 : vector<1x16xi32> to vector<16xi32>
    %swap3A_950 = vector.shape_cast %select_n3A_944 : vector<16xi32> to vector<1x16xi32>
    tpu.vector_store %arg9[%swap3A_946, %swap3A_947], %swap3A_950 {strides = array<i32>} : memref<20x128xi32, #tpu.memory_space<vmem>>, vector<1x16xi32>,
    %get3A_951 = arith.constant 3 : i32
    %get3A_952 = arith.index_cast %get3A_951 : i32 to index
    %get3A_953 = arith.constant 96 : index
    %get3A_954 = tpu.vector_load %arg8[%get3A_952, %get3A_953] {strides = array<i32>} : memref<20x128xi32, #tpu.memory_space<vmem>>, vector<1x16xi32>,
    %get3A_955 = vector.shape_cast %get3A_954 : vector<1x16xi32> to vector<16xi32>
    %eq3A_956 = arith.constant 0 : i32
    %eq3A_957 = vector.broadcast %eq3A_956 : i32 to vector<16xi32>
    %eq3A_958 = arith.cmpi eq, %get3A_955, %eq3A_957 : vector<16xi32>
    %select_n3A_959 = arith.select %eq3A_958, %add3A_504, %get3A_955 : vector<16xi1>, vector<16xi32>
    %swap3A_960 = arith.constant 3 : i32
    %swap3A_961 = arith.index_cast %swap3A_960 : i32 to index
    %swap3A_962 = arith.constant 96 : index
    %swap3A_963 = tpu.vector_load %arg9[%swap3A_961, %swap3A_962] {strides = array<i32>} : memref<20x128xi32, #tpu.memory_space<vmem>>, vector<1x16xi32>,
    %swap3A_964 = vector.shape_cast %swap3A_963 : vector<1x16xi32> to vector<16xi32>
    %swap3A_965 = vector.shape_cast %select_n3A_959 : vector<16xi32> to vector<1x16xi32>
    tpu.vector_store %arg9[%swap3A_961, %swap3A_962], %swap3A_965 {strides = array<i32>} : memref<20x128xi32, #tpu.memory_space<vmem>>, vector<1x16xi32>,
    %get3A_966 = arith.constant 3 : i32
    %get3A_967 = arith.index_cast %get3A_966 : i32 to index
    %get3A_968 = arith.constant 112 : index
    %get3A_969 = tpu.vector_load %arg8[%get3A_967, %get3A_968] {strides = array<i32>} : memref<20x128xi32, #tpu.memory_space<vmem>>, vector<1x16xi32>,
    %get3A_970 = vector.shape_cast %get3A_969 : vector<1x16xi32> to vector<16xi32>
    %eq3A_971 = arith.constant 0 : i32
    %eq3A_972 = vector.broadcast %eq3A_971 : i32 to vector<16xi32>
    %eq3A_973 = arith.cmpi eq, %get3A_970, %eq3A_972 : vector<16xi32>
    %select_n3A_974 = arith.select %eq3A_973, %add3A_504, %get3A_970 : vector<16xi1>, vector<16xi32>
    %swap3A_975 = arith.constant 3 : i32
    %swap3A_976 = arith.index_cast %swap3A_975 : i32 to index
    %swap3A_977 = arith.constant 112 : index
    %swap3A_978 = tpu.vector_load %arg9[%swap3A_976, %swap3A_977] {strides = array<i32>} : memref<20x128xi32, #tpu.memory_space<vmem>>, vector<1x16xi32>,
    %swap3A_979 = vector.shape_cast %swap3A_978 : vector<1x16xi32> to vector<16xi32>
    %swap3A_980 = vector.shape_cast %select_n3A_974 : vector<16xi32> to vector<1x16xi32>
    tpu.vector_store %arg9[%swap3A_976, %swap3A_977], %swap3A_980 {strides = array<i32>} : memref<20x128xi32, #tpu.memory_space<vmem>>, vector<1x16xi32>,
    %get3A_981 = arith.constant 4 : i32
    %get3A_982 = arith.index_cast %get3A_981 : i32 to index
    %get3A_983 = arith.constant 0 : index
    %get3A_984 = tpu.vector_load %arg8[%get3A_982, %get3A_983] {strides = array<i32>} : memref<20x128xi32, #tpu.memory_space<vmem>>, vector<1x16xi32>,
    %get3A_985 = vector.shape_cast %get3A_984 : vector<1x16xi32> to vector<16xi32>
    %eq3A_986 = arith.constant 0 : i32
    %eq3A_987 = vector.broadcast %eq3A_986 : i32 to vector<16xi32>
    %eq3A_988 = arith.cmpi eq, %get3A_985, %eq3A_987 : vector<16xi32>
    %select_n3A_989 = arith.select %eq3A_988, %add3A_504, %get3A_985 : vector<16xi1>, vector<16xi32>
    %swap3A_990 = arith.constant 4 : i32
    %swap3A_991 = arith.index_cast %swap3A_990 : i32 to index
    %swap3A_992 = arith.constant 0 : index
    %swap3A_993 = tpu.vector_load %arg9[%swap3A_991, %swap3A_992] {strides = array<i32>} : memref<20x128xi32, #tpu.memory_space<vmem>>, vector<1x16xi32>,
    %swap3A_994 = vector.shape_cast %swap3A_993 : vector<1x16xi32> to vector<16xi32>
    %swap3A_995 = vector.shape_cast %select_n3A_989 : vector<16xi32> to vector<1x16xi32>
    tpu.vector_store %arg9[%swap3A_991, %swap3A_992], %swap3A_995 {strides = array<i32>} : memref<20x128xi32, #tpu.memory_space<vmem>>, vector<1x16xi32>,
    %get3A_996 = arith.constant 4 : i32
    %get3A_997 = arith.index_cast %get3A_996 : i32 to index
    %get3A_998 = arith.constant 16 : index
    %get3A_999 = tpu.vector_load %arg8[%get3A_997, %get3A_998] {strides = array<i32>} : memref<20x128xi32, #tpu.memory_space<vmem>>, vector<1x16xi32>,
    %get3A_1000 = vector.shape_cast %get3A_999 : vector<1x16xi32> to vector<16xi32>
    %eq3A_1001 = arith.constant 0 : i32
    %eq3A_1002 = vector.broadcast %eq3A_1001 : i32 to vector<16xi32>
    %eq3A_1003 = arith.cmpi eq, %get3A_1000, %eq3A_1002 : vector<16xi32>
    %select_n3A_1004 = arith.select %eq3A_1003, %add3A_504, %get3A_1000 : vector<16xi1>, vector<16xi32>
    %swap3A_1005 = arith.constant 4 : i32
    %swap3A_1006 = arith.index_cast %swap3A_1005 : i32 to index
    %swap3A_1007 = arith.constant 16 : index
    %swap3A_1008 = tpu.vector_load %arg9[%swap3A_1006, %swap3A_1007] {strides = array<i32>} : memref<20x128xi32, #tpu.memory_space<vmem>>, vector<1x16xi32>,
    %swap3A_1009 = vector.shape_cast %swap3A_1008 : vector<1x16xi32> to vector<16xi32>
    %swap3A_1010 = vector.shape_cast %select_n3A_1004 : vector<16xi32> to vector<1x16xi32>
    tpu.vector_store %arg9[%swap3A_1006, %swap3A_1007], %swap3A_1010 {strides = array<i32>} : memref<20x128xi32, #tpu.memory_space<vmem>>, vector<1x16xi32>,
    %get3A_1011 = arith.constant 4 : i32
    %get3A_1012 = arith.index_cast %get3A_1011 : i32 to index
    %get3A_1013 = arith.constant 32 : index
    %get3A_1014 = tpu.vector_load %arg8[%get3A_1012, %get3A_1013] {strides = array<i32>} : memref<20x128xi32, #tpu.memory_space<vmem>>, vector<1x16xi32>,
    %get3A_1015 = vector.shape_cast %get3A_1014 : vector<1x16xi32> to vector<16xi32>
    %eq3A_1016 = arith.constant 0 : i32
    %eq3A_1017 = vector.broadcast %eq3A_1016 : i32 to vector<16xi32>
    %eq3A_1018 = arith.cmpi eq, %get3A_1015, %eq3A_1017 : vector<16xi32>
    %select_n3A_1019 = arith.select %eq3A_1018, %add3A_504, %get3A_1015 : vector<16xi1>, vector<16xi32>
    %swap3A_1020 = arith.constant 4 : i32
    %swap3A_1021 = arith.index_cast %swap3A_1020 : i32 to index
    %swap3A_1022 = arith.constant 32 : index
    %swap3A_1023 = tpu.vector_load %arg9[%swap3A_1021, %swap3A_1022] {strides = array<i32>} : memref<20x128xi32, #tpu.memory_space<vmem>>, vector<1x16xi32>,
    %swap3A_1024 = vector.shape_cast %swap3A_1023 : vector<1x16xi32> to vector<16xi32>
    %swap3A_1025 = vector.shape_cast %select_n3A_1019 : vector<16xi32> to vector<1x16xi32>
    tpu.vector_store %arg9[%swap3A_1021, %swap3A_1022], %swap3A_1025 {strides = array<i32>} : memref<20x128xi32, #tpu.memory_space<vmem>>, vector<1x16xi32>,
    %get3A_1026 = arith.constant 4 : i32
    %get3A_1027 = arith.index_cast %get3A_1026 : i32 to index
    %get3A_1028 = arith.constant 48 : index
    %get3A_1029 = tpu.vector_load %arg8[%get3A_1027, %get3A_1028] {strides = array<i32>} : memref<20x128xi32, #tpu.memory_space<vmem>>, vector<1x16xi32>,
    %get3A_1030 = vector.shape_cast %get3A_1029 : vector<1x16xi32> to vector<16xi32>
    %eq3A_1031 = arith.constant 0 : i32
    %eq3A_1032 = vector.broadcast %eq3A_1031 : i32 to vector<16xi32>
    %eq3A_1033 = arith.cmpi eq, %get3A_1030, %eq3A_1032 : vector<16xi32>
    %select_n3A_1034 = arith.select %eq3A_1033, %add3A_504, %get3A_1030 : vector<16xi1>, vector<16xi32>
    %swap3A_1035 = arith.constant 4 : i32
    %swap3A_1036 = arith.index_cast %swap3A_1035 : i32 to index
    %swap3A_1037 = arith.constant 48 : index
    %swap3A_1038 = tpu.vector_load %arg9[%swap3A_1036, %swap3A_1037] {strides = array<i32>} : memref<20x128xi32, #tpu.memory_space<vmem>>, vector<1x16xi32>,
    %swap3A_1039 = vector.shape_cast %swap3A_1038 : vector<1x16xi32> to vector<16xi32>
    %swap3A_1040 = vector.shape_cast %select_n3A_1034 : vector<16xi32> to vector<1x16xi32>
    tpu.vector_store %arg9[%swap3A_1036, %swap3A_1037], %swap3A_1040 {strides = array<i32>} : memref<20x128xi32, #tpu.memory_space<vmem>>, vector<1x16xi32>,
    %get3A_1041 = arith.constant 4 : i32
    %get3A_1042 = arith.index_cast %get3A_1041 : i32 to index
    %get3A_1043 = arith.constant 64 : index
    %get3A_1044 = tpu.vector_load %arg8[%get3A_1042, %get3A_1043] {strides = array<i32>} : memref<20x128xi32, #tpu.memory_space<vmem>>, vector<1x16xi32>,
    %get3A_1045 = vector.shape_cast %get3A_1044 : vector<1x16xi32> to vector<16xi32>
    %eq3A_1046 = arith.constant 0 : i32
    %eq3A_1047 = vector.broadcast %eq3A_1046 : i32 to vector<16xi32>
    %eq3A_1048 = arith.cmpi eq, %get3A_1045, %eq3A_1047 : vector<16xi32>
    %select_n3A_1049 = arith.select %eq3A_1048, %add3A_504, %get3A_1045 : vector<16xi1>, vector<16xi32>
    %swap3A_1050 = arith.constant 4 : i32
    %swap3A_1051 = arith.index_cast %swap3A_1050 : i32 to index
    %swap3A_1052 = arith.constant 64 : index
    %swap3A_1053 = tpu.vector_load %arg9[%swap3A_1051, %swap3A_1052] {strides = array<i32>} : memref<20x128xi32, #tpu.memory_space<vmem>>, vector<1x16xi32>,
    %swap3A_1054 = vector.shape_cast %swap3A_1053 : vector<1x16xi32> to vector<16xi32>
    %swap3A_1055 = vector.shape_cast %select_n3A_1049 : vector<16xi32> to vector<1x16xi32>
    tpu.vector_store %arg9[%swap3A_1051, %swap3A_1052], %swap3A_1055 {strides = array<i32>} : memref<20x128xi32, #tpu.memory_space<vmem>>, vector<1x16xi32>,
    %get3A_1056 = arith.constant 4 : i32
    %get3A_1057 = arith.index_cast %get3A_1056 : i32 to index
    %get3A_1058 = arith.constant 80 : index
    %get3A_1059 = tpu.vector_load %arg8[%get3A_1057, %get3A_1058] {strides = array<i32>} : memref<20x128xi32, #tpu.memory_space<vmem>>, vector<1x16xi32>,
    %get3A_1060 = vector.shape_cast %get3A_1059 : vector<1x16xi32> to vector<16xi32>
    %eq3A_1061 = arith.constant 0 : i32
    %eq3A_1062 = vector.broadcast %eq3A_1061 : i32 to vector<16xi32>
    %eq3A_1063 = arith.cmpi eq, %get3A_1060, %eq3A_1062 : vector<16xi32>
    %select_n3A_1064 = arith.select %eq3A_1063, %add3A_504, %get3A_1060 : vector<16xi1>, vector<16xi32>
    %swap3A_1065 = arith.constant 4 : i32
    %swap3A_1066 = arith.index_cast %swap3A_1065 : i32 to index
    %swap3A_1067 = arith.constant 80 : index
    %swap3A_1068 = tpu.vector_load %arg9[%swap3A_1066, %swap3A_1067] {strides = array<i32>} : memref<20x128xi32, #tpu.memory_space<vmem>>, vector<1x16xi32>,
    %swap3A_1069 = vector.shape_cast %swap3A_1068 : vector<1x16xi32> to vector<16xi32>
    %swap3A_1070 = vector.shape_cast %select_n3A_1064 : vector<16xi32> to vector<1x16xi32>
    tpu.vector_store %arg9[%swap3A_1066, %swap3A_1067], %swap3A_1070 {strides = array<i32>} : memref<20x128xi32, #tpu.memory_space<vmem>>, vector<1x16xi32>,
    %get3A_1071 = arith.constant 4 : i32
    %get3A_1072 = arith.index_cast %get3A_1071 : i32 to index
    %get3A_1073 = arith.constant 96 : index
    %get3A_1074 = tpu.vector_load %arg8[%get3A_1072, %get3A_1073] {strides = array<i32>} : memref<20x128xi32, #tpu.memory_space<vmem>>, vector<1x16xi32>,
    %get3A_1075 = vector.shape_cast %get3A_1074 : vector<1x16xi32> to vector<16xi32>
    %eq3A_1076 = arith.constant 0 : i32
    %eq3A_1077 = vector.broadcast %eq3A_1076 : i32 to vector<16xi32>
    %eq3A_1078 = arith.cmpi eq, %get3A_1075, %eq3A_1077 : vector<16xi32>
    %select_n3A_1079 = arith.select %eq3A_1078, %add3A_504, %get3A_1075 : vector<16xi1>, vector<16xi32>
    %swap3A_1080 = arith.constant 4 : i32
    %swap3A_1081 = arith.index_cast %swap3A_1080 : i32 to index
    %swap3A_1082 = arith.constant 96 : index
    %swap3A_1083 = tpu.vector_load %arg9[%swap3A_1081, %swap3A_1082] {strides = array<i32>} : memref<20x128xi32, #tpu.memory_space<vmem>>, vector<1x16xi32>,
    %swap3A_1084 = vector.shape_cast %swap3A_1083 : vector<1x16xi32> to vector<16xi32>
    %swap3A_1085 = vector.shape_cast %select_n3A_1079 : vector<16xi32> to vector<1x16xi32>
    tpu.vector_store %arg9[%swap3A_1081, %swap3A_1082], %swap3A_1085 {strides = array<i32>} : memref<20x128xi32, #tpu.memory_space<vmem>>, vector<1x16xi32>,
    %get3A_1086 = arith.constant 4 : i32
    %get3A_1087 = arith.index_cast %get3A_1086 : i32 to index
    %get3A_1088 = arith.constant 112 : index
    %get3A_1089 = tpu.vector_load %arg8[%get3A_1087, %get3A_1088] {strides = array<i32>} : memref<20x128xi32, #tpu.memory_space<vmem>>, vector<1x16xi32>,
    %get3A_1090 = vector.shape_cast %get3A_1089 : vector<1x16xi32> to vector<16xi32>
    %eq3A_1091 = arith.constant 0 : i32
    %eq3A_1092 = vector.broadcast %eq3A_1091 : i32 to vector<16xi32>
    %eq3A_1093 = arith.cmpi eq, %get3A_1090, %eq3A_1092 : vector<16xi32>
    %select_n3A_1094 = arith.select %eq3A_1093, %add3A_504, %get3A_1090 : vector<16xi1>, vector<16xi32>
    %swap3A_1095 = arith.constant 4 : i32
    %swap3A_1096 = arith.index_cast %swap3A_1095 : i32 to index
    %swap3A_1097 = arith.constant 112 : index
    %swap3A_1098 = tpu.vector_load %arg9[%swap3A_1096, %swap3A_1097] {strides = array<i32>} : memref<20x128xi32, #tpu.memory_space<vmem>>, vector<1x16xi32>,
    %swap3A_1099 = vector.shape_cast %swap3A_1098 : vector<1x16xi32> to vector<16xi32>
    %swap3A_1100 = vector.shape_cast %select_n3A_1094 : vector<16xi32> to vector<1x16xi32>
    tpu.vector_store %arg9[%swap3A_1096, %swap3A_1097], %swap3A_1100 {strides = array<i32>} : memref<20x128xi32, #tpu.memory_space<vmem>>, vector<1x16xi32>,
    %get3A_1101 = arith.constant 5 : i32
    %get3A_1102 = arith.index_cast %get3A_1101 : i32 to index
    %get3A_1103 = arith.constant 0 : index
    %get3A_1104 = tpu.vector_load %arg8[%get3A_1102, %get3A_1103] {strides = array<i32>} : memref<20x128xi32, #tpu.memory_space<vmem>>, vector<1x16xi32>,
    %get3A_1105 = vector.shape_cast %get3A_1104 : vector<1x16xi32> to vector<16xi32>
    %eq3A_1106 = arith.constant 0 : i32
    %eq3A_1107 = vector.broadcast %eq3A_1106 : i32 to vector<16xi32>
    %eq3A_1108 = arith.cmpi eq, %get3A_1105, %eq3A_1107 : vector<16xi32>
    %select_n3A_1109 = arith.select %eq3A_1108, %add3A_504, %get3A_1105 : vector<16xi1>, vector<16xi32>
    %swap3A_1110 = arith.constant 5 : i32
    %swap3A_1111 = arith.index_cast %swap3A_1110 : i32 to index
    %swap3A_1112 = arith.constant 0 : index
    %swap3A_1113 = tpu.vector_load %arg9[%swap3A_1111, %swap3A_1112] {strides = array<i32>} : memref<20x128xi32, #tpu.memory_space<vmem>>, vector<1x16xi32>,
    %swap3A_1114 = vector.shape_cast %swap3A_1113 : vector<1x16xi32> to vector<16xi32>
    %swap3A_1115 = vector.shape_cast %select_n3A_1109 : vector<16xi32> to vector<1x16xi32>
    tpu.vector_store %arg9[%swap3A_1111, %swap3A_1112], %swap3A_1115 {strides = array<i32>} : memref<20x128xi32, #tpu.memory_space<vmem>>, vector<1x16xi32>,
    %get3A_1116 = arith.constant 5 : i32
    %get3A_1117 = arith.index_cast %get3A_1116 : i32 to index
    %get3A_1118 = arith.constant 16 : index
    %get3A_1119 = tpu.vector_load %arg8[%get3A_1117, %get3A_1118] {strides = array<i32>} : memref<20x128xi32, #tpu.memory_space<vmem>>, vector<1x16xi32>,
    %get3A_1120 = vector.shape_cast %get3A_1119 : vector<1x16xi32> to vector<16xi32>
    %eq3A_1121 = arith.constant 0 : i32
    %eq3A_1122 = vector.broadcast %eq3A_1121 : i32 to vector<16xi32>
    %eq3A_1123 = arith.cmpi eq, %get3A_1120, %eq3A_1122 : vector<16xi32>
    %select_n3A_1124 = arith.select %eq3A_1123, %add3A_504, %get3A_1120 : vector<16xi1>, vector<16xi32>
    %swap3A_1125 = arith.constant 5 : i32
    %swap3A_1126 = arith.index_cast %swap3A_1125 : i32 to index
    %swap3A_1127 = arith.constant 16 : index
    %swap3A_1128 = tpu.vector_load %arg9[%swap3A_1126, %swap3A_1127] {strides = array<i32>} : memref<20x128xi32, #tpu.memory_space<vmem>>, vector<1x16xi32>,
    %swap3A_1129 = vector.shape_cast %swap3A_1128 : vector<1x16xi32> to vector<16xi32>
    %swap3A_1130 = vector.shape_cast %select_n3A_1124 : vector<16xi32> to vector<1x16xi32>
    tpu.vector_store %arg9[%swap3A_1126, %swap3A_1127], %swap3A_1130 {strides = array<i32>} : memref<20x128xi32, #tpu.memory_space<vmem>>, vector<1x16xi32>,
    %get3A_1131 = arith.constant 5 : i32
    %get3A_1132 = arith.index_cast %get3A_1131 : i32 to index
    %get3A_1133 = arith.constant 32 : index
    %get3A_1134 = tpu.vector_load %arg8[%get3A_1132, %get3A_1133] {strides = array<i32>} : memref<20x128xi32, #tpu.memory_space<vmem>>, vector<1x16xi32>,
    %get3A_1135 = vector.shape_cast %get3A_1134 : vector<1x16xi32> to vector<16xi32>
    %eq3A_1136 = arith.constant 0 : i32
    %eq3A_1137 = vector.broadcast %eq3A_1136 : i32 to vector<16xi32>
    %eq3A_1138 = arith.cmpi eq, %get3A_1135, %eq3A_1137 : vector<16xi32>
    %select_n3A_1139 = arith.select %eq3A_1138, %add3A_504, %get3A_1135 : vector<16xi1>, vector<16xi32>
    %swap3A_1140 = arith.constant 5 : i32
    %swap3A_1141 = arith.index_cast %swap3A_1140 : i32 to index
    %swap3A_1142 = arith.constant 32 : index
    %swap3A_1143 = tpu.vector_load %arg9[%swap3A_1141, %swap3A_1142] {strides = array<i32>} : memref<20x128xi32, #tpu.memory_space<vmem>>, vector<1x16xi32>,
    %swap3A_1144 = vector.shape_cast %swap3A_1143 : vector<1x16xi32> to vector<16xi32>
    %swap3A_1145 = vector.shape_cast %select_n3A_1139 : vector<16xi32> to vector<1x16xi32>
    tpu.vector_store %arg9[%swap3A_1141, %swap3A_1142], %swap3A_1145 {strides = array<i32>} : memref<20x128xi32, #tpu.memory_space<vmem>>, vector<1x16xi32>,
    %get3A_1146 = arith.constant 5 : i32
    %get3A_1147 = arith.index_cast %get3A_1146 : i32 to index
    %get3A_1148 = arith.constant 48 : index
    %get3A_1149 = tpu.vector_load %arg8[%get3A_1147, %get3A_1148] {strides = array<i32>} : memref<20x128xi32, #tpu.memory_space<vmem>>, vector<1x16xi32>,
    %get3A_1150 = vector.shape_cast %get3A_1149 : vector<1x16xi32> to vector<16xi32>
    %eq3A_1151 = arith.constant 0 : i32
    %eq3A_1152 = vector.broadcast %eq3A_1151 : i32 to vector<16xi32>
    %eq3A_1153 = arith.cmpi eq, %get3A_1150, %eq3A_1152 : vector<16xi32>
    %select_n3A_1154 = arith.select %eq3A_1153, %add3A_504, %get3A_1150 : vector<16xi1>, vector<16xi32>
    %swap3A_1155 = arith.constant 5 : i32
    %swap3A_1156 = arith.index_cast %swap3A_1155 : i32 to index
    %swap3A_1157 = arith.constant 48 : index
    %swap3A_1158 = tpu.vector_load %arg9[%swap3A_1156, %swap3A_1157] {strides = array<i32>} : memref<20x128xi32, #tpu.memory_space<vmem>>, vector<1x16xi32>,
    %swap3A_1159 = vector.shape_cast %swap3A_1158 : vector<1x16xi32> to vector<16xi32>
    %swap3A_1160 = vector.shape_cast %select_n3A_1154 : vector<16xi32> to vector<1x16xi32>
    tpu.vector_store %arg9[%swap3A_1156, %swap3A_1157], %swap3A_1160 {strides = array<i32>} : memref<20x128xi32, #tpu.memory_space<vmem>>, vector<1x16xi32>,
    %get3A_1161 = arith.constant 5 : i32
    %get3A_1162 = arith.index_cast %get3A_1161 : i32 to index
    %get3A_1163 = arith.constant 64 : index
    %get3A_1164 = tpu.vector_load %arg8[%get3A_1162, %get3A_1163] {strides = array<i32>} : memref<20x128xi32, #tpu.memory_space<vmem>>, vector<1x16xi32>,
    %get3A_1165 = vector.shape_cast %get3A_1164 : vector<1x16xi32> to vector<16xi32>
    %eq3A_1166 = arith.constant 0 : i32
    %eq3A_1167 = vector.broadcast %eq3A_1166 : i32 to vector<16xi32>
    %eq3A_1168 = arith.cmpi eq, %get3A_1165, %eq3A_1167 : vector<16xi32>
    %select_n3A_1169 = arith.select %eq3A_1168, %add3A_504, %get3A_1165 : vector<16xi1>, vector<16xi32>
    %swap3A_1170 = arith.constant 5 : i32
    %swap3A_1171 = arith.index_cast %swap3A_1170 : i32 to index
    %swap3A_1172 = arith.constant 64 : index
    %swap3A_1173 = tpu.vector_load %arg9[%swap3A_1171, %swap3A_1172] {strides = array<i32>} : memref<20x128xi32, #tpu.memory_space<vmem>>, vector<1x16xi32>,
    %swap3A_1174 = vector.shape_cast %swap3A_1173 : vector<1x16xi32> to vector<16xi32>
    %swap3A_1175 = vector.shape_cast %select_n3A_1169 : vector<16xi32> to vector<1x16xi32>
    tpu.vector_store %arg9[%swap3A_1171, %swap3A_1172], %swap3A_1175 {strides = array<i32>} : memref<20x128xi32, #tpu.memory_space<vmem>>, vector<1x16xi32>,
    %get3A_1176 = arith.constant 5 : i32
    %get3A_1177 = arith.index_cast %get3A_1176 : i32 to index
    %get3A_1178 = arith.constant 80 : index
    %get3A_1179 = tpu.vector_load %arg8[%get3A_1177, %get3A_1178] {strides = array<i32>} : memref<20x128xi32, #tpu.memory_space<vmem>>, vector<1x16xi32>,
    %get3A_1180 = vector.shape_cast %get3A_1179 : vector<1x16xi32> to vector<16xi32>
    %eq3A_1181 = arith.constant 0 : i32
    %eq3A_1182 = vector.broadcast %eq3A_1181 : i32 to vector<16xi32>
    %eq3A_1183 = arith.cmpi eq, %get3A_1180, %eq3A_1182 : vector<16xi32>
    %select_n3A_1184 = arith.select %eq3A_1183, %add3A_504, %get3A_1180 : vector<16xi1>, vector<16xi32>
    %swap3A_1185 = arith.constant 5 : i32
    %swap3A_1186 = arith.index_cast %swap3A_1185 : i32 to index
    %swap3A_1187 = arith.constant 80 : index
    %swap3A_1188 = tpu.vector_load %arg9[%swap3A_1186, %swap3A_1187] {strides = array<i32>} : memref<20x128xi32, #tpu.memory_space<vmem>>, vector<1x16xi32>,
    %swap3A_1189 = vector.shape_cast %swap3A_1188 : vector<1x16xi32> to vector<16xi32>
    %swap3A_1190 = vector.shape_cast %select_n3A_1184 : vector<16xi32> to vector<1x16xi32>
    tpu.vector_store %arg9[%swap3A_1186, %swap3A_1187], %swap3A_1190 {strides = array<i32>} : memref<20x128xi32, #tpu.memory_space<vmem>>, vector<1x16xi32>,
    %get3A_1191 = arith.constant 5 : i32
    %get3A_1192 = arith.index_cast %get3A_1191 : i32 to index
    %get3A_1193 = arith.constant 96 : index
    %get3A_1194 = tpu.vector_load %arg8[%get3A_1192, %get3A_1193] {strides = array<i32>} : memref<20x128xi32, #tpu.memory_space<vmem>>, vector<1x16xi32>,
    %get3A_1195 = vector.shape_cast %get3A_1194 : vector<1x16xi32> to vector<16xi32>
    %eq3A_1196 = arith.constant 0 : i32
    %eq3A_1197 = vector.broadcast %eq3A_1196 : i32 to vector<16xi32>
    %eq3A_1198 = arith.cmpi eq, %get3A_1195, %eq3A_1197 : vector<16xi32>
    %select_n3A_1199 = arith.select %eq3A_1198, %add3A_504, %get3A_1195 : vector<16xi1>, vector<16xi32>
    %swap3A_1200 = arith.constant 5 : i32
    %swap3A_1201 = arith.index_cast %swap3A_1200 : i32 to index
    %swap3A_1202 = arith.constant 96 : index
    %swap3A_1203 = tpu.vector_load %arg9[%swap3A_1201, %swap3A_1202] {strides = array<i32>} : memref<20x128xi32, #tpu.memory_space<vmem>>, vector<1x16xi32>,
    %swap3A_1204 = vector.shape_cast %swap3A_1203 : vector<1x16xi32> to vector<16xi32>
    %swap3A_1205 = vector.shape_cast %select_n3A_1199 : vector<16xi32> to vector<1x16xi32>
    tpu.vector_store %arg9[%swap3A_1201, %swap3A_1202], %swap3A_1205 {strides = array<i32>} : memref<20x128xi32, #tpu.memory_space<vmem>>, vector<1x16xi32>,
    %get3A_1206 = arith.constant 5 : i32
    %get3A_1207 = arith.index_cast %get3A_1206 : i32 to index
    %get3A_1208 = arith.constant 112 : index
    %get3A_1209 = tpu.vector_load %arg8[%get3A_1207, %get3A_1208] {strides = array<i32>} : memref<20x128xi32, #tpu.memory_space<vmem>>, vector<1x16xi32>,
    %get3A_1210 = vector.shape_cast %get3A_1209 : vector<1x16xi32> to vector<16xi32>
    %eq3A_1211 = arith.constant 0 : i32
    %eq3A_1212 = vector.broadcast %eq3A_1211 : i32 to vector<16xi32>
    %eq3A_1213 = arith.cmpi eq, %get3A_1210, %eq3A_1212 : vector<16xi32>
    %select_n3A_1214 = arith.select %eq3A_1213, %add3A_504, %get3A_1210 : vector<16xi1>, vector<16xi32>
    %swap3A_1215 = arith.constant 5 : i32
    %swap3A_1216 = arith.index_cast %swap3A_1215 : i32 to index
    %swap3A_1217 = arith.constant 112 : index
    %swap3A_1218 = tpu.vector_load %arg9[%swap3A_1216, %swap3A_1217] {strides = array<i32>} : memref<20x128xi32, #tpu.memory_space<vmem>>, vector<1x16xi32>,
    %swap3A_1219 = vector.shape_cast %swap3A_1218 : vector<1x16xi32> to vector<16xi32>
    %swap3A_1220 = vector.shape_cast %select_n3A_1214 : vector<16xi32> to vector<1x16xi32>
    tpu.vector_store %arg9[%swap3A_1216, %swap3A_1217], %swap3A_1220 {strides = array<i32>} : memref<20x128xi32, #tpu.memory_space<vmem>>, vector<1x16xi32>,
    %get3A_1221 = arith.constant 6 : i32
    %get3A_1222 = arith.index_cast %get3A_1221 : i32 to index
    %get3A_1223 = arith.constant 0 : index
    %get3A_1224 = tpu.vector_load %arg8[%get3A_1222, %get3A_1223] {strides = array<i32>} : memref<20x128xi32, #tpu.memory_space<vmem>>, vector<1x16xi32>,
    %get3A_1225 = vector.shape_cast %get3A_1224 : vector<1x16xi32> to vector<16xi32>
    %eq3A_1226 = arith.constant 0 : i32
    %eq3A_1227 = vector.broadcast %eq3A_1226 : i32 to vector<16xi32>
    %eq3A_1228 = arith.cmpi eq, %get3A_1225, %eq3A_1227 : vector<16xi32>
    %select_n3A_1229 = arith.select %eq3A_1228, %add3A_504, %get3A_1225 : vector<16xi1>, vector<16xi32>
    %swap3A_1230 = arith.constant 6 : i32
    %swap3A_1231 = arith.index_cast %swap3A_1230 : i32 to index
    %swap3A_1232 = arith.constant 0 : index
    %swap3A_1233 = tpu.vector_load %arg9[%swap3A_1231, %swap3A_1232] {strides = array<i32>} : memref<20x128xi32, #tpu.memory_space<vmem>>, vector<1x16xi32>,
    %swap3A_1234 = vector.shape_cast %swap3A_1233 : vector<1x16xi32> to vector<16xi32>
    %swap3A_1235 = vector.shape_cast %select_n3A_1229 : vector<16xi32> to vector<1x16xi32>
    tpu.vector_store %arg9[%swap3A_1231, %swap3A_1232], %swap3A_1235 {strides = array<i32>} : memref<20x128xi32, #tpu.memory_space<vmem>>, vector<1x16xi32>,
    %get3A_1236 = arith.constant 6 : i32
    %get3A_1237 = arith.index_cast %get3A_1236 : i32 to index
    %get3A_1238 = arith.constant 16 : index
    %get3A_1239 = tpu.vector_load %arg8[%get3A_1237, %get3A_1238] {strides = array<i32>} : memref<20x128xi32, #tpu.memory_space<vmem>>, vector<1x16xi32>,
    %get3A_1240 = vector.shape_cast %get3A_1239 : vector<1x16xi32> to vector<16xi32>
    %eq3A_1241 = arith.constant 0 : i32
    %eq3A_1242 = vector.broadcast %eq3A_1241 : i32 to vector<16xi32>
    %eq3A_1243 = arith.cmpi eq, %get3A_1240, %eq3A_1242 : vector<16xi32>
    %select_n3A_1244 = arith.select %eq3A_1243, %add3A_504, %get3A_1240 : vector<16xi1>, vector<16xi32>
    %swap3A_1245 = arith.constant 6 : i32
    %swap3A_1246 = arith.index_cast %swap3A_1245 : i32 to index
    %swap3A_1247 = arith.constant 16 : index
    %swap3A_1248 = tpu.vector_load %arg9[%swap3A_1246, %swap3A_1247] {strides = array<i32>} : memref<20x128xi32, #tpu.memory_space<vmem>>, vector<1x16xi32>,
    %swap3A_1249 = vector.shape_cast %swap3A_1248 : vector<1x16xi32> to vector<16xi32>
    %swap3A_1250 = vector.shape_cast %select_n3A_1244 : vector<16xi32> to vector<1x16xi32>
    tpu.vector_store %arg9[%swap3A_1246, %swap3A_1247], %swap3A_1250 {strides = array<i32>} : memref<20x128xi32, #tpu.memory_space<vmem>>, vector<1x16xi32>,
    %get3A_1251 = arith.constant 6 : i32
    %get3A_1252 = arith.index_cast %get3A_1251 : i32 to index
    %get3A_1253 = arith.constant 32 : index
    %get3A_1254 = tpu.vector_load %arg8[%get3A_1252, %get3A_1253] {strides = array<i32>} : memref<20x128xi32, #tpu.memory_space<vmem>>, vector<1x16xi32>,
    %get3A_1255 = vector.shape_cast %get3A_1254 : vector<1x16xi32> to vector<16xi32>
    %eq3A_1256 = arith.constant 0 : i32
    %eq3A_1257 = vector.broadcast %eq3A_1256 : i32 to vector<16xi32>
    %eq3A_1258 = arith.cmpi eq, %get3A_1255, %eq3A_1257 : vector<16xi32>
    %select_n3A_1259 = arith.select %eq3A_1258, %add3A_504, %get3A_1255 : vector<16xi1>, vector<16xi32>
    %swap3A_1260 = arith.constant 6 : i32
    %swap3A_1261 = arith.index_cast %swap3A_1260 : i32 to index
    %swap3A_1262 = arith.constant 32 : index
    %swap3A_1263 = tpu.vector_load %arg9[%swap3A_1261, %swap3A_1262] {strides = array<i32>} : memref<20x128xi32, #tpu.memory_space<vmem>>, vector<1x16xi32>,
    %swap3A_1264 = vector.shape_cast %swap3A_1263 : vector<1x16xi32> to vector<16xi32>
    %swap3A_1265 = vector.shape_cast %select_n3A_1259 : vector<16xi32> to vector<1x16xi32>
    tpu.vector_store %arg9[%swap3A_1261, %swap3A_1262], %swap3A_1265 {strides = array<i32>} : memref<20x128xi32, #tpu.memory_space<vmem>>, vector<1x16xi32>,
    %get3A_1266 = arith.constant 6 : i32
    %get3A_1267 = arith.index_cast %get3A_1266 : i32 to index
    %get3A_1268 = arith.constant 48 : index
    %get3A_1269 = tpu.vector_load %arg8[%get3A_1267, %get3A_1268] {strides = array<i32>} : memref<20x128xi32, #tpu.memory_space<vmem>>, vector<1x16xi32>,
    %get3A_1270 = vector.shape_cast %get3A_1269 : vector<1x16xi32> to vector<16xi32>
    %eq3A_1271 = arith.constant 0 : i32
    %eq3A_1272 = vector.broadcast %eq3A_1271 : i32 to vector<16xi32>
    %eq3A_1273 = arith.cmpi eq, %get3A_1270, %eq3A_1272 : vector<16xi32>
    %select_n3A_1274 = arith.select %eq3A_1273, %add3A_504, %get3A_1270 : vector<16xi1>, vector<16xi32>
    %swap3A_1275 = arith.constant 6 : i32
    %swap3A_1276 = arith.index_cast %swap3A_1275 : i32 to index
    %swap3A_1277 = arith.constant 48 : index
    %swap3A_1278 = tpu.vector_load %arg9[%swap3A_1276, %swap3A_1277] {strides = array<i32>} : memref<20x128xi32, #tpu.memory_space<vmem>>, vector<1x16xi32>,
    %swap3A_1279 = vector.shape_cast %swap3A_1278 : vector<1x16xi32> to vector<16xi32>
    %swap3A_1280 = vector.shape_cast %select_n3A_1274 : vector<16xi32> to vector<1x16xi32>
    tpu.vector_store %arg9[%swap3A_1276, %swap3A_1277], %swap3A_1280 {strides = array<i32>} : memref<20x128xi32, #tpu.memory_space<vmem>>, vector<1x16xi32>,
    %get3A_1281 = arith.constant 6 : i32
    %get3A_1282 = arith.index_cast %get3A_1281 : i32 to index
    %get3A_1283 = arith.constant 64 : index
    %get3A_1284 = tpu.vector_load %arg8[%get3A_1282, %get3A_1283] {strides = array<i32>} : memref<20x128xi32, #tpu.memory_space<vmem>>, vector<1x16xi32>,
    %get3A_1285 = vector.shape_cast %get3A_1284 : vector<1x16xi32> to vector<16xi32>
    %eq3A_1286 = arith.constant 0 : i32
    %eq3A_1287 = vector.broadcast %eq3A_1286 : i32 to vector<16xi32>
    %eq3A_1288 = arith.cmpi eq, %get3A_1285, %eq3A_1287 : vector<16xi32>
    %select_n3A_1289 = arith.select %eq3A_1288, %add3A_504, %get3A_1285 : vector<16xi1>, vector<16xi32>
    %swap3A_1290 = arith.constant 6 : i32
    %swap3A_1291 = arith.index_cast %swap3A_1290 : i32 to index
    %swap3A_1292 = arith.constant 64 : index
    %swap3A_1293 = tpu.vector_load %arg9[%swap3A_1291, %swap3A_1292] {strides = array<i32>} : memref<20x128xi32, #tpu.memory_space<vmem>>, vector<1x16xi32>,
    %swap3A_1294 = vector.shape_cast %swap3A_1293 : vector<1x16xi32> to vector<16xi32>
    %swap3A_1295 = vector.shape_cast %select_n3A_1289 : vector<16xi32> to vector<1x16xi32>
    tpu.vector_store %arg9[%swap3A_1291, %swap3A_1292], %swap3A_1295 {strides = array<i32>} : memref<20x128xi32, #tpu.memory_space<vmem>>, vector<1x16xi32>,
    %get3A_1296 = arith.constant 6 : i32
    %get3A_1297 = arith.index_cast %get3A_1296 : i32 to index
    %get3A_1298 = arith.constant 80 : index
    %get3A_1299 = tpu.vector_load %arg8[%get3A_1297, %get3A_1298] {strides = array<i32>} : memref<20x128xi32, #tpu.memory_space<vmem>>, vector<1x16xi32>,
    %get3A_1300 = vector.shape_cast %get3A_1299 : vector<1x16xi32> to vector<16xi32>
    %eq3A_1301 = arith.constant 0 : i32
    %eq3A_1302 = vector.broadcast %eq3A_1301 : i32 to vector<16xi32>
    %eq3A_1303 = arith.cmpi eq, %get3A_1300, %eq3A_1302 : vector<16xi32>
    %select_n3A_1304 = arith.select %eq3A_1303, %add3A_504, %get3A_1300 : vector<16xi1>, vector<16xi32>
    %swap3A_1305 = arith.constant 6 : i32
    %swap3A_1306 = arith.index_cast %swap3A_1305 : i32 to index
    %swap3A_1307 = arith.constant 80 : index
    %swap3A_1308 = tpu.vector_load %arg9[%swap3A_1306, %swap3A_1307] {strides = array<i32>} : memref<20x128xi32, #tpu.memory_space<vmem>>, vector<1x16xi32>,
    %swap3A_1309 = vector.shape_cast %swap3A_1308 : vector<1x16xi32> to vector<16xi32>
    %swap3A_1310 = vector.shape_cast %select_n3A_1304 : vector<16xi32> to vector<1x16xi32>
    tpu.vector_store %arg9[%swap3A_1306, %swap3A_1307], %swap3A_1310 {strides = array<i32>} : memref<20x128xi32, #tpu.memory_space<vmem>>, vector<1x16xi32>,
    %get3A_1311 = arith.constant 6 : i32
    %get3A_1312 = arith.index_cast %get3A_1311 : i32 to index
    %get3A_1313 = arith.constant 96 : index
    %get3A_1314 = tpu.vector_load %arg8[%get3A_1312, %get3A_1313] {strides = array<i32>} : memref<20x128xi32, #tpu.memory_space<vmem>>, vector<1x16xi32>,
    %get3A_1315 = vector.shape_cast %get3A_1314 : vector<1x16xi32> to vector<16xi32>
    %eq3A_1316 = arith.constant 0 : i32
    %eq3A_1317 = vector.broadcast %eq3A_1316 : i32 to vector<16xi32>
    %eq3A_1318 = arith.cmpi eq, %get3A_1315, %eq3A_1317 : vector<16xi32>
    %select_n3A_1319 = arith.select %eq3A_1318, %add3A_504, %get3A_1315 : vector<16xi1>, vector<16xi32>
    %swap3A_1320 = arith.constant 6 : i32
    %swap3A_1321 = arith.index_cast %swap3A_1320 : i32 to index
    %swap3A_1322 = arith.constant 96 : index
    %swap3A_1323 = tpu.vector_load %arg9[%swap3A_1321, %swap3A_1322] {strides = array<i32>} : memref<20x128xi32, #tpu.memory_space<vmem>>, vector<1x16xi32>,
    %swap3A_1324 = vector.shape_cast %swap3A_1323 : vector<1x16xi32> to vector<16xi32>
    %swap3A_1325 = vector.shape_cast %select_n3A_1319 : vector<16xi32> to vector<1x16xi32>
    tpu.vector_store %arg9[%swap3A_1321, %swap3A_1322], %swap3A_1325 {strides = array<i32>} : memref<20x128xi32, #tpu.memory_space<vmem>>, vector<1x16xi32>,
    %get3A_1326 = arith.constant 6 : i32
    %get3A_1327 = arith.index_cast %get3A_1326 : i32 to index
    %get3A_1328 = arith.constant 112 : index
    %get3A_1329 = tpu.vector_load %arg8[%get3A_1327, %get3A_1328] {strides = array<i32>} : memref<20x128xi32, #tpu.memory_space<vmem>>, vector<1x16xi32>,
    %get3A_1330 = vector.shape_cast %get3A_1329 : vector<1x16xi32> to vector<16xi32>
    %eq3A_1331 = arith.constant 0 : i32
    %eq3A_1332 = vector.broadcast %eq3A_1331 : i32 to vector<16xi32>
    %eq3A_1333 = arith.cmpi eq, %get3A_1330, %eq3A_1332 : vector<16xi32>
    %select_n3A_1334 = arith.select %eq3A_1333, %add3A_504, %get3A_1330 : vector<16xi1>, vector<16xi32>
    %swap3A_1335 = arith.constant 6 : i32
    %swap3A_1336 = arith.index_cast %swap3A_1335 : i32 to index
    %swap3A_1337 = arith.constant 112 : index
    %swap3A_1338 = tpu.vector_load %arg9[%swap3A_1336, %swap3A_1337] {strides = array<i32>} : memref<20x128xi32, #tpu.memory_space<vmem>>, vector<1x16xi32>,
    %swap3A_1339 = vector.shape_cast %swap3A_1338 : vector<1x16xi32> to vector<16xi32>
    %swap3A_1340 = vector.shape_cast %select_n3A_1334 : vector<16xi32> to vector<1x16xi32>
    tpu.vector_store %arg9[%swap3A_1336, %swap3A_1337], %swap3A_1340 {strides = array<i32>} : memref<20x128xi32, #tpu.memory_space<vmem>>, vector<1x16xi32>,
    %get3A_1341 = arith.constant 7 : i32
    %get3A_1342 = arith.index_cast %get3A_1341 : i32 to index
    %get3A_1343 = arith.constant 0 : index
    %get3A_1344 = tpu.vector_load %arg8[%get3A_1342, %get3A_1343] {strides = array<i32>} : memref<20x128xi32, #tpu.memory_space<vmem>>, vector<1x16xi32>,
    %get3A_1345 = vector.shape_cast %get3A_1344 : vector<1x16xi32> to vector<16xi32>
    %eq3A_1346 = arith.constant 0 : i32
    %eq3A_1347 = vector.broadcast %eq3A_1346 : i32 to vector<16xi32>
    %eq3A_1348 = arith.cmpi eq, %get3A_1345, %eq3A_1347 : vector<16xi32>
    %select_n3A_1349 = arith.select %eq3A_1348, %add3A_504, %get3A_1345 : vector<16xi1>, vector<16xi32>
    %swap3A_1350 = arith.constant 7 : i32
    %swap3A_1351 = arith.index_cast %swap3A_1350 : i32 to index
    %swap3A_1352 = arith.constant 0 : index
    %swap3A_1353 = tpu.vector_load %arg9[%swap3A_1351, %swap3A_1352] {strides = array<i32>} : memref<20x128xi32, #tpu.memory_space<vmem>>, vector<1x16xi32>,
    %swap3A_1354 = vector.shape_cast %swap3A_1353 : vector<1x16xi32> to vector<16xi32>
    %swap3A_1355 = vector.shape_cast %select_n3A_1349 : vector<16xi32> to vector<1x16xi32>
    tpu.vector_store %arg9[%swap3A_1351, %swap3A_1352], %swap3A_1355 {strides = array<i32>} : memref<20x128xi32, #tpu.memory_space<vmem>>, vector<1x16xi32>,
    %get3A_1356 = arith.constant 7 : i32
    %get3A_1357 = arith.index_cast %get3A_1356 : i32 to index
    %get3A_1358 = arith.constant 16 : index
    %get3A_1359 = tpu.vector_load %arg8[%get3A_1357, %get3A_1358] {strides = array<i32>} : memref<20x128xi32, #tpu.memory_space<vmem>>, vector<1x16xi32>,
    %get3A_1360 = vector.shape_cast %get3A_1359 : vector<1x16xi32> to vector<16xi32>
    %eq3A_1361 = arith.constant 0 : i32
    %eq3A_1362 = vector.broadcast %eq3A_1361 : i32 to vector<16xi32>
    %eq3A_1363 = arith.cmpi eq, %get3A_1360, %eq3A_1362 : vector<16xi32>
    %select_n3A_1364 = arith.select %eq3A_1363, %add3A_504, %get3A_1360 : vector<16xi1>, vector<16xi32>
    %swap3A_1365 = arith.constant 7 : i32
    %swap3A_1366 = arith.index_cast %swap3A_1365 : i32 to index
    %swap3A_1367 = arith.constant 16 : index
    %swap3A_1368 = tpu.vector_load %arg9[%swap3A_1366, %swap3A_1367] {strides = array<i32>} : memref<20x128xi32, #tpu.memory_space<vmem>>, vector<1x16xi32>,
    %swap3A_1369 = vector.shape_cast %swap3A_1368 : vector<1x16xi32> to vector<16xi32>
    %swap3A_1370 = vector.shape_cast %select_n3A_1364 : vector<16xi32> to vector<1x16xi32>
    tpu.vector_store %arg9[%swap3A_1366, %swap3A_1367], %swap3A_1370 {strides = array<i32>} : memref<20x128xi32, #tpu.memory_space<vmem>>, vector<1x16xi32>,
    %get3A_1371 = arith.constant 7 : i32
    %get3A_1372 = arith.index_cast %get3A_1371 : i32 to index
    %get3A_1373 = arith.constant 32 : index
    %get3A_1374 = tpu.vector_load %arg8[%get3A_1372, %get3A_1373] {strides = array<i32>} : memref<20x128xi32, #tpu.memory_space<vmem>>, vector<1x16xi32>,
    %get3A_1375 = vector.shape_cast %get3A_1374 : vector<1x16xi32> to vector<16xi32>
    %eq3A_1376 = arith.constant 0 : i32
    %eq3A_1377 = vector.broadcast %eq3A_1376 : i32 to vector<16xi32>
    %eq3A_1378 = arith.cmpi eq, %get3A_1375, %eq3A_1377 : vector<16xi32>
    %select_n3A_1379 = arith.select %eq3A_1378, %add3A_504, %get3A_1375 : vector<16xi1>, vector<16xi32>
    %swap3A_1380 = arith.constant 7 : i32
    %swap3A_1381 = arith.index_cast %swap3A_1380 : i32 to index
    %swap3A_1382 = arith.constant 32 : index
    %swap3A_1383 = tpu.vector_load %arg9[%swap3A_1381, %swap3A_1382] {strides = array<i32>} : memref<20x128xi32, #tpu.memory_space<vmem>>, vector<1x16xi32>,
    %swap3A_1384 = vector.shape_cast %swap3A_1383 : vector<1x16xi32> to vector<16xi32>
    %swap3A_1385 = vector.shape_cast %select_n3A_1379 : vector<16xi32> to vector<1x16xi32>
    tpu.vector_store %arg9[%swap3A_1381, %swap3A_1382], %swap3A_1385 {strides = array<i32>} : memref<20x128xi32, #tpu.memory_space<vmem>>, vector<1x16xi32>,
    %get3A_1386 = arith.constant 7 : i32
    %get3A_1387 = arith.index_cast %get3A_1386 : i32 to index
    %get3A_1388 = arith.constant 48 : index
    %get3A_1389 = tpu.vector_load %arg8[%get3A_1387, %get3A_1388] {strides = array<i32>} : memref<20x128xi32, #tpu.memory_space<vmem>>, vector<1x16xi32>,
    %get3A_1390 = vector.shape_cast %get3A_1389 : vector<1x16xi32> to vector<16xi32>
    %eq3A_1391 = arith.constant 0 : i32
    %eq3A_1392 = vector.broadcast %eq3A_1391 : i32 to vector<16xi32>
    %eq3A_1393 = arith.cmpi eq, %get3A_1390, %eq3A_1392 : vector<16xi32>
    %select_n3A_1394 = arith.select %eq3A_1393, %add3A_504, %get3A_1390 : vector<16xi1>, vector<16xi32>
    %swap3A_1395 = arith.constant 7 : i32
    %swap3A_1396 = arith.index_cast %swap3A_1395 : i32 to index
    %swap3A_1397 = arith.constant 48 : index
    %swap3A_1398 = tpu.vector_load %arg9[%swap3A_1396, %swap3A_1397] {strides = array<i32>} : memref<20x128xi32, #tpu.memory_space<vmem>>, vector<1x16xi32>,
    %swap3A_1399 = vector.shape_cast %swap3A_1398 : vector<1x16xi32> to vector<16xi32>
    %swap3A_1400 = vector.shape_cast %select_n3A_1394 : vector<16xi32> to vector<1x16xi32>
    tpu.vector_store %arg9[%swap3A_1396, %swap3A_1397], %swap3A_1400 {strides = array<i32>} : memref<20x128xi32, #tpu.memory_space<vmem>>, vector<1x16xi32>,
    %get3A_1401 = arith.constant 7 : i32
    %get3A_1402 = arith.index_cast %get3A_1401 : i32 to index
    %get3A_1403 = arith.constant 64 : index
    %get3A_1404 = tpu.vector_load %arg8[%get3A_1402, %get3A_1403] {strides = array<i32>} : memref<20x128xi32, #tpu.memory_space<vmem>>, vector<1x16xi32>,
    %get3A_1405 = vector.shape_cast %get3A_1404 : vector<1x16xi32> to vector<16xi32>
    %eq3A_1406 = arith.constant 0 : i32
    %eq3A_1407 = vector.broadcast %eq3A_1406 : i32 to vector<16xi32>
    %eq3A_1408 = arith.cmpi eq, %get3A_1405, %eq3A_1407 : vector<16xi32>
    %select_n3A_1409 = arith.select %eq3A_1408, %add3A_504, %get3A_1405 : vector<16xi1>, vector<16xi32>
    %swap3A_1410 = arith.constant 7 : i32
    %swap3A_1411 = arith.index_cast %swap3A_1410 : i32 to index
    %swap3A_1412 = arith.constant 64 : index
    %swap3A_1413 = tpu.vector_load %arg9[%swap3A_1411, %swap3A_1412] {strides = array<i32>} : memref<20x128xi32, #tpu.memory_space<vmem>>, vector<1x16xi32>,
    %swap3A_1414 = vector.shape_cast %swap3A_1413 : vector<1x16xi32> to vector<16xi32>
    %swap3A_1415 = vector.shape_cast %select_n3A_1409 : vector<16xi32> to vector<1x16xi32>
    tpu.vector_store %arg9[%swap3A_1411, %swap3A_1412], %swap3A_1415 {strides = array<i32>} : memref<20x128xi32, #tpu.memory_space<vmem>>, vector<1x16xi32>,
    %get3A_1416 = arith.constant 7 : i32
    %get3A_1417 = arith.index_cast %get3A_1416 : i32 to index
    %get3A_1418 = arith.constant 80 : index
    %get3A_1419 = tpu.vector_load %arg8[%get3A_1417, %get3A_1418] {strides = array<i32>} : memref<20x128xi32, #tpu.memory_space<vmem>>, vector<1x16xi32>,
    %get3A_1420 = vector.shape_cast %get3A_1419 : vector<1x16xi32> to vector<16xi32>
    %eq3A_1421 = arith.constant 0 : i32
    %eq3A_1422 = vector.broadcast %eq3A_1421 : i32 to vector<16xi32>
    %eq3A_1423 = arith.cmpi eq, %get3A_1420, %eq3A_1422 : vector<16xi32>
    %select_n3A_1424 = arith.select %eq3A_1423, %add3A_504, %get3A_1420 : vector<16xi1>, vector<16xi32>
    %swap3A_1425 = arith.constant 7 : i32
    %swap3A_1426 = arith.index_cast %swap3A_1425 : i32 to index
    %swap3A_1427 = arith.constant 80 : index
    %swap3A_1428 = tpu.vector_load %arg9[%swap3A_1426, %swap3A_1427] {strides = array<i32>} : memref<20x128xi32, #tpu.memory_space<vmem>>, vector<1x16xi32>,
    %swap3A_1429 = vector.shape_cast %swap3A_1428 : vector<1x16xi32> to vector<16xi32>
    %swap3A_1430 = vector.shape_cast %select_n3A_1424 : vector<16xi32> to vector<1x16xi32>
    tpu.vector_store %arg9[%swap3A_1426, %swap3A_1427], %swap3A_1430 {strides = array<i32>} : memref<20x128xi32, #tpu.memory_space<vmem>>, vector<1x16xi32>,
    %get3A_1431 = arith.constant 7 : i32
    %get3A_1432 = arith.index_cast %get3A_1431 : i32 to index
    %get3A_1433 = arith.constant 96 : index
    %get3A_1434 = tpu.vector_load %arg8[%get3A_1432, %get3A_1433] {strides = array<i32>} : memref<20x128xi32, #tpu.memory_space<vmem>>, vector<1x16xi32>,
    %get3A_1435 = vector.shape_cast %get3A_1434 : vector<1x16xi32> to vector<16xi32>
    %eq3A_1436 = arith.constant 0 : i32
    %eq3A_1437 = vector.broadcast %eq3A_1436 : i32 to vector<16xi32>
    %eq3A_1438 = arith.cmpi eq, %get3A_1435, %eq3A_1437 : vector<16xi32>
    %select_n3A_1439 = arith.select %eq3A_1438, %add3A_504, %get3A_1435 : vector<16xi1>, vector<16xi32>
    %swap3A_1440 = arith.constant 7 : i32
    %swap3A_1441 = arith.index_cast %swap3A_1440 : i32 to index
    %swap3A_1442 = arith.constant 96 : index
    %swap3A_1443 = tpu.vector_load %arg9[%swap3A_1441, %swap3A_1442] {strides = array<i32>} : memref<20x128xi32, #tpu.memory_space<vmem>>, vector<1x16xi32>,
    %swap3A_1444 = vector.shape_cast %swap3A_1443 : vector<1x16xi32> to vector<16xi32>
    %swap3A_1445 = vector.shape_cast %select_n3A_1439 : vector<16xi32> to vector<1x16xi32>
    tpu.vector_store %arg9[%swap3A_1441, %swap3A_1442], %swap3A_1445 {strides = array<i32>} : memref<20x128xi32, #tpu.memory_space<vmem>>, vector<1x16xi32>,
    %get3A_1446 = arith.constant 7 : i32
    %get3A_1447 = arith.index_cast %get3A_1446 : i32 to index
    %get3A_1448 = arith.constant 112 : index
    %get3A_1449 = tpu.vector_load %arg8[%get3A_1447, %get3A_1448] {strides = array<i32>} : memref<20x128xi32, #tpu.memory_space<vmem>>, vector<1x16xi32>,
    %get3A_1450 = vector.shape_cast %get3A_1449 : vector<1x16xi32> to vector<16xi32>
    %eq3A_1451 = arith.constant 0 : i32
    %eq3A_1452 = vector.broadcast %eq3A_1451 : i32 to vector<16xi32>
    %eq3A_1453 = arith.cmpi eq, %get3A_1450, %eq3A_1452 : vector<16xi32>
    %select_n3A_1454 = arith.select %eq3A_1453, %add3A_504, %get3A_1450 : vector<16xi1>, vector<16xi32>
    %swap3A_1455 = arith.constant 7 : i32
    %swap3A_1456 = arith.index_cast %swap3A_1455 : i32 to index
    %swap3A_1457 = arith.constant 112 : index
    %swap3A_1458 = tpu.vector_load %arg9[%swap3A_1456, %swap3A_1457] {strides = array<i32>} : memref<20x128xi32, #tpu.memory_space<vmem>>, vector<1x16xi32>,
    %swap3A_1459 = vector.shape_cast %swap3A_1458 : vector<1x16xi32> to vector<16xi32>
    %swap3A_1460 = vector.shape_cast %select_n3A_1454 : vector<16xi32> to vector<1x16xi32>
    tpu.vector_store %arg9[%swap3A_1456, %swap3A_1457], %swap3A_1460 {strides = array<i32>} : memref<20x128xi32, #tpu.memory_space<vmem>>, vector<1x16xi32>,
    %get3A_1461 = arith.constant 8 : i32
    %get3A_1462 = arith.index_cast %get3A_1461 : i32 to index
    %get3A_1463 = arith.constant 0 : index
    %get3A_1464 = tpu.vector_load %arg8[%get3A_1462, %get3A_1463] {strides = array<i32>} : memref<20x128xi32, #tpu.memory_space<vmem>>, vector<1x16xi32>,
    %get3A_1465 = vector.shape_cast %get3A_1464 : vector<1x16xi32> to vector<16xi32>
    %eq3A_1466 = arith.constant 0 : i32
    %eq3A_1467 = vector.broadcast %eq3A_1466 : i32 to vector<16xi32>
    %eq3A_1468 = arith.cmpi eq, %get3A_1465, %eq3A_1467 : vector<16xi32>
    %select_n3A_1469 = arith.select %eq3A_1468, %add3A_504, %get3A_1465 : vector<16xi1>, vector<16xi32>
    %swap3A_1470 = arith.constant 8 : i32
    %swap3A_1471 = arith.index_cast %swap3A_1470 : i32 to index
    %swap3A_1472 = arith.constant 0 : index
    %swap3A_1473 = tpu.vector_load %arg9[%swap3A_1471, %swap3A_1472] {strides = array<i32>} : memref<20x128xi32, #tpu.memory_space<vmem>>, vector<1x16xi32>,
    %swap3A_1474 = vector.shape_cast %swap3A_1473 : vector<1x16xi32> to vector<16xi32>
    %swap3A_1475 = vector.shape_cast %select_n3A_1469 : vector<16xi32> to vector<1x16xi32>
    tpu.vector_store %arg9[%swap3A_1471, %swap3A_1472], %swap3A_1475 {strides = array<i32>} : memref<20x128xi32, #tpu.memory_space<vmem>>, vector<1x16xi32>,
    %get3A_1476 = arith.constant 8 : i32
    %get3A_1477 = arith.index_cast %get3A_1476 : i32 to index
    %get3A_1478 = arith.constant 16 : index
    %get3A_1479 = tpu.vector_load %arg8[%get3A_1477, %get3A_1478] {strides = array<i32>} : memref<20x128xi32, #tpu.memory_space<vmem>>, vector<1x16xi32>,
    %get3A_1480 = vector.shape_cast %get3A_1479 : vector<1x16xi32> to vector<16xi32>
    %eq3A_1481 = arith.constant 0 : i32
    %eq3A_1482 = vector.broadcast %eq3A_1481 : i32 to vector<16xi32>
    %eq3A_1483 = arith.cmpi eq, %get3A_1480, %eq3A_1482 : vector<16xi32>
    %select_n3A_1484 = arith.select %eq3A_1483, %add3A_504, %get3A_1480 : vector<16xi1>, vector<16xi32>
    %swap3A_1485 = arith.constant 8 : i32
    %swap3A_1486 = arith.index_cast %swap3A_1485 : i32 to index
    %swap3A_1487 = arith.constant 16 : index
    %swap3A_1488 = tpu.vector_load %arg9[%swap3A_1486, %swap3A_1487] {strides = array<i32>} : memref<20x128xi32, #tpu.memory_space<vmem>>, vector<1x16xi32>,
    %swap3A_1489 = vector.shape_cast %swap3A_1488 : vector<1x16xi32> to vector<16xi32>
    %swap3A_1490 = vector.shape_cast %select_n3A_1484 : vector<16xi32> to vector<1x16xi32>
    tpu.vector_store %arg9[%swap3A_1486, %swap3A_1487], %swap3A_1490 {strides = array<i32>} : memref<20x128xi32, #tpu.memory_space<vmem>>, vector<1x16xi32>,
    %get3A_1491 = arith.constant 8 : i32
    %get3A_1492 = arith.index_cast %get3A_1491 : i32 to index
    %get3A_1493 = arith.constant 32 : index
    %get3A_1494 = tpu.vector_load %arg8[%get3A_1492, %get3A_1493] {strides = array<i32>} : memref<20x128xi32, #tpu.memory_space<vmem>>, vector<1x16xi32>,
    %get3A_1495 = vector.shape_cast %get3A_1494 : vector<1x16xi32> to vector<16xi32>
    %eq3A_1496 = arith.constant 0 : i32
    %eq3A_1497 = vector.broadcast %eq3A_1496 : i32 to vector<16xi32>
    %eq3A_1498 = arith.cmpi eq, %get3A_1495, %eq3A_1497 : vector<16xi32>
    %select_n3A_1499 = arith.select %eq3A_1498, %add3A_504, %get3A_1495 : vector<16xi1>, vector<16xi32>
    %swap3A_1500 = arith.constant 8 : i32
    %swap3A_1501 = arith.index_cast %swap3A_1500 : i32 to index
    %swap3A_1502 = arith.constant 32 : index
    %swap3A_1503 = tpu.vector_load %arg9[%swap3A_1501, %swap3A_1502] {strides = array<i32>} : memref<20x128xi32, #tpu.memory_space<vmem>>, vector<1x16xi32>,
    %swap3A_1504 = vector.shape_cast %swap3A_1503 : vector<1x16xi32> to vector<16xi32>
    %swap3A_1505 = vector.shape_cast %select_n3A_1499 : vector<16xi32> to vector<1x16xi32>
    tpu.vector_store %arg9[%swap3A_1501, %swap3A_1502], %swap3A_1505 {strides = array<i32>} : memref<20x128xi32, #tpu.memory_space<vmem>>, vector<1x16xi32>,
    %get3A_1506 = arith.constant 8 : i32
    %get3A_1507 = arith.index_cast %get3A_1506 : i32 to index
    %get3A_1508 = arith.constant 48 : index
    %get3A_1509 = tpu.vector_load %arg8[%get3A_1507, %get3A_1508] {strides = array<i32>} : memref<20x128xi32, #tpu.memory_space<vmem>>, vector<1x16xi32>,
    %get3A_1510 = vector.shape_cast %get3A_1509 : vector<1x16xi32> to vector<16xi32>
    %eq3A_1511 = arith.constant 0 : i32
    %eq3A_1512 = vector.broadcast %eq3A_1511 : i32 to vector<16xi32>
    %eq3A_1513 = arith.cmpi eq, %get3A_1510, %eq3A_1512 : vector<16xi32>
    %select_n3A_1514 = arith.select %eq3A_1513, %add3A_504, %get3A_1510 : vector<16xi1>, vector<16xi32>
    %swap3A_1515 = arith.constant 8 : i32
    %swap3A_1516 = arith.index_cast %swap3A_1515 : i32 to index
    %swap3A_1517 = arith.constant 48 : index
    %swap3A_1518 = tpu.vector_load %arg9[%swap3A_1516, %swap3A_1517] {strides = array<i32>} : memref<20x128xi32, #tpu.memory_space<vmem>>, vector<1x16xi32>,
    %swap3A_1519 = vector.shape_cast %swap3A_1518 : vector<1x16xi32> to vector<16xi32>
    %swap3A_1520 = vector.shape_cast %select_n3A_1514 : vector<16xi32> to vector<1x16xi32>
    tpu.vector_store %arg9[%swap3A_1516, %swap3A_1517], %swap3A_1520 {strides = array<i32>} : memref<20x128xi32, #tpu.memory_space<vmem>>, vector<1x16xi32>,
    %get3A_1521 = arith.constant 8 : i32
    %get3A_1522 = arith.index_cast %get3A_1521 : i32 to index
    %get3A_1523 = arith.constant 64 : index
    %get3A_1524 = tpu.vector_load %arg8[%get3A_1522, %get3A_1523] {strides = array<i32>} : memref<20x128xi32, #tpu.memory_space<vmem>>, vector<1x16xi32>,
    %get3A_1525 = vector.shape_cast %get3A_1524 : vector<1x16xi32> to vector<16xi32>
    %eq3A_1526 = arith.constant 0 : i32
    %eq3A_1527 = vector.broadcast %eq3A_1526 : i32 to vector<16xi32>
    %eq3A_1528 = arith.cmpi eq, %get3A_1525, %eq3A_1527 : vector<16xi32>
    %select_n3A_1529 = arith.select %eq3A_1528, %add3A_504, %get3A_1525 : vector<16xi1>, vector<16xi32>
    %swap3A_1530 = arith.constant 8 : i32
    %swap3A_1531 = arith.index_cast %swap3A_1530 : i32 to index
    %swap3A_1532 = arith.constant 64 : index
    %swap3A_1533 = tpu.vector_load %arg9[%swap3A_1531, %swap3A_1532] {strides = array<i32>} : memref<20x128xi32, #tpu.memory_space<vmem>>, vector<1x16xi32>,
    %swap3A_1534 = vector.shape_cast %swap3A_1533 : vector<1x16xi32> to vector<16xi32>
    %swap3A_1535 = vector.shape_cast %select_n3A_1529 : vector<16xi32> to vector<1x16xi32>
    tpu.vector_store %arg9[%swap3A_1531, %swap3A_1532], %swap3A_1535 {strides = array<i32>} : memref<20x128xi32, #tpu.memory_space<vmem>>, vector<1x16xi32>,
    %get3A_1536 = arith.constant 8 : i32
    %get3A_1537 = arith.index_cast %get3A_1536 : i32 to index
    %get3A_1538 = arith.constant 80 : index
    %get3A_1539 = tpu.vector_load %arg8[%get3A_1537, %get3A_1538] {strides = array<i32>} : memref<20x128xi32, #tpu.memory_space<vmem>>, vector<1x16xi32>,
    %get3A_1540 = vector.shape_cast %get3A_1539 : vector<1x16xi32> to vector<16xi32>
    %eq3A_1541 = arith.constant 0 : i32
    %eq3A_1542 = vector.broadcast %eq3A_1541 : i32 to vector<16xi32>
    %eq3A_1543 = arith.cmpi eq, %get3A_1540, %eq3A_1542 : vector<16xi32>
    %select_n3A_1544 = arith.select %eq3A_1543, %add3A_504, %get3A_1540 : vector<16xi1>, vector<16xi32>
    %swap3A_1545 = arith.constant 8 : i32
    %swap3A_1546 = arith.index_cast %swap3A_1545 : i32 to index
    %swap3A_1547 = arith.constant 80 : index
    %swap3A_1548 = tpu.vector_load %arg9[%swap3A_1546, %swap3A_1547] {strides = array<i32>} : memref<20x128xi32, #tpu.memory_space<vmem>>, vector<1x16xi32>,
    %swap3A_1549 = vector.shape_cast %swap3A_1548 : vector<1x16xi32> to vector<16xi32>
    %swap3A_1550 = vector.shape_cast %select_n3A_1544 : vector<16xi32> to vector<1x16xi32>
    tpu.vector_store %arg9[%swap3A_1546, %swap3A_1547], %swap3A_1550 {strides = array<i32>} : memref<20x128xi32, #tpu.memory_space<vmem>>, vector<1x16xi32>,
    %get3A_1551 = arith.constant 8 : i32
    %get3A_1552 = arith.index_cast %get3A_1551 : i32 to index
    %get3A_1553 = arith.constant 96 : index
    %get3A_1554 = tpu.vector_load %arg8[%get3A_1552, %get3A_1553] {strides = array<i32>} : memref<20x128xi32, #tpu.memory_space<vmem>>, vector<1x16xi32>,
    %get3A_1555 = vector.shape_cast %get3A_1554 : vector<1x16xi32> to vector<16xi32>
    %eq3A_1556 = arith.constant 0 : i32
    %eq3A_1557 = vector.broadcast %eq3A_1556 : i32 to vector<16xi32>
    %eq3A_1558 = arith.cmpi eq, %get3A_1555, %eq3A_1557 : vector<16xi32>
    %select_n3A_1559 = arith.select %eq3A_1558, %add3A_504, %get3A_1555 : vector<16xi1>, vector<16xi32>
    %swap3A_1560 = arith.constant 8 : i32
    %swap3A_1561 = arith.index_cast %swap3A_1560 : i32 to index
    %swap3A_1562 = arith.constant 96 : index
    %swap3A_1563 = tpu.vector_load %arg9[%swap3A_1561, %swap3A_1562] {strides = array<i32>} : memref<20x128xi32, #tpu.memory_space<vmem>>, vector<1x16xi32>,
    %swap3A_1564 = vector.shape_cast %swap3A_1563 : vector<1x16xi32> to vector<16xi32>
    %swap3A_1565 = vector.shape_cast %select_n3A_1559 : vector<16xi32> to vector<1x16xi32>
    tpu.vector_store %arg9[%swap3A_1561, %swap3A_1562], %swap3A_1565 {strides = array<i32>} : memref<20x128xi32, #tpu.memory_space<vmem>>, vector<1x16xi32>,
    %get3A_1566 = arith.constant 8 : i32
    %get3A_1567 = arith.index_cast %get3A_1566 : i32 to index
    %get3A_1568 = arith.constant 112 : index
    %get3A_1569 = tpu.vector_load %arg8[%get3A_1567, %get3A_1568] {strides = array<i32>} : memref<20x128xi32, #tpu.memory_space<vmem>>, vector<1x16xi32>,
    %get3A_1570 = vector.shape_cast %get3A_1569 : vector<1x16xi32> to vector<16xi32>
    %eq3A_1571 = arith.constant 0 : i32
    %eq3A_1572 = vector.broadcast %eq3A_1571 : i32 to vector<16xi32>
    %eq3A_1573 = arith.cmpi eq, %get3A_1570, %eq3A_1572 : vector<16xi32>
    %select_n3A_1574 = arith.select %eq3A_1573, %add3A_504, %get3A_1570 : vector<16xi1>, vector<16xi32>
    %swap3A_1575 = arith.constant 8 : i32
    %swap3A_1576 = arith.index_cast %swap3A_1575 : i32 to index
    %swap3A_1577 = arith.constant 112 : index
    %swap3A_1578 = tpu.vector_load %arg9[%swap3A_1576, %swap3A_1577] {strides = array<i32>} : memref<20x128xi32, #tpu.memory_space<vmem>>, vector<1x16xi32>,
    %swap3A_1579 = vector.shape_cast %swap3A_1578 : vector<1x16xi32> to vector<16xi32>
    %swap3A_1580 = vector.shape_cast %select_n3A_1574 : vector<16xi32> to vector<1x16xi32>
    tpu.vector_store %arg9[%swap3A_1576, %swap3A_1577], %swap3A_1580 {strides = array<i32>} : memref<20x128xi32, #tpu.memory_space<vmem>>, vector<1x16xi32>,
    %get3A_1581 = arith.constant 9 : i32
    %get3A_1582 = arith.index_cast %get3A_1581 : i32 to index
    %get3A_1583 = arith.constant 0 : index
    %get3A_1584 = tpu.vector_load %arg8[%get3A_1582, %get3A_1583] {strides = array<i32>} : memref<20x128xi32, #tpu.memory_space<vmem>>, vector<1x16xi32>,
    %get3A_1585 = vector.shape_cast %get3A_1584 : vector<1x16xi32> to vector<16xi32>
    %eq3A_1586 = arith.constant 0 : i32
    %eq3A_1587 = vector.broadcast %eq3A_1586 : i32 to vector<16xi32>
    %eq3A_1588 = arith.cmpi eq, %get3A_1585, %eq3A_1587 : vector<16xi32>
    %select_n3A_1589 = arith.select %eq3A_1588, %add3A_504, %get3A_1585 : vector<16xi1>, vector<16xi32>
    %swap3A_1590 = arith.constant 9 : i32
    %swap3A_1591 = arith.index_cast %swap3A_1590 : i32 to index
    %swap3A_1592 = arith.constant 0 : index
    %swap3A_1593 = tpu.vector_load %arg9[%swap3A_1591, %swap3A_1592] {strides = array<i32>} : memref<20x128xi32, #tpu.memory_space<vmem>>, vector<1x16xi32>,
    %swap3A_1594 = vector.shape_cast %swap3A_1593 : vector<1x16xi32> to vector<16xi32>
    %swap3A_1595 = vector.shape_cast %select_n3A_1589 : vector<16xi32> to vector<1x16xi32>
    tpu.vector_store %arg9[%swap3A_1591, %swap3A_1592], %swap3A_1595 {strides = array<i32>} : memref<20x128xi32, #tpu.memory_space<vmem>>, vector<1x16xi32>,
    %get3A_1596 = arith.constant 9 : i32
    %get3A_1597 = arith.index_cast %get3A_1596 : i32 to index
    %get3A_1598 = arith.constant 16 : index
    %get3A_1599 = tpu.vector_load %arg8[%get3A_1597, %get3A_1598] {strides = array<i32>} : memref<20x128xi32, #tpu.memory_space<vmem>>, vector<1x16xi32>,
    %get3A_1600 = vector.shape_cast %get3A_1599 : vector<1x16xi32> to vector<16xi32>
    %eq3A_1601 = arith.constant 0 : i32
    %eq3A_1602 = vector.broadcast %eq3A_1601 : i32 to vector<16xi32>
    %eq3A_1603 = arith.cmpi eq, %get3A_1600, %eq3A_1602 : vector<16xi32>
    %select_n3A_1604 = arith.select %eq3A_1603, %add3A_504, %get3A_1600 : vector<16xi1>, vector<16xi32>
    %swap3A_1605 = arith.constant 9 : i32
    %swap3A_1606 = arith.index_cast %swap3A_1605 : i32 to index
    %swap3A_1607 = arith.constant 16 : index
    %swap3A_1608 = tpu.vector_load %arg9[%swap3A_1606, %swap3A_1607] {strides = array<i32>} : memref<20x128xi32, #tpu.memory_space<vmem>>, vector<1x16xi32>,
    %swap3A_1609 = vector.shape_cast %swap3A_1608 : vector<1x16xi32> to vector<16xi32>
    %swap3A_1610 = vector.shape_cast %select_n3A_1604 : vector<16xi32> to vector<1x16xi32>
    tpu.vector_store %arg9[%swap3A_1606, %swap3A_1607], %swap3A_1610 {strides = array<i32>} : memref<20x128xi32, #tpu.memory_space<vmem>>, vector<1x16xi32>,
    %get3A_1611 = arith.constant 9 : i32
    %get3A_1612 = arith.index_cast %get3A_1611 : i32 to index
    %get3A_1613 = arith.constant 32 : index
    %get3A_1614 = tpu.vector_load %arg8[%get3A_1612, %get3A_1613] {strides = array<i32>} : memref<20x128xi32, #tpu.memory_space<vmem>>, vector<1x16xi32>,
    %get3A_1615 = vector.shape_cast %get3A_1614 : vector<1x16xi32> to vector<16xi32>
    %eq3A_1616 = arith.constant 0 : i32
    %eq3A_1617 = vector.broadcast %eq3A_1616 : i32 to vector<16xi32>
    %eq3A_1618 = arith.cmpi eq, %get3A_1615, %eq3A_1617 : vector<16xi32>
    %select_n3A_1619 = arith.select %eq3A_1618, %add3A_504, %get3A_1615 : vector<16xi1>, vector<16xi32>
    %swap3A_1620 = arith.constant 9 : i32
    %swap3A_1621 = arith.index_cast %swap3A_1620 : i32 to index
    %swap3A_1622 = arith.constant 32 : index
    %swap3A_1623 = tpu.vector_load %arg9[%swap3A_1621, %swap3A_1622] {strides = array<i32>} : memref<20x128xi32, #tpu.memory_space<vmem>>, vector<1x16xi32>,
    %swap3A_1624 = vector.shape_cast %swap3A_1623 : vector<1x16xi32> to vector<16xi32>
    %swap3A_1625 = vector.shape_cast %select_n3A_1619 : vector<16xi32> to vector<1x16xi32>
    tpu.vector_store %arg9[%swap3A_1621, %swap3A_1622], %swap3A_1625 {strides = array<i32>} : memref<20x128xi32, #tpu.memory_space<vmem>>, vector<1x16xi32>,
    %get3A_1626 = arith.constant 9 : i32
    %get3A_1627 = arith.index_cast %get3A_1626 : i32 to index
    %get3A_1628 = arith.constant 48 : index
    %get3A_1629 = tpu.vector_load %arg8[%get3A_1627, %get3A_1628] {strides = array<i32>} : memref<20x128xi32, #tpu.memory_space<vmem>>, vector<1x16xi32>,
    %get3A_1630 = vector.shape_cast %get3A_1629 : vector<1x16xi32> to vector<16xi32>
    %eq3A_1631 = arith.constant 0 : i32
    %eq3A_1632 = vector.broadcast %eq3A_1631 : i32 to vector<16xi32>
    %eq3A_1633 = arith.cmpi eq, %get3A_1630, %eq3A_1632 : vector<16xi32>
    %select_n3A_1634 = arith.select %eq3A_1633, %add3A_504, %get3A_1630 : vector<16xi1>, vector<16xi32>
    %swap3A_1635 = arith.constant 9 : i32
    %swap3A_1636 = arith.index_cast %swap3A_1635 : i32 to index
    %swap3A_1637 = arith.constant 48 : index
    %swap3A_1638 = tpu.vector_load %arg9[%swap3A_1636, %swap3A_1637] {strides = array<i32>} : memref<20x128xi32, #tpu.memory_space<vmem>>, vector<1x16xi32>,
    %swap3A_1639 = vector.shape_cast %swap3A_1638 : vector<1x16xi32> to vector<16xi32>
    %swap3A_1640 = vector.shape_cast %select_n3A_1634 : vector<16xi32> to vector<1x16xi32>
    tpu.vector_store %arg9[%swap3A_1636, %swap3A_1637], %swap3A_1640 {strides = array<i32>} : memref<20x128xi32, #tpu.memory_space<vmem>>, vector<1x16xi32>,
    %get3A_1641 = arith.constant 9 : i32
    %get3A_1642 = arith.index_cast %get3A_1641 : i32 to index
    %get3A_1643 = arith.constant 64 : index
    %get3A_1644 = tpu.vector_load %arg8[%get3A_1642, %get3A_1643] {strides = array<i32>} : memref<20x128xi32, #tpu.memory_space<vmem>>, vector<1x16xi32>,
    %get3A_1645 = vector.shape_cast %get3A_1644 : vector<1x16xi32> to vector<16xi32>
    %eq3A_1646 = arith.constant 0 : i32
    %eq3A_1647 = vector.broadcast %eq3A_1646 : i32 to vector<16xi32>
    %eq3A_1648 = arith.cmpi eq, %get3A_1645, %eq3A_1647 : vector<16xi32>
    %select_n3A_1649 = arith.select %eq3A_1648, %add3A_504, %get3A_1645 : vector<16xi1>, vector<16xi32>
    %swap3A_1650 = arith.constant 9 : i32
    %swap3A_1651 = arith.index_cast %swap3A_1650 : i32 to index
    %swap3A_1652 = arith.constant 64 : index
    %swap3A_1653 = tpu.vector_load %arg9[%swap3A_1651, %swap3A_1652] {strides = array<i32>} : memref<20x128xi32, #tpu.memory_space<vmem>>, vector<1x16xi32>,
    %swap3A_1654 = vector.shape_cast %swap3A_1653 : vector<1x16xi32> to vector<16xi32>
    %swap3A_1655 = vector.shape_cast %select_n3A_1649 : vector<16xi32> to vector<1x16xi32>
    tpu.vector_store %arg9[%swap3A_1651, %swap3A_1652], %swap3A_1655 {strides = array<i32>} : memref<20x128xi32, #tpu.memory_space<vmem>>, vector<1x16xi32>,
    %get3A_1656 = arith.constant 9 : i32
    %get3A_1657 = arith.index_cast %get3A_1656 : i32 to index
    %get3A_1658 = arith.constant 80 : index
    %get3A_1659 = tpu.vector_load %arg8[%get3A_1657, %get3A_1658] {strides = array<i32>} : memref<20x128xi32, #tpu.memory_space<vmem>>, vector<1x16xi32>,
    %get3A_1660 = vector.shape_cast %get3A_1659 : vector<1x16xi32> to vector<16xi32>
    %eq3A_1661 = arith.constant 0 : i32
    %eq3A_1662 = vector.broadcast %eq3A_1661 : i32 to vector<16xi32>
    %eq3A_1663 = arith.cmpi eq, %get3A_1660, %eq3A_1662 : vector<16xi32>
    %select_n3A_1664 = arith.select %eq3A_1663, %add3A_504, %get3A_1660 : vector<16xi1>, vector<16xi32>
    %swap3A_1665 = arith.constant 9 : i32
    %swap3A_1666 = arith.index_cast %swap3A_1665 : i32 to index
    %swap3A_1667 = arith.constant 80 : index
    %swap3A_1668 = tpu.vector_load %arg9[%swap3A_1666, %swap3A_1667] {strides = array<i32>} : memref<20x128xi32, #tpu.memory_space<vmem>>, vector<1x16xi32>,
    %swap3A_1669 = vector.shape_cast %swap3A_1668 : vector<1x16xi32> to vector<16xi32>
    %swap3A_1670 = vector.shape_cast %select_n3A_1664 : vector<16xi32> to vector<1x16xi32>
    tpu.vector_store %arg9[%swap3A_1666, %swap3A_1667], %swap3A_1670 {strides = array<i32>} : memref<20x128xi32, #tpu.memory_space<vmem>>, vector<1x16xi32>,
    %get3A_1671 = arith.constant 9 : i32
    %get3A_1672 = arith.index_cast %get3A_1671 : i32 to index
    %get3A_1673 = arith.constant 96 : index
    %get3A_1674 = tpu.vector_load %arg8[%get3A_1672, %get3A_1673] {strides = array<i32>} : memref<20x128xi32, #tpu.memory_space<vmem>>, vector<1x16xi32>,
    %get3A_1675 = vector.shape_cast %get3A_1674 : vector<1x16xi32> to vector<16xi32>
    %eq3A_1676 = arith.constant 0 : i32
    %eq3A_1677 = vector.broadcast %eq3A_1676 : i32 to vector<16xi32>
    %eq3A_1678 = arith.cmpi eq, %get3A_1675, %eq3A_1677 : vector<16xi32>
    %select_n3A_1679 = arith.select %eq3A_1678, %add3A_504, %get3A_1675 : vector<16xi1>, vector<16xi32>
    %swap3A_1680 = arith.constant 9 : i32
    %swap3A_1681 = arith.index_cast %swap3A_1680 : i32 to index
    %swap3A_1682 = arith.constant 96 : index
    %swap3A_1683 = tpu.vector_load %arg9[%swap3A_1681, %swap3A_1682] {strides = array<i32>} : memref<20x128xi32, #tpu.memory_space<vmem>>, vector<1x16xi32>,
    %swap3A_1684 = vector.shape_cast %swap3A_1683 : vector<1x16xi32> to vector<16xi32>
    %swap3A_1685 = vector.shape_cast %select_n3A_1679 : vector<16xi32> to vector<1x16xi32>
    tpu.vector_store %arg9[%swap3A_1681, %swap3A_1682], %swap3A_1685 {strides = array<i32>} : memref<20x128xi32, #tpu.memory_space<vmem>>, vector<1x16xi32>,
    %get3A_1686 = arith.constant 9 : i32
    %get3A_1687 = arith.index_cast %get3A_1686 : i32 to index
    %get3A_1688 = arith.constant 112 : index
    %get3A_1689 = tpu.vector_load %arg8[%get3A_1687, %get3A_1688] {strides = array<i32>} : memref<20x128xi32, #tpu.memory_space<vmem>>, vector<1x16xi32>,
    %get3A_1690 = vector.shape_cast %get3A_1689 : vector<1x16xi32> to vector<16xi32>
    %eq3A_1691 = arith.constant 0 : i32
    %eq3A_1692 = vector.broadcast %eq3A_1691 : i32 to vector<16xi32>
    %eq3A_1693 = arith.cmpi eq, %get3A_1690, %eq3A_1692 : vector<16xi32>
    %select_n3A_1694 = arith.select %eq3A_1693, %add3A_504, %get3A_1690 : vector<16xi1>, vector<16xi32>
    %swap3A_1695 = arith.constant 9 : i32
    %swap3A_1696 = arith.index_cast %swap3A_1695 : i32 to index
    %swap3A_1697 = arith.constant 112 : index
    %swap3A_1698 = tpu.vector_load %arg9[%swap3A_1696, %swap3A_1697] {strides = array<i32>} : memref<20x128xi32, #tpu.memory_space<vmem>>, vector<1x16xi32>,
    %swap3A_1699 = vector.shape_cast %swap3A_1698 : vector<1x16xi32> to vector<16xi32>
    %swap3A_1700 = vector.shape_cast %select_n3A_1694 : vector<16xi32> to vector<1x16xi32>
    tpu.vector_store %arg9[%swap3A_1696, %swap3A_1697], %swap3A_1700 {strides = array<i32>} : memref<20x128xi32, #tpu.memory_space<vmem>>, vector<1x16xi32>,
    %get3A_1701 = arith.constant 10 : i32
    %get3A_1702 = arith.index_cast %get3A_1701 : i32 to index
    %get3A_1703 = arith.constant 0 : index
    %get3A_1704 = tpu.vector_load %arg8[%get3A_1702, %get3A_1703] {strides = array<i32>} : memref<20x128xi32, #tpu.memory_space<vmem>>, vector<1x16xi32>,
    %get3A_1705 = vector.shape_cast %get3A_1704 : vector<1x16xi32> to vector<16xi32>
    %eq3A_1706 = arith.constant 0 : i32
    %eq3A_1707 = vector.broadcast %eq3A_1706 : i32 to vector<16xi32>
    %eq3A_1708 = arith.cmpi eq, %get3A_1705, %eq3A_1707 : vector<16xi32>
    %select_n3A_1709 = arith.select %eq3A_1708, %add3A_504, %get3A_1705 : vector<16xi1>, vector<16xi32>
    %swap3A_1710 = arith.constant 10 : i32
    %swap3A_1711 = arith.index_cast %swap3A_1710 : i32 to index
    %swap3A_1712 = arith.constant 0 : index
    %swap3A_1713 = tpu.vector_load %arg9[%swap3A_1711, %swap3A_1712] {strides = array<i32>} : memref<20x128xi32, #tpu.memory_space<vmem>>, vector<1x16xi32>,
    %swap3A_1714 = vector.shape_cast %swap3A_1713 : vector<1x16xi32> to vector<16xi32>
    %swap3A_1715 = vector.shape_cast %select_n3A_1709 : vector<16xi32> to vector<1x16xi32>
    tpu.vector_store %arg9[%swap3A_1711, %swap3A_1712], %swap3A_1715 {strides = array<i32>} : memref<20x128xi32, #tpu.memory_space<vmem>>, vector<1x16xi32>,
    %get3A_1716 = arith.constant 10 : i32
    %get3A_1717 = arith.index_cast %get3A_1716 : i32 to index
    %get3A_1718 = arith.constant 16 : index
    %get3A_1719 = tpu.vector_load %arg8[%get3A_1717, %get3A_1718] {strides = array<i32>} : memref<20x128xi32, #tpu.memory_space<vmem>>, vector<1x16xi32>,
    %get3A_1720 = vector.shape_cast %get3A_1719 : vector<1x16xi32> to vector<16xi32>
    %eq3A_1721 = arith.constant 0 : i32
    %eq3A_1722 = vector.broadcast %eq3A_1721 : i32 to vector<16xi32>
    %eq3A_1723 = arith.cmpi eq, %get3A_1720, %eq3A_1722 : vector<16xi32>
    %select_n3A_1724 = arith.select %eq3A_1723, %add3A_504, %get3A_1720 : vector<16xi1>, vector<16xi32>
    %swap3A_1725 = arith.constant 10 : i32
    %swap3A_1726 = arith.index_cast %swap3A_1725 : i32 to index
    %swap3A_1727 = arith.constant 16 : index
    %swap3A_1728 = tpu.vector_load %arg9[%swap3A_1726, %swap3A_1727] {strides = array<i32>} : memref<20x128xi32, #tpu.memory_space<vmem>>, vector<1x16xi32>,
    %swap3A_1729 = vector.shape_cast %swap3A_1728 : vector<1x16xi32> to vector<16xi32>
    %swap3A_1730 = vector.shape_cast %select_n3A_1724 : vector<16xi32> to vector<1x16xi32>
    tpu.vector_store %arg9[%swap3A_1726, %swap3A_1727], %swap3A_1730 {strides = array<i32>} : memref<20x128xi32, #tpu.memory_space<vmem>>, vector<1x16xi32>,
    %get3A_1731 = arith.constant 10 : i32
    %get3A_1732 = arith.index_cast %get3A_1731 : i32 to index
    %get3A_1733 = arith.constant 32 : index
    %get3A_1734 = tpu.vector_load %arg8[%get3A_1732, %get3A_1733] {strides = array<i32>} : memref<20x128xi32, #tpu.memory_space<vmem>>, vector<1x16xi32>,
    %get3A_1735 = vector.shape_cast %get3A_1734 : vector<1x16xi32> to vector<16xi32>
    %eq3A_1736 = arith.constant 0 : i32
    %eq3A_1737 = vector.broadcast %eq3A_1736 : i32 to vector<16xi32>
    %eq3A_1738 = arith.cmpi eq, %get3A_1735, %eq3A_1737 : vector<16xi32>
    %select_n3A_1739 = arith.select %eq3A_1738, %add3A_504, %get3A_1735 : vector<16xi1>, vector<16xi32>
    %swap3A_1740 = arith.constant 10 : i32
    %swap3A_1741 = arith.index_cast %swap3A_1740 : i32 to index
    %swap3A_1742 = arith.constant 32 : index
    %swap3A_1743 = tpu.vector_load %arg9[%swap3A_1741, %swap3A_1742] {strides = array<i32>} : memref<20x128xi32, #tpu.memory_space<vmem>>, vector<1x16xi32>,
    %swap3A_1744 = vector.shape_cast %swap3A_1743 : vector<1x16xi32> to vector<16xi32>
    %swap3A_1745 = vector.shape_cast %select_n3A_1739 : vector<16xi32> to vector<1x16xi32>
    tpu.vector_store %arg9[%swap3A_1741, %swap3A_1742], %swap3A_1745 {strides = array<i32>} : memref<20x128xi32, #tpu.memory_space<vmem>>, vector<1x16xi32>,
    %get3A_1746 = arith.constant 10 : i32
    %get3A_1747 = arith.index_cast %get3A_1746 : i32 to index
    %get3A_1748 = arith.constant 48 : index
    %get3A_1749 = tpu.vector_load %arg8[%get3A_1747, %get3A_1748] {strides = array<i32>} : memref<20x128xi32, #tpu.memory_space<vmem>>, vector<1x16xi32>,
    %get3A_1750 = vector.shape_cast %get3A_1749 : vector<1x16xi32> to vector<16xi32>
    %eq3A_1751 = arith.constant 0 : i32
    %eq3A_1752 = vector.broadcast %eq3A_1751 : i32 to vector<16xi32>
    %eq3A_1753 = arith.cmpi eq, %get3A_1750, %eq3A_1752 : vector<16xi32>
    %select_n3A_1754 = arith.select %eq3A_1753, %add3A_504, %get3A_1750 : vector<16xi1>, vector<16xi32>
    %swap3A_1755 = arith.constant 10 : i32
    %swap3A_1756 = arith.index_cast %swap3A_1755 : i32 to index
    %swap3A_1757 = arith.constant 48 : index
    %swap3A_1758 = tpu.vector_load %arg9[%swap3A_1756, %swap3A_1757] {strides = array<i32>} : memref<20x128xi32, #tpu.memory_space<vmem>>, vector<1x16xi32>,
    %swap3A_1759 = vector.shape_cast %swap3A_1758 : vector<1x16xi32> to vector<16xi32>
    %swap3A_1760 = vector.shape_cast %select_n3A_1754 : vector<16xi32> to vector<1x16xi32>
    tpu.vector_store %arg9[%swap3A_1756, %swap3A_1757], %swap3A_1760 {strides = array<i32>} : memref<20x128xi32, #tpu.memory_space<vmem>>, vector<1x16xi32>,
    %get3A_1761 = arith.constant 10 : i32
    %get3A_1762 = arith.index_cast %get3A_1761 : i32 to index
    %get3A_1763 = arith.constant 64 : index
    %get3A_1764 = tpu.vector_load %arg8[%get3A_1762, %get3A_1763] {strides = array<i32>} : memref<20x128xi32, #tpu.memory_space<vmem>>, vector<1x16xi32>,
    %get3A_1765 = vector.shape_cast %get3A_1764 : vector<1x16xi32> to vector<16xi32>
    %eq3A_1766 = arith.constant 0 : i32
    %eq3A_1767 = vector.broadcast %eq3A_1766 : i32 to vector<16xi32>
    %eq3A_1768 = arith.cmpi eq, %get3A_1765, %eq3A_1767 : vector<16xi32>
    %select_n3A_1769 = arith.select %eq3A_1768, %add3A_504, %get3A_1765 : vector<16xi1>, vector<16xi32>
    %swap3A_1770 = arith.constant 10 : i32
    %swap3A_1771 = arith.index_cast %swap3A_1770 : i32 to index
    %swap3A_1772 = arith.constant 64 : index
    %swap3A_1773 = tpu.vector_load %arg9[%swap3A_1771, %swap3A_1772] {strides = array<i32>} : memref<20x128xi32, #tpu.memory_space<vmem>>, vector<1x16xi32>,
    %swap3A_1774 = vector.shape_cast %swap3A_1773 : vector<1x16xi32> to vector<16xi32>
    %swap3A_1775 = vector.shape_cast %select_n3A_1769 : vector<16xi32> to vector<1x16xi32>
    tpu.vector_store %arg9[%swap3A_1771, %swap3A_1772], %swap3A_1775 {strides = array<i32>} : memref<20x128xi32, #tpu.memory_space<vmem>>, vector<1x16xi32>,
    %get3A_1776 = arith.constant 10 : i32
    %get3A_1777 = arith.index_cast %get3A_1776 : i32 to index
    %get3A_1778 = arith.constant 80 : index
    %get3A_1779 = tpu.vector_load %arg8[%get3A_1777, %get3A_1778] {strides = array<i32>} : memref<20x128xi32, #tpu.memory_space<vmem>>, vector<1x16xi32>,
    %get3A_1780 = vector.shape_cast %get3A_1779 : vector<1x16xi32> to vector<16xi32>
    %eq3A_1781 = arith.constant 0 : i32
    %eq3A_1782 = vector.broadcast %eq3A_1781 : i32 to vector<16xi32>
    %eq3A_1783 = arith.cmpi eq, %get3A_1780, %eq3A_1782 : vector<16xi32>
    %select_n3A_1784 = arith.select %eq3A_1783, %add3A_504, %get3A_1780 : vector<16xi1>, vector<16xi32>
    %swap3A_1785 = arith.constant 10 : i32
    %swap3A_1786 = arith.index_cast %swap3A_1785 : i32 to index
    %swap3A_1787 = arith.constant 80 : index
    %swap3A_1788 = tpu.vector_load %arg9[%swap3A_1786, %swap3A_1787] {strides = array<i32>} : memref<20x128xi32, #tpu.memory_space<vmem>>, vector<1x16xi32>,
    %swap3A_1789 = vector.shape_cast %swap3A_1788 : vector<1x16xi32> to vector<16xi32>
    %swap3A_1790 = vector.shape_cast %select_n3A_1784 : vector<16xi32> to vector<1x16xi32>
    tpu.vector_store %arg9[%swap3A_1786, %swap3A_1787], %swap3A_1790 {strides = array<i32>} : memref<20x128xi32, #tpu.memory_space<vmem>>, vector<1x16xi32>,
    %get3A_1791 = arith.constant 10 : i32
    %get3A_1792 = arith.index_cast %get3A_1791 : i32 to index
    %get3A_1793 = arith.constant 96 : index
    %get3A_1794 = tpu.vector_load %arg8[%get3A_1792, %get3A_1793] {strides = array<i32>} : memref<20x128xi32, #tpu.memory_space<vmem>>, vector<1x16xi32>,
    %get3A_1795 = vector.shape_cast %get3A_1794 : vector<1x16xi32> to vector<16xi32>
    %eq3A_1796 = arith.constant 0 : i32
    %eq3A_1797 = vector.broadcast %eq3A_1796 : i32 to vector<16xi32>
    %eq3A_1798 = arith.cmpi eq, %get3A_1795, %eq3A_1797 : vector<16xi32>
    %select_n3A_1799 = arith.select %eq3A_1798, %add3A_504, %get3A_1795 : vector<16xi1>, vector<16xi32>
    %swap3A_1800 = arith.constant 10 : i32
    %swap3A_1801 = arith.index_cast %swap3A_1800 : i32 to index
    %swap3A_1802 = arith.constant 96 : index
    %swap3A_1803 = tpu.vector_load %arg9[%swap3A_1801, %swap3A_1802] {strides = array<i32>} : memref<20x128xi32, #tpu.memory_space<vmem>>, vector<1x16xi32>,
    %swap3A_1804 = vector.shape_cast %swap3A_1803 : vector<1x16xi32> to vector<16xi32>
    %swap3A_1805 = vector.shape_cast %select_n3A_1799 : vector<16xi32> to vector<1x16xi32>
    tpu.vector_store %arg9[%swap3A_1801, %swap3A_1802], %swap3A_1805 {strides = array<i32>} : memref<20x128xi32, #tpu.memory_space<vmem>>, vector<1x16xi32>,
    %get3A_1806 = arith.constant 10 : i32
    %get3A_1807 = arith.index_cast %get3A_1806 : i32 to index
    %get3A_1808 = arith.constant 112 : index
    %get3A_1809 = tpu.vector_load %arg8[%get3A_1807, %get3A_1808] {strides = array<i32>} : memref<20x128xi32, #tpu.memory_space<vmem>>, vector<1x16xi32>,
    %get3A_1810 = vector.shape_cast %get3A_1809 : vector<1x16xi32> to vector<16xi32>
    %eq3A_1811 = arith.constant 0 : i32
    %eq3A_1812 = vector.broadcast %eq3A_1811 : i32 to vector<16xi32>
    %eq3A_1813 = arith.cmpi eq, %get3A_1810, %eq3A_1812 : vector<16xi32>
    %select_n3A_1814 = arith.select %eq3A_1813, %add3A_504, %get3A_1810 : vector<16xi1>, vector<16xi32>
    %swap3A_1815 = arith.constant 10 : i32
    %swap3A_1816 = arith.index_cast %swap3A_1815 : i32 to index
    %swap3A_1817 = arith.constant 112 : index
    %swap3A_1818 = tpu.vector_load %arg9[%swap3A_1816, %swap3A_1817] {strides = array<i32>} : memref<20x128xi32, #tpu.memory_space<vmem>>, vector<1x16xi32>,
    %swap3A_1819 = vector.shape_cast %swap3A_1818 : vector<1x16xi32> to vector<16xi32>
    %swap3A_1820 = vector.shape_cast %select_n3A_1814 : vector<16xi32> to vector<1x16xi32>
    tpu.vector_store %arg9[%swap3A_1816, %swap3A_1817], %swap3A_1820 {strides = array<i32>} : memref<20x128xi32, #tpu.memory_space<vmem>>, vector<1x16xi32>,
    %get3A_1821 = arith.constant 11 : i32
    %get3A_1822 = arith.index_cast %get3A_1821 : i32 to index
    %get3A_1823 = arith.constant 0 : index
    %get3A_1824 = tpu.vector_load %arg8[%get3A_1822, %get3A_1823] {strides = array<i32>} : memref<20x128xi32, #tpu.memory_space<vmem>>, vector<1x16xi32>,
    %get3A_1825 = vector.shape_cast %get3A_1824 : vector<1x16xi32> to vector<16xi32>
    %eq3A_1826 = arith.constant 0 : i32
    %eq3A_1827 = vector.broadcast %eq3A_1826 : i32 to vector<16xi32>
    %eq3A_1828 = arith.cmpi eq, %get3A_1825, %eq3A_1827 : vector<16xi32>
    %select_n3A_1829 = arith.select %eq3A_1828, %add3A_504, %get3A_1825 : vector<16xi1>, vector<16xi32>
    %swap3A_1830 = arith.constant 11 : i32
    %swap3A_1831 = arith.index_cast %swap3A_1830 : i32 to index
    %swap3A_1832 = arith.constant 0 : index
    %swap3A_1833 = tpu.vector_load %arg9[%swap3A_1831, %swap3A_1832] {strides = array<i32>} : memref<20x128xi32, #tpu.memory_space<vmem>>, vector<1x16xi32>,
    %swap3A_1834 = vector.shape_cast %swap3A_1833 : vector<1x16xi32> to vector<16xi32>
    %swap3A_1835 = vector.shape_cast %select_n3A_1829 : vector<16xi32> to vector<1x16xi32>
    tpu.vector_store %arg9[%swap3A_1831, %swap3A_1832], %swap3A_1835 {strides = array<i32>} : memref<20x128xi32, #tpu.memory_space<vmem>>, vector<1x16xi32>,
    %get3A_1836 = arith.constant 11 : i32
    %get3A_1837 = arith.index_cast %get3A_1836 : i32 to index
    %get3A_1838 = arith.constant 16 : index
    %get3A_1839 = tpu.vector_load %arg8[%get3A_1837, %get3A_1838] {strides = array<i32>} : memref<20x128xi32, #tpu.memory_space<vmem>>, vector<1x16xi32>,
    %get3A_1840 = vector.shape_cast %get3A_1839 : vector<1x16xi32> to vector<16xi32>
    %eq3A_1841 = arith.constant 0 : i32
    %eq3A_1842 = vector.broadcast %eq3A_1841 : i32 to vector<16xi32>
    %eq3A_1843 = arith.cmpi eq, %get3A_1840, %eq3A_1842 : vector<16xi32>
    %select_n3A_1844 = arith.select %eq3A_1843, %add3A_504, %get3A_1840 : vector<16xi1>, vector<16xi32>
    %swap3A_1845 = arith.constant 11 : i32
    %swap3A_1846 = arith.index_cast %swap3A_1845 : i32 to index
    %swap3A_1847 = arith.constant 16 : index
    %swap3A_1848 = tpu.vector_load %arg9[%swap3A_1846, %swap3A_1847] {strides = array<i32>} : memref<20x128xi32, #tpu.memory_space<vmem>>, vector<1x16xi32>,
    %swap3A_1849 = vector.shape_cast %swap3A_1848 : vector<1x16xi32> to vector<16xi32>
    %swap3A_1850 = vector.shape_cast %select_n3A_1844 : vector<16xi32> to vector<1x16xi32>
    tpu.vector_store %arg9[%swap3A_1846, %swap3A_1847], %swap3A_1850 {strides = array<i32>} : memref<20x128xi32, #tpu.memory_space<vmem>>, vector<1x16xi32>,
    %get3A_1851 = arith.constant 11 : i32
    %get3A_1852 = arith.index_cast %get3A_1851 : i32 to index
    %get3A_1853 = arith.constant 32 : index
    %get3A_1854 = tpu.vector_load %arg8[%get3A_1852, %get3A_1853] {strides = array<i32>} : memref<20x128xi32, #tpu.memory_space<vmem>>, vector<1x16xi32>,
    %get3A_1855 = vector.shape_cast %get3A_1854 : vector<1x16xi32> to vector<16xi32>
    %eq3A_1856 = arith.constant 0 : i32
    %eq3A_1857 = vector.broadcast %eq3A_1856 : i32 to vector<16xi32>
    %eq3A_1858 = arith.cmpi eq, %get3A_1855, %eq3A_1857 : vector<16xi32>
    %select_n3A_1859 = arith.select %eq3A_1858, %add3A_504, %get3A_1855 : vector<16xi1>, vector<16xi32>
    %swap3A_1860 = arith.constant 11 : i32
    %swap3A_1861 = arith.index_cast %swap3A_1860 : i32 to index
    %swap3A_1862 = arith.constant 32 : index
    %swap3A_1863 = tpu.vector_load %arg9[%swap3A_1861, %swap3A_1862] {strides = array<i32>} : memref<20x128xi32, #tpu.memory_space<vmem>>, vector<1x16xi32>,
    %swap3A_1864 = vector.shape_cast %swap3A_1863 : vector<1x16xi32> to vector<16xi32>
    %swap3A_1865 = vector.shape_cast %select_n3A_1859 : vector<16xi32> to vector<1x16xi32>
    tpu.vector_store %arg9[%swap3A_1861, %swap3A_1862], %swap3A_1865 {strides = array<i32>} : memref<20x128xi32, #tpu.memory_space<vmem>>, vector<1x16xi32>,
    %get3A_1866 = arith.constant 11 : i32
    %get3A_1867 = arith.index_cast %get3A_1866 : i32 to index
    %get3A_1868 = arith.constant 48 : index
    %get3A_1869 = tpu.vector_load %arg8[%get3A_1867, %get3A_1868] {strides = array<i32>} : memref<20x128xi32, #tpu.memory_space<vmem>>, vector<1x16xi32>,
    %get3A_1870 = vector.shape_cast %get3A_1869 : vector<1x16xi32> to vector<16xi32>
    %eq3A_1871 = arith.constant 0 : i32
    %eq3A_1872 = vector.broadcast %eq3A_1871 : i32 to vector<16xi32>
    %eq3A_1873 = arith.cmpi eq, %get3A_1870, %eq3A_1872 : vector<16xi32>
    %select_n3A_1874 = arith.select %eq3A_1873, %add3A_504, %get3A_1870 : vector<16xi1>, vector<16xi32>
    %swap3A_1875 = arith.constant 11 : i32
    %swap3A_1876 = arith.index_cast %swap3A_1875 : i32 to index
    %swap3A_1877 = arith.constant 48 : index
    %swap3A_1878 = tpu.vector_load %arg9[%swap3A_1876, %swap3A_1877] {strides = array<i32>} : memref<20x128xi32, #tpu.memory_space<vmem>>, vector<1x16xi32>,
    %swap3A_1879 = vector.shape_cast %swap3A_1878 : vector<1x16xi32> to vector<16xi32>
    %swap3A_1880 = vector.shape_cast %select_n3A_1874 : vector<16xi32> to vector<1x16xi32>
    tpu.vector_store %arg9[%swap3A_1876, %swap3A_1877], %swap3A_1880 {strides = array<i32>} : memref<20x128xi32, #tpu.memory_space<vmem>>, vector<1x16xi32>,
    %get3A_1881 = arith.constant 11 : i32
    %get3A_1882 = arith.index_cast %get3A_1881 : i32 to index
    %get3A_1883 = arith.constant 64 : index
    %get3A_1884 = tpu.vector_load %arg8[%get3A_1882, %get3A_1883] {strides = array<i32>} : memref<20x128xi32, #tpu.memory_space<vmem>>, vector<1x16xi32>,
    %get3A_1885 = vector.shape_cast %get3A_1884 : vector<1x16xi32> to vector<16xi32>
    %eq3A_1886 = arith.constant 0 : i32
    %eq3A_1887 = vector.broadcast %eq3A_1886 : i32 to vector<16xi32>
    %eq3A_1888 = arith.cmpi eq, %get3A_1885, %eq3A_1887 : vector<16xi32>
    %select_n3A_1889 = arith.select %eq3A_1888, %add3A_504, %get3A_1885 : vector<16xi1>, vector<16xi32>
    %swap3A_1890 = arith.constant 11 : i32
    %swap3A_1891 = arith.index_cast %swap3A_1890 : i32 to index
    %swap3A_1892 = arith.constant 64 : index
    %swap3A_1893 = tpu.vector_load %arg9[%swap3A_1891, %swap3A_1892] {strides = array<i32>} : memref<20x128xi32, #tpu.memory_space<vmem>>, vector<1x16xi32>,
    %swap3A_1894 = vector.shape_cast %swap3A_1893 : vector<1x16xi32> to vector<16xi32>
    %swap3A_1895 = vector.shape_cast %select_n3A_1889 : vector<16xi32> to vector<1x16xi32>
    tpu.vector_store %arg9[%swap3A_1891, %swap3A_1892], %swap3A_1895 {strides = array<i32>} : memref<20x128xi32, #tpu.memory_space<vmem>>, vector<1x16xi32>,
    %get3A_1896 = arith.constant 11 : i32
    %get3A_1897 = arith.index_cast %get3A_1896 : i32 to index
    %get3A_1898 = arith.constant 80 : index
    %get3A_1899 = tpu.vector_load %arg8[%get3A_1897, %get3A_1898] {strides = array<i32>} : memref<20x128xi32, #tpu.memory_space<vmem>>, vector<1x16xi32>,
    %get3A_1900 = vector.shape_cast %get3A_1899 : vector<1x16xi32> to vector<16xi32>
    %eq3A_1901 = arith.constant 0 : i32
    %eq3A_1902 = vector.broadcast %eq3A_1901 : i32 to vector<16xi32>
    %eq3A_1903 = arith.cmpi eq, %get3A_1900, %eq3A_1902 : vector<16xi32>
    %select_n3A_1904 = arith.select %eq3A_1903, %add3A_504, %get3A_1900 : vector<16xi1>, vector<16xi32>
    %swap3A_1905 = arith.constant 11 : i32
    %swap3A_1906 = arith.index_cast %swap3A_1905 : i32 to index
    %swap3A_1907 = arith.constant 80 : index
    %swap3A_1908 = tpu.vector_load %arg9[%swap3A_1906, %swap3A_1907] {strides = array<i32>} : memref<20x128xi32, #tpu.memory_space<vmem>>, vector<1x16xi32>,
    %swap3A_1909 = vector.shape_cast %swap3A_1908 : vector<1x16xi32> to vector<16xi32>
    %swap3A_1910 = vector.shape_cast %select_n3A_1904 : vector<16xi32> to vector<1x16xi32>
    tpu.vector_store %arg9[%swap3A_1906, %swap3A_1907], %swap3A_1910 {strides = array<i32>} : memref<20x128xi32, #tpu.memory_space<vmem>>, vector<1x16xi32>,
    %get3A_1911 = arith.constant 11 : i32
    %get3A_1912 = arith.index_cast %get3A_1911 : i32 to index
    %get3A_1913 = arith.constant 96 : index
    %get3A_1914 = tpu.vector_load %arg8[%get3A_1912, %get3A_1913] {strides = array<i32>} : memref<20x128xi32, #tpu.memory_space<vmem>>, vector<1x16xi32>,
    %get3A_1915 = vector.shape_cast %get3A_1914 : vector<1x16xi32> to vector<16xi32>
    %eq3A_1916 = arith.constant 0 : i32
    %eq3A_1917 = vector.broadcast %eq3A_1916 : i32 to vector<16xi32>
    %eq3A_1918 = arith.cmpi eq, %get3A_1915, %eq3A_1917 : vector<16xi32>
    %select_n3A_1919 = arith.select %eq3A_1918, %add3A_504, %get3A_1915 : vector<16xi1>, vector<16xi32>
    %swap3A_1920 = arith.constant 11 : i32
    %swap3A_1921 = arith.index_cast %swap3A_1920 : i32 to index
    %swap3A_1922 = arith.constant 96 : index
    %swap3A_1923 = tpu.vector_load %arg9[%swap3A_1921, %swap3A_1922] {strides = array<i32>} : memref<20x128xi32, #tpu.memory_space<vmem>>, vector<1x16xi32>,
    %swap3A_1924 = vector.shape_cast %swap3A_1923 : vector<1x16xi32> to vector<16xi32>
    %swap3A_1925 = vector.shape_cast %select_n3A_1919 : vector<16xi32> to vector<1x16xi32>
    tpu.vector_store %arg9[%swap3A_1921, %swap3A_1922], %swap3A_1925 {strides = array<i32>} : memref<20x128xi32, #tpu.memory_space<vmem>>, vector<1x16xi32>,
    %get3A_1926 = arith.constant 11 : i32
    %get3A_1927 = arith.index_cast %get3A_1926 : i32 to index
    %get3A_1928 = arith.constant 112 : index
    %get3A_1929 = tpu.vector_load %arg8[%get3A_1927, %get3A_1928] {strides = array<i32>} : memref<20x128xi32, #tpu.memory_space<vmem>>, vector<1x16xi32>,
    %get3A_1930 = vector.shape_cast %get3A_1929 : vector<1x16xi32> to vector<16xi32>
    %eq3A_1931 = arith.constant 0 : i32
    %eq3A_1932 = vector.broadcast %eq3A_1931 : i32 to vector<16xi32>
    %eq3A_1933 = arith.cmpi eq, %get3A_1930, %eq3A_1932 : vector<16xi32>
    %select_n3A_1934 = arith.select %eq3A_1933, %add3A_504, %get3A_1930 : vector<16xi1>, vector<16xi32>
    %swap3A_1935 = arith.constant 11 : i32
    %swap3A_1936 = arith.index_cast %swap3A_1935 : i32 to index
    %swap3A_1937 = arith.constant 112 : index
    %swap3A_1938 = tpu.vector_load %arg9[%swap3A_1936, %swap3A_1937] {strides = array<i32>} : memref<20x128xi32, #tpu.memory_space<vmem>>, vector<1x16xi32>,
    %swap3A_1939 = vector.shape_cast %swap3A_1938 : vector<1x16xi32> to vector<16xi32>
    %swap3A_1940 = vector.shape_cast %select_n3A_1934 : vector<16xi32> to vector<1x16xi32>
    tpu.vector_store %arg9[%swap3A_1936, %swap3A_1937], %swap3A_1940 {strides = array<i32>} : memref<20x128xi32, #tpu.memory_space<vmem>>, vector<1x16xi32>,
    %get3A_1941 = arith.constant 12 : i32
    %get3A_1942 = arith.index_cast %get3A_1941 : i32 to index
    %get3A_1943 = arith.constant 0 : index
    %get3A_1944 = tpu.vector_load %arg8[%get3A_1942, %get3A_1943] {strides = array<i32>} : memref<20x128xi32, #tpu.memory_space<vmem>>, vector<1x16xi32>,
    %get3A_1945 = vector.shape_cast %get3A_1944 : vector<1x16xi32> to vector<16xi32>
    %eq3A_1946 = arith.constant 0 : i32
    %eq3A_1947 = vector.broadcast %eq3A_1946 : i32 to vector<16xi32>
    %eq3A_1948 = arith.cmpi eq, %get3A_1945, %eq3A_1947 : vector<16xi32>
    %select_n3A_1949 = arith.select %eq3A_1948, %add3A_504, %get3A_1945 : vector<16xi1>, vector<16xi32>
    %swap3A_1950 = arith.constant 12 : i32
    %swap3A_1951 = arith.index_cast %swap3A_1950 : i32 to index
    %swap3A_1952 = arith.constant 0 : index
    %swap3A_1953 = tpu.vector_load %arg9[%swap3A_1951, %swap3A_1952] {strides = array<i32>} : memref<20x128xi32, #tpu.memory_space<vmem>>, vector<1x16xi32>,
    %swap3A_1954 = vector.shape_cast %swap3A_1953 : vector<1x16xi32> to vector<16xi32>
    %swap3A_1955 = vector.shape_cast %select_n3A_1949 : vector<16xi32> to vector<1x16xi32>
    tpu.vector_store %arg9[%swap3A_1951, %swap3A_1952], %swap3A_1955 {strides = array<i32>} : memref<20x128xi32, #tpu.memory_space<vmem>>, vector<1x16xi32>,
    %get3A_1956 = arith.constant 12 : i32
    %get3A_1957 = arith.index_cast %get3A_1956 : i32 to index
    %get3A_1958 = arith.constant 16 : index
    %get3A_1959 = tpu.vector_load %arg8[%get3A_1957, %get3A_1958] {strides = array<i32>} : memref<20x128xi32, #tpu.memory_space<vmem>>, vector<1x16xi32>,
    %get3A_1960 = vector.shape_cast %get3A_1959 : vector<1x16xi32> to vector<16xi32>
    %eq3A_1961 = arith.constant 0 : i32
    %eq3A_1962 = vector.broadcast %eq3A_1961 : i32 to vector<16xi32>
    %eq3A_1963 = arith.cmpi eq, %get3A_1960, %eq3A_1962 : vector<16xi32>
    %select_n3A_1964 = arith.select %eq3A_1963, %add3A_504, %get3A_1960 : vector<16xi1>, vector<16xi32>
    %swap3A_1965 = arith.constant 12 : i32
    %swap3A_1966 = arith.index_cast %swap3A_1965 : i32 to index
    %swap3A_1967 = arith.constant 16 : index
    %swap3A_1968 = tpu.vector_load %arg9[%swap3A_1966, %swap3A_1967] {strides = array<i32>} : memref<20x128xi32, #tpu.memory_space<vmem>>, vector<1x16xi32>,
    %swap3A_1969 = vector.shape_cast %swap3A_1968 : vector<1x16xi32> to vector<16xi32>
    %swap3A_1970 = vector.shape_cast %select_n3A_1964 : vector<16xi32> to vector<1x16xi32>
    tpu.vector_store %arg9[%swap3A_1966, %swap3A_1967], %swap3A_1970 {strides = array<i32>} : memref<20x128xi32, #tpu.memory_space<vmem>>, vector<1x16xi32>,
    %get3A_1971 = arith.constant 12 : i32
    %get3A_1972 = arith.index_cast %get3A_1971 : i32 to index
    %get3A_1973 = arith.constant 32 : index
    %get3A_1974 = tpu.vector_load %arg8[%get3A_1972, %get3A_1973] {strides = array<i32>} : memref<20x128xi32, #tpu.memory_space<vmem>>, vector<1x16xi32>,
    %get3A_1975 = vector.shape_cast %get3A_1974 : vector<1x16xi32> to vector<16xi32>
    %eq3A_1976 = arith.constant 0 : i32
    %eq3A_1977 = vector.broadcast %eq3A_1976 : i32 to vector<16xi32>
    %eq3A_1978 = arith.cmpi eq, %get3A_1975, %eq3A_1977 : vector<16xi32>
    %select_n3A_1979 = arith.select %eq3A_1978, %add3A_504, %get3A_1975 : vector<16xi1>, vector<16xi32>
    %swap3A_1980 = arith.constant 12 : i32
    %swap3A_1981 = arith.index_cast %swap3A_1980 : i32 to index
    %swap3A_1982 = arith.constant 32 : index
    %swap3A_1983 = tpu.vector_load %arg9[%swap3A_1981, %swap3A_1982] {strides = array<i32>} : memref<20x128xi32, #tpu.memory_space<vmem>>, vector<1x16xi32>,
    %swap3A_1984 = vector.shape_cast %swap3A_1983 : vector<1x16xi32> to vector<16xi32>
    %swap3A_1985 = vector.shape_cast %select_n3A_1979 : vector<16xi32> to vector<1x16xi32>
    tpu.vector_store %arg9[%swap3A_1981, %swap3A_1982], %swap3A_1985 {strides = array<i32>} : memref<20x128xi32, #tpu.memory_space<vmem>>, vector<1x16xi32>,
    %get3A_1986 = arith.constant 12 : i32
    %get3A_1987 = arith.index_cast %get3A_1986 : i32 to index
    %get3A_1988 = arith.constant 48 : index
    %get3A_1989 = tpu.vector_load %arg8[%get3A_1987, %get3A_1988] {strides = array<i32>} : memref<20x128xi32, #tpu.memory_space<vmem>>, vector<1x16xi32>,
    %get3A_1990 = vector.shape_cast %get3A_1989 : vector<1x16xi32> to vector<16xi32>
    %eq3A_1991 = arith.constant 0 : i32
    %eq3A_1992 = vector.broadcast %eq3A_1991 : i32 to vector<16xi32>
    %eq3A_1993 = arith.cmpi eq, %get3A_1990, %eq3A_1992 : vector<16xi32>
    %select_n3A_1994 = arith.select %eq3A_1993, %add3A_504, %get3A_1990 : vector<16xi1>, vector<16xi32>
    %swap3A_1995 = arith.constant 12 : i32
    %swap3A_1996 = arith.index_cast %swap3A_1995 : i32 to index
    %swap3A_1997 = arith.constant 48 : index
    %swap3A_1998 = tpu.vector_load %arg9[%swap3A_1996, %swap3A_1997] {strides = array<i32>} : memref<20x128xi32, #tpu.memory_space<vmem>>, vector<1x16xi32>,
    %swap3A_1999 = vector.shape_cast %swap3A_1998 : vector<1x16xi32> to vector<16xi32>
    %swap3A_2000 = vector.shape_cast %select_n3A_1994 : vector<16xi32> to vector<1x16xi32>
    tpu.vector_store %arg9[%swap3A_1996, %swap3A_1997], %swap3A_2000 {strides = array<i32>} : memref<20x128xi32, #tpu.memory_space<vmem>>, vector<1x16xi32>,
    %get3A_2001 = arith.constant 12 : i32
    %get3A_2002 = arith.index_cast %get3A_2001 : i32 to index
    %get3A_2003 = arith.constant 64 : index
    %get3A_2004 = tpu.vector_load %arg8[%get3A_2002, %get3A_2003] {strides = array<i32>} : memref<20x128xi32, #tpu.memory_space<vmem>>, vector<1x16xi32>,
    %get3A_2005 = vector.shape_cast %get3A_2004 : vector<1x16xi32> to vector<16xi32>
    %eq3A_2006 = arith.constant 0 : i32
    %eq3A_2007 = vector.broadcast %eq3A_2006 : i32 to vector<16xi32>
    %eq3A_2008 = arith.cmpi eq, %get3A_2005, %eq3A_2007 : vector<16xi32>
    %select_n3A_2009 = arith.select %eq3A_2008, %add3A_504, %get3A_2005 : vector<16xi1>, vector<16xi32>
    %swap3A_2010 = arith.constant 12 : i32
    %swap3A_2011 = arith.index_cast %swap3A_2010 : i32 to index
    %swap3A_2012 = arith.constant 64 : index
    %swap3A_2013 = tpu.vector_load %arg9[%swap3A_2011, %swap3A_2012] {strides = array<i32>} : memref<20x128xi32, #tpu.memory_space<vmem>>, vector<1x16xi32>,
    %swap3A_2014 = vector.shape_cast %swap3A_2013 : vector<1x16xi32> to vector<16xi32>
    %swap3A_2015 = vector.shape_cast %select_n3A_2009 : vector<16xi32> to vector<1x16xi32>
    tpu.vector_store %arg9[%swap3A_2011, %swap3A_2012], %swap3A_2015 {strides = array<i32>} : memref<20x128xi32, #tpu.memory_space<vmem>>, vector<1x16xi32>,
    %get3A_2016 = arith.constant 12 : i32
    %get3A_2017 = arith.index_cast %get3A_2016 : i32 to index
    %get3A_2018 = arith.constant 80 : index
    %get3A_2019 = tpu.vector_load %arg8[%get3A_2017, %get3A_2018] {strides = array<i32>} : memref<20x128xi32, #tpu.memory_space<vmem>>, vector<1x16xi32>,
    %get3A_2020 = vector.shape_cast %get3A_2019 : vector<1x16xi32> to vector<16xi32>
    %eq3A_2021 = arith.constant 0 : i32
    %eq3A_2022 = vector.broadcast %eq3A_2021 : i32 to vector<16xi32>
    %eq3A_2023 = arith.cmpi eq, %get3A_2020, %eq3A_2022 : vector<16xi32>
    %select_n3A_2024 = arith.select %eq3A_2023, %add3A_504, %get3A_2020 : vector<16xi1>, vector<16xi32>
    %swap3A_2025 = arith.constant 12 : i32
    %swap3A_2026 = arith.index_cast %swap3A_2025 : i32 to index
    %swap3A_2027 = arith.constant 80 : index
    %swap3A_2028 = tpu.vector_load %arg9[%swap3A_2026, %swap3A_2027] {strides = array<i32>} : memref<20x128xi32, #tpu.memory_space<vmem>>, vector<1x16xi32>,
    %swap3A_2029 = vector.shape_cast %swap3A_2028 : vector<1x16xi32> to vector<16xi32>
    %swap3A_2030 = vector.shape_cast %select_n3A_2024 : vector<16xi32> to vector<1x16xi32>
    tpu.vector_store %arg9[%swap3A_2026, %swap3A_2027], %swap3A_2030 {strides = array<i32>} : memref<20x128xi32, #tpu.memory_space<vmem>>, vector<1x16xi32>,
    %get3A_2031 = arith.constant 12 : i32
    %get3A_2032 = arith.index_cast %get3A_2031 : i32 to index
    %get3A_2033 = arith.constant 96 : index
    %get3A_2034 = tpu.vector_load %arg8[%get3A_2032, %get3A_2033] {strides = array<i32>} : memref<20x128xi32, #tpu.memory_space<vmem>>, vector<1x16xi32>,
    %get3A_2035 = vector.shape_cast %get3A_2034 : vector<1x16xi32> to vector<16xi32>
    %eq3A_2036 = arith.constant 0 : i32
    %eq3A_2037 = vector.broadcast %eq3A_2036 : i32 to vector<16xi32>
    %eq3A_2038 = arith.cmpi eq, %get3A_2035, %eq3A_2037 : vector<16xi32>
    %select_n3A_2039 = arith.select %eq3A_2038, %add3A_504, %get3A_2035 : vector<16xi1>, vector<16xi32>
    %swap3A_2040 = arith.constant 12 : i32
    %swap3A_2041 = arith.index_cast %swap3A_2040 : i32 to index
    %swap3A_2042 = arith.constant 96 : index
    %swap3A_2043 = tpu.vector_load %arg9[%swap3A_2041, %swap3A_2042] {strides = array<i32>} : memref<20x128xi32, #tpu.memory_space<vmem>>, vector<1x16xi32>,
    %swap3A_2044 = vector.shape_cast %swap3A_2043 : vector<1x16xi32> to vector<16xi32>
    %swap3A_2045 = vector.shape_cast %select_n3A_2039 : vector<16xi32> to vector<1x16xi32>
    tpu.vector_store %arg9[%swap3A_2041, %swap3A_2042], %swap3A_2045 {strides = array<i32>} : memref<20x128xi32, #tpu.memory_space<vmem>>, vector<1x16xi32>,
    %get3A_2046 = arith.constant 12 : i32
    %get3A_2047 = arith.index_cast %get3A_2046 : i32 to index
    %get3A_2048 = arith.constant 112 : index
    %get3A_2049 = tpu.vector_load %arg8[%get3A_2047, %get3A_2048] {strides = array<i32>} : memref<20x128xi32, #tpu.memory_space<vmem>>, vector<1x16xi32>,
    %get3A_2050 = vector.shape_cast %get3A_2049 : vector<1x16xi32> to vector<16xi32>
    %eq3A_2051 = arith.constant 0 : i32
    %eq3A_2052 = vector.broadcast %eq3A_2051 : i32 to vector<16xi32>
    %eq3A_2053 = arith.cmpi eq, %get3A_2050, %eq3A_2052 : vector<16xi32>
    %select_n3A_2054 = arith.select %eq3A_2053, %add3A_504, %get3A_2050 : vector<16xi1>, vector<16xi32>
    %swap3A_2055 = arith.constant 12 : i32
    %swap3A_2056 = arith.index_cast %swap3A_2055 : i32 to index
    %swap3A_2057 = arith.constant 112 : index
    %swap3A_2058 = tpu.vector_load %arg9[%swap3A_2056, %swap3A_2057] {strides = array<i32>} : memref<20x128xi32, #tpu.memory_space<vmem>>, vector<1x16xi32>,
    %swap3A_2059 = vector.shape_cast %swap3A_2058 : vector<1x16xi32> to vector<16xi32>
    %swap3A_2060 = vector.shape_cast %select_n3A_2054 : vector<16xi32> to vector<1x16xi32>
    tpu.vector_store %arg9[%swap3A_2056, %swap3A_2057], %swap3A_2060 {strides = array<i32>} : memref<20x128xi32, #tpu.memory_space<vmem>>, vector<1x16xi32>,
    %get3A_2061 = arith.constant 13 : i32
    %get3A_2062 = arith.index_cast %get3A_2061 : i32 to index
    %get3A_2063 = arith.constant 0 : index
    %get3A_2064 = tpu.vector_load %arg8[%get3A_2062, %get3A_2063] {strides = array<i32>} : memref<20x128xi32, #tpu.memory_space<vmem>>, vector<1x16xi32>,
    %get3A_2065 = vector.shape_cast %get3A_2064 : vector<1x16xi32> to vector<16xi32>
    %eq3A_2066 = arith.constant 0 : i32
    %eq3A_2067 = vector.broadcast %eq3A_2066 : i32 to vector<16xi32>
    %eq3A_2068 = arith.cmpi eq, %get3A_2065, %eq3A_2067 : vector<16xi32>
    %select_n3A_2069 = arith.select %eq3A_2068, %add3A_504, %get3A_2065 : vector<16xi1>, vector<16xi32>
    %swap3A_2070 = arith.constant 13 : i32
    %swap3A_2071 = arith.index_cast %swap3A_2070 : i32 to index
    %swap3A_2072 = arith.constant 0 : index
    %swap3A_2073 = tpu.vector_load %arg9[%swap3A_2071, %swap3A_2072] {strides = array<i32>} : memref<20x128xi32, #tpu.memory_space<vmem>>, vector<1x16xi32>,
    %swap3A_2074 = vector.shape_cast %swap3A_2073 : vector<1x16xi32> to vector<16xi32>
    %swap3A_2075 = vector.shape_cast %select_n3A_2069 : vector<16xi32> to vector<1x16xi32>
    tpu.vector_store %arg9[%swap3A_2071, %swap3A_2072], %swap3A_2075 {strides = array<i32>} : memref<20x128xi32, #tpu.memory_space<vmem>>, vector<1x16xi32>,
    %get3A_2076 = arith.constant 13 : i32
    %get3A_2077 = arith.index_cast %get3A_2076 : i32 to index
    %get3A_2078 = arith.constant 16 : index
    %get3A_2079 = tpu.vector_load %arg8[%get3A_2077, %get3A_2078] {strides = array<i32>} : memref<20x128xi32, #tpu.memory_space<vmem>>, vector<1x16xi32>,
    %get3A_2080 = vector.shape_cast %get3A_2079 : vector<1x16xi32> to vector<16xi32>
    %eq3A_2081 = arith.constant 0 : i32
    %eq3A_2082 = vector.broadcast %eq3A_2081 : i32 to vector<16xi32>
    %eq3A_2083 = arith.cmpi eq, %get3A_2080, %eq3A_2082 : vector<16xi32>
    %select_n3A_2084 = arith.select %eq3A_2083, %add3A_504, %get3A_2080 : vector<16xi1>, vector<16xi32>
    %swap3A_2085 = arith.constant 13 : i32
    %swap3A_2086 = arith.index_cast %swap3A_2085 : i32 to index
    %swap3A_2087 = arith.constant 16 : index
    %swap3A_2088 = tpu.vector_load %arg9[%swap3A_2086, %swap3A_2087] {strides = array<i32>} : memref<20x128xi32, #tpu.memory_space<vmem>>, vector<1x16xi32>,
    %swap3A_2089 = vector.shape_cast %swap3A_2088 : vector<1x16xi32> to vector<16xi32>
    %swap3A_2090 = vector.shape_cast %select_n3A_2084 : vector<16xi32> to vector<1x16xi32>
    tpu.vector_store %arg9[%swap3A_2086, %swap3A_2087], %swap3A_2090 {strides = array<i32>} : memref<20x128xi32, #tpu.memory_space<vmem>>, vector<1x16xi32>,
    %get3A_2091 = arith.constant 13 : i32
    %get3A_2092 = arith.index_cast %get3A_2091 : i32 to index
    %get3A_2093 = arith.constant 32 : index
    %get3A_2094 = tpu.vector_load %arg8[%get3A_2092, %get3A_2093] {strides = array<i32>} : memref<20x128xi32, #tpu.memory_space<vmem>>, vector<1x16xi32>,
    %get3A_2095 = vector.shape_cast %get3A_2094 : vector<1x16xi32> to vector<16xi32>
    %eq3A_2096 = arith.constant 0 : i32
    %eq3A_2097 = vector.broadcast %eq3A_2096 : i32 to vector<16xi32>
    %eq3A_2098 = arith.cmpi eq, %get3A_2095, %eq3A_2097 : vector<16xi32>
    %select_n3A_2099 = arith.select %eq3A_2098, %add3A_504, %get3A_2095 : vector<16xi1>, vector<16xi32>
    %swap3A_2100 = arith.constant 13 : i32
    %swap3A_2101 = arith.index_cast %swap3A_2100 : i32 to index
    %swap3A_2102 = arith.constant 32 : index
    %swap3A_2103 = tpu.vector_load %arg9[%swap3A_2101, %swap3A_2102] {strides = array<i32>} : memref<20x128xi32, #tpu.memory_space<vmem>>, vector<1x16xi32>,
    %swap3A_2104 = vector.shape_cast %swap3A_2103 : vector<1x16xi32> to vector<16xi32>
    %swap3A_2105 = vector.shape_cast %select_n3A_2099 : vector<16xi32> to vector<1x16xi32>
    tpu.vector_store %arg9[%swap3A_2101, %swap3A_2102], %swap3A_2105 {strides = array<i32>} : memref<20x128xi32, #tpu.memory_space<vmem>>, vector<1x16xi32>,
    %get3A_2106 = arith.constant 13 : i32
    %get3A_2107 = arith.index_cast %get3A_2106 : i32 to index
    %get3A_2108 = arith.constant 48 : index
    %get3A_2109 = tpu.vector_load %arg8[%get3A_2107, %get3A_2108] {strides = array<i32>} : memref<20x128xi32, #tpu.memory_space<vmem>>, vector<1x16xi32>,
    %get3A_2110 = vector.shape_cast %get3A_2109 : vector<1x16xi32> to vector<16xi32>
    %eq3A_2111 = arith.constant 0 : i32
    %eq3A_2112 = vector.broadcast %eq3A_2111 : i32 to vector<16xi32>
    %eq3A_2113 = arith.cmpi eq, %get3A_2110, %eq3A_2112 : vector<16xi32>
    %select_n3A_2114 = arith.select %eq3A_2113, %add3A_504, %get3A_2110 : vector<16xi1>, vector<16xi32>
    %swap3A_2115 = arith.constant 13 : i32
    %swap3A_2116 = arith.index_cast %swap3A_2115 : i32 to index
    %swap3A_2117 = arith.constant 48 : index
    %swap3A_2118 = tpu.vector_load %arg9[%swap3A_2116, %swap3A_2117] {strides = array<i32>} : memref<20x128xi32, #tpu.memory_space<vmem>>, vector<1x16xi32>,
    %swap3A_2119 = vector.shape_cast %swap3A_2118 : vector<1x16xi32> to vector<16xi32>
    %swap3A_2120 = vector.shape_cast %select_n3A_2114 : vector<16xi32> to vector<1x16xi32>
    tpu.vector_store %arg9[%swap3A_2116, %swap3A_2117], %swap3A_2120 {strides = array<i32>} : memref<20x128xi32, #tpu.memory_space<vmem>>, vector<1x16xi32>,
    %get3A_2121 = arith.constant 13 : i32
    %get3A_2122 = arith.index_cast %get3A_2121 : i32 to index
    %get3A_2123 = arith.constant 64 : index
    %get3A_2124 = tpu.vector_load %arg8[%get3A_2122, %get3A_2123] {strides = array<i32>} : memref<20x128xi32, #tpu.memory_space<vmem>>, vector<1x16xi32>,
    %get3A_2125 = vector.shape_cast %get3A_2124 : vector<1x16xi32> to vector<16xi32>
    %eq3A_2126 = arith.constant 0 : i32
    %eq3A_2127 = vector.broadcast %eq3A_2126 : i32 to vector<16xi32>
    %eq3A_2128 = arith.cmpi eq, %get3A_2125, %eq3A_2127 : vector<16xi32>
    %select_n3A_2129 = arith.select %eq3A_2128, %add3A_504, %get3A_2125 : vector<16xi1>, vector<16xi32>
    %swap3A_2130 = arith.constant 13 : i32
    %swap3A_2131 = arith.index_cast %swap3A_2130 : i32 to index
    %swap3A_2132 = arith.constant 64 : index
    %swap3A_2133 = tpu.vector_load %arg9[%swap3A_2131, %swap3A_2132] {strides = array<i32>} : memref<20x128xi32, #tpu.memory_space<vmem>>, vector<1x16xi32>,
    %swap3A_2134 = vector.shape_cast %swap3A_2133 : vector<1x16xi32> to vector<16xi32>
    %swap3A_2135 = vector.shape_cast %select_n3A_2129 : vector<16xi32> to vector<1x16xi32>
    tpu.vector_store %arg9[%swap3A_2131, %swap3A_2132], %swap3A_2135 {strides = array<i32>} : memref<20x128xi32, #tpu.memory_space<vmem>>, vector<1x16xi32>,
    %get3A_2136 = arith.constant 13 : i32
    %get3A_2137 = arith.index_cast %get3A_2136 : i32 to index
    %get3A_2138 = arith.constant 80 : index
    %get3A_2139 = tpu.vector_load %arg8[%get3A_2137, %get3A_2138] {strides = array<i32>} : memref<20x128xi32, #tpu.memory_space<vmem>>, vector<1x16xi32>,
    %get3A_2140 = vector.shape_cast %get3A_2139 : vector<1x16xi32> to vector<16xi32>
    %eq3A_2141 = arith.constant 0 : i32
    %eq3A_2142 = vector.broadcast %eq3A_2141 : i32 to vector<16xi32>
    %eq3A_2143 = arith.cmpi eq, %get3A_2140, %eq3A_2142 : vector<16xi32>
    %select_n3A_2144 = arith.select %eq3A_2143, %add3A_504, %get3A_2140 : vector<16xi1>, vector<16xi32>
    %swap3A_2145 = arith.constant 13 : i32
    %swap3A_2146 = arith.index_cast %swap3A_2145 : i32 to index
    %swap3A_2147 = arith.constant 80 : index
    %swap3A_2148 = tpu.vector_load %arg9[%swap3A_2146, %swap3A_2147] {strides = array<i32>} : memref<20x128xi32, #tpu.memory_space<vmem>>, vector<1x16xi32>,
    %swap3A_2149 = vector.shape_cast %swap3A_2148 : vector<1x16xi32> to vector<16xi32>
    %swap3A_2150 = vector.shape_cast %select_n3A_2144 : vector<16xi32> to vector<1x16xi32>
    tpu.vector_store %arg9[%swap3A_2146, %swap3A_2147], %swap3A_2150 {strides = array<i32>} : memref<20x128xi32, #tpu.memory_space<vmem>>, vector<1x16xi32>,
    %get3A_2151 = arith.constant 13 : i32
    %get3A_2152 = arith.index_cast %get3A_2151 : i32 to index
    %get3A_2153 = arith.constant 96 : index
    %get3A_2154 = tpu.vector_load %arg8[%get3A_2152, %get3A_2153] {strides = array<i32>} : memref<20x128xi32, #tpu.memory_space<vmem>>, vector<1x16xi32>,
    %get3A_2155 = vector.shape_cast %get3A_2154 : vector<1x16xi32> to vector<16xi32>
    %eq3A_2156 = arith.constant 0 : i32
    %eq3A_2157 = vector.broadcast %eq3A_2156 : i32 to vector<16xi32>
    %eq3A_2158 = arith.cmpi eq, %get3A_2155, %eq3A_2157 : vector<16xi32>
    %select_n3A_2159 = arith.select %eq3A_2158, %add3A_504, %get3A_2155 : vector<16xi1>, vector<16xi32>
    %swap3A_2160 = arith.constant 13 : i32
    %swap3A_2161 = arith.index_cast %swap3A_2160 : i32 to index
    %swap3A_2162 = arith.constant 96 : index
    %swap3A_2163 = tpu.vector_load %arg9[%swap3A_2161, %swap3A_2162] {strides = array<i32>} : memref<20x128xi32, #tpu.memory_space<vmem>>, vector<1x16xi32>,
    %swap3A_2164 = vector.shape_cast %swap3A_2163 : vector<1x16xi32> to vector<16xi32>
    %swap3A_2165 = vector.shape_cast %select_n3A_2159 : vector<16xi32> to vector<1x16xi32>
    tpu.vector_store %arg9[%swap3A_2161, %swap3A_2162], %swap3A_2165 {strides = array<i32>} : memref<20x128xi32, #tpu.memory_space<vmem>>, vector<1x16xi32>,
    %get3A_2166 = arith.constant 13 : i32
    %get3A_2167 = arith.index_cast %get3A_2166 : i32 to index
    %get3A_2168 = arith.constant 112 : index
    %get3A_2169 = tpu.vector_load %arg8[%get3A_2167, %get3A_2168] {strides = array<i32>} : memref<20x128xi32, #tpu.memory_space<vmem>>, vector<1x16xi32>,
    %get3A_2170 = vector.shape_cast %get3A_2169 : vector<1x16xi32> to vector<16xi32>
    %eq3A_2171 = arith.constant 0 : i32
    %eq3A_2172 = vector.broadcast %eq3A_2171 : i32 to vector<16xi32>
    %eq3A_2173 = arith.cmpi eq, %get3A_2170, %eq3A_2172 : vector<16xi32>
    %select_n3A_2174 = arith.select %eq3A_2173, %add3A_504, %get3A_2170 : vector<16xi1>, vector<16xi32>
    %swap3A_2175 = arith.constant 13 : i32
    %swap3A_2176 = arith.index_cast %swap3A_2175 : i32 to index
    %swap3A_2177 = arith.constant 112 : index
    %swap3A_2178 = tpu.vector_load %arg9[%swap3A_2176, %swap3A_2177] {strides = array<i32>} : memref<20x128xi32, #tpu.memory_space<vmem>>, vector<1x16xi32>,
    %swap3A_2179 = vector.shape_cast %swap3A_2178 : vector<1x16xi32> to vector<16xi32>
    %swap3A_2180 = vector.shape_cast %select_n3A_2174 : vector<16xi32> to vector<1x16xi32>
    tpu.vector_store %arg9[%swap3A_2176, %swap3A_2177], %swap3A_2180 {strides = array<i32>} : memref<20x128xi32, #tpu.memory_space<vmem>>, vector<1x16xi32>,
    %get3A_2181 = arith.constant 14 : i32
    %get3A_2182 = arith.index_cast %get3A_2181 : i32 to index
    %get3A_2183 = arith.constant 0 : index
    %get3A_2184 = tpu.vector_load %arg8[%get3A_2182, %get3A_2183] {strides = array<i32>} : memref<20x128xi32, #tpu.memory_space<vmem>>, vector<1x16xi32>,
    %get3A_2185 = vector.shape_cast %get3A_2184 : vector<1x16xi32> to vector<16xi32>
    %eq3A_2186 = arith.constant 0 : i32
    %eq3A_2187 = vector.broadcast %eq3A_2186 : i32 to vector<16xi32>
    %eq3A_2188 = arith.cmpi eq, %get3A_2185, %eq3A_2187 : vector<16xi32>
    %select_n3A_2189 = arith.select %eq3A_2188, %add3A_504, %get3A_2185 : vector<16xi1>, vector<16xi32>
    %swap3A_2190 = arith.constant 14 : i32
    %swap3A_2191 = arith.index_cast %swap3A_2190 : i32 to index
    %swap3A_2192 = arith.constant 0 : index
    %swap3A_2193 = tpu.vector_load %arg9[%swap3A_2191, %swap3A_2192] {strides = array<i32>} : memref<20x128xi32, #tpu.memory_space<vmem>>, vector<1x16xi32>,
    %swap3A_2194 = vector.shape_cast %swap3A_2193 : vector<1x16xi32> to vector<16xi32>
    %swap3A_2195 = vector.shape_cast %select_n3A_2189 : vector<16xi32> to vector<1x16xi32>
    tpu.vector_store %arg9[%swap3A_2191, %swap3A_2192], %swap3A_2195 {strides = array<i32>} : memref<20x128xi32, #tpu.memory_space<vmem>>, vector<1x16xi32>,
    %get3A_2196 = arith.constant 14 : i32
    %get3A_2197 = arith.index_cast %get3A_2196 : i32 to index
    %get3A_2198 = arith.constant 16 : index
    %get3A_2199 = tpu.vector_load %arg8[%get3A_2197, %get3A_2198] {strides = array<i32>} : memref<20x128xi32, #tpu.memory_space<vmem>>, vector<1x16xi32>,
    %get3A_2200 = vector.shape_cast %get3A_2199 : vector<1x16xi32> to vector<16xi32>
    %eq3A_2201 = arith.constant 0 : i32
    %eq3A_2202 = vector.broadcast %eq3A_2201 : i32 to vector<16xi32>
    %eq3A_2203 = arith.cmpi eq, %get3A_2200, %eq3A_2202 : vector<16xi32>
    %select_n3A_2204 = arith.select %eq3A_2203, %add3A_504, %get3A_2200 : vector<16xi1>, vector<16xi32>
    %swap3A_2205 = arith.constant 14 : i32
    %swap3A_2206 = arith.index_cast %swap3A_2205 : i32 to index
    %swap3A_2207 = arith.constant 16 : index
    %swap3A_2208 = tpu.vector_load %arg9[%swap3A_2206, %swap3A_2207] {strides = array<i32>} : memref<20x128xi32, #tpu.memory_space<vmem>>, vector<1x16xi32>,
    %swap3A_2209 = vector.shape_cast %swap3A_2208 : vector<1x16xi32> to vector<16xi32>
    %swap3A_2210 = vector.shape_cast %select_n3A_2204 : vector<16xi32> to vector<1x16xi32>
    tpu.vector_store %arg9[%swap3A_2206, %swap3A_2207], %swap3A_2210 {strides = array<i32>} : memref<20x128xi32, #tpu.memory_space<vmem>>, vector<1x16xi32>,
    %get3A_2211 = arith.constant 14 : i32
    %get3A_2212 = arith.index_cast %get3A_2211 : i32 to index
    %get3A_2213 = arith.constant 32 : index
    %get3A_2214 = tpu.vector_load %arg8[%get3A_2212, %get3A_2213] {strides = array<i32>} : memref<20x128xi32, #tpu.memory_space<vmem>>, vector<1x16xi32>,
    %get3A_2215 = vector.shape_cast %get3A_2214 : vector<1x16xi32> to vector<16xi32>
    %eq3A_2216 = arith.constant 0 : i32
    %eq3A_2217 = vector.broadcast %eq3A_2216 : i32 to vector<16xi32>
    %eq3A_2218 = arith.cmpi eq, %get3A_2215, %eq3A_2217 : vector<16xi32>
    %select_n3A_2219 = arith.select %eq3A_2218, %add3A_504, %get3A_2215 : vector<16xi1>, vector<16xi32>
    %swap3A_2220 = arith.constant 14 : i32
    %swap3A_2221 = arith.index_cast %swap3A_2220 : i32 to index
    %swap3A_2222 = arith.constant 32 : index
    %swap3A_2223 = tpu.vector_load %arg9[%swap3A_2221, %swap3A_2222] {strides = array<i32>} : memref<20x128xi32, #tpu.memory_space<vmem>>, vector<1x16xi32>,
    %swap3A_2224 = vector.shape_cast %swap3A_2223 : vector<1x16xi32> to vector<16xi32>
    %swap3A_2225 = vector.shape_cast %select_n3A_2219 : vector<16xi32> to vector<1x16xi32>
    tpu.vector_store %arg9[%swap3A_2221, %swap3A_2222], %swap3A_2225 {strides = array<i32>} : memref<20x128xi32, #tpu.memory_space<vmem>>, vector<1x16xi32>,
    %get3A_2226 = arith.constant 14 : i32
    %get3A_2227 = arith.index_cast %get3A_2226 : i32 to index
    %get3A_2228 = arith.constant 48 : index
    %get3A_2229 = tpu.vector_load %arg8[%get3A_2227, %get3A_2228] {strides = array<i32>} : memref<20x128xi32, #tpu.memory_space<vmem>>, vector<1x16xi32>,
    %get3A_2230 = vector.shape_cast %get3A_2229 : vector<1x16xi32> to vector<16xi32>
    %eq3A_2231 = arith.constant 0 : i32
    %eq3A_2232 = vector.broadcast %eq3A_2231 : i32 to vector<16xi32>
    %eq3A_2233 = arith.cmpi eq, %get3A_2230, %eq3A_2232 : vector<16xi32>
    %select_n3A_2234 = arith.select %eq3A_2233, %add3A_504, %get3A_2230 : vector<16xi1>, vector<16xi32>
    %swap3A_2235 = arith.constant 14 : i32
    %swap3A_2236 = arith.index_cast %swap3A_2235 : i32 to index
    %swap3A_2237 = arith.constant 48 : index
    %swap3A_2238 = tpu.vector_load %arg9[%swap3A_2236, %swap3A_2237] {strides = array<i32>} : memref<20x128xi32, #tpu.memory_space<vmem>>, vector<1x16xi32>,
    %swap3A_2239 = vector.shape_cast %swap3A_2238 : vector<1x16xi32> to vector<16xi32>
    %swap3A_2240 = vector.shape_cast %select_n3A_2234 : vector<16xi32> to vector<1x16xi32>
    tpu.vector_store %arg9[%swap3A_2236, %swap3A_2237], %swap3A_2240 {strides = array<i32>} : memref<20x128xi32, #tpu.memory_space<vmem>>, vector<1x16xi32>,
    %get3A_2241 = arith.constant 14 : i32
    %get3A_2242 = arith.index_cast %get3A_2241 : i32 to index
    %get3A_2243 = arith.constant 64 : index
    %get3A_2244 = tpu.vector_load %arg8[%get3A_2242, %get3A_2243] {strides = array<i32>} : memref<20x128xi32, #tpu.memory_space<vmem>>, vector<1x16xi32>,
    %get3A_2245 = vector.shape_cast %get3A_2244 : vector<1x16xi32> to vector<16xi32>
    %eq3A_2246 = arith.constant 0 : i32
    %eq3A_2247 = vector.broadcast %eq3A_2246 : i32 to vector<16xi32>
    %eq3A_2248 = arith.cmpi eq, %get3A_2245, %eq3A_2247 : vector<16xi32>
    %select_n3A_2249 = arith.select %eq3A_2248, %add3A_504, %get3A_2245 : vector<16xi1>, vector<16xi32>
    %swap3A_2250 = arith.constant 14 : i32
    %swap3A_2251 = arith.index_cast %swap3A_2250 : i32 to index
    %swap3A_2252 = arith.constant 64 : index
    %swap3A_2253 = tpu.vector_load %arg9[%swap3A_2251, %swap3A_2252] {strides = array<i32>} : memref<20x128xi32, #tpu.memory_space<vmem>>, vector<1x16xi32>,
    %swap3A_2254 = vector.shape_cast %swap3A_2253 : vector<1x16xi32> to vector<16xi32>
    %swap3A_2255 = vector.shape_cast %select_n3A_2249 : vector<16xi32> to vector<1x16xi32>
    tpu.vector_store %arg9[%swap3A_2251, %swap3A_2252], %swap3A_2255 {strides = array<i32>} : memref<20x128xi32, #tpu.memory_space<vmem>>, vector<1x16xi32>,
    %get3A_2256 = arith.constant 14 : i32
    %get3A_2257 = arith.index_cast %get3A_2256 : i32 to index
    %get3A_2258 = arith.constant 80 : index
    %get3A_2259 = tpu.vector_load %arg8[%get3A_2257, %get3A_2258] {strides = array<i32>} : memref<20x128xi32, #tpu.memory_space<vmem>>, vector<1x16xi32>,
    %get3A_2260 = vector.shape_cast %get3A_2259 : vector<1x16xi32> to vector<16xi32>
    %eq3A_2261 = arith.constant 0 : i32
    %eq3A_2262 = vector.broadcast %eq3A_2261 : i32 to vector<16xi32>
    %eq3A_2263 = arith.cmpi eq, %get3A_2260, %eq3A_2262 : vector<16xi32>
    %select_n3A_2264 = arith.select %eq3A_2263, %add3A_504, %get3A_2260 : vector<16xi1>, vector<16xi32>
    %swap3A_2265 = arith.constant 14 : i32
    %swap3A_2266 = arith.index_cast %swap3A_2265 : i32 to index
    %swap3A_2267 = arith.constant 80 : index
    %swap3A_2268 = tpu.vector_load %arg9[%swap3A_2266, %swap3A_2267] {strides = array<i32>} : memref<20x128xi32, #tpu.memory_space<vmem>>, vector<1x16xi32>,
    %swap3A_2269 = vector.shape_cast %swap3A_2268 : vector<1x16xi32> to vector<16xi32>
    %swap3A_2270 = vector.shape_cast %select_n3A_2264 : vector<16xi32> to vector<1x16xi32>
    tpu.vector_store %arg9[%swap3A_2266, %swap3A_2267], %swap3A_2270 {strides = array<i32>} : memref<20x128xi32, #tpu.memory_space<vmem>>, vector<1x16xi32>,
    %get3A_2271 = arith.constant 14 : i32
    %get3A_2272 = arith.index_cast %get3A_2271 : i32 to index
    %get3A_2273 = arith.constant 96 : index
    %get3A_2274 = tpu.vector_load %arg8[%get3A_2272, %get3A_2273] {strides = array<i32>} : memref<20x128xi32, #tpu.memory_space<vmem>>, vector<1x16xi32>,
    %get3A_2275 = vector.shape_cast %get3A_2274 : vector<1x16xi32> to vector<16xi32>
    %eq3A_2276 = arith.constant 0 : i32
    %eq3A_2277 = vector.broadcast %eq3A_2276 : i32 to vector<16xi32>
    %eq3A_2278 = arith.cmpi eq, %get3A_2275, %eq3A_2277 : vector<16xi32>
    %select_n3A_2279 = arith.select %eq3A_2278, %add3A_504, %get3A_2275 : vector<16xi1>, vector<16xi32>
    %swap3A_2280 = arith.constant 14 : i32
    %swap3A_2281 = arith.index_cast %swap3A_2280 : i32 to index
    %swap3A_2282 = arith.constant 96 : index
    %swap3A_2283 = tpu.vector_load %arg9[%swap3A_2281, %swap3A_2282] {strides = array<i32>} : memref<20x128xi32, #tpu.memory_space<vmem>>, vector<1x16xi32>,
    %swap3A_2284 = vector.shape_cast %swap3A_2283 : vector<1x16xi32> to vector<16xi32>
    %swap3A_2285 = vector.shape_cast %select_n3A_2279 : vector<16xi32> to vector<1x16xi32>
    tpu.vector_store %arg9[%swap3A_2281, %swap3A_2282], %swap3A_2285 {strides = array<i32>} : memref<20x128xi32, #tpu.memory_space<vmem>>, vector<1x16xi32>,
    %get3A_2286 = arith.constant 14 : i32
    %get3A_2287 = arith.index_cast %get3A_2286 : i32 to index
    %get3A_2288 = arith.constant 112 : index
    %get3A_2289 = tpu.vector_load %arg8[%get3A_2287, %get3A_2288] {strides = array<i32>} : memref<20x128xi32, #tpu.memory_space<vmem>>, vector<1x16xi32>,
    %get3A_2290 = vector.shape_cast %get3A_2289 : vector<1x16xi32> to vector<16xi32>
    %eq3A_2291 = arith.constant 0 : i32
    %eq3A_2292 = vector.broadcast %eq3A_2291 : i32 to vector<16xi32>
    %eq3A_2293 = arith.cmpi eq, %get3A_2290, %eq3A_2292 : vector<16xi32>
    %select_n3A_2294 = arith.select %eq3A_2293, %add3A_504, %get3A_2290 : vector<16xi1>, vector<16xi32>
    %swap3A_2295 = arith.constant 14 : i32
    %swap3A_2296 = arith.index_cast %swap3A_2295 : i32 to index
    %swap3A_2297 = arith.constant 112 : index
    %swap3A_2298 = tpu.vector_load %arg9[%swap3A_2296, %swap3A_2297] {strides = array<i32>} : memref<20x128xi32, #tpu.memory_space<vmem>>, vector<1x16xi32>,
    %swap3A_2299 = vector.shape_cast %swap3A_2298 : vector<1x16xi32> to vector<16xi32>
    %swap3A_2300 = vector.shape_cast %select_n3A_2294 : vector<16xi32> to vector<1x16xi32>
    tpu.vector_store %arg9[%swap3A_2296, %swap3A_2297], %swap3A_2300 {strides = array<i32>} : memref<20x128xi32, #tpu.memory_space<vmem>>, vector<1x16xi32>,
    %get3A_2301 = arith.constant 15 : i32
    %get3A_2302 = arith.index_cast %get3A_2301 : i32 to index
    %get3A_2303 = arith.constant 0 : index
    %get3A_2304 = tpu.vector_load %arg8[%get3A_2302, %get3A_2303] {strides = array<i32>} : memref<20x128xi32, #tpu.memory_space<vmem>>, vector<1x16xi32>,
    %get3A_2305 = vector.shape_cast %get3A_2304 : vector<1x16xi32> to vector<16xi32>
    %eq3A_2306 = arith.constant 0 : i32
    %eq3A_2307 = vector.broadcast %eq3A_2306 : i32 to vector<16xi32>
    %eq3A_2308 = arith.cmpi eq, %get3A_2305, %eq3A_2307 : vector<16xi32>
    %select_n3A_2309 = arith.select %eq3A_2308, %add3A_504, %get3A_2305 : vector<16xi1>, vector<16xi32>
    %swap3A_2310 = arith.constant 15 : i32
    %swap3A_2311 = arith.index_cast %swap3A_2310 : i32 to index
    %swap3A_2312 = arith.constant 0 : index
    %swap3A_2313 = tpu.vector_load %arg9[%swap3A_2311, %swap3A_2312] {strides = array<i32>} : memref<20x128xi32, #tpu.memory_space<vmem>>, vector<1x16xi32>,
    %swap3A_2314 = vector.shape_cast %swap3A_2313 : vector<1x16xi32> to vector<16xi32>
    %swap3A_2315 = vector.shape_cast %select_n3A_2309 : vector<16xi32> to vector<1x16xi32>
    tpu.vector_store %arg9[%swap3A_2311, %swap3A_2312], %swap3A_2315 {strides = array<i32>} : memref<20x128xi32, #tpu.memory_space<vmem>>, vector<1x16xi32>,
    %get3A_2316 = arith.constant 15 : i32
    %get3A_2317 = arith.index_cast %get3A_2316 : i32 to index
    %get3A_2318 = arith.constant 16 : index
    %get3A_2319 = tpu.vector_load %arg8[%get3A_2317, %get3A_2318] {strides = array<i32>} : memref<20x128xi32, #tpu.memory_space<vmem>>, vector<1x16xi32>,
    %get3A_2320 = vector.shape_cast %get3A_2319 : vector<1x16xi32> to vector<16xi32>
    %eq3A_2321 = arith.constant 0 : i32
    %eq3A_2322 = vector.broadcast %eq3A_2321 : i32 to vector<16xi32>
    %eq3A_2323 = arith.cmpi eq, %get3A_2320, %eq3A_2322 : vector<16xi32>
    %select_n3A_2324 = arith.select %eq3A_2323, %add3A_504, %get3A_2320 : vector<16xi1>, vector<16xi32>
    %swap3A_2325 = arith.constant 15 : i32
    %swap3A_2326 = arith.index_cast %swap3A_2325 : i32 to index
    %swap3A_2327 = arith.constant 16 : index
    %swap3A_2328 = tpu.vector_load %arg9[%swap3A_2326, %swap3A_2327] {strides = array<i32>} : memref<20x128xi32, #tpu.memory_space<vmem>>, vector<1x16xi32>,
    %swap3A_2329 = vector.shape_cast %swap3A_2328 : vector<1x16xi32> to vector<16xi32>
    %swap3A_2330 = vector.shape_cast %select_n3A_2324 : vector<16xi32> to vector<1x16xi32>
    tpu.vector_store %arg9[%swap3A_2326, %swap3A_2327], %swap3A_2330 {strides = array<i32>} : memref<20x128xi32, #tpu.memory_space<vmem>>, vector<1x16xi32>,
    %get3A_2331 = arith.constant 15 : i32
    %get3A_2332 = arith.index_cast %get3A_2331 : i32 to index
    %get3A_2333 = arith.constant 32 : index
    %get3A_2334 = tpu.vector_load %arg8[%get3A_2332, %get3A_2333] {strides = array<i32>} : memref<20x128xi32, #tpu.memory_space<vmem>>, vector<1x16xi32>,
    %get3A_2335 = vector.shape_cast %get3A_2334 : vector<1x16xi32> to vector<16xi32>
    %eq3A_2336 = arith.constant 0 : i32
    %eq3A_2337 = vector.broadcast %eq3A_2336 : i32 to vector<16xi32>
    %eq3A_2338 = arith.cmpi eq, %get3A_2335, %eq3A_2337 : vector<16xi32>
    %select_n3A_2339 = arith.select %eq3A_2338, %add3A_504, %get3A_2335 : vector<16xi1>, vector<16xi32>
    %swap3A_2340 = arith.constant 15 : i32
    %swap3A_2341 = arith.index_cast %swap3A_2340 : i32 to index
    %swap3A_2342 = arith.constant 32 : index
    %swap3A_2343 = tpu.vector_load %arg9[%swap3A_2341, %swap3A_2342] {strides = array<i32>} : memref<20x128xi32, #tpu.memory_space<vmem>>, vector<1x16xi32>,
    %swap3A_2344 = vector.shape_cast %swap3A_2343 : vector<1x16xi32> to vector<16xi32>
    %swap3A_2345 = vector.shape_cast %select_n3A_2339 : vector<16xi32> to vector<1x16xi32>
    tpu.vector_store %arg9[%swap3A_2341, %swap3A_2342], %swap3A_2345 {strides = array<i32>} : memref<20x128xi32, #tpu.memory_space<vmem>>, vector<1x16xi32>,
    %get3A_2346 = arith.constant 15 : i32
    %get3A_2347 = arith.index_cast %get3A_2346 : i32 to index
    %get3A_2348 = arith.constant 48 : index
    %get3A_2349 = tpu.vector_load %arg8[%get3A_2347, %get3A_2348] {strides = array<i32>} : memref<20x128xi32, #tpu.memory_space<vmem>>, vector<1x16xi32>,
    %get3A_2350 = vector.shape_cast %get3A_2349 : vector<1x16xi32> to vector<16xi32>
    %eq3A_2351 = arith.constant 0 : i32
    %eq3A_2352 = vector.broadcast %eq3A_2351 : i32 to vector<16xi32>
    %eq3A_2353 = arith.cmpi eq, %get3A_2350, %eq3A_2352 : vector<16xi32>
    %select_n3A_2354 = arith.select %eq3A_2353, %add3A_504, %get3A_2350 : vector<16xi1>, vector<16xi32>
    %swap3A_2355 = arith.constant 15 : i32
    %swap3A_2356 = arith.index_cast %swap3A_2355 : i32 to index
    %swap3A_2357 = arith.constant 48 : index
    %swap3A_2358 = tpu.vector_load %arg9[%swap3A_2356, %swap3A_2357] {strides = array<i32>} : memref<20x128xi32, #tpu.memory_space<vmem>>, vector<1x16xi32>,
    %swap3A_2359 = vector.shape_cast %swap3A_2358 : vector<1x16xi32> to vector<16xi32>
    %swap3A_2360 = vector.shape_cast %select_n3A_2354 : vector<16xi32> to vector<1x16xi32>
    tpu.vector_store %arg9[%swap3A_2356, %swap3A_2357], %swap3A_2360 {strides = array<i32>} : memref<20x128xi32, #tpu.memory_space<vmem>>, vector<1x16xi32>,
    %get3A_2361 = arith.constant 15 : i32
    %get3A_2362 = arith.index_cast %get3A_2361 : i32 to index
    %get3A_2363 = arith.constant 64 : index
    %get3A_2364 = tpu.vector_load %arg8[%get3A_2362, %get3A_2363] {strides = array<i32>} : memref<20x128xi32, #tpu.memory_space<vmem>>, vector<1x16xi32>,
    %get3A_2365 = vector.shape_cast %get3A_2364 : vector<1x16xi32> to vector<16xi32>
    %eq3A_2366 = arith.constant 0 : i32
    %eq3A_2367 = vector.broadcast %eq3A_2366 : i32 to vector<16xi32>
    %eq3A_2368 = arith.cmpi eq, %get3A_2365, %eq3A_2367 : vector<16xi32>
    %select_n3A_2369 = arith.select %eq3A_2368, %add3A_504, %get3A_2365 : vector<16xi1>, vector<16xi32>
    %swap3A_2370 = arith.constant 15 : i32
    %swap3A_2371 = arith.index_cast %swap3A_2370 : i32 to index
    %swap3A_2372 = arith.constant 64 : index
    %swap3A_2373 = tpu.vector_load %arg9[%swap3A_2371, %swap3A_2372] {strides = array<i32>} : memref<20x128xi32, #tpu.memory_space<vmem>>, vector<1x16xi32>,
    %swap3A_2374 = vector.shape_cast %swap3A_2373 : vector<1x16xi32> to vector<16xi32>
    %swap3A_2375 = vector.shape_cast %select_n3A_2369 : vector<16xi32> to vector<1x16xi32>
    tpu.vector_store %arg9[%swap3A_2371, %swap3A_2372], %swap3A_2375 {strides = array<i32>} : memref<20x128xi32, #tpu.memory_space<vmem>>, vector<1x16xi32>,
    %get3A_2376 = arith.constant 15 : i32
    %get3A_2377 = arith.index_cast %get3A_2376 : i32 to index
    %get3A_2378 = arith.constant 80 : index
    %get3A_2379 = tpu.vector_load %arg8[%get3A_2377, %get3A_2378] {strides = array<i32>} : memref<20x128xi32, #tpu.memory_space<vmem>>, vector<1x16xi32>,
    %get3A_2380 = vector.shape_cast %get3A_2379 : vector<1x16xi32> to vector<16xi32>
    %eq3A_2381 = arith.constant 0 : i32
    %eq3A_2382 = vector.broadcast %eq3A_2381 : i32 to vector<16xi32>
    %eq3A_2383 = arith.cmpi eq, %get3A_2380, %eq3A_2382 : vector<16xi32>
    %select_n3A_2384 = arith.select %eq3A_2383, %add3A_504, %get3A_2380 : vector<16xi1>, vector<16xi32>
    %swap3A_2385 = arith.constant 15 : i32
    %swap3A_2386 = arith.index_cast %swap3A_2385 : i32 to index
    %swap3A_2387 = arith.constant 80 : index
    %swap3A_2388 = tpu.vector_load %arg9[%swap3A_2386, %swap3A_2387] {strides = array<i32>} : memref<20x128xi32, #tpu.memory_space<vmem>>, vector<1x16xi32>,
    %swap3A_2389 = vector.shape_cast %swap3A_2388 : vector<1x16xi32> to vector<16xi32>
    %swap3A_2390 = vector.shape_cast %select_n3A_2384 : vector<16xi32> to vector<1x16xi32>
    tpu.vector_store %arg9[%swap3A_2386, %swap3A_2387], %swap3A_2390 {strides = array<i32>} : memref<20x128xi32, #tpu.memory_space<vmem>>, vector<1x16xi32>,
    %get3A_2391 = arith.constant 15 : i32
    %get3A_2392 = arith.index_cast %get3A_2391 : i32 to index
    %get3A_2393 = arith.constant 96 : index
    %get3A_2394 = tpu.vector_load %arg8[%get3A_2392, %get3A_2393] {strides = array<i32>} : memref<20x128xi32, #tpu.memory_space<vmem>>, vector<1x16xi32>,
    %get3A_2395 = vector.shape_cast %get3A_2394 : vector<1x16xi32> to vector<16xi32>
    %eq3A_2396 = arith.constant 0 : i32
    %eq3A_2397 = vector.broadcast %eq3A_2396 : i32 to vector<16xi32>
    %eq3A_2398 = arith.cmpi eq, %get3A_2395, %eq3A_2397 : vector<16xi32>
    %select_n3A_2399 = arith.select %eq3A_2398, %add3A_504, %get3A_2395 : vector<16xi1>, vector<16xi32>
    %swap3A_2400 = arith.constant 15 : i32
    %swap3A_2401 = arith.index_cast %swap3A_2400 : i32 to index
    %swap3A_2402 = arith.constant 96 : index
    %swap3A_2403 = tpu.vector_load %arg9[%swap3A_2401, %swap3A_2402] {strides = array<i32>} : memref<20x128xi32, #tpu.memory_space<vmem>>, vector<1x16xi32>,
    %swap3A_2404 = vector.shape_cast %swap3A_2403 : vector<1x16xi32> to vector<16xi32>
    %swap3A_2405 = vector.shape_cast %select_n3A_2399 : vector<16xi32> to vector<1x16xi32>
    tpu.vector_store %arg9[%swap3A_2401, %swap3A_2402], %swap3A_2405 {strides = array<i32>} : memref<20x128xi32, #tpu.memory_space<vmem>>, vector<1x16xi32>,
    %get3A_2406 = arith.constant 15 : i32
    %get3A_2407 = arith.index_cast %get3A_2406 : i32 to index
    %get3A_2408 = arith.constant 112 : index
    %get3A_2409 = tpu.vector_load %arg8[%get3A_2407, %get3A_2408] {strides = array<i32>} : memref<20x128xi32, #tpu.memory_space<vmem>>, vector<1x16xi32>,
    %get3A_2410 = vector.shape_cast %get3A_2409 : vector<1x16xi32> to vector<16xi32>
    %eq3A_2411 = arith.constant 0 : i32
    %eq3A_2412 = vector.broadcast %eq3A_2411 : i32 to vector<16xi32>
    %eq3A_2413 = arith.cmpi eq, %get3A_2410, %eq3A_2412 : vector<16xi32>
    %select_n3A_2414 = arith.select %eq3A_2413, %add3A_504, %get3A_2410 : vector<16xi1>, vector<16xi32>
    %swap3A_2415 = arith.constant 15 : i32
    %swap3A_2416 = arith.index_cast %swap3A_2415 : i32 to index
    %swap3A_2417 = arith.constant 112 : index
    %swap3A_2418 = tpu.vector_load %arg9[%swap3A_2416, %swap3A_2417] {strides = array<i32>} : memref<20x128xi32, #tpu.memory_space<vmem>>, vector<1x16xi32>,
    %swap3A_2419 = vector.shape_cast %swap3A_2418 : vector<1x16xi32> to vector<16xi32>
    %swap3A_2420 = vector.shape_cast %select_n3A_2414 : vector<16xi32> to vector<1x16xi32>
    tpu.vector_store %arg9[%swap3A_2416, %swap3A_2417], %swap3A_2420 {strides = array<i32>} : memref<20x128xi32, #tpu.memory_space<vmem>>, vector<1x16xi32>,
    %get3A_2421 = arith.constant 16 : i32
    %get3A_2422 = arith.index_cast %get3A_2421 : i32 to index
    %get3A_2423 = arith.constant 0 : index
    %get3A_2424 = tpu.vector_load %arg8[%get3A_2422, %get3A_2423] {strides = array<i32>} : memref<20x128xi32, #tpu.memory_space<vmem>>, vector<1x16xi32>,
    %get3A_2425 = vector.shape_cast %get3A_2424 : vector<1x16xi32> to vector<16xi32>
    %eq3A_2426 = arith.constant 0 : i32
    %eq3A_2427 = vector.broadcast %eq3A_2426 : i32 to vector<16xi32>
    %eq3A_2428 = arith.cmpi eq, %get3A_2425, %eq3A_2427 : vector<16xi32>
    %select_n3A_2429 = arith.select %eq3A_2428, %add3A_504, %get3A_2425 : vector<16xi1>, vector<16xi32>
    %swap3A_2430 = arith.constant 16 : i32
    %swap3A_2431 = arith.index_cast %swap3A_2430 : i32 to index
    %swap3A_2432 = arith.constant 0 : index
    %swap3A_2433 = tpu.vector_load %arg9[%swap3A_2431, %swap3A_2432] {strides = array<i32>} : memref<20x128xi32, #tpu.memory_space<vmem>>, vector<1x16xi32>,
    %swap3A_2434 = vector.shape_cast %swap3A_2433 : vector<1x16xi32> to vector<16xi32>
    %swap3A_2435 = vector.shape_cast %select_n3A_2429 : vector<16xi32> to vector<1x16xi32>
    tpu.vector_store %arg9[%swap3A_2431, %swap3A_2432], %swap3A_2435 {strides = array<i32>} : memref<20x128xi32, #tpu.memory_space<vmem>>, vector<1x16xi32>,
    %get3A_2436 = arith.constant 16 : i32
    %get3A_2437 = arith.index_cast %get3A_2436 : i32 to index
    %get3A_2438 = arith.constant 16 : index
    %get3A_2439 = tpu.vector_load %arg8[%get3A_2437, %get3A_2438] {strides = array<i32>} : memref<20x128xi32, #tpu.memory_space<vmem>>, vector<1x16xi32>,
    %get3A_2440 = vector.shape_cast %get3A_2439 : vector<1x16xi32> to vector<16xi32>
    %eq3A_2441 = arith.constant 0 : i32
    %eq3A_2442 = vector.broadcast %eq3A_2441 : i32 to vector<16xi32>
    %eq3A_2443 = arith.cmpi eq, %get3A_2440, %eq3A_2442 : vector<16xi32>
    %select_n3A_2444 = arith.select %eq3A_2443, %add3A_504, %get3A_2440 : vector<16xi1>, vector<16xi32>
    %swap3A_2445 = arith.constant 16 : i32
    %swap3A_2446 = arith.index_cast %swap3A_2445 : i32 to index
    %swap3A_2447 = arith.constant 16 : index
    %swap3A_2448 = tpu.vector_load %arg9[%swap3A_2446, %swap3A_2447] {strides = array<i32>} : memref<20x128xi32, #tpu.memory_space<vmem>>, vector<1x16xi32>,
    %swap3A_2449 = vector.shape_cast %swap3A_2448 : vector<1x16xi32> to vector<16xi32>
    %swap3A_2450 = vector.shape_cast %select_n3A_2444 : vector<16xi32> to vector<1x16xi32>
    tpu.vector_store %arg9[%swap3A_2446, %swap3A_2447], %swap3A_2450 {strides = array<i32>} : memref<20x128xi32, #tpu.memory_space<vmem>>, vector<1x16xi32>,
    %get3A_2451 = arith.constant 16 : i32
    %get3A_2452 = arith.index_cast %get3A_2451 : i32 to index
    %get3A_2453 = arith.constant 32 : index
    %get3A_2454 = tpu.vector_load %arg8[%get3A_2452, %get3A_2453] {strides = array<i32>} : memref<20x128xi32, #tpu.memory_space<vmem>>, vector<1x16xi32>,
    %get3A_2455 = vector.shape_cast %get3A_2454 : vector<1x16xi32> to vector<16xi32>
    %eq3A_2456 = arith.constant 0 : i32
    %eq3A_2457 = vector.broadcast %eq3A_2456 : i32 to vector<16xi32>
    %eq3A_2458 = arith.cmpi eq, %get3A_2455, %eq3A_2457 : vector<16xi32>
    %select_n3A_2459 = arith.select %eq3A_2458, %add3A_504, %get3A_2455 : vector<16xi1>, vector<16xi32>
    %swap3A_2460 = arith.constant 16 : i32
    %swap3A_2461 = arith.index_cast %swap3A_2460 : i32 to index
    %swap3A_2462 = arith.constant 32 : index
    %swap3A_2463 = tpu.vector_load %arg9[%swap3A_2461, %swap3A_2462] {strides = array<i32>} : memref<20x128xi32, #tpu.memory_space<vmem>>, vector<1x16xi32>,
    %swap3A_2464 = vector.shape_cast %swap3A_2463 : vector<1x16xi32> to vector<16xi32>
    %swap3A_2465 = vector.shape_cast %select_n3A_2459 : vector<16xi32> to vector<1x16xi32>
    tpu.vector_store %arg9[%swap3A_2461, %swap3A_2462], %swap3A_2465 {strides = array<i32>} : memref<20x128xi32, #tpu.memory_space<vmem>>, vector<1x16xi32>,
    %get3A_2466 = arith.constant 16 : i32
    %get3A_2467 = arith.index_cast %get3A_2466 : i32 to index
    %get3A_2468 = arith.constant 48 : index
    %get3A_2469 = tpu.vector_load %arg8[%get3A_2467, %get3A_2468] {strides = array<i32>} : memref<20x128xi32, #tpu.memory_space<vmem>>, vector<1x16xi32>,
    %get3A_2470 = vector.shape_cast %get3A_2469 : vector<1x16xi32> to vector<16xi32>
    %eq3A_2471 = arith.constant 0 : i32
    %eq3A_2472 = vector.broadcast %eq3A_2471 : i32 to vector<16xi32>
    %eq3A_2473 = arith.cmpi eq, %get3A_2470, %eq3A_2472 : vector<16xi32>
    %select_n3A_2474 = arith.select %eq3A_2473, %add3A_504, %get3A_2470 : vector<16xi1>, vector<16xi32>
    %swap3A_2475 = arith.constant 16 : i32
    %swap3A_2476 = arith.index_cast %swap3A_2475 : i32 to index
    %swap3A_2477 = arith.constant 48 : index
    %swap3A_2478 = tpu.vector_load %arg9[%swap3A_2476, %swap3A_2477] {strides = array<i32>} : memref<20x128xi32, #tpu.memory_space<vmem>>, vector<1x16xi32>,
    %swap3A_2479 = vector.shape_cast %swap3A_2478 : vector<1x16xi32> to vector<16xi32>
    %swap3A_2480 = vector.shape_cast %select_n3A_2474 : vector<16xi32> to vector<1x16xi32>
    tpu.vector_store %arg9[%swap3A_2476, %swap3A_2477], %swap3A_2480 {strides = array<i32>} : memref<20x128xi32, #tpu.memory_space<vmem>>, vector<1x16xi32>,
    %get3A_2481 = arith.constant 16 : i32
    %get3A_2482 = arith.index_cast %get3A_2481 : i32 to index
    %get3A_2483 = arith.constant 64 : index
    %get3A_2484 = tpu.vector_load %arg8[%get3A_2482, %get3A_2483] {strides = array<i32>} : memref<20x128xi32, #tpu.memory_space<vmem>>, vector<1x16xi32>,
    %get3A_2485 = vector.shape_cast %get3A_2484 : vector<1x16xi32> to vector<16xi32>
    %eq3A_2486 = arith.constant 0 : i32
    %eq3A_2487 = vector.broadcast %eq3A_2486 : i32 to vector<16xi32>
    %eq3A_2488 = arith.cmpi eq, %get3A_2485, %eq3A_2487 : vector<16xi32>
    %select_n3A_2489 = arith.select %eq3A_2488, %add3A_504, %get3A_2485 : vector<16xi1>, vector<16xi32>
    %swap3A_2490 = arith.constant 16 : i32
    %swap3A_2491 = arith.index_cast %swap3A_2490 : i32 to index
    %swap3A_2492 = arith.constant 64 : index
    %swap3A_2493 = tpu.vector_load %arg9[%swap3A_2491, %swap3A_2492] {strides = array<i32>} : memref<20x128xi32, #tpu.memory_space<vmem>>, vector<1x16xi32>,
    %swap3A_2494 = vector.shape_cast %swap3A_2493 : vector<1x16xi32> to vector<16xi32>
    %swap3A_2495 = vector.shape_cast %select_n3A_2489 : vector<16xi32> to vector<1x16xi32>
    tpu.vector_store %arg9[%swap3A_2491, %swap3A_2492], %swap3A_2495 {strides = array<i32>} : memref<20x128xi32, #tpu.memory_space<vmem>>, vector<1x16xi32>,
    %get3A_2496 = arith.constant 16 : i32
    %get3A_2497 = arith.index_cast %get3A_2496 : i32 to index
    %get3A_2498 = arith.constant 80 : index
    %get3A_2499 = tpu.vector_load %arg8[%get3A_2497, %get3A_2498] {strides = array<i32>} : memref<20x128xi32, #tpu.memory_space<vmem>>, vector<1x16xi32>,
    %get3A_2500 = vector.shape_cast %get3A_2499 : vector<1x16xi32> to vector<16xi32>
    %eq3A_2501 = arith.constant 0 : i32
    %eq3A_2502 = vector.broadcast %eq3A_2501 : i32 to vector<16xi32>
    %eq3A_2503 = arith.cmpi eq, %get3A_2500, %eq3A_2502 : vector<16xi32>
    %select_n3A_2504 = arith.select %eq3A_2503, %add3A_504, %get3A_2500 : vector<16xi1>, vector<16xi32>
    %swap3A_2505 = arith.constant 16 : i32
    %swap3A_2506 = arith.index_cast %swap3A_2505 : i32 to index
    %swap3A_2507 = arith.constant 80 : index
    %swap3A_2508 = tpu.vector_load %arg9[%swap3A_2506, %swap3A_2507] {strides = array<i32>} : memref<20x128xi32, #tpu.memory_space<vmem>>, vector<1x16xi32>,
    %swap3A_2509 = vector.shape_cast %swap3A_2508 : vector<1x16xi32> to vector<16xi32>
    %swap3A_2510 = vector.shape_cast %select_n3A_2504 : vector<16xi32> to vector<1x16xi32>
    tpu.vector_store %arg9[%swap3A_2506, %swap3A_2507], %swap3A_2510 {strides = array<i32>} : memref<20x128xi32, #tpu.memory_space<vmem>>, vector<1x16xi32>,
    %get3A_2511 = arith.constant 16 : i32
    %get3A_2512 = arith.index_cast %get3A_2511 : i32 to index
    %get3A_2513 = arith.constant 96 : index
    %get3A_2514 = tpu.vector_load %arg8[%get3A_2512, %get3A_2513] {strides = array<i32>} : memref<20x128xi32, #tpu.memory_space<vmem>>, vector<1x16xi32>,
    %get3A_2515 = vector.shape_cast %get3A_2514 : vector<1x16xi32> to vector<16xi32>
    %eq3A_2516 = arith.constant 0 : i32
    %eq3A_2517 = vector.broadcast %eq3A_2516 : i32 to vector<16xi32>
    %eq3A_2518 = arith.cmpi eq, %get3A_2515, %eq3A_2517 : vector<16xi32>
    %select_n3A_2519 = arith.select %eq3A_2518, %add3A_504, %get3A_2515 : vector<16xi1>, vector<16xi32>
    %swap3A_2520 = arith.constant 16 : i32
    %swap3A_2521 = arith.index_cast %swap3A_2520 : i32 to index
    %swap3A_2522 = arith.constant 96 : index
    %swap3A_2523 = tpu.vector_load %arg9[%swap3A_2521, %swap3A_2522] {strides = array<i32>} : memref<20x128xi32, #tpu.memory_space<vmem>>, vector<1x16xi32>,
    %swap3A_2524 = vector.shape_cast %swap3A_2523 : vector<1x16xi32> to vector<16xi32>
    %swap3A_2525 = vector.shape_cast %select_n3A_2519 : vector<16xi32> to vector<1x16xi32>
    tpu.vector_store %arg9[%swap3A_2521, %swap3A_2522], %swap3A_2525 {strides = array<i32>} : memref<20x128xi32, #tpu.memory_space<vmem>>, vector<1x16xi32>,
    %get3A_2526 = arith.constant 16 : i32
    %get3A_2527 = arith.index_cast %get3A_2526 : i32 to index
    %get3A_2528 = arith.constant 112 : index
    %get3A_2529 = tpu.vector_load %arg8[%get3A_2527, %get3A_2528] {strides = array<i32>} : memref<20x128xi32, #tpu.memory_space<vmem>>, vector<1x16xi32>,
    %get3A_2530 = vector.shape_cast %get3A_2529 : vector<1x16xi32> to vector<16xi32>
    %eq3A_2531 = arith.constant 0 : i32
    %eq3A_2532 = vector.broadcast %eq3A_2531 : i32 to vector<16xi32>
    %eq3A_2533 = arith.cmpi eq, %get3A_2530, %eq3A_2532 : vector<16xi32>
    %select_n3A_2534 = arith.select %eq3A_2533, %add3A_504, %get3A_2530 : vector<16xi1>, vector<16xi32>
    %swap3A_2535 = arith.constant 16 : i32
    %swap3A_2536 = arith.index_cast %swap3A_2535 : i32 to index
    %swap3A_2537 = arith.constant 112 : index
    %swap3A_2538 = tpu.vector_load %arg9[%swap3A_2536, %swap3A_2537] {strides = array<i32>} : memref<20x128xi32, #tpu.memory_space<vmem>>, vector<1x16xi32>,
    %swap3A_2539 = vector.shape_cast %swap3A_2538 : vector<1x16xi32> to vector<16xi32>
    %swap3A_2540 = vector.shape_cast %select_n3A_2534 : vector<16xi32> to vector<1x16xi32>
    tpu.vector_store %arg9[%swap3A_2536, %swap3A_2537], %swap3A_2540 {strides = array<i32>} : memref<20x128xi32, #tpu.memory_space<vmem>>, vector<1x16xi32>,
    %get3A_2541 = arith.constant 17 : i32
    %get3A_2542 = arith.index_cast %get3A_2541 : i32 to index
    %get3A_2543 = arith.constant 0 : index
    %get3A_2544 = tpu.vector_load %arg8[%get3A_2542, %get3A_2543] {strides = array<i32>} : memref<20x128xi32, #tpu.memory_space<vmem>>, vector<1x16xi32>,
    %get3A_2545 = vector.shape_cast %get3A_2544 : vector<1x16xi32> to vector<16xi32>
    %eq3A_2546 = arith.constant 0 : i32
    %eq3A_2547 = vector.broadcast %eq3A_2546 : i32 to vector<16xi32>
    %eq3A_2548 = arith.cmpi eq, %get3A_2545, %eq3A_2547 : vector<16xi32>
    %select_n3A_2549 = arith.select %eq3A_2548, %add3A_504, %get3A_2545 : vector<16xi1>, vector<16xi32>
    %swap3A_2550 = arith.constant 17 : i32
    %swap3A_2551 = arith.index_cast %swap3A_2550 : i32 to index
    %swap3A_2552 = arith.constant 0 : index
    %swap3A_2553 = tpu.vector_load %arg9[%swap3A_2551, %swap3A_2552] {strides = array<i32>} : memref<20x128xi32, #tpu.memory_space<vmem>>, vector<1x16xi32>,
    %swap3A_2554 = vector.shape_cast %swap3A_2553 : vector<1x16xi32> to vector<16xi32>
    %swap3A_2555 = vector.shape_cast %select_n3A_2549 : vector<16xi32> to vector<1x16xi32>
    tpu.vector_store %arg9[%swap3A_2551, %swap3A_2552], %swap3A_2555 {strides = array<i32>} : memref<20x128xi32, #tpu.memory_space<vmem>>, vector<1x16xi32>,
    %get3A_2556 = arith.constant 17 : i32
    %get3A_2557 = arith.index_cast %get3A_2556 : i32 to index
    %get3A_2558 = arith.constant 16 : index
    %get3A_2559 = tpu.vector_load %arg8[%get3A_2557, %get3A_2558] {strides = array<i32>} : memref<20x128xi32, #tpu.memory_space<vmem>>, vector<1x16xi32>,
    %get3A_2560 = vector.shape_cast %get3A_2559 : vector<1x16xi32> to vector<16xi32>
    %eq3A_2561 = arith.constant 0 : i32
    %eq3A_2562 = vector.broadcast %eq3A_2561 : i32 to vector<16xi32>
    %eq3A_2563 = arith.cmpi eq, %get3A_2560, %eq3A_2562 : vector<16xi32>
    %select_n3A_2564 = arith.select %eq3A_2563, %add3A_504, %get3A_2560 : vector<16xi1>, vector<16xi32>
    %swap3A_2565 = arith.constant 17 : i32
    %swap3A_2566 = arith.index_cast %swap3A_2565 : i32 to index
    %swap3A_2567 = arith.constant 16 : index
    %swap3A_2568 = tpu.vector_load %arg9[%swap3A_2566, %swap3A_2567] {strides = array<i32>} : memref<20x128xi32, #tpu.memory_space<vmem>>, vector<1x16xi32>,
    %swap3A_2569 = vector.shape_cast %swap3A_2568 : vector<1x16xi32> to vector<16xi32>
    %swap3A_2570 = vector.shape_cast %select_n3A_2564 : vector<16xi32> to vector<1x16xi32>
    tpu.vector_store %arg9[%swap3A_2566, %swap3A_2567], %swap3A_2570 {strides = array<i32>} : memref<20x128xi32, #tpu.memory_space<vmem>>, vector<1x16xi32>,
    %get3A_2571 = arith.constant 17 : i32
    %get3A_2572 = arith.index_cast %get3A_2571 : i32 to index
    %get3A_2573 = arith.constant 32 : index
    %get3A_2574 = tpu.vector_load %arg8[%get3A_2572, %get3A_2573] {strides = array<i32>} : memref<20x128xi32, #tpu.memory_space<vmem>>, vector<1x16xi32>,
    %get3A_2575 = vector.shape_cast %get3A_2574 : vector<1x16xi32> to vector<16xi32>
    %eq3A_2576 = arith.constant 0 : i32
    %eq3A_2577 = vector.broadcast %eq3A_2576 : i32 to vector<16xi32>
    %eq3A_2578 = arith.cmpi eq, %get3A_2575, %eq3A_2577 : vector<16xi32>
    %select_n3A_2579 = arith.select %eq3A_2578, %add3A_504, %get3A_2575 : vector<16xi1>, vector<16xi32>
    %swap3A_2580 = arith.constant 17 : i32
    %swap3A_2581 = arith.index_cast %swap3A_2580 : i32 to index
    %swap3A_2582 = arith.constant 32 : index
    %swap3A_2583 = tpu.vector_load %arg9[%swap3A_2581, %swap3A_2582] {strides = array<i32>} : memref<20x128xi32, #tpu.memory_space<vmem>>, vector<1x16xi32>,
    %swap3A_2584 = vector.shape_cast %swap3A_2583 : vector<1x16xi32> to vector<16xi32>
    %swap3A_2585 = vector.shape_cast %select_n3A_2579 : vector<16xi32> to vector<1x16xi32>
    tpu.vector_store %arg9[%swap3A_2581, %swap3A_2582], %swap3A_2585 {strides = array<i32>} : memref<20x128xi32, #tpu.memory_space<vmem>>, vector<1x16xi32>,
    %get3A_2586 = arith.constant 17 : i32
    %get3A_2587 = arith.index_cast %get3A_2586 : i32 to index
    %get3A_2588 = arith.constant 48 : index
    %get3A_2589 = tpu.vector_load %arg8[%get3A_2587, %get3A_2588] {strides = array<i32>} : memref<20x128xi32, #tpu.memory_space<vmem>>, vector<1x16xi32>,
    %get3A_2590 = vector.shape_cast %get3A_2589 : vector<1x16xi32> to vector<16xi32>
    %eq3A_2591 = arith.constant 0 : i32
    %eq3A_2592 = vector.broadcast %eq3A_2591 : i32 to vector<16xi32>
    %eq3A_2593 = arith.cmpi eq, %get3A_2590, %eq3A_2592 : vector<16xi32>
    %select_n3A_2594 = arith.select %eq3A_2593, %add3A_504, %get3A_2590 : vector<16xi1>, vector<16xi32>
    %swap3A_2595 = arith.constant 17 : i32
    %swap3A_2596 = arith.index_cast %swap3A_2595 : i32 to index
    %swap3A_2597 = arith.constant 48 : index
    %swap3A_2598 = tpu.vector_load %arg9[%swap3A_2596, %swap3A_2597] {strides = array<i32>} : memref<20x128xi32, #tpu.memory_space<vmem>>, vector<1x16xi32>,
    %swap3A_2599 = vector.shape_cast %swap3A_2598 : vector<1x16xi32> to vector<16xi32>
    %swap3A_2600 = vector.shape_cast %select_n3A_2594 : vector<16xi32> to vector<1x16xi32>
    tpu.vector_store %arg9[%swap3A_2596, %swap3A_2597], %swap3A_2600 {strides = array<i32>} : memref<20x128xi32, #tpu.memory_space<vmem>>, vector<1x16xi32>,
    %get3A_2601 = arith.constant 17 : i32
    %get3A_2602 = arith.index_cast %get3A_2601 : i32 to index
    %get3A_2603 = arith.constant 64 : index
    %get3A_2604 = tpu.vector_load %arg8[%get3A_2602, %get3A_2603] {strides = array<i32>} : memref<20x128xi32, #tpu.memory_space<vmem>>, vector<1x16xi32>,
    %get3A_2605 = vector.shape_cast %get3A_2604 : vector<1x16xi32> to vector<16xi32>
    %eq3A_2606 = arith.constant 0 : i32
    %eq3A_2607 = vector.broadcast %eq3A_2606 : i32 to vector<16xi32>
    %eq3A_2608 = arith.cmpi eq, %get3A_2605, %eq3A_2607 : vector<16xi32>
    %select_n3A_2609 = arith.select %eq3A_2608, %add3A_504, %get3A_2605 : vector<16xi1>, vector<16xi32>
    %swap3A_2610 = arith.constant 17 : i32
    %swap3A_2611 = arith.index_cast %swap3A_2610 : i32 to index
    %swap3A_2612 = arith.constant 64 : index
    %swap3A_2613 = tpu.vector_load %arg9[%swap3A_2611, %swap3A_2612] {strides = array<i32>} : memref<20x128xi32, #tpu.memory_space<vmem>>, vector<1x16xi32>,
    %swap3A_2614 = vector.shape_cast %swap3A_2613 : vector<1x16xi32> to vector<16xi32>
    %swap3A_2615 = vector.shape_cast %select_n3A_2609 : vector<16xi32> to vector<1x16xi32>
    tpu.vector_store %arg9[%swap3A_2611, %swap3A_2612], %swap3A_2615 {strides = array<i32>} : memref<20x128xi32, #tpu.memory_space<vmem>>, vector<1x16xi32>,
    %get3A_2616 = arith.constant 17 : i32
    %get3A_2617 = arith.index_cast %get3A_2616 : i32 to index
    %get3A_2618 = arith.constant 80 : index
    %get3A_2619 = tpu.vector_load %arg8[%get3A_2617, %get3A_2618] {strides = array<i32>} : memref<20x128xi32, #tpu.memory_space<vmem>>, vector<1x16xi32>,
    %get3A_2620 = vector.shape_cast %get3A_2619 : vector<1x16xi32> to vector<16xi32>
    %eq3A_2621 = arith.constant 0 : i32
    %eq3A_2622 = vector.broadcast %eq3A_2621 : i32 to vector<16xi32>
    %eq3A_2623 = arith.cmpi eq, %get3A_2620, %eq3A_2622 : vector<16xi32>
    %select_n3A_2624 = arith.select %eq3A_2623, %add3A_504, %get3A_2620 : vector<16xi1>, vector<16xi32>
    %swap3A_2625 = arith.constant 17 : i32
    %swap3A_2626 = arith.index_cast %swap3A_2625 : i32 to index
    %swap3A_2627 = arith.constant 80 : index
    %swap3A_2628 = tpu.vector_load %arg9[%swap3A_2626, %swap3A_2627] {strides = array<i32>} : memref<20x128xi32, #tpu.memory_space<vmem>>, vector<1x16xi32>,
    %swap3A_2629 = vector.shape_cast %swap3A_2628 : vector<1x16xi32> to vector<16xi32>
    %swap3A_2630 = vector.shape_cast %select_n3A_2624 : vector<16xi32> to vector<1x16xi32>
    tpu.vector_store %arg9[%swap3A_2626, %swap3A_2627], %swap3A_2630 {strides = array<i32>} : memref<20x128xi32, #tpu.memory_space<vmem>>, vector<1x16xi32>,
    %get3A_2631 = arith.constant 17 : i32
    %get3A_2632 = arith.index_cast %get3A_2631 : i32 to index
    %get3A_2633 = arith.constant 96 : index
    %get3A_2634 = tpu.vector_load %arg8[%get3A_2632, %get3A_2633] {strides = array<i32>} : memref<20x128xi32, #tpu.memory_space<vmem>>, vector<1x16xi32>,
    %get3A_2635 = vector.shape_cast %get3A_2634 : vector<1x16xi32> to vector<16xi32>
    %eq3A_2636 = arith.constant 0 : i32
    %eq3A_2637 = vector.broadcast %eq3A_2636 : i32 to vector<16xi32>
    %eq3A_2638 = arith.cmpi eq, %get3A_2635, %eq3A_2637 : vector<16xi32>
    %select_n3A_2639 = arith.select %eq3A_2638, %add3A_504, %get3A_2635 : vector<16xi1>, vector<16xi32>
    %swap3A_2640 = arith.constant 17 : i32
    %swap3A_2641 = arith.index_cast %swap3A_2640 : i32 to index
    %swap3A_2642 = arith.constant 96 : index
    %swap3A_2643 = tpu.vector_load %arg9[%swap3A_2641, %swap3A_2642] {strides = array<i32>} : memref<20x128xi32, #tpu.memory_space<vmem>>, vector<1x16xi32>,
    %swap3A_2644 = vector.shape_cast %swap3A_2643 : vector<1x16xi32> to vector<16xi32>
    %swap3A_2645 = vector.shape_cast %select_n3A_2639 : vector<16xi32> to vector<1x16xi32>
    tpu.vector_store %arg9[%swap3A_2641, %swap3A_2642], %swap3A_2645 {strides = array<i32>} : memref<20x128xi32, #tpu.memory_space<vmem>>, vector<1x16xi32>,
    %get3A_2646 = arith.constant 17 : i32
    %get3A_2647 = arith.index_cast %get3A_2646 : i32 to index
    %get3A_2648 = arith.constant 112 : index
    %get3A_2649 = tpu.vector_load %arg8[%get3A_2647, %get3A_2648] {strides = array<i32>} : memref<20x128xi32, #tpu.memory_space<vmem>>, vector<1x16xi32>,
    %get3A_2650 = vector.shape_cast %get3A_2649 : vector<1x16xi32> to vector<16xi32>
    %eq3A_2651 = arith.constant 0 : i32
    %eq3A_2652 = vector.broadcast %eq3A_2651 : i32 to vector<16xi32>
    %eq3A_2653 = arith.cmpi eq, %get3A_2650, %eq3A_2652 : vector<16xi32>
    %select_n3A_2654 = arith.select %eq3A_2653, %add3A_504, %get3A_2650 : vector<16xi1>, vector<16xi32>
    %swap3A_2655 = arith.constant 17 : i32
    %swap3A_2656 = arith.index_cast %swap3A_2655 : i32 to index
    %swap3A_2657 = arith.constant 112 : index
    %swap3A_2658 = tpu.vector_load %arg9[%swap3A_2656, %swap3A_2657] {strides = array<i32>} : memref<20x128xi32, #tpu.memory_space<vmem>>, vector<1x16xi32>,
    %swap3A_2659 = vector.shape_cast %swap3A_2658 : vector<1x16xi32> to vector<16xi32>
    %swap3A_2660 = vector.shape_cast %select_n3A_2654 : vector<16xi32> to vector<1x16xi32>
    tpu.vector_store %arg9[%swap3A_2656, %swap3A_2657], %swap3A_2660 {strides = array<i32>} : memref<20x128xi32, #tpu.memory_space<vmem>>, vector<1x16xi32>,
    %get3A_2661 = arith.constant 18 : i32
    %get3A_2662 = arith.index_cast %get3A_2661 : i32 to index
    %get3A_2663 = arith.constant 0 : index
    %get3A_2664 = tpu.vector_load %arg8[%get3A_2662, %get3A_2663] {strides = array<i32>} : memref<20x128xi32, #tpu.memory_space<vmem>>, vector<1x16xi32>,
    %get3A_2665 = vector.shape_cast %get3A_2664 : vector<1x16xi32> to vector<16xi32>
    %eq3A_2666 = arith.constant 0 : i32
    %eq3A_2667 = vector.broadcast %eq3A_2666 : i32 to vector<16xi32>
    %eq3A_2668 = arith.cmpi eq, %get3A_2665, %eq3A_2667 : vector<16xi32>
    %select_n3A_2669 = arith.select %eq3A_2668, %add3A_504, %get3A_2665 : vector<16xi1>, vector<16xi32>
    %swap3A_2670 = arith.constant 18 : i32
    %swap3A_2671 = arith.index_cast %swap3A_2670 : i32 to index
    %swap3A_2672 = arith.constant 0 : index
    %swap3A_2673 = tpu.vector_load %arg9[%swap3A_2671, %swap3A_2672] {strides = array<i32>} : memref<20x128xi32, #tpu.memory_space<vmem>>, vector<1x16xi32>,
    %swap3A_2674 = vector.shape_cast %swap3A_2673 : vector<1x16xi32> to vector<16xi32>
    %swap3A_2675 = vector.shape_cast %select_n3A_2669 : vector<16xi32> to vector<1x16xi32>
    tpu.vector_store %arg9[%swap3A_2671, %swap3A_2672], %swap3A_2675 {strides = array<i32>} : memref<20x128xi32, #tpu.memory_space<vmem>>, vector<1x16xi32>,
    %get3A_2676 = arith.constant 18 : i32
    %get3A_2677 = arith.index_cast %get3A_2676 : i32 to index
    %get3A_2678 = arith.constant 16 : index
    %get3A_2679 = tpu.vector_load %arg8[%get3A_2677, %get3A_2678] {strides = array<i32>} : memref<20x128xi32, #tpu.memory_space<vmem>>, vector<1x16xi32>,
    %get3A_2680 = vector.shape_cast %get3A_2679 : vector<1x16xi32> to vector<16xi32>
    %eq3A_2681 = arith.constant 0 : i32
    %eq3A_2682 = vector.broadcast %eq3A_2681 : i32 to vector<16xi32>
    %eq3A_2683 = arith.cmpi eq, %get3A_2680, %eq3A_2682 : vector<16xi32>
    %select_n3A_2684 = arith.select %eq3A_2683, %add3A_504, %get3A_2680 : vector<16xi1>, vector<16xi32>
    %swap3A_2685 = arith.constant 18 : i32
    %swap3A_2686 = arith.index_cast %swap3A_2685 : i32 to index
    %swap3A_2687 = arith.constant 16 : index
    %swap3A_2688 = tpu.vector_load %arg9[%swap3A_2686, %swap3A_2687] {strides = array<i32>} : memref<20x128xi32, #tpu.memory_space<vmem>>, vector<1x16xi32>,
    %swap3A_2689 = vector.shape_cast %swap3A_2688 : vector<1x16xi32> to vector<16xi32>
    %swap3A_2690 = vector.shape_cast %select_n3A_2684 : vector<16xi32> to vector<1x16xi32>
    tpu.vector_store %arg9[%swap3A_2686, %swap3A_2687], %swap3A_2690 {strides = array<i32>} : memref<20x128xi32, #tpu.memory_space<vmem>>, vector<1x16xi32>,
    %get3A_2691 = arith.constant 18 : i32
    %get3A_2692 = arith.index_cast %get3A_2691 : i32 to index
    %get3A_2693 = arith.constant 32 : index
    %get3A_2694 = tpu.vector_load %arg8[%get3A_2692, %get3A_2693] {strides = array<i32>} : memref<20x128xi32, #tpu.memory_space<vmem>>, vector<1x16xi32>,
    %get3A_2695 = vector.shape_cast %get3A_2694 : vector<1x16xi32> to vector<16xi32>
    %eq3A_2696 = arith.constant 0 : i32
    %eq3A_2697 = vector.broadcast %eq3A_2696 : i32 to vector<16xi32>
    %eq3A_2698 = arith.cmpi eq, %get3A_2695, %eq3A_2697 : vector<16xi32>
    %select_n3A_2699 = arith.select %eq3A_2698, %add3A_504, %get3A_2695 : vector<16xi1>, vector<16xi32>
    %swap3A_2700 = arith.constant 18 : i32
    %swap3A_2701 = arith.index_cast %swap3A_2700 : i32 to index
    %swap3A_2702 = arith.constant 32 : index
    %swap3A_2703 = tpu.vector_load %arg9[%swap3A_2701, %swap3A_2702] {strides = array<i32>} : memref<20x128xi32, #tpu.memory_space<vmem>>, vector<1x16xi32>,
    %swap3A_2704 = vector.shape_cast %swap3A_2703 : vector<1x16xi32> to vector<16xi32>
    %swap3A_2705 = vector.shape_cast %select_n3A_2699 : vector<16xi32> to vector<1x16xi32>
    tpu.vector_store %arg9[%swap3A_2701, %swap3A_2702], %swap3A_2705 {strides = array<i32>} : memref<20x128xi32, #tpu.memory_space<vmem>>, vector<1x16xi32>,
    %get3A_2706 = arith.constant 18 : i32
    %get3A_2707 = arith.index_cast %get3A_2706 : i32 to index
    %get3A_2708 = arith.constant 48 : index
    %get3A_2709 = tpu.vector_load %arg8[%get3A_2707, %get3A_2708] {strides = array<i32>} : memref<20x128xi32, #tpu.memory_space<vmem>>, vector<1x16xi32>,
    %get3A_2710 = vector.shape_cast %get3A_2709 : vector<1x16xi32> to vector<16xi32>
    %eq3A_2711 = arith.constant 0 : i32
    %eq3A_2712 = vector.broadcast %eq3A_2711 : i32 to vector<16xi32>
    %eq3A_2713 = arith.cmpi eq, %get3A_2710, %eq3A_2712 : vector<16xi32>
    %select_n3A_2714 = arith.select %eq3A_2713, %add3A_504, %get3A_2710 : vector<16xi1>, vector<16xi32>
    %swap3A_2715 = arith.constant 18 : i32
    %swap3A_2716 = arith.index_cast %swap3A_2715 : i32 to index
    %swap3A_2717 = arith.constant 48 : index
    %swap3A_2718 = tpu.vector_load %arg9[%swap3A_2716, %swap3A_2717] {strides = array<i32>} : memref<20x128xi32, #tpu.memory_space<vmem>>, vector<1x16xi32>,
    %swap3A_2719 = vector.shape_cast %swap3A_2718 : vector<1x16xi32> to vector<16xi32>
    %swap3A_2720 = vector.shape_cast %select_n3A_2714 : vector<16xi32> to vector<1x16xi32>
    tpu.vector_store %arg9[%swap3A_2716, %swap3A_2717], %swap3A_2720 {strides = array<i32>} : memref<20x128xi32, #tpu.memory_space<vmem>>, vector<1x16xi32>,
    %get3A_2721 = arith.constant 18 : i32
    %get3A_2722 = arith.index_cast %get3A_2721 : i32 to index
    %get3A_2723 = arith.constant 64 : index
    %get3A_2724 = tpu.vector_load %arg8[%get3A_2722, %get3A_2723] {strides = array<i32>} : memref<20x128xi32, #tpu.memory_space<vmem>>, vector<1x16xi32>,
    %get3A_2725 = vector.shape_cast %get3A_2724 : vector<1x16xi32> to vector<16xi32>
    %eq3A_2726 = arith.constant 0 : i32
    %eq3A_2727 = vector.broadcast %eq3A_2726 : i32 to vector<16xi32>
    %eq3A_2728 = arith.cmpi eq, %get3A_2725, %eq3A_2727 : vector<16xi32>
    %select_n3A_2729 = arith.select %eq3A_2728, %add3A_504, %get3A_2725 : vector<16xi1>, vector<16xi32>
    %swap3A_2730 = arith.constant 18 : i32
    %swap3A_2731 = arith.index_cast %swap3A_2730 : i32 to index
    %swap3A_2732 = arith.constant 64 : index
    %swap3A_2733 = tpu.vector_load %arg9[%swap3A_2731, %swap3A_2732] {strides = array<i32>} : memref<20x128xi32, #tpu.memory_space<vmem>>, vector<1x16xi32>,
    %swap3A_2734 = vector.shape_cast %swap3A_2733 : vector<1x16xi32> to vector<16xi32>
    %swap3A_2735 = vector.shape_cast %select_n3A_2729 : vector<16xi32> to vector<1x16xi32>
    tpu.vector_store %arg9[%swap3A_2731, %swap3A_2732], %swap3A_2735 {strides = array<i32>} : memref<20x128xi32, #tpu.memory_space<vmem>>, vector<1x16xi32>,
    %get3A_2736 = arith.constant 18 : i32
    %get3A_2737 = arith.index_cast %get3A_2736 : i32 to index
    %get3A_2738 = arith.constant 80 : index
    %get3A_2739 = tpu.vector_load %arg8[%get3A_2737, %get3A_2738] {strides = array<i32>} : memref<20x128xi32, #tpu.memory_space<vmem>>, vector<1x16xi32>,
    %get3A_2740 = vector.shape_cast %get3A_2739 : vector<1x16xi32> to vector<16xi32>
    %eq3A_2741 = arith.constant 0 : i32
    %eq3A_2742 = vector.broadcast %eq3A_2741 : i32 to vector<16xi32>
    %eq3A_2743 = arith.cmpi eq, %get3A_2740, %eq3A_2742 : vector<16xi32>
    %select_n3A_2744 = arith.select %eq3A_2743, %add3A_504, %get3A_2740 : vector<16xi1>, vector<16xi32>
    %swap3A_2745 = arith.constant 18 : i32
    %swap3A_2746 = arith.index_cast %swap3A_2745 : i32 to index
    %swap3A_2747 = arith.constant 80 : index
    %swap3A_2748 = tpu.vector_load %arg9[%swap3A_2746, %swap3A_2747] {strides = array<i32>} : memref<20x128xi32, #tpu.memory_space<vmem>>, vector<1x16xi32>,
    %swap3A_2749 = vector.shape_cast %swap3A_2748 : vector<1x16xi32> to vector<16xi32>
    %swap3A_2750 = vector.shape_cast %select_n3A_2744 : vector<16xi32> to vector<1x16xi32>
    tpu.vector_store %arg9[%swap3A_2746, %swap3A_2747], %swap3A_2750 {strides = array<i32>} : memref<20x128xi32, #tpu.memory_space<vmem>>, vector<1x16xi32>,
    %get3A_2751 = arith.constant 18 : i32
    %get3A_2752 = arith.index_cast %get3A_2751 : i32 to index
    %get3A_2753 = arith.constant 96 : index
    %get3A_2754 = tpu.vector_load %arg8[%get3A_2752, %get3A_2753] {strides = array<i32>} : memref<20x128xi32, #tpu.memory_space<vmem>>, vector<1x16xi32>,
    %get3A_2755 = vector.shape_cast %get3A_2754 : vector<1x16xi32> to vector<16xi32>
    %eq3A_2756 = arith.constant 0 : i32
    %eq3A_2757 = vector.broadcast %eq3A_2756 : i32 to vector<16xi32>
    %eq3A_2758 = arith.cmpi eq, %get3A_2755, %eq3A_2757 : vector<16xi32>
    %select_n3A_2759 = arith.select %eq3A_2758, %add3A_504, %get3A_2755 : vector<16xi1>, vector<16xi32>
    %swap3A_2760 = arith.constant 18 : i32
    %swap3A_2761 = arith.index_cast %swap3A_2760 : i32 to index
    %swap3A_2762 = arith.constant 96 : index
    %swap3A_2763 = tpu.vector_load %arg9[%swap3A_2761, %swap3A_2762] {strides = array<i32>} : memref<20x128xi32, #tpu.memory_space<vmem>>, vector<1x16xi32>,
    %swap3A_2764 = vector.shape_cast %swap3A_2763 : vector<1x16xi32> to vector<16xi32>
    %swap3A_2765 = vector.shape_cast %select_n3A_2759 : vector<16xi32> to vector<1x16xi32>
    tpu.vector_store %arg9[%swap3A_2761, %swap3A_2762], %swap3A_2765 {strides = array<i32>} : memref<20x128xi32, #tpu.memory_space<vmem>>, vector<1x16xi32>,
    %get3A_2766 = arith.constant 18 : i32
    %get3A_2767 = arith.index_cast %get3A_2766 : i32 to index
    %get3A_2768 = arith.constant 112 : index
    %get3A_2769 = tpu.vector_load %arg8[%get3A_2767, %get3A_2768] {strides = array<i32>} : memref<20x128xi32, #tpu.memory_space<vmem>>, vector<1x16xi32>,
    %get3A_2770 = vector.shape_cast %get3A_2769 : vector<1x16xi32> to vector<16xi32>
    %eq3A_2771 = arith.constant 0 : i32
    %eq3A_2772 = vector.broadcast %eq3A_2771 : i32 to vector<16xi32>
    %eq3A_2773 = arith.cmpi eq, %get3A_2770, %eq3A_2772 : vector<16xi32>
    %select_n3A_2774 = arith.select %eq3A_2773, %add3A_504, %get3A_2770 : vector<16xi1>, vector<16xi32>
    %swap3A_2775 = arith.constant 18 : i32
    %swap3A_2776 = arith.index_cast %swap3A_2775 : i32 to index
    %swap3A_2777 = arith.constant 112 : index
    %swap3A_2778 = tpu.vector_load %arg9[%swap3A_2776, %swap3A_2777] {strides = array<i32>} : memref<20x128xi32, #tpu.memory_space<vmem>>, vector<1x16xi32>,
    %swap3A_2779 = vector.shape_cast %swap3A_2778 : vector<1x16xi32> to vector<16xi32>
    %swap3A_2780 = vector.shape_cast %select_n3A_2774 : vector<16xi32> to vector<1x16xi32>
    tpu.vector_store %arg9[%swap3A_2776, %swap3A_2777], %swap3A_2780 {strides = array<i32>} : memref<20x128xi32, #tpu.memory_space<vmem>>, vector<1x16xi32>,
    %get3A_2781 = arith.constant 19 : i32
    %get3A_2782 = arith.index_cast %get3A_2781 : i32 to index
    %get3A_2783 = arith.constant 0 : index
    %get3A_2784 = tpu.vector_load %arg8[%get3A_2782, %get3A_2783] {strides = array<i32>} : memref<20x128xi32, #tpu.memory_space<vmem>>, vector<1x16xi32>,
    %get3A_2785 = vector.shape_cast %get3A_2784 : vector<1x16xi32> to vector<16xi32>
    %eq3A_2786 = arith.constant 0 : i32
    %eq3A_2787 = vector.broadcast %eq3A_2786 : i32 to vector<16xi32>
    %eq3A_2788 = arith.cmpi eq, %get3A_2785, %eq3A_2787 : vector<16xi32>
    %select_n3A_2789 = arith.select %eq3A_2788, %add3A_504, %get3A_2785 : vector<16xi1>, vector<16xi32>
    %swap3A_2790 = arith.constant 19 : i32
    %swap3A_2791 = arith.index_cast %swap3A_2790 : i32 to index
    %swap3A_2792 = arith.constant 0 : index
    %swap3A_2793 = tpu.vector_load %arg9[%swap3A_2791, %swap3A_2792] {strides = array<i32>} : memref<20x128xi32, #tpu.memory_space<vmem>>, vector<1x16xi32>,
    %swap3A_2794 = vector.shape_cast %swap3A_2793 : vector<1x16xi32> to vector<16xi32>
    %swap3A_2795 = vector.shape_cast %select_n3A_2789 : vector<16xi32> to vector<1x16xi32>
    tpu.vector_store %arg9[%swap3A_2791, %swap3A_2792], %swap3A_2795 {strides = array<i32>} : memref<20x128xi32, #tpu.memory_space<vmem>>, vector<1x16xi32>,
    %get3A_2796 = arith.constant 19 : i32
    %get3A_2797 = arith.index_cast %get3A_2796 : i32 to index
    %get3A_2798 = arith.constant 16 : index
    %get3A_2799 = tpu.vector_load %arg8[%get3A_2797, %get3A_2798] {strides = array<i32>} : memref<20x128xi32, #tpu.memory_space<vmem>>, vector<1x16xi32>,
    %get3A_2800 = vector.shape_cast %get3A_2799 : vector<1x16xi32> to vector<16xi32>
    %eq3A_2801 = arith.constant 0 : i32
    %eq3A_2802 = vector.broadcast %eq3A_2801 : i32 to vector<16xi32>
    %eq3A_2803 = arith.cmpi eq, %get3A_2800, %eq3A_2802 : vector<16xi32>
    %select_n3A_2804 = arith.select %eq3A_2803, %add3A_504, %get3A_2800 : vector<16xi1>, vector<16xi32>
    %swap3A_2805 = arith.constant 19 : i32
    %swap3A_2806 = arith.index_cast %swap3A_2805 : i32 to index
    %swap3A_2807 = arith.constant 16 : index
    %swap3A_2808 = tpu.vector_load %arg9[%swap3A_2806, %swap3A_2807] {strides = array<i32>} : memref<20x128xi32, #tpu.memory_space<vmem>>, vector<1x16xi32>,
    %swap3A_2809 = vector.shape_cast %swap3A_2808 : vector<1x16xi32> to vector<16xi32>
    %swap3A_2810 = vector.shape_cast %select_n3A_2804 : vector<16xi32> to vector<1x16xi32>
    tpu.vector_store %arg9[%swap3A_2806, %swap3A_2807], %swap3A_2810 {strides = array<i32>} : memref<20x128xi32, #tpu.memory_space<vmem>>, vector<1x16xi32>,
    %get3A_2811 = arith.constant 19 : i32
    %get3A_2812 = arith.index_cast %get3A_2811 : i32 to index
    %get3A_2813 = arith.constant 32 : index
    %get3A_2814 = tpu.vector_load %arg8[%get3A_2812, %get3A_2813] {strides = array<i32>} : memref<20x128xi32, #tpu.memory_space<vmem>>, vector<1x16xi32>,
    %get3A_2815 = vector.shape_cast %get3A_2814 : vector<1x16xi32> to vector<16xi32>
    %eq3A_2816 = arith.constant 0 : i32
    %eq3A_2817 = vector.broadcast %eq3A_2816 : i32 to vector<16xi32>
    %eq3A_2818 = arith.cmpi eq, %get3A_2815, %eq3A_2817 : vector<16xi32>
    %select_n3A_2819 = arith.select %eq3A_2818, %add3A_504, %get3A_2815 : vector<16xi1>, vector<16xi32>
    %swap3A_2820 = arith.constant 19 : i32
    %swap3A_2821 = arith.index_cast %swap3A_2820 : i32 to index
    %swap3A_2822 = arith.constant 32 : index
    %swap3A_2823 = tpu.vector_load %arg9[%swap3A_2821, %swap3A_2822] {strides = array<i32>} : memref<20x128xi32, #tpu.memory_space<vmem>>, vector<1x16xi32>,
    %swap3A_2824 = vector.shape_cast %swap3A_2823 : vector<1x16xi32> to vector<16xi32>
    %swap3A_2825 = vector.shape_cast %select_n3A_2819 : vector<16xi32> to vector<1x16xi32>
    tpu.vector_store %arg9[%swap3A_2821, %swap3A_2822], %swap3A_2825 {strides = array<i32>} : memref<20x128xi32, #tpu.memory_space<vmem>>, vector<1x16xi32>,
    %get3A_2826 = arith.constant 19 : i32
    %get3A_2827 = arith.index_cast %get3A_2826 : i32 to index
    %get3A_2828 = arith.constant 48 : index
    %get3A_2829 = tpu.vector_load %arg8[%get3A_2827, %get3A_2828] {strides = array<i32>} : memref<20x128xi32, #tpu.memory_space<vmem>>, vector<1x16xi32>,
    %get3A_2830 = vector.shape_cast %get3A_2829 : vector<1x16xi32> to vector<16xi32>
    %eq3A_2831 = arith.constant 0 : i32
    %eq3A_2832 = vector.broadcast %eq3A_2831 : i32 to vector<16xi32>
    %eq3A_2833 = arith.cmpi eq, %get3A_2830, %eq3A_2832 : vector<16xi32>
    %select_n3A_2834 = arith.select %eq3A_2833, %add3A_504, %get3A_2830 : vector<16xi1>, vector<16xi32>
    %swap3A_2835 = arith.constant 19 : i32
    %swap3A_2836 = arith.index_cast %swap3A_2835 : i32 to index
    %swap3A_2837 = arith.constant 48 : index
    %swap3A_2838 = tpu.vector_load %arg9[%swap3A_2836, %swap3A_2837] {strides = array<i32>} : memref<20x128xi32, #tpu.memory_space<vmem>>, vector<1x16xi32>,
    %swap3A_2839 = vector.shape_cast %swap3A_2838 : vector<1x16xi32> to vector<16xi32>
    %swap3A_2840 = vector.shape_cast %select_n3A_2834 : vector<16xi32> to vector<1x16xi32>
    tpu.vector_store %arg9[%swap3A_2836, %swap3A_2837], %swap3A_2840 {strides = array<i32>} : memref<20x128xi32, #tpu.memory_space<vmem>>, vector<1x16xi32>,
    %get3A_2841 = arith.constant 19 : i32
    %get3A_2842 = arith.index_cast %get3A_2841 : i32 to index
    %get3A_2843 = arith.constant 64 : index
    %get3A_2844 = tpu.vector_load %arg8[%get3A_2842, %get3A_2843] {strides = array<i32>} : memref<20x128xi32, #tpu.memory_space<vmem>>, vector<1x16xi32>,
    %get3A_2845 = vector.shape_cast %get3A_2844 : vector<1x16xi32> to vector<16xi32>
    %eq3A_2846 = arith.constant 0 : i32
    %eq3A_2847 = vector.broadcast %eq3A_2846 : i32 to vector<16xi32>
    %eq3A_2848 = arith.cmpi eq, %get3A_2845, %eq3A_2847 : vector<16xi32>
    %select_n3A_2849 = arith.select %eq3A_2848, %add3A_504, %get3A_2845 : vector<16xi1>, vector<16xi32>
    %swap3A_2850 = arith.constant 19 : i32
    %swap3A_2851 = arith.index_cast %swap3A_2850 : i32 to index
    %swap3A_2852 = arith.constant 64 : index
    %swap3A_2853 = tpu.vector_load %arg9[%swap3A_2851, %swap3A_2852] {strides = array<i32>} : memref<20x128xi32, #tpu.memory_space<vmem>>, vector<1x16xi32>,
    %swap3A_2854 = vector.shape_cast %swap3A_2853 : vector<1x16xi32> to vector<16xi32>
    %swap3A_2855 = vector.shape_cast %select_n3A_2849 : vector<16xi32> to vector<1x16xi32>
    tpu.vector_store %arg9[%swap3A_2851, %swap3A_2852], %swap3A_2855 {strides = array<i32>} : memref<20x128xi32, #tpu.memory_space<vmem>>, vector<1x16xi32>,
    %get3A_2856 = arith.constant 19 : i32
    %get3A_2857 = arith.index_cast %get3A_2856 : i32 to index
    %get3A_2858 = arith.constant 80 : index
    %get3A_2859 = tpu.vector_load %arg8[%get3A_2857, %get3A_2858] {strides = array<i32>} : memref<20x128xi32, #tpu.memory_space<vmem>>, vector<1x16xi32>,
    %get3A_2860 = vector.shape_cast %get3A_2859 : vector<1x16xi32> to vector<16xi32>
    %eq3A_2861 = arith.constant 0 : i32
    %eq3A_2862 = vector.broadcast %eq3A_2861 : i32 to vector<16xi32>
    %eq3A_2863 = arith.cmpi eq, %get3A_2860, %eq3A_2862 : vector<16xi32>
    %select_n3A_2864 = arith.select %eq3A_2863, %add3A_504, %get3A_2860 : vector<16xi1>, vector<16xi32>
    %swap3A_2865 = arith.constant 19 : i32
    %swap3A_2866 = arith.index_cast %swap3A_2865 : i32 to index
    %swap3A_2867 = arith.constant 80 : index
    %swap3A_2868 = tpu.vector_load %arg9[%swap3A_2866, %swap3A_2867] {strides = array<i32>} : memref<20x128xi32, #tpu.memory_space<vmem>>, vector<1x16xi32>,
    %swap3A_2869 = vector.shape_cast %swap3A_2868 : vector<1x16xi32> to vector<16xi32>
    %swap3A_2870 = vector.shape_cast %select_n3A_2864 : vector<16xi32> to vector<1x16xi32>
    tpu.vector_store %arg9[%swap3A_2866, %swap3A_2867], %swap3A_2870 {strides = array<i32>} : memref<20x128xi32, #tpu.memory_space<vmem>>, vector<1x16xi32>,
    %get3A_2871 = arith.constant 19 : i32
    %get3A_2872 = arith.index_cast %get3A_2871 : i32 to index
    %get3A_2873 = arith.constant 96 : index
    %get3A_2874 = tpu.vector_load %arg8[%get3A_2872, %get3A_2873] {strides = array<i32>} : memref<20x128xi32, #tpu.memory_space<vmem>>, vector<1x16xi32>,
    %get3A_2875 = vector.shape_cast %get3A_2874 : vector<1x16xi32> to vector<16xi32>
    %eq3A_2876 = arith.constant 0 : i32
    %eq3A_2877 = vector.broadcast %eq3A_2876 : i32 to vector<16xi32>
    %eq3A_2878 = arith.cmpi eq, %get3A_2875, %eq3A_2877 : vector<16xi32>
    %select_n3A_2879 = arith.select %eq3A_2878, %add3A_504, %get3A_2875 : vector<16xi1>, vector<16xi32>
    %swap3A_2880 = arith.constant 19 : i32
    %swap3A_2881 = arith.index_cast %swap3A_2880 : i32 to index
    %swap3A_2882 = arith.constant 96 : index
    %swap3A_2883 = tpu.vector_load %arg9[%swap3A_2881, %swap3A_2882] {strides = array<i32>} : memref<20x128xi32, #tpu.memory_space<vmem>>, vector<1x16xi32>,
    %swap3A_2884 = vector.shape_cast %swap3A_2883 : vector<1x16xi32> to vector<16xi32>
    %swap3A_2885 = vector.shape_cast %select_n3A_2879 : vector<16xi32> to vector<1x16xi32>
    tpu.vector_store %arg9[%swap3A_2881, %swap3A_2882], %swap3A_2885 {strides = array<i32>} : memref<20x128xi32, #tpu.memory_space<vmem>>, vector<1x16xi32>,
    %get3A_2886 = arith.constant 19 : i32
    %get3A_2887 = arith.index_cast %get3A_2886 : i32 to index
    %get3A_2888 = arith.constant 112 : index
    %get3A_2889 = tpu.vector_load %arg8[%get3A_2887, %get3A_2888] {strides = array<i32>} : memref<20x128xi32, #tpu.memory_space<vmem>>, vector<1x16xi32>,
    %get3A_2890 = vector.shape_cast %get3A_2889 : vector<1x16xi32> to vector<16xi32>
    %eq3A_2891 = arith.constant 0 : i32
    %eq3A_2892 = vector.broadcast %eq3A_2891 : i32 to vector<16xi32>
    %eq3A_2893 = arith.cmpi eq, %get3A_2890, %eq3A_2892 : vector<16xi32>
    %select_n3A_2894 = arith.select %eq3A_2893, %add3A_504, %get3A_2890 : vector<16xi1>, vector<16xi32>
    %swap3A_2895 = arith.constant 19 : i32
    %swap3A_2896 = arith.index_cast %swap3A_2895 : i32 to index
    %swap3A_2897 = arith.constant 112 : index
    %swap3A_2898 = tpu.vector_load %arg9[%swap3A_2896, %swap3A_2897] {strides = array<i32>} : memref<20x128xi32, #tpu.memory_space<vmem>>, vector<1x16xi32>,
    %swap3A_2899 = vector.shape_cast %swap3A_2898 : vector<1x16xi32> to vector<16xi32>
    %swap3A_2900 = vector.shape_cast %select_n3A_2894 : vector<16xi32> to vector<1x16xi32>
    tpu.vector_store %arg9[%swap3A_2896, %swap3A_2897], %swap3A_2900 {strides = array<i32>} : memref<20x128xi32, #tpu.memory_space<vmem>>, vector<1x16xi32>,
    %dma_start3A_2901 = arith.constant 0 : i32
    %dma_start3A_2902 = arith.constant 0 : i32
    %dma_start3A_2903 = arith.constant 0 : i32
    %dma_start3A_2904 = arith.constant 0 : i32
    %dma_start3A_2905 = tpu.memref_slice %arg11[%dma_start3A_2902, %dma_start3A_2903, %dma_start3A_2904] : memref<5x128x64xf32, #tpu.memory_space<vmem>> -> memref<1x128x64xf32, #tpu.memory_space<vmem>>
    %dma_start3A_2906 = tpu.memref_squeeze %dma_start3A_2905 : memref<1x128x64xf32, #tpu.memory_space<vmem>> -> memref<128x64xf32, #tpu.memory_space<vmem>>
    %dma_start3A_2907 = arith.constant 0 : i32
    %dma_start3A_2908 = tpu.memref_slice %arg9[%dma_start3A_2901, %dma_start3A_2907] : memref<20x128xi32, #tpu.memory_space<vmem>> -> memref<1x128xi32, #tpu.memory_space<vmem>>
    %dma_start3A_2909 = tpu.memref_squeeze %dma_start3A_2908 : memref<1x128xi32, #tpu.memory_space<vmem>> -> memref<128xi32, #tpu.memory_space<vmem>>
    %dma_start3A_2910 = arith.constant 0 : i32
    %dma_start3A_2911 = arith.constant 0 : i32
    %dma_start3A_2912 = tpu.memref_slice %arg4[%dma_start3A_2910, %dma_start3A_2911] : memref<5008x64xf32, #tpu.memory_space<hbm>> -> memref<5008x64xf32, #tpu.memory_space<hbm>>
    tpu.enqueue_indirect_dma source(%dma_start3A_2912 : memref<5008x64xf32, #tpu.memory_space<hbm>>) target(%dma_start3A_2906 : memref<128x64xf32, #tpu.memory_space<vmem>>) offsets(%dma_start3A_2909 : memref<128xi32, #tpu.memory_space<vmem>>) semaphore(%arg15 : memref<!tpu.dma_semaphore, #tpu.memory_space<semaphore_mem>>)
    %dma_start3A_2913 = arith.constant 1 : i32
    %dma_start3A_2914 = arith.constant 1 : i32
    %dma_start3A_2915 = arith.constant 0 : i32
    %dma_start3A_2916 = arith.constant 0 : i32
    %dma_start3A_2917 = tpu.memref_slice %arg11[%dma_start3A_2914, %dma_start3A_2915, %dma_start3A_2916] : memref<5x128x64xf32, #tpu.memory_space<vmem>> -> memref<1x128x64xf32, #tpu.memory_space<vmem>>
    %dma_start3A_2918 = tpu.memref_squeeze %dma_start3A_2917 : memref<1x128x64xf32, #tpu.memory_space<vmem>> -> memref<128x64xf32, #tpu.memory_space<vmem>>
    %dma_start3A_2919 = arith.constant 0 : i32
    %dma_start3A_2920 = tpu.memref_slice %arg9[%dma_start3A_2913, %dma_start3A_2919] : memref<20x128xi32, #tpu.memory_space<vmem>> -> memref<1x128xi32, #tpu.memory_space<vmem>>
    %dma_start3A_2921 = tpu.memref_squeeze %dma_start3A_2920 : memref<1x128xi32, #tpu.memory_space<vmem>> -> memref<128xi32, #tpu.memory_space<vmem>>
    %dma_start3A_2922 = arith.constant 0 : i32
    %dma_start3A_2923 = arith.constant 0 : i32
    %dma_start3A_2924 = tpu.memref_slice %arg4[%dma_start3A_2922, %dma_start3A_2923] : memref<5008x64xf32, #tpu.memory_space<hbm>> -> memref<5008x64xf32, #tpu.memory_space<hbm>>
    tpu.enqueue_indirect_dma source(%dma_start3A_2924 : memref<5008x64xf32, #tpu.memory_space<hbm>>) target(%dma_start3A_2918 : memref<128x64xf32, #tpu.memory_space<vmem>>) offsets(%dma_start3A_2921 : memref<128xi32, #tpu.memory_space<vmem>>) semaphore(%arg15 : memref<!tpu.dma_semaphore, #tpu.memory_space<semaphore_mem>>)
    %dma_start3A_2925 = arith.constant 2 : i32
    %dma_start3A_2926 = arith.constant 2 : i32
    %dma_start3A_2927 = arith.constant 0 : i32
    %dma_start3A_2928 = arith.constant 0 : i32
    %dma_start3A_2929 = tpu.memref_slice %arg11[%dma_start3A_2926, %dma_start3A_2927, %dma_start3A_2928] : memref<5x128x64xf32, #tpu.memory_space<vmem>> -> memref<1x128x64xf32, #tpu.memory_space<vmem>>
    %dma_start3A_2930 = tpu.memref_squeeze %dma_start3A_2929 : memref<1x128x64xf32, #tpu.memory_space<vmem>> -> memref<128x64xf32, #tpu.memory_space<vmem>>
    %dma_start3A_2931 = arith.constant 0 : i32
    %dma_start3A_2932 = tpu.memref_slice %arg9[%dma_start3A_2925, %dma_start3A_2931] : memref<20x128xi32, #tpu.memory_space<vmem>> -> memref<1x128xi32, #tpu.memory_space<vmem>>
    %dma_start3A_2933 = tpu.memref_squeeze %dma_start3A_2932 : memref<1x128xi32, #tpu.memory_space<vmem>> -> memref<128xi32, #tpu.memory_space<vmem>>
    %dma_start3A_2934 = arith.constant 0 : i32
    %dma_start3A_2935 = arith.constant 0 : i32
    %dma_start3A_2936 = tpu.memref_slice %arg4[%dma_start3A_2934, %dma_start3A_2935] : memref<5008x64xf32, #tpu.memory_space<hbm>> -> memref<5008x64xf32, #tpu.memory_space<hbm>>
    tpu.enqueue_indirect_dma source(%dma_start3A_2936 : memref<5008x64xf32, #tpu.memory_space<hbm>>) target(%dma_start3A_2930 : memref<128x64xf32, #tpu.memory_space<vmem>>) offsets(%dma_start3A_2933 : memref<128xi32, #tpu.memory_space<vmem>>) semaphore(%arg15 : memref<!tpu.dma_semaphore, #tpu.memory_space<semaphore_mem>>)
    %dma_start3A_2937 = arith.constant 3 : i32
    %dma_start3A_2938 = arith.constant 3 : i32
    %dma_start3A_2939 = arith.constant 0 : i32
    %dma_start3A_2940 = arith.constant 0 : i32
    %dma_start3A_2941 = tpu.memref_slice %arg11[%dma_start3A_2938, %dma_start3A_2939, %dma_start3A_2940] : memref<5x128x64xf32, #tpu.memory_space<vmem>> -> memref<1x128x64xf32, #tpu.memory_space<vmem>>
    %dma_start3A_2942 = tpu.memref_squeeze %dma_start3A_2941 : memref<1x128x64xf32, #tpu.memory_space<vmem>> -> memref<128x64xf32, #tpu.memory_space<vmem>>
    %dma_start3A_2943 = arith.constant 0 : i32
    %dma_start3A_2944 = tpu.memref_slice %arg9[%dma_start3A_2937, %dma_start3A_2943] : memref<20x128xi32, #tpu.memory_space<vmem>> -> memref<1x128xi32, #tpu.memory_space<vmem>>
    %dma_start3A_2945 = tpu.memref_squeeze %dma_start3A_2944 : memref<1x128xi32, #tpu.memory_space<vmem>> -> memref<128xi32, #tpu.memory_space<vmem>>
    %dma_start3A_2946 = arith.constant 0 : i32
    %dma_start3A_2947 = arith.constant 0 : i32
    %dma_start3A_2948 = tpu.memref_slice %arg4[%dma_start3A_2946, %dma_start3A_2947] : memref<5008x64xf32, #tpu.memory_space<hbm>> -> memref<5008x64xf32, #tpu.memory_space<hbm>>
    tpu.enqueue_indirect_dma source(%dma_start3A_2948 : memref<5008x64xf32, #tpu.memory_space<hbm>>) target(%dma_start3A_2942 : memref<128x64xf32, #tpu.memory_space<vmem>>) offsets(%dma_start3A_2945 : memref<128xi32, #tpu.memory_space<vmem>>) semaphore(%arg15 : memref<!tpu.dma_semaphore, #tpu.memory_space<semaphore_mem>>)
    %dma_start3A_2949 = arith.constant 4 : i32
    %dma_start3A_2950 = arith.constant 4 : i32
    %dma_start3A_2951 = arith.constant 0 : i32
    %dma_start3A_2952 = arith.constant 0 : i32
    %dma_start3A_2953 = tpu.memref_slice %arg11[%dma_start3A_2950, %dma_start3A_2951, %dma_start3A_2952] : memref<5x128x64xf32, #tpu.memory_space<vmem>> -> memref<1x128x64xf32, #tpu.memory_space<vmem>>
    %dma_start3A_2954 = tpu.memref_squeeze %dma_start3A_2953 : memref<1x128x64xf32, #tpu.memory_space<vmem>> -> memref<128x64xf32, #tpu.memory_space<vmem>>
    %dma_start3A_2955 = arith.constant 0 : i32
    %dma_start3A_2956 = tpu.memref_slice %arg9[%dma_start3A_2949, %dma_start3A_2955] : memref<20x128xi32, #tpu.memory_space<vmem>> -> memref<1x128xi32, #tpu.memory_space<vmem>>
    %dma_start3A_2957 = tpu.memref_squeeze %dma_start3A_2956 : memref<1x128xi32, #tpu.memory_space<vmem>> -> memref<128xi32, #tpu.memory_space<vmem>>
    %dma_start3A_2958 = arith.constant 0 : i32
    %dma_start3A_2959 = arith.constant 0 : i32
    %dma_start3A_2960 = tpu.memref_slice %arg4[%dma_start3A_2958, %dma_start3A_2959] : memref<5008x64xf32, #tpu.memory_space<hbm>> -> memref<5008x64xf32, #tpu.memory_space<hbm>>
    tpu.enqueue_indirect_dma source(%dma_start3A_2960 : memref<5008x64xf32, #tpu.memory_space<hbm>>) target(%dma_start3A_2954 : memref<128x64xf32, #tpu.memory_space<vmem>>) offsets(%dma_start3A_2957 : memref<128xi32, #tpu.memory_space<vmem>>) semaphore(%arg15 : memref<!tpu.dma_semaphore, #tpu.memory_space<semaphore_mem>>)
    %dma_wait3A_2961 = arith.constant 0 : i32
    %dma_wait3A_2962 = arith.constant 0 : i32
    %dma_wait3A_2963 = arith.constant 0 : i32
    %dma_wait3A_2964 = arith.constant 0 : i32
    %dma_wait3A_2965 = tpu.memref_slice %arg11[%dma_wait3A_2962, %dma_wait3A_2963, %dma_wait3A_2964] : memref<5x128x64xf32, #tpu.memory_space<vmem>> -> memref<1x128x64xf32, #tpu.memory_space<vmem>>
    %dma_wait3A_2966 = tpu.memref_squeeze %dma_wait3A_2965 : memref<1x128x64xf32, #tpu.memory_space<vmem>> -> memref<128x64xf32, #tpu.memory_space<vmem>>
    %dma_wait3A_2967 = arith.constant 0 : i32
    %dma_wait3A_2968 = tpu.memref_slice %arg9[%dma_wait3A_2961, %dma_wait3A_2967] : memref<20x128xi32, #tpu.memory_space<vmem>> -> memref<1x128xi32, #tpu.memory_space<vmem>>
    %dma_wait3A_2969 = tpu.memref_squeeze %dma_wait3A_2968 : memref<1x128xi32, #tpu.memory_space<vmem>> -> memref<128xi32, #tpu.memory_space<vmem>>
    %dma_wait3A_2970 = arith.constant 0 : i32
    %dma_wait3A_2971 = arith.constant 0 : i32
    %dma_wait3A_2972 = tpu.memref_slice %arg4[%dma_wait3A_2970, %dma_wait3A_2971] : memref<5008x64xf32, #tpu.memory_space<hbm>> -> memref<5008x64xf32, #tpu.memory_space<hbm>>
    tpu.wait_indirect_dma semaphore(%arg15 : memref<!tpu.dma_semaphore, #tpu.memory_space<semaphore_mem>>) src(%dma_wait3A_2972 : memref<5008x64xf32, #tpu.memory_space<hbm>>) dst(%dma_wait3A_2966 : memref<128x64xf32, #tpu.memory_space<vmem>>)
    %dma_wait3A_2973 = arith.constant 1 : i32
    %dma_wait3A_2974 = arith.constant 1 : i32
    %dma_wait3A_2975 = arith.constant 0 : i32
    %dma_wait3A_2976 = arith.constant 0 : i32
    %dma_wait3A_2977 = tpu.memref_slice %arg11[%dma_wait3A_2974, %dma_wait3A_2975, %dma_wait3A_2976] : memref<5x128x64xf32, #tpu.memory_space<vmem>> -> memref<1x128x64xf32, #tpu.memory_space<vmem>>
    %dma_wait3A_2978 = tpu.memref_squeeze %dma_wait3A_2977 : memref<1x128x64xf32, #tpu.memory_space<vmem>> -> memref<128x64xf32, #tpu.memory_space<vmem>>
    %dma_wait3A_2979 = arith.constant 0 : i32
    %dma_wait3A_2980 = tpu.memref_slice %arg9[%dma_wait3A_2973, %dma_wait3A_2979] : memref<20x128xi32, #tpu.memory_space<vmem>> -> memref<1x128xi32, #tpu.memory_space<vmem>>
    %dma_wait3A_2981 = tpu.memref_squeeze %dma_wait3A_2980 : memref<1x128xi32, #tpu.memory_space<vmem>> -> memref<128xi32, #tpu.memory_space<vmem>>
    %dma_wait3A_2982 = arith.constant 0 : i32
    %dma_wait3A_2983 = arith.constant 0 : i32
    %dma_wait3A_2984 = tpu.memref_slice %arg4[%dma_wait3A_2982, %dma_wait3A_2983] : memref<5008x64xf32, #tpu.memory_space<hbm>> -> memref<5008x64xf32, #tpu.memory_space<hbm>>
    tpu.wait_indirect_dma semaphore(%arg15 : memref<!tpu.dma_semaphore, #tpu.memory_space<semaphore_mem>>) src(%dma_wait3A_2984 : memref<5008x64xf32, #tpu.memory_space<hbm>>) dst(%dma_wait3A_2978 : memref<128x64xf32, #tpu.memory_space<vmem>>)
    %dma_wait3A_2985 = arith.constant 2 : i32
    %dma_wait3A_2986 = arith.constant 2 : i32
    %dma_wait3A_2987 = arith.constant 0 : i32
    %dma_wait3A_2988 = arith.constant 0 : i32
    %dma_wait3A_2989 = tpu.memref_slice %arg11[%dma_wait3A_2986, %dma_wait3A_2987, %dma_wait3A_2988] : memref<5x128x64xf32, #tpu.memory_space<vmem>> -> memref<1x128x64xf32, #tpu.memory_space<vmem>>
    %dma_wait3A_2990 = tpu.memref_squeeze %dma_wait3A_2989 : memref<1x128x64xf32, #tpu.memory_space<vmem>> -> memref<128x64xf32, #tpu.memory_space<vmem>>
    %dma_wait3A_2991 = arith.constant 0 : i32
    %dma_wait3A_2992 = tpu.memref_slice %arg9[%dma_wait3A_2985, %dma_wait3A_2991] : memref<20x128xi32, #tpu.memory_space<vmem>> -> memref<1x128xi32, #tpu.memory_space<vmem>>
    %dma_wait3A_2993 = tpu.memref_squeeze %dma_wait3A_2992 : memref<1x128xi32, #tpu.memory_space<vmem>> -> memref<128xi32, #tpu.memory_space<vmem>>
    %dma_wait3A_2994 = arith.constant 0 : i32
    %dma_wait3A_2995 = arith.constant 0 : i32
    %dma_wait3A_2996 = tpu.memref_slice %arg4[%dma_wait3A_2994, %dma_wait3A_2995] : memref<5008x64xf32, #tpu.memory_space<hbm>> -> memref<5008x64xf32, #tpu.memory_space<hbm>>
    tpu.wait_indirect_dma semaphore(%arg15 : memref<!tpu.dma_semaphore, #tpu.memory_space<semaphore_mem>>) src(%dma_wait3A_2996 : memref<5008x64xf32, #tpu.memory_space<hbm>>) dst(%dma_wait3A_2990 : memref<128x64xf32, #tpu.memory_space<vmem>>)
    %dma_wait3A_2997 = arith.constant 3 : i32
    %dma_wait3A_2998 = arith.constant 3 : i32
    %dma_wait3A_2999 = arith.constant 0 : i32
    %dma_wait3A_3000 = arith.constant 0 : i32
    %dma_wait3A_3001 = tpu.memref_slice %arg11[%dma_wait3A_2998, %dma_wait3A_2999, %dma_wait3A_3000] : memref<5x128x64xf32, #tpu.memory_space<vmem>> -> memref<1x128x64xf32, #tpu.memory_space<vmem>>
    %dma_wait3A_3002 = tpu.memref_squeeze %dma_wait3A_3001 : memref<1x128x64xf32, #tpu.memory_space<vmem>> -> memref<128x64xf32, #tpu.memory_space<vmem>>
    %dma_wait3A_3003 = arith.constant 0 : i32
    %dma_wait3A_3004 = tpu.memref_slice %arg9[%dma_wait3A_2997, %dma_wait3A_3003] : memref<20x128xi32, #tpu.memory_space<vmem>> -> memref<1x128xi32, #tpu.memory_space<vmem>>
    %dma_wait3A_3005 = tpu.memref_squeeze %dma_wait3A_3004 : memref<1x128xi32, #tpu.memory_space<vmem>> -> memref<128xi32, #tpu.memory_space<vmem>>
    %dma_wait3A_3006 = arith.constant 0 : i32
    %dma_wait3A_3007 = arith.constant 0 : i32
    %dma_wait3A_3008 = tpu.memref_slice %arg4[%dma_wait3A_3006, %dma_wait3A_3007] : memref<5008x64xf32, #tpu.memory_space<hbm>> -> memref<5008x64xf32, #tpu.memory_space<hbm>>
    tpu.wait_indirect_dma semaphore(%arg15 : memref<!tpu.dma_semaphore, #tpu.memory_space<semaphore_mem>>) src(%dma_wait3A_3008 : memref<5008x64xf32, #tpu.memory_space<hbm>>) dst(%dma_wait3A_3002 : memref<128x64xf32, #tpu.memory_space<vmem>>)
    %dma_wait3A_3009 = arith.constant 4 : i32
    %dma_wait3A_3010 = arith.constant 4 : i32
    %dma_wait3A_3011 = arith.constant 0 : i32
    %dma_wait3A_3012 = arith.constant 0 : i32
    %dma_wait3A_3013 = tpu.memref_slice %arg11[%dma_wait3A_3010, %dma_wait3A_3011, %dma_wait3A_3012] : memref<5x128x64xf32, #tpu.memory_space<vmem>> -> memref<1x128x64xf32, #tpu.memory_space<vmem>>
    %dma_wait3A_3014 = tpu.memref_squeeze %dma_wait3A_3013 : memref<1x128x64xf32, #tpu.memory_space<vmem>> -> memref<128x64xf32, #tpu.memory_space<vmem>>
    %dma_wait3A_3015 = arith.constant 0 : i32
    %dma_wait3A_3016 = tpu.memref_slice %arg9[%dma_wait3A_3009, %dma_wait3A_3015] : memref<20x128xi32, #tpu.memory_space<vmem>> -> memref<1x128xi32, #tpu.memory_space<vmem>>
    %dma_wait3A_3017 = tpu.memref_squeeze %dma_wait3A_3016 : memref<1x128xi32, #tpu.memory_space<vmem>> -> memref<128xi32, #tpu.memory_space<vmem>>
    %dma_wait3A_3018 = arith.constant 0 : i32
    %dma_wait3A_3019 = arith.constant 0 : i32
    %dma_wait3A_3020 = tpu.memref_slice %arg4[%dma_wait3A_3018, %dma_wait3A_3019] : memref<5008x64xf32, #tpu.memory_space<hbm>> -> memref<5008x64xf32, #tpu.memory_space<hbm>>
    tpu.wait_indirect_dma semaphore(%arg15 : memref<!tpu.dma_semaphore, #tpu.memory_space<semaphore_mem>>) src(%dma_wait3A_3020 : memref<5008x64xf32, #tpu.memory_space<hbm>>) dst(%dma_wait3A_3014 : memref<128x64xf32, #tpu.memory_space<vmem>>)
    %dma_start3A_3021 = arith.constant 5 : i32
    %dma_start3A_3022 = arith.constant 0 : i32
    %dma_start3A_3023 = arith.constant 0 : i32
    %dma_start3A_3024 = arith.constant 0 : i32
    %dma_start3A_3025 = tpu.memref_slice %arg12[%dma_start3A_3022, %dma_start3A_3023, %dma_start3A_3024] : memref<5x128x64xf32, #tpu.memory_space<vmem>> -> memref<1x128x64xf32, #tpu.memory_space<vmem>>
    %dma_start3A_3026 = tpu.memref_squeeze %dma_start3A_3025 : memref<1x128x64xf32, #tpu.memory_space<vmem>> -> memref<128x64xf32, #tpu.memory_space<vmem>>
    %dma_start3A_3027 = arith.constant 0 : i32
    %dma_start3A_3028 = tpu.memref_slice %arg9[%dma_start3A_3021, %dma_start3A_3027] : memref<20x128xi32, #tpu.memory_space<vmem>> -> memref<1x128xi32, #tpu.memory_space<vmem>>
    %dma_start3A_3029 = tpu.memref_squeeze %dma_start3A_3028 : memref<1x128xi32, #tpu.memory_space<vmem>> -> memref<128xi32, #tpu.memory_space<vmem>>
    %dma_start3A_3030 = arith.constant 0 : i32
    %dma_start3A_3031 = arith.constant 0 : i32
    %dma_start3A_3032 = tpu.memref_slice %arg4[%dma_start3A_3030, %dma_start3A_3031] : memref<5008x64xf32, #tpu.memory_space<hbm>> -> memref<5008x64xf32, #tpu.memory_space<hbm>>
    tpu.enqueue_indirect_dma source(%dma_start3A_3032 : memref<5008x64xf32, #tpu.memory_space<hbm>>) target(%dma_start3A_3026 : memref<128x64xf32, #tpu.memory_space<vmem>>) offsets(%dma_start3A_3029 : memref<128xi32, #tpu.memory_space<vmem>>) semaphore(%arg15 : memref<!tpu.dma_semaphore, #tpu.memory_space<semaphore_mem>>)
    %dma_start3A_3033 = arith.constant 6 : i32
    %dma_start3A_3034 = arith.constant 1 : i32
    %dma_start3A_3035 = arith.constant 0 : i32
    %dma_start3A_3036 = arith.constant 0 : i32
    %dma_start3A_3037 = tpu.memref_slice %arg12[%dma_start3A_3034, %dma_start3A_3035, %dma_start3A_3036] : memref<5x128x64xf32, #tpu.memory_space<vmem>> -> memref<1x128x64xf32, #tpu.memory_space<vmem>>
    %dma_start3A_3038 = tpu.memref_squeeze %dma_start3A_3037 : memref<1x128x64xf32, #tpu.memory_space<vmem>> -> memref<128x64xf32, #tpu.memory_space<vmem>>
    %dma_start3A_3039 = arith.constant 0 : i32
    %dma_start3A_3040 = tpu.memref_slice %arg9[%dma_start3A_3033, %dma_start3A_3039] : memref<20x128xi32, #tpu.memory_space<vmem>> -> memref<1x128xi32, #tpu.memory_space<vmem>>
    %dma_start3A_3041 = tpu.memref_squeeze %dma_start3A_3040 : memref<1x128xi32, #tpu.memory_space<vmem>> -> memref<128xi32, #tpu.memory_space<vmem>>
    %dma_start3A_3042 = arith.constant 0 : i32
    %dma_start3A_3043 = arith.constant 0 : i32
    %dma_start3A_3044 = tpu.memref_slice %arg4[%dma_start3A_3042, %dma_start3A_3043] : memref<5008x64xf32, #tpu.memory_space<hbm>> -> memref<5008x64xf32, #tpu.memory_space<hbm>>
    tpu.enqueue_indirect_dma source(%dma_start3A_3044 : memref<5008x64xf32, #tpu.memory_space<hbm>>) target(%dma_start3A_3038 : memref<128x64xf32, #tpu.memory_space<vmem>>) offsets(%dma_start3A_3041 : memref<128xi32, #tpu.memory_space<vmem>>) semaphore(%arg15 : memref<!tpu.dma_semaphore, #tpu.memory_space<semaphore_mem>>)
    %dma_start3A_3045 = arith.constant 7 : i32
    %dma_start3A_3046 = arith.constant 2 : i32
    %dma_start3A_3047 = arith.constant 0 : i32
    %dma_start3A_3048 = arith.constant 0 : i32
    %dma_start3A_3049 = tpu.memref_slice %arg12[%dma_start3A_3046, %dma_start3A_3047, %dma_start3A_3048] : memref<5x128x64xf32, #tpu.memory_space<vmem>> -> memref<1x128x64xf32, #tpu.memory_space<vmem>>
    %dma_start3A_3050 = tpu.memref_squeeze %dma_start3A_3049 : memref<1x128x64xf32, #tpu.memory_space<vmem>> -> memref<128x64xf32, #tpu.memory_space<vmem>>
    %dma_start3A_3051 = arith.constant 0 : i32
    %dma_start3A_3052 = tpu.memref_slice %arg9[%dma_start3A_3045, %dma_start3A_3051] : memref<20x128xi32, #tpu.memory_space<vmem>> -> memref<1x128xi32, #tpu.memory_space<vmem>>
    %dma_start3A_3053 = tpu.memref_squeeze %dma_start3A_3052 : memref<1x128xi32, #tpu.memory_space<vmem>> -> memref<128xi32, #tpu.memory_space<vmem>>
    %dma_start3A_3054 = arith.constant 0 : i32
    %dma_start3A_3055 = arith.constant 0 : i32
    %dma_start3A_3056 = tpu.memref_slice %arg4[%dma_start3A_3054, %dma_start3A_3055] : memref<5008x64xf32, #tpu.memory_space<hbm>> -> memref<5008x64xf32, #tpu.memory_space<hbm>>
    tpu.enqueue_indirect_dma source(%dma_start3A_3056 : memref<5008x64xf32, #tpu.memory_space<hbm>>) target(%dma_start3A_3050 : memref<128x64xf32, #tpu.memory_space<vmem>>) offsets(%dma_start3A_3053 : memref<128xi32, #tpu.memory_space<vmem>>) semaphore(%arg15 : memref<!tpu.dma_semaphore, #tpu.memory_space<semaphore_mem>>)
    %dma_start3A_3057 = arith.constant 8 : i32
    %dma_start3A_3058 = arith.constant 3 : i32
    %dma_start3A_3059 = arith.constant 0 : i32
    %dma_start3A_3060 = arith.constant 0 : i32
    %dma_start3A_3061 = tpu.memref_slice %arg12[%dma_start3A_3058, %dma_start3A_3059, %dma_start3A_3060] : memref<5x128x64xf32, #tpu.memory_space<vmem>> -> memref<1x128x64xf32, #tpu.memory_space<vmem>>
    %dma_start3A_3062 = tpu.memref_squeeze %dma_start3A_3061 : memref<1x128x64xf32, #tpu.memory_space<vmem>> -> memref<128x64xf32, #tpu.memory_space<vmem>>
    %dma_start3A_3063 = arith.constant 0 : i32
    %dma_start3A_3064 = tpu.memref_slice %arg9[%dma_start3A_3057, %dma_start3A_3063] : memref<20x128xi32, #tpu.memory_space<vmem>> -> memref<1x128xi32, #tpu.memory_space<vmem>>
    %dma_start3A_3065 = tpu.memref_squeeze %dma_start3A_3064 : memref<1x128xi32, #tpu.memory_space<vmem>> -> memref<128xi32, #tpu.memory_space<vmem>>
    %dma_start3A_3066 = arith.constant 0 : i32
    %dma_start3A_3067 = arith.constant 0 : i32
    %dma_start3A_3068 = tpu.memref_slice %arg4[%dma_start3A_3066, %dma_start3A_3067] : memref<5008x64xf32, #tpu.memory_space<hbm>> -> memref<5008x64xf32, #tpu.memory_space<hbm>>
    tpu.enqueue_indirect_dma source(%dma_start3A_3068 : memref<5008x64xf32, #tpu.memory_space<hbm>>) target(%dma_start3A_3062 : memref<128x64xf32, #tpu.memory_space<vmem>>) offsets(%dma_start3A_3065 : memref<128xi32, #tpu.memory_space<vmem>>) semaphore(%arg15 : memref<!tpu.dma_semaphore, #tpu.memory_space<semaphore_mem>>)
    %dma_start3A_3069 = arith.constant 9 : i32
    %dma_start3A_3070 = arith.constant 4 : i32
    %dma_start3A_3071 = arith.constant 0 : i32
    %dma_start3A_3072 = arith.constant 0 : i32
    %dma_start3A_3073 = tpu.memref_slice %arg12[%dma_start3A_3070, %dma_start3A_3071, %dma_start3A_3072] : memref<5x128x64xf32, #tpu.memory_space<vmem>> -> memref<1x128x64xf32, #tpu.memory_space<vmem>>
    %dma_start3A_3074 = tpu.memref_squeeze %dma_start3A_3073 : memref<1x128x64xf32, #tpu.memory_space<vmem>> -> memref<128x64xf32, #tpu.memory_space<vmem>>
    %dma_start3A_3075 = arith.constant 0 : i32
    %dma_start3A_3076 = tpu.memref_slice %arg9[%dma_start3A_3069, %dma_start3A_3075] : memref<20x128xi32, #tpu.memory_space<vmem>> -> memref<1x128xi32, #tpu.memory_space<vmem>>
    %dma_start3A_3077 = tpu.memref_squeeze %dma_start3A_3076 : memref<1x128xi32, #tpu.memory_space<vmem>> -> memref<128xi32, #tpu.memory_space<vmem>>
    %dma_start3A_3078 = arith.constant 0 : i32
    %dma_start3A_3079 = arith.constant 0 : i32
    %dma_start3A_3080 = tpu.memref_slice %arg4[%dma_start3A_3078, %dma_start3A_3079] : memref<5008x64xf32, #tpu.memory_space<hbm>> -> memref<5008x64xf32, #tpu.memory_space<hbm>>
    tpu.enqueue_indirect_dma source(%dma_start3A_3080 : memref<5008x64xf32, #tpu.memory_space<hbm>>) target(%dma_start3A_3074 : memref<128x64xf32, #tpu.memory_space<vmem>>) offsets(%dma_start3A_3077 : memref<128xi32, #tpu.memory_space<vmem>>) semaphore(%arg15 : memref<!tpu.dma_semaphore, #tpu.memory_space<semaphore_mem>>)
    %dma_wait3A_3081 = arith.constant 0 : i32
    %dma_wait3A_3082 = arith.constant 0 : i32
    %dma_wait3A_3083 = arith.constant 0 : i32
    %dma_wait3A_3084 = arith.constant 0 : i32
    %dma_wait3A_3085 = tpu.memref_slice %arg10[%dma_wait3A_3082, %dma_wait3A_3083, %dma_wait3A_3084] : memref<4x128x64xf32, #tpu.memory_space<vmem>> -> memref<1x128x64xf32, #tpu.memory_space<vmem>>
    %dma_wait3A_3086 = tpu.memref_squeeze %dma_wait3A_3085 : memref<1x128x64xf32, #tpu.memory_space<vmem>> -> memref<128x64xf32, #tpu.memory_space<vmem>>
    %dma_wait3A_3087 = arith.constant 0 : i32
    %dma_wait3A_3088 = tpu.memref_slice %arg7[%dma_wait3A_3081, %dma_wait3A_3087] : memref<4x128xi32, #tpu.memory_space<vmem>> -> memref<1x128xi32, #tpu.memory_space<vmem>>
    %dma_wait3A_3089 = tpu.memref_squeeze %dma_wait3A_3088 : memref<1x128xi32, #tpu.memory_space<vmem>> -> memref<128xi32, #tpu.memory_space<vmem>>
    %dma_wait3A_3090 = arith.constant 0 : i32
    %dma_wait3A_3091 = arith.constant 0 : i32
    %dma_wait3A_3092 = tpu.memref_slice %arg3[%dma_wait3A_3090, %dma_wait3A_3091] : memref<1000000x64xf32, #tpu.memory_space<hbm>> -> memref<1000000x64xf32, #tpu.memory_space<hbm>>
    tpu.wait_indirect_dma semaphore(%arg13 : memref<!tpu.dma_semaphore, #tpu.memory_space<semaphore_mem>>) src(%dma_wait3A_3092 : memref<1000000x64xf32, #tpu.memory_space<hbm>>) dst(%dma_wait3A_3086 : memref<128x64xf32, #tpu.memory_space<vmem>>)
    %scan3A = arith.constant 0 : i32
    %scan3A_3093 = arith.constant 0 : i32
    %scan3A_3094 = arith.constant 128 : i32
    %scan3A_3095 = arith.addi %scan3A_3093, %scan3A_3094 : i32
    %scan3A_3096 = arith.constant 1 : i32
    %scan3A_3097 = scf.for %scan3A_3568 = %scan3A_3093 to %scan3A_3095 step %scan3A_3096 iter_args(%scan3A_3569 = %scan3A) -> (i32)  : i32 {
      %get3A_3570 = arith.constant 0 : i32
      %get3A_3571 = arith.index_cast %get3A_3570 : i32 to index
      %get3A_3572 = arith.index_cast %scan3A_3568 : i32 to index
      %get3A_3573 = arith.constant 0 : index
      %get3A_3574 = tpu.vector_load %arg11[%get3A_3571, %get3A_3572, %get3A_3573] {strides = array<i32>} : memref<5x128x64xf32, #tpu.memory_space<vmem>>, vector<1x1x16xf32>,
      %get3A_3575 = vector.shape_cast %get3A_3574 : vector<1x1x16xf32> to vector<16xf32>
      %get3A_3576 = arith.constant 1 : i32
      %get3A_3577 = arith.index_cast %get3A_3576 : i32 to index
      %get3A_3578 = arith.index_cast %scan3A_3568 : i32 to index
      %get3A_3579 = arith.constant 0 : index
      %get3A_3580 = tpu.vector_load %arg11[%get3A_3577, %get3A_3578, %get3A_3579] {strides = array<i32>} : memref<5x128x64xf32, #tpu.memory_space<vmem>>, vector<1x1x16xf32>,
      %get3A_3581 = vector.shape_cast %get3A_3580 : vector<1x1x16xf32> to vector<16xf32>
      %add3A_3582 = arith.addf %get3A_3575, %get3A_3581 : vector<16xf32>
      %get3A_3583 = arith.constant 2 : i32
      %get3A_3584 = arith.index_cast %get3A_3583 : i32 to index
      %get3A_3585 = arith.index_cast %scan3A_3568 : i32 to index
      %get3A_3586 = arith.constant 0 : index
      %get3A_3587 = tpu.vector_load %arg11[%get3A_3584, %get3A_3585, %get3A_3586] {strides = array<i32>} : memref<5x128x64xf32, #tpu.memory_space<vmem>>, vector<1x1x16xf32>,
      %get3A_3588 = vector.shape_cast %get3A_3587 : vector<1x1x16xf32> to vector<16xf32>
      %get3A_3589 = arith.constant 3 : i32
      %get3A_3590 = arith.index_cast %get3A_3589 : i32 to index
      %get3A_3591 = arith.index_cast %scan3A_3568 : i32 to index
      %get3A_3592 = arith.constant 0 : index
      %get3A_3593 = tpu.vector_load %arg11[%get3A_3590, %get3A_3591, %get3A_3592] {strides = array<i32>} : memref<5x128x64xf32, #tpu.memory_space<vmem>>, vector<1x1x16xf32>,
      %get3A_3594 = vector.shape_cast %get3A_3593 : vector<1x1x16xf32> to vector<16xf32>
      %add3A_3595 = arith.addf %get3A_3588, %get3A_3594 : vector<16xf32>
      %add3A_3596 = arith.addf %add3A_3582, %add3A_3595 : vector<16xf32>
      %get3A_3597 = arith.constant 4 : i32
      %get3A_3598 = arith.index_cast %get3A_3597 : i32 to index
      %get3A_3599 = arith.index_cast %scan3A_3568 : i32 to index
      %get3A_3600 = arith.constant 0 : index
      %get3A_3601 = tpu.vector_load %arg11[%get3A_3598, %get3A_3599, %get3A_3600] {strides = array<i32>} : memref<5x128x64xf32, #tpu.memory_space<vmem>>, vector<1x1x16xf32>,
      %get3A_3602 = vector.shape_cast %get3A_3601 : vector<1x1x16xf32> to vector<16xf32>
      %add3A_3603 = arith.addf %add3A_3596, %get3A_3602 : vector<16xf32>
      %get3A_3604 = arith.constant 0 : i32
      %get3A_3605 = arith.index_cast %get3A_3604 : i32 to index
      %get3A_3606 = arith.index_cast %scan3A_3568 : i32 to index
      %get3A_3607 = arith.constant 0 : index
      %get3A_3608 = tpu.vector_load %arg10[%get3A_3605, %get3A_3606, %get3A_3607] {strides = array<i32>} : memref<4x128x64xf32, #tpu.memory_space<vmem>>, vector<1x1x16xf32>,
      %get3A_3609 = vector.shape_cast %get3A_3608 : vector<1x1x16xf32> to vector<16xf32>
      %add3A_3610 = arith.addf %get3A_3609, %add3A_3603 : vector<16xf32>
      %swap3A_3611 = arith.constant 0 : i32
      %swap3A_3612 = arith.index_cast %swap3A_3611 : i32 to index
      %swap3A_3613 = arith.index_cast %scan3A_3568 : i32 to index
      %swap3A_3614 = arith.constant 0 : index
      %swap3A_3615 = tpu.vector_load %arg10[%swap3A_3612, %swap3A_3613, %swap3A_3614] {strides = array<i32>} : memref<4x128x64xf32, #tpu.memory_space<vmem>>, vector<1x1x16xf32>,
      %swap3A_3616 = vector.shape_cast %swap3A_3615 : vector<1x1x16xf32> to vector<16xf32>
      %swap3A_3617 = vector.shape_cast %add3A_3610 : vector<16xf32> to vector<1x1x16xf32>
      tpu.vector_store %arg10[%swap3A_3612, %swap3A_3613, %swap3A_3614], %swap3A_3617 {strides = array<i32>} : memref<4x128x64xf32, #tpu.memory_space<vmem>>, vector<1x1x16xf32>,
      %get3A_3618 = arith.constant 0 : i32
      %get3A_3619 = arith.index_cast %get3A_3618 : i32 to index
      %get3A_3620 = arith.index_cast %scan3A_3568 : i32 to index
      %get3A_3621 = arith.constant 16 : index
      %get3A_3622 = tpu.vector_load %arg11[%get3A_3619, %get3A_3620, %get3A_3621] {strides = array<i32>} : memref<5x128x64xf32, #tpu.memory_space<vmem>>, vector<1x1x16xf32>,
      %get3A_3623 = vector.shape_cast %get3A_3622 : vector<1x1x16xf32> to vector<16xf32>
      %get3A_3624 = arith.constant 1 : i32
      %get3A_3625 = arith.index_cast %get3A_3624 : i32 to index
      %get3A_3626 = arith.index_cast %scan3A_3568 : i32 to index
      %get3A_3627 = arith.constant 16 : index
      %get3A_3628 = tpu.vector_load %arg11[%get3A_3625, %get3A_3626, %get3A_3627] {strides = array<i32>} : memref<5x128x64xf32, #tpu.memory_space<vmem>>, vector<1x1x16xf32>,
      %get3A_3629 = vector.shape_cast %get3A_3628 : vector<1x1x16xf32> to vector<16xf32>
      %add3A_3630 = arith.addf %get3A_3623, %get3A_3629 : vector<16xf32>
      %get3A_3631 = arith.constant 2 : i32
      %get3A_3632 = arith.index_cast %get3A_3631 : i32 to index
      %get3A_3633 = arith.index_cast %scan3A_3568 : i32 to index
      %get3A_3634 = arith.constant 16 : index
      %get3A_3635 = tpu.vector_load %arg11[%get3A_3632, %get3A_3633, %get3A_3634] {strides = array<i32>} : memref<5x128x64xf32, #tpu.memory_space<vmem>>, vector<1x1x16xf32>,
      %get3A_3636 = vector.shape_cast %get3A_3635 : vector<1x1x16xf32> to vector<16xf32>
      %get3A_3637 = arith.constant 3 : i32
      %get3A_3638 = arith.index_cast %get3A_3637 : i32 to index
      %get3A_3639 = arith.index_cast %scan3A_3568 : i32 to index
      %get3A_3640 = arith.constant 16 : index
      %get3A_3641 = tpu.vector_load %arg11[%get3A_3638, %get3A_3639, %get3A_3640] {strides = array<i32>} : memref<5x128x64xf32, #tpu.memory_space<vmem>>, vector<1x1x16xf32>,
      %get3A_3642 = vector.shape_cast %get3A_3641 : vector<1x1x16xf32> to vector<16xf32>
      %add3A_3643 = arith.addf %get3A_3636, %get3A_3642 : vector<16xf32>
      %add3A_3644 = arith.addf %add3A_3630, %add3A_3643 : vector<16xf32>
      %get3A_3645 = arith.constant 4 : i32
      %get3A_3646 = arith.index_cast %get3A_3645 : i32 to index
      %get3A_3647 = arith.index_cast %scan3A_3568 : i32 to index
      %get3A_3648 = arith.constant 16 : index
      %get3A_3649 = tpu.vector_load %arg11[%get3A_3646, %get3A_3647, %get3A_3648] {strides = array<i32>} : memref<5x128x64xf32, #tpu.memory_space<vmem>>, vector<1x1x16xf32>,
      %get3A_3650 = vector.shape_cast %get3A_3649 : vector<1x1x16xf32> to vector<16xf32>
      %add3A_3651 = arith.addf %add3A_3644, %get3A_3650 : vector<16xf32>
      %get3A_3652 = arith.constant 0 : i32
      %get3A_3653 = arith.index_cast %get3A_3652 : i32 to index
      %get3A_3654 = arith.index_cast %scan3A_3568 : i32 to index
      %get3A_3655 = arith.constant 16 : index
      %get3A_3656 = tpu.vector_load %arg10[%get3A_3653, %get3A_3654, %get3A_3655] {strides = array<i32>} : memref<4x128x64xf32, #tpu.memory_space<vmem>>, vector<1x1x16xf32>,
      %get3A_3657 = vector.shape_cast %get3A_3656 : vector<1x1x16xf32> to vector<16xf32>
      %add3A_3658 = arith.addf %get3A_3657, %add3A_3651 : vector<16xf32>
      %swap3A_3659 = arith.constant 0 : i32
      %swap3A_3660 = arith.index_cast %swap3A_3659 : i32 to index
      %swap3A_3661 = arith.index_cast %scan3A_3568 : i32 to index
      %swap3A_3662 = arith.constant 16 : index
      %swap3A_3663 = tpu.vector_load %arg10[%swap3A_3660, %swap3A_3661, %swap3A_3662] {strides = array<i32>} : memref<4x128x64xf32, #tpu.memory_space<vmem>>, vector<1x1x16xf32>,
      %swap3A_3664 = vector.shape_cast %swap3A_3663 : vector<1x1x16xf32> to vector<16xf32>
      %swap3A_3665 = vector.shape_cast %add3A_3658 : vector<16xf32> to vector<1x1x16xf32>
      tpu.vector_store %arg10[%swap3A_3660, %swap3A_3661, %swap3A_3662], %swap3A_3665 {strides = array<i32>} : memref<4x128x64xf32, #tpu.memory_space<vmem>>, vector<1x1x16xf32>,
      %get3A_3666 = arith.constant 0 : i32
      %get3A_3667 = arith.index_cast %get3A_3666 : i32 to index
      %get3A_3668 = arith.index_cast %scan3A_3568 : i32 to index
      %get3A_3669 = arith.constant 32 : index
      %get3A_3670 = tpu.vector_load %arg11[%get3A_3667, %get3A_3668, %get3A_3669] {strides = array<i32>} : memref<5x128x64xf32, #tpu.memory_space<vmem>>, vector<1x1x16xf32>,
      %get3A_3671 = vector.shape_cast %get3A_3670 : vector<1x1x16xf32> to vector<16xf32>
      %get3A_3672 = arith.constant 1 : i32
      %get3A_3673 = arith.index_cast %get3A_3672 : i32 to index
      %get3A_3674 = arith.index_cast %scan3A_3568 : i32 to index
      %get3A_3675 = arith.constant 32 : index
      %get3A_3676 = tpu.vector_load %arg11[%get3A_3673, %get3A_3674, %get3A_3675] {strides = array<i32>} : memref<5x128x64xf32, #tpu.memory_space<vmem>>, vector<1x1x16xf32>,
      %get3A_3677 = vector.shape_cast %get3A_3676 : vector<1x1x16xf32> to vector<16xf32>
      %add3A_3678 = arith.addf %get3A_3671, %get3A_3677 : vector<16xf32>
      %get3A_3679 = arith.constant 2 : i32
      %get3A_3680 = arith.index_cast %get3A_3679 : i32 to index
      %get3A_3681 = arith.index_cast %scan3A_3568 : i32 to index
      %get3A_3682 = arith.constant 32 : index
      %get3A_3683 = tpu.vector_load %arg11[%get3A_3680, %get3A_3681, %get3A_3682] {strides = array<i32>} : memref<5x128x64xf32, #tpu.memory_space<vmem>>, vector<1x1x16xf32>,
      %get3A_3684 = vector.shape_cast %get3A_3683 : vector<1x1x16xf32> to vector<16xf32>
      %get3A_3685 = arith.constant 3 : i32
      %get3A_3686 = arith.index_cast %get3A_3685 : i32 to index
      %get3A_3687 = arith.index_cast %scan3A_3568 : i32 to index
      %get3A_3688 = arith.constant 32 : index
      %get3A_3689 = tpu.vector_load %arg11[%get3A_3686, %get3A_3687, %get3A_3688] {strides = array<i32>} : memref<5x128x64xf32, #tpu.memory_space<vmem>>, vector<1x1x16xf32>,
      %get3A_3690 = vector.shape_cast %get3A_3689 : vector<1x1x16xf32> to vector<16xf32>
      %add3A_3691 = arith.addf %get3A_3684, %get3A_3690 : vector<16xf32>
      %add3A_3692 = arith.addf %add3A_3678, %add3A_3691 : vector<16xf32>
      %get3A_3693 = arith.constant 4 : i32
      %get3A_3694 = arith.index_cast %get3A_3693 : i32 to index
      %get3A_3695 = arith.index_cast %scan3A_3568 : i32 to index
      %get3A_3696 = arith.constant 32 : index
      %get3A_3697 = tpu.vector_load %arg11[%get3A_3694, %get3A_3695, %get3A_3696] {strides = array<i32>} : memref<5x128x64xf32, #tpu.memory_space<vmem>>, vector<1x1x16xf32>,
      %get3A_3698 = vector.shape_cast %get3A_3697 : vector<1x1x16xf32> to vector<16xf32>
      %add3A_3699 = arith.addf %add3A_3692, %get3A_3698 : vector<16xf32>
      %get3A_3700 = arith.constant 0 : i32
      %get3A_3701 = arith.index_cast %get3A_3700 : i32 to index
      %get3A_3702 = arith.index_cast %scan3A_3568 : i32 to index
      %get3A_3703 = arith.constant 32 : index
      %get3A_3704 = tpu.vector_load %arg10[%get3A_3701, %get3A_3702, %get3A_3703] {strides = array<i32>} : memref<4x128x64xf32, #tpu.memory_space<vmem>>, vector<1x1x16xf32>,
      %get3A_3705 = vector.shape_cast %get3A_3704 : vector<1x1x16xf32> to vector<16xf32>
      %add3A_3706 = arith.addf %get3A_3705, %add3A_3699 : vector<16xf32>
      %swap3A_3707 = arith.constant 0 : i32
      %swap3A_3708 = arith.index_cast %swap3A_3707 : i32 to index
      %swap3A_3709 = arith.index_cast %scan3A_3568 : i32 to index
      %swap3A_3710 = arith.constant 32 : index
      %swap3A_3711 = tpu.vector_load %arg10[%swap3A_3708, %swap3A_3709, %swap3A_3710] {strides = array<i32>} : memref<4x128x64xf32, #tpu.memory_space<vmem>>, vector<1x1x16xf32>,
      %swap3A_3712 = vector.shape_cast %swap3A_3711 : vector<1x1x16xf32> to vector<16xf32>
      %swap3A_3713 = vector.shape_cast %add3A_3706 : vector<16xf32> to vector<1x1x16xf32>
      tpu.vector_store %arg10[%swap3A_3708, %swap3A_3709, %swap3A_3710], %swap3A_3713 {strides = array<i32>} : memref<4x128x64xf32, #tpu.memory_space<vmem>>, vector<1x1x16xf32>,
      %get3A_3714 = arith.constant 0 : i32
      %get3A_3715 = arith.index_cast %get3A_3714 : i32 to index
      %get3A_3716 = arith.index_cast %scan3A_3568 : i32 to index
      %get3A_3717 = arith.constant 48 : index
      %get3A_3718 = tpu.vector_load %arg11[%get3A_3715, %get3A_3716, %get3A_3717] {strides = array<i32>} : memref<5x128x64xf32, #tpu.memory_space<vmem>>, vector<1x1x16xf32>,
      %get3A_3719 = vector.shape_cast %get3A_3718 : vector<1x1x16xf32> to vector<16xf32>
      %get3A_3720 = arith.constant 1 : i32
      %get3A_3721 = arith.index_cast %get3A_3720 : i32 to index
      %get3A_3722 = arith.index_cast %scan3A_3568 : i32 to index
      %get3A_3723 = arith.constant 48 : index
      %get3A_3724 = tpu.vector_load %arg11[%get3A_3721, %get3A_3722, %get3A_3723] {strides = array<i32>} : memref<5x128x64xf32, #tpu.memory_space<vmem>>, vector<1x1x16xf32>,
      %get3A_3725 = vector.shape_cast %get3A_3724 : vector<1x1x16xf32> to vector<16xf32>
      %add3A_3726 = arith.addf %get3A_3719, %get3A_3725 : vector<16xf32>
      %get3A_3727 = arith.constant 2 : i32
      %get3A_3728 = arith.index_cast %get3A_3727 : i32 to index
      %get3A_3729 = arith.index_cast %scan3A_3568 : i32 to index
      %get3A_3730 = arith.constant 48 : index
      %get3A_3731 = tpu.vector_load %arg11[%get3A_3728, %get3A_3729, %get3A_3730] {strides = array<i32>} : memref<5x128x64xf32, #tpu.memory_space<vmem>>, vector<1x1x16xf32>,
      %get3A_3732 = vector.shape_cast %get3A_3731 : vector<1x1x16xf32> to vector<16xf32>
      %get3A_3733 = arith.constant 3 : i32
      %get3A_3734 = arith.index_cast %get3A_3733 : i32 to index
      %get3A_3735 = arith.index_cast %scan3A_3568 : i32 to index
      %get3A_3736 = arith.constant 48 : index
      %get3A_3737 = tpu.vector_load %arg11[%get3A_3734, %get3A_3735, %get3A_3736] {strides = array<i32>} : memref<5x128x64xf32, #tpu.memory_space<vmem>>, vector<1x1x16xf32>,
      %get3A_3738 = vector.shape_cast %get3A_3737 : vector<1x1x16xf32> to vector<16xf32>
      %add3A_3739 = arith.addf %get3A_3732, %get3A_3738 : vector<16xf32>
      %add3A_3740 = arith.addf %add3A_3726, %add3A_3739 : vector<16xf32>
      %get3A_3741 = arith.constant 4 : i32
      %get3A_3742 = arith.index_cast %get3A_3741 : i32 to index
      %get3A_3743 = arith.index_cast %scan3A_3568 : i32 to index
      %get3A_3744 = arith.constant 48 : index
      %get3A_3745 = tpu.vector_load %arg11[%get3A_3742, %get3A_3743, %get3A_3744] {strides = array<i32>} : memref<5x128x64xf32, #tpu.memory_space<vmem>>, vector<1x1x16xf32>,
      %get3A_3746 = vector.shape_cast %get3A_3745 : vector<1x1x16xf32> to vector<16xf32>
      %add3A_3747 = arith.addf %add3A_3740, %get3A_3746 : vector<16xf32>
      %get3A_3748 = arith.constant 0 : i32
      %get3A_3749 = arith.index_cast %get3A_3748 : i32 to index
      %get3A_3750 = arith.index_cast %scan3A_3568 : i32 to index
      %get3A_3751 = arith.constant 48 : index
      %get3A_3752 = tpu.vector_load %arg10[%get3A_3749, %get3A_3750, %get3A_3751] {strides = array<i32>} : memref<4x128x64xf32, #tpu.memory_space<vmem>>, vector<1x1x16xf32>,
      %get3A_3753 = vector.shape_cast %get3A_3752 : vector<1x1x16xf32> to vector<16xf32>
      %add3A_3754 = arith.addf %get3A_3753, %add3A_3747 : vector<16xf32>
      %swap3A_3755 = arith.constant 0 : i32
      %swap3A_3756 = arith.index_cast %swap3A_3755 : i32 to index
      %swap3A_3757 = arith.index_cast %scan3A_3568 : i32 to index
      %swap3A_3758 = arith.constant 48 : index
      %swap3A_3759 = tpu.vector_load %arg10[%swap3A_3756, %swap3A_3757, %swap3A_3758] {strides = array<i32>} : memref<4x128x64xf32, #tpu.memory_space<vmem>>, vector<1x1x16xf32>,
      %swap3A_3760 = vector.shape_cast %swap3A_3759 : vector<1x1x16xf32> to vector<16xf32>
      %swap3A_3761 = vector.shape_cast %add3A_3754 : vector<16xf32> to vector<1x1x16xf32>
      tpu.vector_store %arg10[%swap3A_3756, %swap3A_3757, %swap3A_3758], %swap3A_3761 {strides = array<i32>} : memref<4x128x64xf32, #tpu.memory_space<vmem>>, vector<1x1x16xf32>,
      %scan3A_3762 = arith.constant 0 : i32
      scf.yield %scan3A_3762 : i32
    }
    %scan3A_3098 = arith.constant 128 : i32
    %add3A_3099 = arith.constant 0 : i32
    %add3A_3100 = arith.addi %mul3A_2, %add3A_3099 : i32
    %dma_start3A_3101 = arith.constant 0 : i32
    %dma_start3A_3102 = arith.constant 0 : i32
    %dma_start3A_3103 = arith.constant 0 : i32
    %dma_start3A_3104 = tpu.memref_slice %arg10[%dma_start3A_3101, %dma_start3A_3102, %dma_start3A_3103] : memref<4x128x64xf32, #tpu.memory_space<vmem>> -> memref<1x128x64xf32, #tpu.memory_space<vmem>>
    %dma_start3A_3105 = tpu.memref_squeeze %dma_start3A_3104 : memref<1x128x64xf32, #tpu.memory_space<vmem>> -> memref<128x64xf32, #tpu.memory_space<vmem>>
    %dma_start3A_3106 = arith.constant 0 : i32
    %dma_start3A_3107 = tpu.memref_slice %arg6[%add3A_3100, %dma_start3A_3106] : memref<16384x64xf32, #tpu.memory_space<hbm>> -> memref<128x64xf32, #tpu.memory_space<hbm>>
    %dma_start3A_3108 = arith.constant 0 : i32
    %dma_start3A_3109 = tpu.memref_slice %arg6[%add3A_3100, %dma_start3A_3108] : memref<16384x64xf32, #tpu.memory_space<hbm>> -> memref<128x64xf32, #tpu.memory_space<hbm>>
    %dma_start3A_3110 = arith.constant 0 : i32
    %dma_start3A_3111 = arith.constant 0 : i32
    %dma_start3A_3112 = tpu.memref_slice %arg10[%dma_start3A_3101, %dma_start3A_3110, %dma_start3A_3111] : memref<4x128x64xf32, #tpu.memory_space<vmem>> -> memref<1x128x64xf32, #tpu.memory_space<vmem>>
    %dma_start3A_3113 = tpu.memref_squeeze %dma_start3A_3112 : memref<1x128x64xf32, #tpu.memory_space<vmem>> -> memref<128x64xf32, #tpu.memory_space<vmem>>
    tpu.enqueue_dma source(%dma_start3A_3113 : memref<128x64xf32, #tpu.memory_space<vmem>>) target(%dma_start3A_3109 : memref<128x64xf32, #tpu.memory_space<hbm>>) target_semaphore(%arg16 : memref<!tpu.dma_semaphore, #tpu.memory_space<semaphore_mem>>)
    %dma_wait3A_3114 = arith.constant 5 : i32
    %dma_wait3A_3115 = arith.constant 0 : i32
    %dma_wait3A_3116 = arith.constant 0 : i32
    %dma_wait3A_3117 = arith.constant 0 : i32
    %dma_wait3A_3118 = tpu.memref_slice %arg12[%dma_wait3A_3115, %dma_wait3A_3116, %dma_wait3A_3117] : memref<5x128x64xf32, #tpu.memory_space<vmem>> -> memref<1x128x64xf32, #tpu.memory_space<vmem>>
    %dma_wait3A_3119 = tpu.memref_squeeze %dma_wait3A_3118 : memref<1x128x64xf32, #tpu.memory_space<vmem>> -> memref<128x64xf32, #tpu.memory_space<vmem>>
    %dma_wait3A_3120 = arith.constant 0 : i32
    %dma_wait3A_3121 = tpu.memref_slice %arg9[%dma_wait3A_3114, %dma_wait3A_3120] : memref<20x128xi32, #tpu.memory_space<vmem>> -> memref<1x128xi32, #tpu.memory_space<vmem>>
    %dma_wait3A_3122 = tpu.memref_squeeze %dma_wait3A_3121 : memref<1x128xi32, #tpu.memory_space<vmem>> -> memref<128xi32, #tpu.memory_space<vmem>>
    %dma_wait3A_3123 = arith.constant 0 : i32
    %dma_wait3A_3124 = arith.constant 0 : i32
    %dma_wait3A_3125 = tpu.memref_slice %arg4[%dma_wait3A_3123, %dma_wait3A_3124] : memref<5008x64xf32, #tpu.memory_space<hbm>> -> memref<5008x64xf32, #tpu.memory_space<hbm>>
    tpu.wait_indirect_dma semaphore(%arg15 : memref<!tpu.dma_semaphore, #tpu.memory_space<semaphore_mem>>) src(%dma_wait3A_3125 : memref<5008x64xf32, #tpu.memory_space<hbm>>) dst(%dma_wait3A_3119 : memref<128x64xf32, #tpu.memory_space<vmem>>)
    %dma_wait3A_3126 = arith.constant 6 : i32
    %dma_wait3A_3127 = arith.constant 1 : i32
    %dma_wait3A_3128 = arith.constant 0 : i32
    %dma_wait3A_3129 = arith.constant 0 : i32
    %dma_wait3A_3130 = tpu.memref_slice %arg12[%dma_wait3A_3127, %dma_wait3A_3128, %dma_wait3A_3129] : memref<5x128x64xf32, #tpu.memory_space<vmem>> -> memref<1x128x64xf32, #tpu.memory_space<vmem>>
    %dma_wait3A_3131 = tpu.memref_squeeze %dma_wait3A_3130 : memref<1x128x64xf32, #tpu.memory_space<vmem>> -> memref<128x64xf32, #tpu.memory_space<vmem>>
    %dma_wait3A_3132 = arith.constant 0 : i32
    %dma_wait3A_3133 = tpu.memref_slice %arg9[%dma_wait3A_3126, %dma_wait3A_3132] : memref<20x128xi32, #tpu.memory_space<vmem>> -> memref<1x128xi32, #tpu.memory_space<vmem>>
    %dma_wait3A_3134 = tpu.memref_squeeze %dma_wait3A_3133 : memref<1x128xi32, #tpu.memory_space<vmem>> -> memref<128xi32, #tpu.memory_space<vmem>>
    %dma_wait3A_3135 = arith.constant 0 : i32
    %dma_wait3A_3136 = arith.constant 0 : i32
    %dma_wait3A_3137 = tpu.memref_slice %arg4[%dma_wait3A_3135, %dma_wait3A_3136] : memref<5008x64xf32, #tpu.memory_space<hbm>> -> memref<5008x64xf32, #tpu.memory_space<hbm>>
    tpu.wait_indirect_dma semaphore(%arg15 : memref<!tpu.dma_semaphore, #tpu.memory_space<semaphore_mem>>) src(%dma_wait3A_3137 : memref<5008x64xf32, #tpu.memory_space<hbm>>) dst(%dma_wait3A_3131 : memref<128x64xf32, #tpu.memory_space<vmem>>)
    %dma_wait3A_3138 = arith.constant 7 : i32
    %dma_wait3A_3139 = arith.constant 2 : i32
    %dma_wait3A_3140 = arith.constant 0 : i32
    %dma_wait3A_3141 = arith.constant 0 : i32
    %dma_wait3A_3142 = tpu.memref_slice %arg12[%dma_wait3A_3139, %dma_wait3A_3140, %dma_wait3A_3141] : memref<5x128x64xf32, #tpu.memory_space<vmem>> -> memref<1x128x64xf32, #tpu.memory_space<vmem>>
    %dma_wait3A_3143 = tpu.memref_squeeze %dma_wait3A_3142 : memref<1x128x64xf32, #tpu.memory_space<vmem>> -> memref<128x64xf32, #tpu.memory_space<vmem>>
    %dma_wait3A_3144 = arith.constant 0 : i32
    %dma_wait3A_3145 = tpu.memref_slice %arg9[%dma_wait3A_3138, %dma_wait3A_3144] : memref<20x128xi32, #tpu.memory_space<vmem>> -> memref<1x128xi32, #tpu.memory_space<vmem>>
    %dma_wait3A_3146 = tpu.memref_squeeze %dma_wait3A_3145 : memref<1x128xi32, #tpu.memory_space<vmem>> -> memref<128xi32, #tpu.memory_space<vmem>>
    %dma_wait3A_3147 = arith.constant 0 : i32
    %dma_wait3A_3148 = arith.constant 0 : i32
    %dma_wait3A_3149 = tpu.memref_slice %arg4[%dma_wait3A_3147, %dma_wait3A_3148] : memref<5008x64xf32, #tpu.memory_space<hbm>> -> memref<5008x64xf32, #tpu.memory_space<hbm>>
    tpu.wait_indirect_dma semaphore(%arg15 : memref<!tpu.dma_semaphore, #tpu.memory_space<semaphore_mem>>) src(%dma_wait3A_3149 : memref<5008x64xf32, #tpu.memory_space<hbm>>) dst(%dma_wait3A_3143 : memref<128x64xf32, #tpu.memory_space<vmem>>)
    %dma_wait3A_3150 = arith.constant 8 : i32
    %dma_wait3A_3151 = arith.constant 3 : i32
    %dma_wait3A_3152 = arith.constant 0 : i32
    %dma_wait3A_3153 = arith.constant 0 : i32
    %dma_wait3A_3154 = tpu.memref_slice %arg12[%dma_wait3A_3151, %dma_wait3A_3152, %dma_wait3A_3153] : memref<5x128x64xf32, #tpu.memory_space<vmem>> -> memref<1x128x64xf32, #tpu.memory_space<vmem>>
    %dma_wait3A_3155 = tpu.memref_squeeze %dma_wait3A_3154 : memref<1x128x64xf32, #tpu.memory_space<vmem>> -> memref<128x64xf32, #tpu.memory_space<vmem>>
    %dma_wait3A_3156 = arith.constant 0 : i32
    %dma_wait3A_3157 = tpu.memref_slice %arg9[%dma_wait3A_3150, %dma_wait3A_3156] : memref<20x128xi32, #tpu.memory_space<vmem>> -> memref<1x128xi32, #tpu.memory_space<vmem>>
    %dma_wait3A_3158 = tpu.memref_squeeze %dma_wait3A_3157 : memref<1x128xi32, #tpu.memory_space<vmem>> -> memref<128xi32, #tpu.memory_space<vmem>>
    %dma_wait3A_3159 = arith.constant 0 : i32
    %dma_wait3A_3160 = arith.constant 0 : i32
    %dma_wait3A_3161 = tpu.memref_slice %arg4[%dma_wait3A_3159, %dma_wait3A_3160] : memref<5008x64xf32, #tpu.memory_space<hbm>> -> memref<5008x64xf32, #tpu.memory_space<hbm>>
    tpu.wait_indirect_dma semaphore(%arg15 : memref<!tpu.dma_semaphore, #tpu.memory_space<semaphore_mem>>) src(%dma_wait3A_3161 : memref<5008x64xf32, #tpu.memory_space<hbm>>) dst(%dma_wait3A_3155 : memref<128x64xf32, #tpu.memory_space<vmem>>)
    %dma_wait3A_3162 = arith.constant 9 : i32
    %dma_wait3A_3163 = arith.constant 4 : i32
    %dma_wait3A_3164 = arith.constant 0 : i32
    %dma_wait3A_3165 = arith.constant 0 : i32
    %dma_wait3A_3166 = tpu.memref_slice %arg12[%dma_wait3A_3163, %dma_wait3A_3164, %dma_wait3A_3165] : memref<5x128x64xf32, #tpu.memory_space<vmem>> -> memref<1x128x64xf32, #tpu.memory_space<vmem>>
    %dma_wait3A_3167 = tpu.memref_squeeze %dma_wait3A_3166 : memref<1x128x64xf32, #tpu.memory_space<vmem>> -> memref<128x64xf32, #tpu.memory_space<vmem>>
    %dma_wait3A_3168 = arith.constant 0 : i32
    %dma_wait3A_3169 = tpu.memref_slice %arg9[%dma_wait3A_3162, %dma_wait3A_3168] : memref<20x128xi32, #tpu.memory_space<vmem>> -> memref<1x128xi32, #tpu.memory_space<vmem>>
    %dma_wait3A_3170 = tpu.memref_squeeze %dma_wait3A_3169 : memref<1x128xi32, #tpu.memory_space<vmem>> -> memref<128xi32, #tpu.memory_space<vmem>>
    %dma_wait3A_3171 = arith.constant 0 : i32
    %dma_wait3A_3172 = arith.constant 0 : i32
    %dma_wait3A_3173 = tpu.memref_slice %arg4[%dma_wait3A_3171, %dma_wait3A_3172] : memref<5008x64xf32, #tpu.memory_space<hbm>> -> memref<5008x64xf32, #tpu.memory_space<hbm>>
    tpu.wait_indirect_dma semaphore(%arg15 : memref<!tpu.dma_semaphore, #tpu.memory_space<semaphore_mem>>) src(%dma_wait3A_3173 : memref<5008x64xf32, #tpu.memory_space<hbm>>) dst(%dma_wait3A_3167 : memref<128x64xf32, #tpu.memory_space<vmem>>)
    %dma_start3A_3174 = arith.constant 10 : i32
    %dma_start3A_3175 = arith.constant 0 : i32
    %dma_start3A_3176 = arith.constant 0 : i32
    %dma_start3A_3177 = arith.constant 0 : i32
    %dma_start3A_3178 = tpu.memref_slice %arg11[%dma_start3A_3175, %dma_start3A_3176, %dma_start3A_3177] : memref<5x128x64xf32, #tpu.memory_space<vmem>> -> memref<1x128x64xf32, #tpu.memory_space<vmem>>
    %dma_start3A_3179 = tpu.memref_squeeze %dma_start3A_3178 : memref<1x128x64xf32, #tpu.memory_space<vmem>> -> memref<128x64xf32, #tpu.memory_space<vmem>>
    %dma_start3A_3180 = arith.constant 0 : i32
    %dma_start3A_3181 = tpu.memref_slice %arg9[%dma_start3A_3174, %dma_start3A_3180] : memref<20x128xi32, #tpu.memory_space<vmem>> -> memref<1x128xi32, #tpu.memory_space<vmem>>
    %dma_start3A_3182 = tpu.memref_squeeze %dma_start3A_3181 : memref<1x128xi32, #tpu.memory_space<vmem>> -> memref<128xi32, #tpu.memory_space<vmem>>
    %dma_start3A_3183 = arith.constant 0 : i32
    %dma_start3A_3184 = arith.constant 0 : i32
    %dma_start3A_3185 = tpu.memref_slice %arg4[%dma_start3A_3183, %dma_start3A_3184] : memref<5008x64xf32, #tpu.memory_space<hbm>> -> memref<5008x64xf32, #tpu.memory_space<hbm>>
    tpu.enqueue_indirect_dma source(%dma_start3A_3185 : memref<5008x64xf32, #tpu.memory_space<hbm>>) target(%dma_start3A_3179 : memref<128x64xf32, #tpu.memory_space<vmem>>) offsets(%dma_start3A_3182 : memref<128xi32, #tpu.memory_space<vmem>>) semaphore(%arg15 : memref<!tpu.dma_semaphore, #tpu.memory_space<semaphore_mem>>)
    %dma_start3A_3186 = arith.constant 11 : i32
    %dma_start3A_3187 = arith.constant 1 : i32
    %dma_start3A_3188 = arith.constant 0 : i32
    %dma_start3A_3189 = arith.constant 0 : i32
    %dma_start3A_3190 = tpu.memref_slice %arg11[%dma_start3A_3187, %dma_start3A_3188, %dma_start3A_3189] : memref<5x128x64xf32, #tpu.memory_space<vmem>> -> memref<1x128x64xf32, #tpu.memory_space<vmem>>
    %dma_start3A_3191 = tpu.memref_squeeze %dma_start3A_3190 : memref<1x128x64xf32, #tpu.memory_space<vmem>> -> memref<128x64xf32, #tpu.memory_space<vmem>>
    %dma_start3A_3192 = arith.constant 0 : i32
    %dma_start3A_3193 = tpu.memref_slice %arg9[%dma_start3A_3186, %dma_start3A_3192] : memref<20x128xi32, #tpu.memory_space<vmem>> -> memref<1x128xi32, #tpu.memory_space<vmem>>
    %dma_start3A_3194 = tpu.memref_squeeze %dma_start3A_3193 : memref<1x128xi32, #tpu.memory_space<vmem>> -> memref<128xi32, #tpu.memory_space<vmem>>
    %dma_start3A_3195 = arith.constant 0 : i32
    %dma_start3A_3196 = arith.constant 0 : i32
    %dma_start3A_3197 = tpu.memref_slice %arg4[%dma_start3A_3195, %dma_start3A_3196] : memref<5008x64xf32, #tpu.memory_space<hbm>> -> memref<5008x64xf32, #tpu.memory_space<hbm>>
    tpu.enqueue_indirect_dma source(%dma_start3A_3197 : memref<5008x64xf32, #tpu.memory_space<hbm>>) target(%dma_start3A_3191 : memref<128x64xf32, #tpu.memory_space<vmem>>) offsets(%dma_start3A_3194 : memref<128xi32, #tpu.memory_space<vmem>>) semaphore(%arg15 : memref<!tpu.dma_semaphore, #tpu.memory_space<semaphore_mem>>)
    %dma_start3A_3198 = arith.constant 12 : i32
    %dma_start3A_3199 = arith.constant 2 : i32
    %dma_start3A_3200 = arith.constant 0 : i32
    %dma_start3A_3201 = arith.constant 0 : i32
    %dma_start3A_3202 = tpu.memref_slice %arg11[%dma_start3A_3199, %dma_start3A_3200, %dma_start3A_3201] : memref<5x128x64xf32, #tpu.memory_space<vmem>> -> memref<1x128x64xf32, #tpu.memory_space<vmem>>
    %dma_start3A_3203 = tpu.memref_squeeze %dma_start3A_3202 : memref<1x128x64xf32, #tpu.memory_space<vmem>> -> memref<128x64xf32, #tpu.memory_space<vmem>>
    %dma_start3A_3204 = arith.constant 0 : i32
    %dma_start3A_3205 = tpu.memref_slice %arg9[%dma_start3A_3198, %dma_start3A_3204] : memref<20x128xi32, #tpu.memory_space<vmem>> -> memref<1x128xi32, #tpu.memory_space<vmem>>
    %dma_start3A_3206 = tpu.memref_squeeze %dma_start3A_3205 : memref<1x128xi32, #tpu.memory_space<vmem>> -> memref<128xi32, #tpu.memory_space<vmem>>
    %dma_start3A_3207 = arith.constant 0 : i32
    %dma_start3A_3208 = arith.constant 0 : i32
    %dma_start3A_3209 = tpu.memref_slice %arg4[%dma_start3A_3207, %dma_start3A_3208] : memref<5008x64xf32, #tpu.memory_space<hbm>> -> memref<5008x64xf32, #tpu.memory_space<hbm>>
    tpu.enqueue_indirect_dma source(%dma_start3A_3209 : memref<5008x64xf32, #tpu.memory_space<hbm>>) target(%dma_start3A_3203 : memref<128x64xf32, #tpu.memory_space<vmem>>) offsets(%dma_start3A_3206 : memref<128xi32, #tpu.memory_space<vmem>>) semaphore(%arg15 : memref<!tpu.dma_semaphore, #tpu.memory_space<semaphore_mem>>)
    %dma_start3A_3210 = arith.constant 13 : i32
    %dma_start3A_3211 = arith.constant 3 : i32
    %dma_start3A_3212 = arith.constant 0 : i32
    %dma_start3A_3213 = arith.constant 0 : i32
    %dma_start3A_3214 = tpu.memref_slice %arg11[%dma_start3A_3211, %dma_start3A_3212, %dma_start3A_3213] : memref<5x128x64xf32, #tpu.memory_space<vmem>> -> memref<1x128x64xf32, #tpu.memory_space<vmem>>
    %dma_start3A_3215 = tpu.memref_squeeze %dma_start3A_3214 : memref<1x128x64xf32, #tpu.memory_space<vmem>> -> memref<128x64xf32, #tpu.memory_space<vmem>>
    %dma_start3A_3216 = arith.constant 0 : i32
    %dma_start3A_3217 = tpu.memref_slice %arg9[%dma_start3A_3210, %dma_start3A_3216] : memref<20x128xi32, #tpu.memory_space<vmem>> -> memref<1x128xi32, #tpu.memory_space<vmem>>
    %dma_start3A_3218 = tpu.memref_squeeze %dma_start3A_3217 : memref<1x128xi32, #tpu.memory_space<vmem>> -> memref<128xi32, #tpu.memory_space<vmem>>
    %dma_start3A_3219 = arith.constant 0 : i32
    %dma_start3A_3220 = arith.constant 0 : i32
    %dma_start3A_3221 = tpu.memref_slice %arg4[%dma_start3A_3219, %dma_start3A_3220] : memref<5008x64xf32, #tpu.memory_space<hbm>> -> memref<5008x64xf32, #tpu.memory_space<hbm>>
    tpu.enqueue_indirect_dma source(%dma_start3A_3221 : memref<5008x64xf32, #tpu.memory_space<hbm>>) target(%dma_start3A_3215 : memref<128x64xf32, #tpu.memory_space<vmem>>) offsets(%dma_start3A_3218 : memref<128xi32, #tpu.memory_space<vmem>>) semaphore(%arg15 : memref<!tpu.dma_semaphore, #tpu.memory_space<semaphore_mem>>)
    %dma_start3A_3222 = arith.constant 14 : i32
    %dma_start3A_3223 = arith.constant 4 : i32
    %dma_start3A_3224 = arith.constant 0 : i32
    %dma_start3A_3225 = arith.constant 0 : i32
    %dma_start3A_3226 = tpu.memref_slice %arg11[%dma_start3A_3223, %dma_start3A_3224, %dma_start3A_3225] : memref<5x128x64xf32, #tpu.memory_space<vmem>> -> memref<1x128x64xf32, #tpu.memory_space<vmem>>
    %dma_start3A_3227 = tpu.memref_squeeze %dma_start3A_3226 : memref<1x128x64xf32, #tpu.memory_space<vmem>> -> memref<128x64xf32, #tpu.memory_space<vmem>>
    %dma_start3A_3228 = arith.constant 0 : i32
    %dma_start3A_3229 = tpu.memref_slice %arg9[%dma_start3A_3222, %dma_start3A_3228] : memref<20x128xi32, #tpu.memory_space<vmem>> -> memref<1x128xi32, #tpu.memory_space<vmem>>
    %dma_start3A_3230 = tpu.memref_squeeze %dma_start3A_3229 : memref<1x128xi32, #tpu.memory_space<vmem>> -> memref<128xi32, #tpu.memory_space<vmem>>
    %dma_start3A_3231 = arith.constant 0 : i32
    %dma_start3A_3232 = arith.constant 0 : i32
    %dma_start3A_3233 = tpu.memref_slice %arg4[%dma_start3A_3231, %dma_start3A_3232] : memref<5008x64xf32, #tpu.memory_space<hbm>> -> memref<5008x64xf32, #tpu.memory_space<hbm>>
    tpu.enqueue_indirect_dma source(%dma_start3A_3233 : memref<5008x64xf32, #tpu.memory_space<hbm>>) target(%dma_start3A_3227 : memref<128x64xf32, #tpu.memory_space<vmem>>) offsets(%dma_start3A_3230 : memref<128xi32, #tpu.memory_space<vmem>>) semaphore(%arg15 : memref<!tpu.dma_semaphore, #tpu.memory_space<semaphore_mem>>)
    %dma_wait3A_3234 = arith.constant 1 : i32
    %dma_wait3A_3235 = arith.constant 1 : i32
    %dma_wait3A_3236 = arith.constant 0 : i32
    %dma_wait3A_3237 = arith.constant 0 : i32
    %dma_wait3A_3238 = tpu.memref_slice %arg10[%dma_wait3A_3235, %dma_wait3A_3236, %dma_wait3A_3237] : memref<4x128x64xf32, #tpu.memory_space<vmem>> -> memref<1x128x64xf32, #tpu.memory_space<vmem>>
    %dma_wait3A_3239 = tpu.memref_squeeze %dma_wait3A_3238 : memref<1x128x64xf32, #tpu.memory_space<vmem>> -> memref<128x64xf32, #tpu.memory_space<vmem>>
    %dma_wait3A_3240 = arith.constant 0 : i32
    %dma_wait3A_3241 = tpu.memref_slice %arg7[%dma_wait3A_3234, %dma_wait3A_3240] : memref<4x128xi32, #tpu.memory_space<vmem>> -> memref<1x128xi32, #tpu.memory_space<vmem>>
    %dma_wait3A_3242 = tpu.memref_squeeze %dma_wait3A_3241 : memref<1x128xi32, #tpu.memory_space<vmem>> -> memref<128xi32, #tpu.memory_space<vmem>>
    %dma_wait3A_3243 = arith.constant 0 : i32
    %dma_wait3A_3244 = arith.constant 0 : i32
    %dma_wait3A_3245 = tpu.memref_slice %arg3[%dma_wait3A_3243, %dma_wait3A_3244] : memref<1000000x64xf32, #tpu.memory_space<hbm>> -> memref<1000000x64xf32, #tpu.memory_space<hbm>>
    tpu.wait_indirect_dma semaphore(%arg13 : memref<!tpu.dma_semaphore, #tpu.memory_space<semaphore_mem>>) src(%dma_wait3A_3245 : memref<1000000x64xf32, #tpu.memory_space<hbm>>) dst(%dma_wait3A_3239 : memref<128x64xf32, #tpu.memory_space<vmem>>)
    %scan3A_3246 = arith.constant 0 : i32
    %scan3A_3247 = arith.constant 0 : i32
    %scan3A_3248 = arith.constant 128 : i32
    %scan3A_3249 = arith.addi %scan3A_3247, %scan3A_3248 : i32
    %scan3A_3250 = arith.constant 1 : i32
    %scan3A_3251 = scf.for %scan3A_3568 = %scan3A_3247 to %scan3A_3249 step %scan3A_3250 iter_args(%scan3A_3569 = %scan3A_3246) -> (i32)  : i32 {
      %get3A_3570 = arith.constant 0 : i32
      %get3A_3571 = arith.index_cast %get3A_3570 : i32 to index
      %get3A_3572 = arith.index_cast %scan3A_3568 : i32 to index
      %get3A_3573 = arith.constant 0 : index
      %get3A_3574 = tpu.vector_load %arg12[%get3A_3571, %get3A_3572, %get3A_3573] {strides = array<i32>} : memref<5x128x64xf32, #tpu.memory_space<vmem>>, vector<1x1x16xf32>,
      %get3A_3575 = vector.shape_cast %get3A_3574 : vector<1x1x16xf32> to vector<16xf32>
      %get3A_3576 = arith.constant 1 : i32
      %get3A_3577 = arith.index_cast %get3A_3576 : i32 to index
      %get3A_3578 = arith.index_cast %scan3A_3568 : i32 to index
      %get3A_3579 = arith.constant 0 : index
      %get3A_3580 = tpu.vector_load %arg12[%get3A_3577, %get3A_3578, %get3A_3579] {strides = array<i32>} : memref<5x128x64xf32, #tpu.memory_space<vmem>>, vector<1x1x16xf32>,
      %get3A_3581 = vector.shape_cast %get3A_3580 : vector<1x1x16xf32> to vector<16xf32>
      %add3A_3582 = arith.addf %get3A_3575, %get3A_3581 : vector<16xf32>
      %get3A_3583 = arith.constant 2 : i32
      %get3A_3584 = arith.index_cast %get3A_3583 : i32 to index
      %get3A_3585 = arith.index_cast %scan3A_3568 : i32 to index
      %get3A_3586 = arith.constant 0 : index
      %get3A_3587 = tpu.vector_load %arg12[%get3A_3584, %get3A_3585, %get3A_3586] {strides = array<i32>} : memref<5x128x64xf32, #tpu.memory_space<vmem>>, vector<1x1x16xf32>,
      %get3A_3588 = vector.shape_cast %get3A_3587 : vector<1x1x16xf32> to vector<16xf32>
      %get3A_3589 = arith.constant 3 : i32
      %get3A_3590 = arith.index_cast %get3A_3589 : i32 to index
      %get3A_3591 = arith.index_cast %scan3A_3568 : i32 to index
      %get3A_3592 = arith.constant 0 : index
      %get3A_3593 = tpu.vector_load %arg12[%get3A_3590, %get3A_3591, %get3A_3592] {strides = array<i32>} : memref<5x128x64xf32, #tpu.memory_space<vmem>>, vector<1x1x16xf32>,
      %get3A_3594 = vector.shape_cast %get3A_3593 : vector<1x1x16xf32> to vector<16xf32>
      %add3A_3595 = arith.addf %get3A_3588, %get3A_3594 : vector<16xf32>
      %add3A_3596 = arith.addf %add3A_3582, %add3A_3595 : vector<16xf32>
      %get3A_3597 = arith.constant 4 : i32
      %get3A_3598 = arith.index_cast %get3A_3597 : i32 to index
      %get3A_3599 = arith.index_cast %scan3A_3568 : i32 to index
      %get3A_3600 = arith.constant 0 : index
      %get3A_3601 = tpu.vector_load %arg12[%get3A_3598, %get3A_3599, %get3A_3600] {strides = array<i32>} : memref<5x128x64xf32, #tpu.memory_space<vmem>>, vector<1x1x16xf32>,
      %get3A_3602 = vector.shape_cast %get3A_3601 : vector<1x1x16xf32> to vector<16xf32>
      %add3A_3603 = arith.addf %add3A_3596, %get3A_3602 : vector<16xf32>
      %get3A_3604 = arith.constant 1 : i32
      %get3A_3605 = arith.index_cast %get3A_3604 : i32 to index
      %get3A_3606 = arith.index_cast %scan3A_3568 : i32 to index
      %get3A_3607 = arith.constant 0 : index
      %get3A_3608 = tpu.vector_load %arg10[%get3A_3605, %get3A_3606, %get3A_3607] {strides = array<i32>} : memref<4x128x64xf32, #tpu.memory_space<vmem>>, vector<1x1x16xf32>,
      %get3A_3609 = vector.shape_cast %get3A_3608 : vector<1x1x16xf32> to vector<16xf32>
      %add3A_3610 = arith.addf %get3A_3609, %add3A_3603 : vector<16xf32>
      %swap3A_3611 = arith.constant 1 : i32
      %swap3A_3612 = arith.index_cast %swap3A_3611 : i32 to index
      %swap3A_3613 = arith.index_cast %scan3A_3568 : i32 to index
      %swap3A_3614 = arith.constant 0 : index
      %swap3A_3615 = tpu.vector_load %arg10[%swap3A_3612, %swap3A_3613, %swap3A_3614] {strides = array<i32>} : memref<4x128x64xf32, #tpu.memory_space<vmem>>, vector<1x1x16xf32>,
      %swap3A_3616 = vector.shape_cast %swap3A_3615 : vector<1x1x16xf32> to vector<16xf32>
      %swap3A_3617 = vector.shape_cast %add3A_3610 : vector<16xf32> to vector<1x1x16xf32>
      tpu.vector_store %arg10[%swap3A_3612, %swap3A_3613, %swap3A_3614], %swap3A_3617 {strides = array<i32>} : memref<4x128x64xf32, #tpu.memory_space<vmem>>, vector<1x1x16xf32>,
      %get3A_3618 = arith.constant 0 : i32
      %get3A_3619 = arith.index_cast %get3A_3618 : i32 to index
      %get3A_3620 = arith.index_cast %scan3A_3568 : i32 to index
      %get3A_3621 = arith.constant 16 : index
      %get3A_3622 = tpu.vector_load %arg12[%get3A_3619, %get3A_3620, %get3A_3621] {strides = array<i32>} : memref<5x128x64xf32, #tpu.memory_space<vmem>>, vector<1x1x16xf32>,
      %get3A_3623 = vector.shape_cast %get3A_3622 : vector<1x1x16xf32> to vector<16xf32>
      %get3A_3624 = arith.constant 1 : i32
      %get3A_3625 = arith.index_cast %get3A_3624 : i32 to index
      %get3A_3626 = arith.index_cast %scan3A_3568 : i32 to index
      %get3A_3627 = arith.constant 16 : index
      %get3A_3628 = tpu.vector_load %arg12[%get3A_3625, %get3A_3626, %get3A_3627] {strides = array<i32>} : memref<5x128x64xf32, #tpu.memory_space<vmem>>, vector<1x1x16xf32>,
      %get3A_3629 = vector.shape_cast %get3A_3628 : vector<1x1x16xf32> to vector<16xf32>
      %add3A_3630 = arith.addf %get3A_3623, %get3A_3629 : vector<16xf32>
      %get3A_3631 = arith.constant 2 : i32
      %get3A_3632 = arith.index_cast %get3A_3631 : i32 to index
      %get3A_3633 = arith.index_cast %scan3A_3568 : i32 to index
      %get3A_3634 = arith.constant 16 : index
      %get3A_3635 = tpu.vector_load %arg12[%get3A_3632, %get3A_3633, %get3A_3634] {strides = array<i32>} : memref<5x128x64xf32, #tpu.memory_space<vmem>>, vector<1x1x16xf32>,
      %get3A_3636 = vector.shape_cast %get3A_3635 : vector<1x1x16xf32> to vector<16xf32>
      %get3A_3637 = arith.constant 3 : i32
      %get3A_3638 = arith.index_cast %get3A_3637 : i32 to index
      %get3A_3639 = arith.index_cast %scan3A_3568 : i32 to index
      %get3A_3640 = arith.constant 16 : index
      %get3A_3641 = tpu.vector_load %arg12[%get3A_3638, %get3A_3639, %get3A_3640] {strides = array<i32>} : memref<5x128x64xf32, #tpu.memory_space<vmem>>, vector<1x1x16xf32>,
      %get3A_3642 = vector.shape_cast %get3A_3641 : vector<1x1x16xf32> to vector<16xf32>
      %add3A_3643 = arith.addf %get3A_3636, %get3A_3642 : vector<16xf32>
      %add3A_3644 = arith.addf %add3A_3630, %add3A_3643 : vector<16xf32>
      %get3A_3645 = arith.constant 4 : i32
      %get3A_3646 = arith.index_cast %get3A_3645 : i32 to index
      %get3A_3647 = arith.index_cast %scan3A_3568 : i32 to index
      %get3A_3648 = arith.constant 16 : index
      %get3A_3649 = tpu.vector_load %arg12[%get3A_3646, %get3A_3647, %get3A_3648] {strides = array<i32>} : memref<5x128x64xf32, #tpu.memory_space<vmem>>, vector<1x1x16xf32>,
      %get3A_3650 = vector.shape_cast %get3A_3649 : vector<1x1x16xf32> to vector<16xf32>
      %add3A_3651 = arith.addf %add3A_3644, %get3A_3650 : vector<16xf32>
      %get3A_3652 = arith.constant 1 : i32
      %get3A_3653 = arith.index_cast %get3A_3652 : i32 to index
      %get3A_3654 = arith.index_cast %scan3A_3568 : i32 to index
      %get3A_3655 = arith.constant 16 : index
      %get3A_3656 = tpu.vector_load %arg10[%get3A_3653, %get3A_3654, %get3A_3655] {strides = array<i32>} : memref<4x128x64xf32, #tpu.memory_space<vmem>>, vector<1x1x16xf32>,
      %get3A_3657 = vector.shape_cast %get3A_3656 : vector<1x1x16xf32> to vector<16xf32>
      %add3A_3658 = arith.addf %get3A_3657, %add3A_3651 : vector<16xf32>
      %swap3A_3659 = arith.constant 1 : i32
      %swap3A_3660 = arith.index_cast %swap3A_3659 : i32 to index
      %swap3A_3661 = arith.index_cast %scan3A_3568 : i32 to index
      %swap3A_3662 = arith.constant 16 : index
      %swap3A_3663 = tpu.vector_load %arg10[%swap3A_3660, %swap3A_3661, %swap3A_3662] {strides = array<i32>} : memref<4x128x64xf32, #tpu.memory_space<vmem>>, vector<1x1x16xf32>,
      %swap3A_3664 = vector.shape_cast %swap3A_3663 : vector<1x1x16xf32> to vector<16xf32>
      %swap3A_3665 = vector.shape_cast %add3A_3658 : vector<16xf32> to vector<1x1x16xf32>
      tpu.vector_store %arg10[%swap3A_3660, %swap3A_3661, %swap3A_3662], %swap3A_3665 {strides = array<i32>} : memref<4x128x64xf32, #tpu.memory_space<vmem>>, vector<1x1x16xf32>,
      %get3A_3666 = arith.constant 0 : i32
      %get3A_3667 = arith.index_cast %get3A_3666 : i32 to index
      %get3A_3668 = arith.index_cast %scan3A_3568 : i32 to index
      %get3A_3669 = arith.constant 32 : index
      %get3A_3670 = tpu.vector_load %arg12[%get3A_3667, %get3A_3668, %get3A_3669] {strides = array<i32>} : memref<5x128x64xf32, #tpu.memory_space<vmem>>, vector<1x1x16xf32>,
      %get3A_3671 = vector.shape_cast %get3A_3670 : vector<1x1x16xf32> to vector<16xf32>
      %get3A_3672 = arith.constant 1 : i32
      %get3A_3673 = arith.index_cast %get3A_3672 : i32 to index
      %get3A_3674 = arith.index_cast %scan3A_3568 : i32 to index
      %get3A_3675 = arith.constant 32 : index
      %get3A_3676 = tpu.vector_load %arg12[%get3A_3673, %get3A_3674, %get3A_3675] {strides = array<i32>} : memref<5x128x64xf32, #tpu.memory_space<vmem>>, vector<1x1x16xf32>,
      %get3A_3677 = vector.shape_cast %get3A_3676 : vector<1x1x16xf32> to vector<16xf32>
      %add3A_3678 = arith.addf %get3A_3671, %get3A_3677 : vector<16xf32>
      %get3A_3679 = arith.constant 2 : i32
      %get3A_3680 = arith.index_cast %get3A_3679 : i32 to index
      %get3A_3681 = arith.index_cast %scan3A_3568 : i32 to index
      %get3A_3682 = arith.constant 32 : index
      %get3A_3683 = tpu.vector_load %arg12[%get3A_3680, %get3A_3681, %get3A_3682] {strides = array<i32>} : memref<5x128x64xf32, #tpu.memory_space<vmem>>, vector<1x1x16xf32>,
      %get3A_3684 = vector.shape_cast %get3A_3683 : vector<1x1x16xf32> to vector<16xf32>
      %get3A_3685 = arith.constant 3 : i32
      %get3A_3686 = arith.index_cast %get3A_3685 : i32 to index
      %get3A_3687 = arith.index_cast %scan3A_3568 : i32 to index
      %get3A_3688 = arith.constant 32 : index
      %get3A_3689 = tpu.vector_load %arg12[%get3A_3686, %get3A_3687, %get3A_3688] {strides = array<i32>} : memref<5x128x64xf32, #tpu.memory_space<vmem>>, vector<1x1x16xf32>,
      %get3A_3690 = vector.shape_cast %get3A_3689 : vector<1x1x16xf32> to vector<16xf32>
      %add3A_3691 = arith.addf %get3A_3684, %get3A_3690 : vector<16xf32>
      %add3A_3692 = arith.addf %add3A_3678, %add3A_3691 : vector<16xf32>
      %get3A_3693 = arith.constant 4 : i32
      %get3A_3694 = arith.index_cast %get3A_3693 : i32 to index
      %get3A_3695 = arith.index_cast %scan3A_3568 : i32 to index
      %get3A_3696 = arith.constant 32 : index
      %get3A_3697 = tpu.vector_load %arg12[%get3A_3694, %get3A_3695, %get3A_3696] {strides = array<i32>} : memref<5x128x64xf32, #tpu.memory_space<vmem>>, vector<1x1x16xf32>,
      %get3A_3698 = vector.shape_cast %get3A_3697 : vector<1x1x16xf32> to vector<16xf32>
      %add3A_3699 = arith.addf %add3A_3692, %get3A_3698 : vector<16xf32>
      %get3A_3700 = arith.constant 1 : i32
      %get3A_3701 = arith.index_cast %get3A_3700 : i32 to index
      %get3A_3702 = arith.index_cast %scan3A_3568 : i32 to index
      %get3A_3703 = arith.constant 32 : index
      %get3A_3704 = tpu.vector_load %arg10[%get3A_3701, %get3A_3702, %get3A_3703] {strides = array<i32>} : memref<4x128x64xf32, #tpu.memory_space<vmem>>, vector<1x1x16xf32>,
      %get3A_3705 = vector.shape_cast %get3A_3704 : vector<1x1x16xf32> to vector<16xf32>
      %add3A_3706 = arith.addf %get3A_3705, %add3A_3699 : vector<16xf32>
      %swap3A_3707 = arith.constant 1 : i32
      %swap3A_3708 = arith.index_cast %swap3A_3707 : i32 to index
      %swap3A_3709 = arith.index_cast %scan3A_3568 : i32 to index
      %swap3A_3710 = arith.constant 32 : index
      %swap3A_3711 = tpu.vector_load %arg10[%swap3A_3708, %swap3A_3709, %swap3A_3710] {strides = array<i32>} : memref<4x128x64xf32, #tpu.memory_space<vmem>>, vector<1x1x16xf32>,
      %swap3A_3712 = vector.shape_cast %swap3A_3711 : vector<1x1x16xf32> to vector<16xf32>
      %swap3A_3713 = vector.shape_cast %add3A_3706 : vector<16xf32> to vector<1x1x16xf32>
      tpu.vector_store %arg10[%swap3A_3708, %swap3A_3709, %swap3A_3710], %swap3A_3713 {strides = array<i32>} : memref<4x128x64xf32, #tpu.memory_space<vmem>>, vector<1x1x16xf32>,
      %get3A_3714 = arith.constant 0 : i32
      %get3A_3715 = arith.index_cast %get3A_3714 : i32 to index
      %get3A_3716 = arith.index_cast %scan3A_3568 : i32 to index
      %get3A_3717 = arith.constant 48 : index
      %get3A_3718 = tpu.vector_load %arg12[%get3A_3715, %get3A_3716, %get3A_3717] {strides = array<i32>} : memref<5x128x64xf32, #tpu.memory_space<vmem>>, vector<1x1x16xf32>,
      %get3A_3719 = vector.shape_cast %get3A_3718 : vector<1x1x16xf32> to vector<16xf32>
      %get3A_3720 = arith.constant 1 : i32
      %get3A_3721 = arith.index_cast %get3A_3720 : i32 to index
      %get3A_3722 = arith.index_cast %scan3A_3568 : i32 to index
      %get3A_3723 = arith.constant 48 : index
      %get3A_3724 = tpu.vector_load %arg12[%get3A_3721, %get3A_3722, %get3A_3723] {strides = array<i32>} : memref<5x128x64xf32, #tpu.memory_space<vmem>>, vector<1x1x16xf32>,
      %get3A_3725 = vector.shape_cast %get3A_3724 : vector<1x1x16xf32> to vector<16xf32>
      %add3A_3726 = arith.addf %get3A_3719, %get3A_3725 : vector<16xf32>
      %get3A_3727 = arith.constant 2 : i32
      %get3A_3728 = arith.index_cast %get3A_3727 : i32 to index
      %get3A_3729 = arith.index_cast %scan3A_3568 : i32 to index
      %get3A_3730 = arith.constant 48 : index
      %get3A_3731 = tpu.vector_load %arg12[%get3A_3728, %get3A_3729, %get3A_3730] {strides = array<i32>} : memref<5x128x64xf32, #tpu.memory_space<vmem>>, vector<1x1x16xf32>,
      %get3A_3732 = vector.shape_cast %get3A_3731 : vector<1x1x16xf32> to vector<16xf32>
      %get3A_3733 = arith.constant 3 : i32
      %get3A_3734 = arith.index_cast %get3A_3733 : i32 to index
      %get3A_3735 = arith.index_cast %scan3A_3568 : i32 to index
      %get3A_3736 = arith.constant 48 : index
      %get3A_3737 = tpu.vector_load %arg12[%get3A_3734, %get3A_3735, %get3A_3736] {strides = array<i32>} : memref<5x128x64xf32, #tpu.memory_space<vmem>>, vector<1x1x16xf32>,
      %get3A_3738 = vector.shape_cast %get3A_3737 : vector<1x1x16xf32> to vector<16xf32>
      %add3A_3739 = arith.addf %get3A_3732, %get3A_3738 : vector<16xf32>
      %add3A_3740 = arith.addf %add3A_3726, %add3A_3739 : vector<16xf32>
      %get3A_3741 = arith.constant 4 : i32
      %get3A_3742 = arith.index_cast %get3A_3741 : i32 to index
      %get3A_3743 = arith.index_cast %scan3A_3568 : i32 to index
      %get3A_3744 = arith.constant 48 : index
      %get3A_3745 = tpu.vector_load %arg12[%get3A_3742, %get3A_3743, %get3A_3744] {strides = array<i32>} : memref<5x128x64xf32, #tpu.memory_space<vmem>>, vector<1x1x16xf32>,
      %get3A_3746 = vector.shape_cast %get3A_3745 : vector<1x1x16xf32> to vector<16xf32>
      %add3A_3747 = arith.addf %add3A_3740, %get3A_3746 : vector<16xf32>
      %get3A_3748 = arith.constant 1 : i32
      %get3A_3749 = arith.index_cast %get3A_3748 : i32 to index
      %get3A_3750 = arith.index_cast %scan3A_3568 : i32 to index
      %get3A_3751 = arith.constant 48 : index
      %get3A_3752 = tpu.vector_load %arg10[%get3A_3749, %get3A_3750, %get3A_3751] {strides = array<i32>} : memref<4x128x64xf32, #tpu.memory_space<vmem>>, vector<1x1x16xf32>,
      %get3A_3753 = vector.shape_cast %get3A_3752 : vector<1x1x16xf32> to vector<16xf32>
      %add3A_3754 = arith.addf %get3A_3753, %add3A_3747 : vector<16xf32>
      %swap3A_3755 = arith.constant 1 : i32
      %swap3A_3756 = arith.index_cast %swap3A_3755 : i32 to index
      %swap3A_3757 = arith.index_cast %scan3A_3568 : i32 to index
      %swap3A_3758 = arith.constant 48 : index
      %swap3A_3759 = tpu.vector_load %arg10[%swap3A_3756, %swap3A_3757, %swap3A_3758] {strides = array<i32>} : memref<4x128x64xf32, #tpu.memory_space<vmem>>, vector<1x1x16xf32>,
      %swap3A_3760 = vector.shape_cast %swap3A_3759 : vector<1x1x16xf32> to vector<16xf32>
      %swap3A_3761 = vector.shape_cast %add3A_3754 : vector<16xf32> to vector<1x1x16xf32>
      tpu.vector_store %arg10[%swap3A_3756, %swap3A_3757, %swap3A_3758], %swap3A_3761 {strides = array<i32>} : memref<4x128x64xf32, #tpu.memory_space<vmem>>, vector<1x1x16xf32>,
      %scan3A_3762 = arith.constant 0 : i32
      scf.yield %scan3A_3762 : i32
    }
    %scan3A_3252 = arith.constant 128 : i32
    %add3A_3253 = arith.constant 128 : i32
    %add3A_3254 = arith.addi %mul3A_2, %add3A_3253 : i32
    %dma_start3A_3255 = arith.constant 1 : i32
    %dma_start3A_3256 = arith.constant 0 : i32
    %dma_start3A_3257 = arith.constant 0 : i32
    %dma_start3A_3258 = tpu.memref_slice %arg10[%dma_start3A_3255, %dma_start3A_3256, %dma_start3A_3257] : memref<4x128x64xf32, #tpu.memory_space<vmem>> -> memref<1x128x64xf32, #tpu.memory_space<vmem>>
    %dma_start3A_3259 = tpu.memref_squeeze %dma_start3A_3258 : memref<1x128x64xf32, #tpu.memory_space<vmem>> -> memref<128x64xf32, #tpu.memory_space<vmem>>
    %dma_start3A_3260 = arith.constant 0 : i32
    %dma_start3A_3261 = tpu.memref_slice %arg6[%add3A_3254, %dma_start3A_3260] : memref<16384x64xf32, #tpu.memory_space<hbm>> -> memref<128x64xf32, #tpu.memory_space<hbm>>
    %dma_start3A_3262 = arith.constant 0 : i32
    %dma_start3A_3263 = tpu.memref_slice %arg6[%add3A_3254, %dma_start3A_3262] : memref<16384x64xf32, #tpu.memory_space<hbm>> -> memref<128x64xf32, #tpu.memory_space<hbm>>
    %dma_start3A_3264 = arith.constant 0 : i32
    %dma_start3A_3265 = arith.constant 0 : i32
    %dma_start3A_3266 = tpu.memref_slice %arg10[%dma_start3A_3255, %dma_start3A_3264, %dma_start3A_3265] : memref<4x128x64xf32, #tpu.memory_space<vmem>> -> memref<1x128x64xf32, #tpu.memory_space<vmem>>
    %dma_start3A_3267 = tpu.memref_squeeze %dma_start3A_3266 : memref<1x128x64xf32, #tpu.memory_space<vmem>> -> memref<128x64xf32, #tpu.memory_space<vmem>>
    tpu.enqueue_dma source(%dma_start3A_3267 : memref<128x64xf32, #tpu.memory_space<vmem>>) target(%dma_start3A_3263 : memref<128x64xf32, #tpu.memory_space<hbm>>) target_semaphore(%arg16 : memref<!tpu.dma_semaphore, #tpu.memory_space<semaphore_mem>>)
    %dma_wait3A_3268 = arith.constant 10 : i32
    %dma_wait3A_3269 = arith.constant 0 : i32
    %dma_wait3A_3270 = arith.constant 0 : i32
    %dma_wait3A_3271 = arith.constant 0 : i32
    %dma_wait3A_3272 = tpu.memref_slice %arg11[%dma_wait3A_3269, %dma_wait3A_3270, %dma_wait3A_3271] : memref<5x128x64xf32, #tpu.memory_space<vmem>> -> memref<1x128x64xf32, #tpu.memory_space<vmem>>
    %dma_wait3A_3273 = tpu.memref_squeeze %dma_wait3A_3272 : memref<1x128x64xf32, #tpu.memory_space<vmem>> -> memref<128x64xf32, #tpu.memory_space<vmem>>
    %dma_wait3A_3274 = arith.constant 0 : i32
    %dma_wait3A_3275 = tpu.memref_slice %arg9[%dma_wait3A_3268, %dma_wait3A_3274] : memref<20x128xi32, #tpu.memory_space<vmem>> -> memref<1x128xi32, #tpu.memory_space<vmem>>
    %dma_wait3A_3276 = tpu.memref_squeeze %dma_wait3A_3275 : memref<1x128xi32, #tpu.memory_space<vmem>> -> memref<128xi32, #tpu.memory_space<vmem>>
    %dma_wait3A_3277 = arith.constant 0 : i32
    %dma_wait3A_3278 = arith.constant 0 : i32
    %dma_wait3A_3279 = tpu.memref_slice %arg4[%dma_wait3A_3277, %dma_wait3A_3278] : memref<5008x64xf32, #tpu.memory_space<hbm>> -> memref<5008x64xf32, #tpu.memory_space<hbm>>
    tpu.wait_indirect_dma semaphore(%arg15 : memref<!tpu.dma_semaphore, #tpu.memory_space<semaphore_mem>>) src(%dma_wait3A_3279 : memref<5008x64xf32, #tpu.memory_space<hbm>>) dst(%dma_wait3A_3273 : memref<128x64xf32, #tpu.memory_space<vmem>>)
    %dma_wait3A_3280 = arith.constant 11 : i32
    %dma_wait3A_3281 = arith.constant 1 : i32
    %dma_wait3A_3282 = arith.constant 0 : i32
    %dma_wait3A_3283 = arith.constant 0 : i32
    %dma_wait3A_3284 = tpu.memref_slice %arg11[%dma_wait3A_3281, %dma_wait3A_3282, %dma_wait3A_3283] : memref<5x128x64xf32, #tpu.memory_space<vmem>> -> memref<1x128x64xf32, #tpu.memory_space<vmem>>
    %dma_wait3A_3285 = tpu.memref_squeeze %dma_wait3A_3284 : memref<1x128x64xf32, #tpu.memory_space<vmem>> -> memref<128x64xf32, #tpu.memory_space<vmem>>
    %dma_wait3A_3286 = arith.constant 0 : i32
    %dma_wait3A_3287 = tpu.memref_slice %arg9[%dma_wait3A_3280, %dma_wait3A_3286] : memref<20x128xi32, #tpu.memory_space<vmem>> -> memref<1x128xi32, #tpu.memory_space<vmem>>
    %dma_wait3A_3288 = tpu.memref_squeeze %dma_wait3A_3287 : memref<1x128xi32, #tpu.memory_space<vmem>> -> memref<128xi32, #tpu.memory_space<vmem>>
    %dma_wait3A_3289 = arith.constant 0 : i32
    %dma_wait3A_3290 = arith.constant 0 : i32
    %dma_wait3A_3291 = tpu.memref_slice %arg4[%dma_wait3A_3289, %dma_wait3A_3290] : memref<5008x64xf32, #tpu.memory_space<hbm>> -> memref<5008x64xf32, #tpu.memory_space<hbm>>
    tpu.wait_indirect_dma semaphore(%arg15 : memref<!tpu.dma_semaphore, #tpu.memory_space<semaphore_mem>>) src(%dma_wait3A_3291 : memref<5008x64xf32, #tpu.memory_space<hbm>>) dst(%dma_wait3A_3285 : memref<128x64xf32, #tpu.memory_space<vmem>>)
    %dma_wait3A_3292 = arith.constant 12 : i32
    %dma_wait3A_3293 = arith.constant 2 : i32
    %dma_wait3A_3294 = arith.constant 0 : i32
    %dma_wait3A_3295 = arith.constant 0 : i32
    %dma_wait3A_3296 = tpu.memref_slice %arg11[%dma_wait3A_3293, %dma_wait3A_3294, %dma_wait3A_3295] : memref<5x128x64xf32, #tpu.memory_space<vmem>> -> memref<1x128x64xf32, #tpu.memory_space<vmem>>
    %dma_wait3A_3297 = tpu.memref_squeeze %dma_wait3A_3296 : memref<1x128x64xf32, #tpu.memory_space<vmem>> -> memref<128x64xf32, #tpu.memory_space<vmem>>
    %dma_wait3A_3298 = arith.constant 0 : i32
    %dma_wait3A_3299 = tpu.memref_slice %arg9[%dma_wait3A_3292, %dma_wait3A_3298] : memref<20x128xi32, #tpu.memory_space<vmem>> -> memref<1x128xi32, #tpu.memory_space<vmem>>
    %dma_wait3A_3300 = tpu.memref_squeeze %dma_wait3A_3299 : memref<1x128xi32, #tpu.memory_space<vmem>> -> memref<128xi32, #tpu.memory_space<vmem>>
    %dma_wait3A_3301 = arith.constant 0 : i32
    %dma_wait3A_3302 = arith.constant 0 : i32
    %dma_wait3A_3303 = tpu.memref_slice %arg4[%dma_wait3A_3301, %dma_wait3A_3302] : memref<5008x64xf32, #tpu.memory_space<hbm>> -> memref<5008x64xf32, #tpu.memory_space<hbm>>
    tpu.wait_indirect_dma semaphore(%arg15 : memref<!tpu.dma_semaphore, #tpu.memory_space<semaphore_mem>>) src(%dma_wait3A_3303 : memref<5008x64xf32, #tpu.memory_space<hbm>>) dst(%dma_wait3A_3297 : memref<128x64xf32, #tpu.memory_space<vmem>>)
    %dma_wait3A_3304 = arith.constant 13 : i32
    %dma_wait3A_3305 = arith.constant 3 : i32
    %dma_wait3A_3306 = arith.constant 0 : i32
    %dma_wait3A_3307 = arith.constant 0 : i32
    %dma_wait3A_3308 = tpu.memref_slice %arg11[%dma_wait3A_3305, %dma_wait3A_3306, %dma_wait3A_3307] : memref<5x128x64xf32, #tpu.memory_space<vmem>> -> memref<1x128x64xf32, #tpu.memory_space<vmem>>
    %dma_wait3A_3309 = tpu.memref_squeeze %dma_wait3A_3308 : memref<1x128x64xf32, #tpu.memory_space<vmem>> -> memref<128x64xf32, #tpu.memory_space<vmem>>
    %dma_wait3A_3310 = arith.constant 0 : i32
    %dma_wait3A_3311 = tpu.memref_slice %arg9[%dma_wait3A_3304, %dma_wait3A_3310] : memref<20x128xi32, #tpu.memory_space<vmem>> -> memref<1x128xi32, #tpu.memory_space<vmem>>
    %dma_wait3A_3312 = tpu.memref_squeeze %dma_wait3A_3311 : memref<1x128xi32, #tpu.memory_space<vmem>> -> memref<128xi32, #tpu.memory_space<vmem>>
    %dma_wait3A_3313 = arith.constant 0 : i32
    %dma_wait3A_3314 = arith.constant 0 : i32
    %dma_wait3A_3315 = tpu.memref_slice %arg4[%dma_wait3A_3313, %dma_wait3A_3314] : memref<5008x64xf32, #tpu.memory_space<hbm>> -> memref<5008x64xf32, #tpu.memory_space<hbm>>
    tpu.wait_indirect_dma semaphore(%arg15 : memref<!tpu.dma_semaphore, #tpu.memory_space<semaphore_mem>>) src(%dma_wait3A_3315 : memref<5008x64xf32, #tpu.memory_space<hbm>>) dst(%dma_wait3A_3309 : memref<128x64xf32, #tpu.memory_space<vmem>>)
    %dma_wait3A_3316 = arith.constant 14 : i32
    %dma_wait3A_3317 = arith.constant 4 : i32
    %dma_wait3A_3318 = arith.constant 0 : i32
    %dma_wait3A_3319 = arith.constant 0 : i32
    %dma_wait3A_3320 = tpu.memref_slice %arg11[%dma_wait3A_3317, %dma_wait3A_3318, %dma_wait3A_3319] : memref<5x128x64xf32, #tpu.memory_space<vmem>> -> memref<1x128x64xf32, #tpu.memory_space<vmem>>
    %dma_wait3A_3321 = tpu.memref_squeeze %dma_wait3A_3320 : memref<1x128x64xf32, #tpu.memory_space<vmem>> -> memref<128x64xf32, #tpu.memory_space<vmem>>
    %dma_wait3A_3322 = arith.constant 0 : i32
    %dma_wait3A_3323 = tpu.memref_slice %arg9[%dma_wait3A_3316, %dma_wait3A_3322] : memref<20x128xi32, #tpu.memory_space<vmem>> -> memref<1x128xi32, #tpu.memory_space<vmem>>
    %dma_wait3A_3324 = tpu.memref_squeeze %dma_wait3A_3323 : memref<1x128xi32, #tpu.memory_space<vmem>> -> memref<128xi32, #tpu.memory_space<vmem>>
    %dma_wait3A_3325 = arith.constant 0 : i32
    %dma_wait3A_3326 = arith.constant 0 : i32
    %dma_wait3A_3327 = tpu.memref_slice %arg4[%dma_wait3A_3325, %dma_wait3A_3326] : memref<5008x64xf32, #tpu.memory_space<hbm>> -> memref<5008x64xf32, #tpu.memory_space<hbm>>
    tpu.wait_indirect_dma semaphore(%arg15 : memref<!tpu.dma_semaphore, #tpu.memory_space<semaphore_mem>>) src(%dma_wait3A_3327 : memref<5008x64xf32, #tpu.memory_space<hbm>>) dst(%dma_wait3A_3321 : memref<128x64xf32, #tpu.memory_space<vmem>>)
    %dma_start3A_3328 = arith.constant 15 : i32
    %dma_start3A_3329 = arith.constant 0 : i32
    %dma_start3A_3330 = arith.constant 0 : i32
    %dma_start3A_3331 = arith.constant 0 : i32
    %dma_start3A_3332 = tpu.memref_slice %arg12[%dma_start3A_3329, %dma_start3A_3330, %dma_start3A_3331] : memref<5x128x64xf32, #tpu.memory_space<vmem>> -> memref<1x128x64xf32, #tpu.memory_space<vmem>>
    %dma_start3A_3333 = tpu.memref_squeeze %dma_start3A_3332 : memref<1x128x64xf32, #tpu.memory_space<vmem>> -> memref<128x64xf32, #tpu.memory_space<vmem>>
    %dma_start3A_3334 = arith.constant 0 : i32
    %dma_start3A_3335 = tpu.memref_slice %arg9[%dma_start3A_3328, %dma_start3A_3334] : memref<20x128xi32, #tpu.memory_space<vmem>> -> memref<1x128xi32, #tpu.memory_space<vmem>>
    %dma_start3A_3336 = tpu.memref_squeeze %dma_start3A_3335 : memref<1x128xi32, #tpu.memory_space<vmem>> -> memref<128xi32, #tpu.memory_space<vmem>>
    %dma_start3A_3337 = arith.constant 0 : i32
    %dma_start3A_3338 = arith.constant 0 : i32
    %dma_start3A_3339 = tpu.memref_slice %arg4[%dma_start3A_3337, %dma_start3A_3338] : memref<5008x64xf32, #tpu.memory_space<hbm>> -> memref<5008x64xf32, #tpu.memory_space<hbm>>
    tpu.enqueue_indirect_dma source(%dma_start3A_3339 : memref<5008x64xf32, #tpu.memory_space<hbm>>) target(%dma_start3A_3333 : memref<128x64xf32, #tpu.memory_space<vmem>>) offsets(%dma_start3A_3336 : memref<128xi32, #tpu.memory_space<vmem>>) semaphore(%arg15 : memref<!tpu.dma_semaphore, #tpu.memory_space<semaphore_mem>>)
    %dma_start3A_3340 = arith.constant 16 : i32
    %dma_start3A_3341 = arith.constant 1 : i32
    %dma_start3A_3342 = arith.constant 0 : i32
    %dma_start3A_3343 = arith.constant 0 : i32
    %dma_start3A_3344 = tpu.memref_slice %arg12[%dma_start3A_3341, %dma_start3A_3342, %dma_start3A_3343] : memref<5x128x64xf32, #tpu.memory_space<vmem>> -> memref<1x128x64xf32, #tpu.memory_space<vmem>>
    %dma_start3A_3345 = tpu.memref_squeeze %dma_start3A_3344 : memref<1x128x64xf32, #tpu.memory_space<vmem>> -> memref<128x64xf32, #tpu.memory_space<vmem>>
    %dma_start3A_3346 = arith.constant 0 : i32
    %dma_start3A_3347 = tpu.memref_slice %arg9[%dma_start3A_3340, %dma_start3A_3346] : memref<20x128xi32, #tpu.memory_space<vmem>> -> memref<1x128xi32, #tpu.memory_space<vmem>>
    %dma_start3A_3348 = tpu.memref_squeeze %dma_start3A_3347 : memref<1x128xi32, #tpu.memory_space<vmem>> -> memref<128xi32, #tpu.memory_space<vmem>>
    %dma_start3A_3349 = arith.constant 0 : i32
    %dma_start3A_3350 = arith.constant 0 : i32
    %dma_start3A_3351 = tpu.memref_slice %arg4[%dma_start3A_3349, %dma_start3A_3350] : memref<5008x64xf32, #tpu.memory_space<hbm>> -> memref<5008x64xf32, #tpu.memory_space<hbm>>
    tpu.enqueue_indirect_dma source(%dma_start3A_3351 : memref<5008x64xf32, #tpu.memory_space<hbm>>) target(%dma_start3A_3345 : memref<128x64xf32, #tpu.memory_space<vmem>>) offsets(%dma_start3A_3348 : memref<128xi32, #tpu.memory_space<vmem>>) semaphore(%arg15 : memref<!tpu.dma_semaphore, #tpu.memory_space<semaphore_mem>>)
    %dma_start3A_3352 = arith.constant 17 : i32
    %dma_start3A_3353 = arith.constant 2 : i32
    %dma_start3A_3354 = arith.constant 0 : i32
    %dma_start3A_3355 = arith.constant 0 : i32
    %dma_start3A_3356 = tpu.memref_slice %arg12[%dma_start3A_3353, %dma_start3A_3354, %dma_start3A_3355] : memref<5x128x64xf32, #tpu.memory_space<vmem>> -> memref<1x128x64xf32, #tpu.memory_space<vmem>>
    %dma_start3A_3357 = tpu.memref_squeeze %dma_start3A_3356 : memref<1x128x64xf32, #tpu.memory_space<vmem>> -> memref<128x64xf32, #tpu.memory_space<vmem>>
    %dma_start3A_3358 = arith.constant 0 : i32
    %dma_start3A_3359 = tpu.memref_slice %arg9[%dma_start3A_3352, %dma_start3A_3358] : memref<20x128xi32, #tpu.memory_space<vmem>> -> memref<1x128xi32, #tpu.memory_space<vmem>>
    %dma_start3A_3360 = tpu.memref_squeeze %dma_start3A_3359 : memref<1x128xi32, #tpu.memory_space<vmem>> -> memref<128xi32, #tpu.memory_space<vmem>>
    %dma_start3A_3361 = arith.constant 0 : i32
    %dma_start3A_3362 = arith.constant 0 : i32
    %dma_start3A_3363 = tpu.memref_slice %arg4[%dma_start3A_3361, %dma_start3A_3362] : memref<5008x64xf32, #tpu.memory_space<hbm>> -> memref<5008x64xf32, #tpu.memory_space<hbm>>
    tpu.enqueue_indirect_dma source(%dma_start3A_3363 : memref<5008x64xf32, #tpu.memory_space<hbm>>) target(%dma_start3A_3357 : memref<128x64xf32, #tpu.memory_space<vmem>>) offsets(%dma_start3A_3360 : memref<128xi32, #tpu.memory_space<vmem>>) semaphore(%arg15 : memref<!tpu.dma_semaphore, #tpu.memory_space<semaphore_mem>>)
    %dma_start3A_3364 = arith.constant 18 : i32
    %dma_start3A_3365 = arith.constant 3 : i32
    %dma_start3A_3366 = arith.constant 0 : i32
    %dma_start3A_3367 = arith.constant 0 : i32
    %dma_start3A_3368 = tpu.memref_slice %arg12[%dma_start3A_3365, %dma_start3A_3366, %dma_start3A_3367] : memref<5x128x64xf32, #tpu.memory_space<vmem>> -> memref<1x128x64xf32, #tpu.memory_space<vmem>>
    %dma_start3A_3369 = tpu.memref_squeeze %dma_start3A_3368 : memref<1x128x64xf32, #tpu.memory_space<vmem>> -> memref<128x64xf32, #tpu.memory_space<vmem>>
    %dma_start3A_3370 = arith.constant 0 : i32
    %dma_start3A_3371 = tpu.memref_slice %arg9[%dma_start3A_3364, %dma_start3A_3370] : memref<20x128xi32, #tpu.memory_space<vmem>> -> memref<1x128xi32, #tpu.memory_space<vmem>>
    %dma_start3A_3372 = tpu.memref_squeeze %dma_start3A_3371 : memref<1x128xi32, #tpu.memory_space<vmem>> -> memref<128xi32, #tpu.memory_space<vmem>>
    %dma_start3A_3373 = arith.constant 0 : i32
    %dma_start3A_3374 = arith.constant 0 : i32
    %dma_start3A_3375 = tpu.memref_slice %arg4[%dma_start3A_3373, %dma_start3A_3374] : memref<5008x64xf32, #tpu.memory_space<hbm>> -> memref<5008x64xf32, #tpu.memory_space<hbm>>
    tpu.enqueue_indirect_dma source(%dma_start3A_3375 : memref<5008x64xf32, #tpu.memory_space<hbm>>) target(%dma_start3A_3369 : memref<128x64xf32, #tpu.memory_space<vmem>>) offsets(%dma_start3A_3372 : memref<128xi32, #tpu.memory_space<vmem>>) semaphore(%arg15 : memref<!tpu.dma_semaphore, #tpu.memory_space<semaphore_mem>>)
    %dma_start3A_3376 = arith.constant 19 : i32
    %dma_start3A_3377 = arith.constant 4 : i32
    %dma_start3A_3378 = arith.constant 0 : i32
    %dma_start3A_3379 = arith.constant 0 : i32
    %dma_start3A_3380 = tpu.memref_slice %arg12[%dma_start3A_3377, %dma_start3A_3378, %dma_start3A_3379] : memref<5x128x64xf32, #tpu.memory_space<vmem>> -> memref<1x128x64xf32, #tpu.memory_space<vmem>>
    %dma_start3A_3381 = tpu.memref_squeeze %dma_start3A_3380 : memref<1x128x64xf32, #tpu.memory_space<vmem>> -> memref<128x64xf32, #tpu.memory_space<vmem>>
    %dma_start3A_3382 = arith.constant 0 : i32
    %dma_start3A_3383 = tpu.memref_slice %arg9[%dma_start3A_3376, %dma_start3A_3382] : memref<20x128xi32, #tpu.memory_space<vmem>> -> memref<1x128xi32, #tpu.memory_space<vmem>>
    %dma_start3A_3384 = tpu.memref_squeeze %dma_start3A_3383 : memref<1x128xi32, #tpu.memory_space<vmem>> -> memref<128xi32, #tpu.memory_space<vmem>>
    %dma_start3A_3385 = arith.constant 0 : i32
    %dma_start3A_3386 = arith.constant 0 : i32
    %dma_start3A_3387 = tpu.memref_slice %arg4[%dma_start3A_3385, %dma_start3A_3386] : memref<5008x64xf32, #tpu.memory_space<hbm>> -> memref<5008x64xf32, #tpu.memory_space<hbm>>
    tpu.enqueue_indirect_dma source(%dma_start3A_3387 : memref<5008x64xf32, #tpu.memory_space<hbm>>) target(%dma_start3A_3381 : memref<128x64xf32, #tpu.memory_space<vmem>>) offsets(%dma_start3A_3384 : memref<128xi32, #tpu.memory_space<vmem>>) semaphore(%arg15 : memref<!tpu.dma_semaphore, #tpu.memory_space<semaphore_mem>>)
    %dma_wait3A_3388 = arith.constant 2 : i32
    %dma_wait3A_3389 = arith.constant 2 : i32
    %dma_wait3A_3390 = arith.constant 0 : i32
    %dma_wait3A_3391 = arith.constant 0 : i32
    %dma_wait3A_3392 = tpu.memref_slice %arg10[%dma_wait3A_3389, %dma_wait3A_3390, %dma_wait3A_3391] : memref<4x128x64xf32, #tpu.memory_space<vmem>> -> memref<1x128x64xf32, #tpu.memory_space<vmem>>
    %dma_wait3A_3393 = tpu.memref_squeeze %dma_wait3A_3392 : memref<1x128x64xf32, #tpu.memory_space<vmem>> -> memref<128x64xf32, #tpu.memory_space<vmem>>
    %dma_wait3A_3394 = arith.constant 0 : i32
    %dma_wait3A_3395 = tpu.memref_slice %arg7[%dma_wait3A_3388, %dma_wait3A_3394] : memref<4x128xi32, #tpu.memory_space<vmem>> -> memref<1x128xi32, #tpu.memory_space<vmem>>
    %dma_wait3A_3396 = tpu.memref_squeeze %dma_wait3A_3395 : memref<1x128xi32, #tpu.memory_space<vmem>> -> memref<128xi32, #tpu.memory_space<vmem>>
    %dma_wait3A_3397 = arith.constant 0 : i32
    %dma_wait3A_3398 = arith.constant 0 : i32
    %dma_wait3A_3399 = tpu.memref_slice %arg3[%dma_wait3A_3397, %dma_wait3A_3398] : memref<1000000x64xf32, #tpu.memory_space<hbm>> -> memref<1000000x64xf32, #tpu.memory_space<hbm>>
    tpu.wait_indirect_dma semaphore(%arg13 : memref<!tpu.dma_semaphore, #tpu.memory_space<semaphore_mem>>) src(%dma_wait3A_3399 : memref<1000000x64xf32, #tpu.memory_space<hbm>>) dst(%dma_wait3A_3393 : memref<128x64xf32, #tpu.memory_space<vmem>>)
    %scan3A_3400 = arith.constant 0 : i32
    %scan3A_3401 = arith.constant 0 : i32
    %scan3A_3402 = arith.constant 128 : i32
    %scan3A_3403 = arith.addi %scan3A_3401, %scan3A_3402 : i32
    %scan3A_3404 = arith.constant 1 : i32
    %scan3A_3405 = scf.for %scan3A_3568 = %scan3A_3401 to %scan3A_3403 step %scan3A_3404 iter_args(%scan3A_3569 = %scan3A_3400) -> (i32)  : i32 {
      %get3A_3570 = arith.constant 0 : i32
      %get3A_3571 = arith.index_cast %get3A_3570 : i32 to index
      %get3A_3572 = arith.index_cast %scan3A_3568 : i32 to index
      %get3A_3573 = arith.constant 0 : index
      %get3A_3574 = tpu.vector_load %arg11[%get3A_3571, %get3A_3572, %get3A_3573] {strides = array<i32>} : memref<5x128x64xf32, #tpu.memory_space<vmem>>, vector<1x1x16xf32>,
      %get3A_3575 = vector.shape_cast %get3A_3574 : vector<1x1x16xf32> to vector<16xf32>
      %get3A_3576 = arith.constant 1 : i32
      %get3A_3577 = arith.index_cast %get3A_3576 : i32 to index
      %get3A_3578 = arith.index_cast %scan3A_3568 : i32 to index
      %get3A_3579 = arith.constant 0 : index
      %get3A_3580 = tpu.vector_load %arg11[%get3A_3577, %get3A_3578, %get3A_3579] {strides = array<i32>} : memref<5x128x64xf32, #tpu.memory_space<vmem>>, vector<1x1x16xf32>,
      %get3A_3581 = vector.shape_cast %get3A_3580 : vector<1x1x16xf32> to vector<16xf32>
      %add3A_3582 = arith.addf %get3A_3575, %get3A_3581 : vector<16xf32>
      %get3A_3583 = arith.constant 2 : i32
      %get3A_3584 = arith.index_cast %get3A_3583 : i32 to index
      %get3A_3585 = arith.index_cast %scan3A_3568 : i32 to index
      %get3A_3586 = arith.constant 0 : index
      %get3A_3587 = tpu.vector_load %arg11[%get3A_3584, %get3A_3585, %get3A_3586] {strides = array<i32>} : memref<5x128x64xf32, #tpu.memory_space<vmem>>, vector<1x1x16xf32>,
      %get3A_3588 = vector.shape_cast %get3A_3587 : vector<1x1x16xf32> to vector<16xf32>
      %get3A_3589 = arith.constant 3 : i32
      %get3A_3590 = arith.index_cast %get3A_3589 : i32 to index
      %get3A_3591 = arith.index_cast %scan3A_3568 : i32 to index
      %get3A_3592 = arith.constant 0 : index
      %get3A_3593 = tpu.vector_load %arg11[%get3A_3590, %get3A_3591, %get3A_3592] {strides = array<i32>} : memref<5x128x64xf32, #tpu.memory_space<vmem>>, vector<1x1x16xf32>,
      %get3A_3594 = vector.shape_cast %get3A_3593 : vector<1x1x16xf32> to vector<16xf32>
      %add3A_3595 = arith.addf %get3A_3588, %get3A_3594 : vector<16xf32>
      %add3A_3596 = arith.addf %add3A_3582, %add3A_3595 : vector<16xf32>
      %get3A_3597 = arith.constant 4 : i32
      %get3A_3598 = arith.index_cast %get3A_3597 : i32 to index
      %get3A_3599 = arith.index_cast %scan3A_3568 : i32 to index
      %get3A_3600 = arith.constant 0 : index
      %get3A_3601 = tpu.vector_load %arg11[%get3A_3598, %get3A_3599, %get3A_3600] {strides = array<i32>} : memref<5x128x64xf32, #tpu.memory_space<vmem>>, vector<1x1x16xf32>,
      %get3A_3602 = vector.shape_cast %get3A_3601 : vector<1x1x16xf32> to vector<16xf32>
      %add3A_3603 = arith.addf %add3A_3596, %get3A_3602 : vector<16xf32>
      %get3A_3604 = arith.constant 2 : i32
      %get3A_3605 = arith.index_cast %get3A_3604 : i32 to index
      %get3A_3606 = arith.index_cast %scan3A_3568 : i32 to index
      %get3A_3607 = arith.constant 0 : index
      %get3A_3608 = tpu.vector_load %arg10[%get3A_3605, %get3A_3606, %get3A_3607] {strides = array<i32>} : memref<4x128x64xf32, #tpu.memory_space<vmem>>, vector<1x1x16xf32>,
      %get3A_3609 = vector.shape_cast %get3A_3608 : vector<1x1x16xf32> to vector<16xf32>
      %add3A_3610 = arith.addf %get3A_3609, %add3A_3603 : vector<16xf32>
      %swap3A_3611 = arith.constant 2 : i32
      %swap3A_3612 = arith.index_cast %swap3A_3611 : i32 to index
      %swap3A_3613 = arith.index_cast %scan3A_3568 : i32 to index
      %swap3A_3614 = arith.constant 0 : index
      %swap3A_3615 = tpu.vector_load %arg10[%swap3A_3612, %swap3A_3613, %swap3A_3614] {strides = array<i32>} : memref<4x128x64xf32, #tpu.memory_space<vmem>>, vector<1x1x16xf32>,
      %swap3A_3616 = vector.shape_cast %swap3A_3615 : vector<1x1x16xf32> to vector<16xf32>
      %swap3A_3617 = vector.shape_cast %add3A_3610 : vector<16xf32> to vector<1x1x16xf32>
      tpu.vector_store %arg10[%swap3A_3612, %swap3A_3613, %swap3A_3614], %swap3A_3617 {strides = array<i32>} : memref<4x128x64xf32, #tpu.memory_space<vmem>>, vector<1x1x16xf32>,
      %get3A_3618 = arith.constant 0 : i32
      %get3A_3619 = arith.index_cast %get3A_3618 : i32 to index
      %get3A_3620 = arith.index_cast %scan3A_3568 : i32 to index
      %get3A_3621 = arith.constant 16 : index
      %get3A_3622 = tpu.vector_load %arg11[%get3A_3619, %get3A_3620, %get3A_3621] {strides = array<i32>} : memref<5x128x64xf32, #tpu.memory_space<vmem>>, vector<1x1x16xf32>,
      %get3A_3623 = vector.shape_cast %get3A_3622 : vector<1x1x16xf32> to vector<16xf32>
      %get3A_3624 = arith.constant 1 : i32
      %get3A_3625 = arith.index_cast %get3A_3624 : i32 to index
      %get3A_3626 = arith.index_cast %scan3A_3568 : i32 to index
      %get3A_3627 = arith.constant 16 : index
      %get3A_3628 = tpu.vector_load %arg11[%get3A_3625, %get3A_3626, %get3A_3627] {strides = array<i32>} : memref<5x128x64xf32, #tpu.memory_space<vmem>>, vector<1x1x16xf32>,
      %get3A_3629 = vector.shape_cast %get3A_3628 : vector<1x1x16xf32> to vector<16xf32>
      %add3A_3630 = arith.addf %get3A_3623, %get3A_3629 : vector<16xf32>
      %get3A_3631 = arith.constant 2 : i32
      %get3A_3632 = arith.index_cast %get3A_3631 : i32 to index
      %get3A_3633 = arith.index_cast %scan3A_3568 : i32 to index
      %get3A_3634 = arith.constant 16 : index
      %get3A_3635 = tpu.vector_load %arg11[%get3A_3632, %get3A_3633, %get3A_3634] {strides = array<i32>} : memref<5x128x64xf32, #tpu.memory_space<vmem>>, vector<1x1x16xf32>,
      %get3A_3636 = vector.shape_cast %get3A_3635 : vector<1x1x16xf32> to vector<16xf32>
      %get3A_3637 = arith.constant 3 : i32
      %get3A_3638 = arith.index_cast %get3A_3637 : i32 to index
      %get3A_3639 = arith.index_cast %scan3A_3568 : i32 to index
      %get3A_3640 = arith.constant 16 : index
      %get3A_3641 = tpu.vector_load %arg11[%get3A_3638, %get3A_3639, %get3A_3640] {strides = array<i32>} : memref<5x128x64xf32, #tpu.memory_space<vmem>>, vector<1x1x16xf32>,
      %get3A_3642 = vector.shape_cast %get3A_3641 : vector<1x1x16xf32> to vector<16xf32>
      %add3A_3643 = arith.addf %get3A_3636, %get3A_3642 : vector<16xf32>
      %add3A_3644 = arith.addf %add3A_3630, %add3A_3643 : vector<16xf32>
      %get3A_3645 = arith.constant 4 : i32
      %get3A_3646 = arith.index_cast %get3A_3645 : i32 to index
      %get3A_3647 = arith.index_cast %scan3A_3568 : i32 to index
      %get3A_3648 = arith.constant 16 : index
      %get3A_3649 = tpu.vector_load %arg11[%get3A_3646, %get3A_3647, %get3A_3648] {strides = array<i32>} : memref<5x128x64xf32, #tpu.memory_space<vmem>>, vector<1x1x16xf32>,
      %get3A_3650 = vector.shape_cast %get3A_3649 : vector<1x1x16xf32> to vector<16xf32>
      %add3A_3651 = arith.addf %add3A_3644, %get3A_3650 : vector<16xf32>
      %get3A_3652 = arith.constant 2 : i32
      %get3A_3653 = arith.index_cast %get3A_3652 : i32 to index
      %get3A_3654 = arith.index_cast %scan3A_3568 : i32 to index
      %get3A_3655 = arith.constant 16 : index
      %get3A_3656 = tpu.vector_load %arg10[%get3A_3653, %get3A_3654, %get3A_3655] {strides = array<i32>} : memref<4x128x64xf32, #tpu.memory_space<vmem>>, vector<1x1x16xf32>,
      %get3A_3657 = vector.shape_cast %get3A_3656 : vector<1x1x16xf32> to vector<16xf32>
      %add3A_3658 = arith.addf %get3A_3657, %add3A_3651 : vector<16xf32>
      %swap3A_3659 = arith.constant 2 : i32
      %swap3A_3660 = arith.index_cast %swap3A_3659 : i32 to index
      %swap3A_3661 = arith.index_cast %scan3A_3568 : i32 to index
      %swap3A_3662 = arith.constant 16 : index
      %swap3A_3663 = tpu.vector_load %arg10[%swap3A_3660, %swap3A_3661, %swap3A_3662] {strides = array<i32>} : memref<4x128x64xf32, #tpu.memory_space<vmem>>, vector<1x1x16xf32>,
      %swap3A_3664 = vector.shape_cast %swap3A_3663 : vector<1x1x16xf32> to vector<16xf32>
      %swap3A_3665 = vector.shape_cast %add3A_3658 : vector<16xf32> to vector<1x1x16xf32>
      tpu.vector_store %arg10[%swap3A_3660, %swap3A_3661, %swap3A_3662], %swap3A_3665 {strides = array<i32>} : memref<4x128x64xf32, #tpu.memory_space<vmem>>, vector<1x1x16xf32>,
      %get3A_3666 = arith.constant 0 : i32
      %get3A_3667 = arith.index_cast %get3A_3666 : i32 to index
      %get3A_3668 = arith.index_cast %scan3A_3568 : i32 to index
      %get3A_3669 = arith.constant 32 : index
      %get3A_3670 = tpu.vector_load %arg11[%get3A_3667, %get3A_3668, %get3A_3669] {strides = array<i32>} : memref<5x128x64xf32, #tpu.memory_space<vmem>>, vector<1x1x16xf32>,
      %get3A_3671 = vector.shape_cast %get3A_3670 : vector<1x1x16xf32> to vector<16xf32>
      %get3A_3672 = arith.constant 1 : i32
      %get3A_3673 = arith.index_cast %get3A_3672 : i32 to index
      %get3A_3674 = arith.index_cast %scan3A_3568 : i32 to index
      %get3A_3675 = arith.constant 32 : index
      %get3A_3676 = tpu.vector_load %arg11[%get3A_3673, %get3A_3674, %get3A_3675] {strides = array<i32>} : memref<5x128x64xf32, #tpu.memory_space<vmem>>, vector<1x1x16xf32>,
      %get3A_3677 = vector.shape_cast %get3A_3676 : vector<1x1x16xf32> to vector<16xf32>
      %add3A_3678 = arith.addf %get3A_3671, %get3A_3677 : vector<16xf32>
      %get3A_3679 = arith.constant 2 : i32
      %get3A_3680 = arith.index_cast %get3A_3679 : i32 to index
      %get3A_3681 = arith.index_cast %scan3A_3568 : i32 to index
      %get3A_3682 = arith.constant 32 : index
      %get3A_3683 = tpu.vector_load %arg11[%get3A_3680, %get3A_3681, %get3A_3682] {strides = array<i32>} : memref<5x128x64xf32, #tpu.memory_space<vmem>>, vector<1x1x16xf32>,
      %get3A_3684 = vector.shape_cast %get3A_3683 : vector<1x1x16xf32> to vector<16xf32>
      %get3A_3685 = arith.constant 3 : i32
      %get3A_3686 = arith.index_cast %get3A_3685 : i32 to index
      %get3A_3687 = arith.index_cast %scan3A_3568 : i32 to index
      %get3A_3688 = arith.constant 32 : index
      %get3A_3689 = tpu.vector_load %arg11[%get3A_3686, %get3A_3687, %get3A_3688] {strides = array<i32>} : memref<5x128x64xf32, #tpu.memory_space<vmem>>, vector<1x1x16xf32>,
      %get3A_3690 = vector.shape_cast %get3A_3689 : vector<1x1x16xf32> to vector<16xf32>
      %add3A_3691 = arith.addf %get3A_3684, %get3A_3690 : vector<16xf32>
      %add3A_3692 = arith.addf %add3A_3678, %add3A_3691 : vector<16xf32>
      %get3A_3693 = arith.constant 4 : i32
      %get3A_3694 = arith.index_cast %get3A_3693 : i32 to index
      %get3A_3695 = arith.index_cast %scan3A_3568 : i32 to index
      %get3A_3696 = arith.constant 32 : index
      %get3A_3697 = tpu.vector_load %arg11[%get3A_3694, %get3A_3695, %get3A_3696] {strides = array<i32>} : memref<5x128x64xf32, #tpu.memory_space<vmem>>, vector<1x1x16xf32>,
      %get3A_3698 = vector.shape_cast %get3A_3697 : vector<1x1x16xf32> to vector<16xf32>
      %add3A_3699 = arith.addf %add3A_3692, %get3A_3698 : vector<16xf32>
      %get3A_3700 = arith.constant 2 : i32
      %get3A_3701 = arith.index_cast %get3A_3700 : i32 to index
      %get3A_3702 = arith.index_cast %scan3A_3568 : i32 to index
      %get3A_3703 = arith.constant 32 : index
      %get3A_3704 = tpu.vector_load %arg10[%get3A_3701, %get3A_3702, %get3A_3703] {strides = array<i32>} : memref<4x128x64xf32, #tpu.memory_space<vmem>>, vector<1x1x16xf32>,
      %get3A_3705 = vector.shape_cast %get3A_3704 : vector<1x1x16xf32> to vector<16xf32>
      %add3A_3706 = arith.addf %get3A_3705, %add3A_3699 : vector<16xf32>
      %swap3A_3707 = arith.constant 2 : i32
      %swap3A_3708 = arith.index_cast %swap3A_3707 : i32 to index
      %swap3A_3709 = arith.index_cast %scan3A_3568 : i32 to index
      %swap3A_3710 = arith.constant 32 : index
      %swap3A_3711 = tpu.vector_load %arg10[%swap3A_3708, %swap3A_3709, %swap3A_3710] {strides = array<i32>} : memref<4x128x64xf32, #tpu.memory_space<vmem>>, vector<1x1x16xf32>,
      %swap3A_3712 = vector.shape_cast %swap3A_3711 : vector<1x1x16xf32> to vector<16xf32>
      %swap3A_3713 = vector.shape_cast %add3A_3706 : vector<16xf32> to vector<1x1x16xf32>
      tpu.vector_store %arg10[%swap3A_3708, %swap3A_3709, %swap3A_3710], %swap3A_3713 {strides = array<i32>} : memref<4x128x64xf32, #tpu.memory_space<vmem>>, vector<1x1x16xf32>,
      %get3A_3714 = arith.constant 0 : i32
      %get3A_3715 = arith.index_cast %get3A_3714 : i32 to index
      %get3A_3716 = arith.index_cast %scan3A_3568 : i32 to index
      %get3A_3717 = arith.constant 48 : index
      %get3A_3718 = tpu.vector_load %arg11[%get3A_3715, %get3A_3716, %get3A_3717] {strides = array<i32>} : memref<5x128x64xf32, #tpu.memory_space<vmem>>, vector<1x1x16xf32>,
      %get3A_3719 = vector.shape_cast %get3A_3718 : vector<1x1x16xf32> to vector<16xf32>
      %get3A_3720 = arith.constant 1 : i32
      %get3A_3721 = arith.index_cast %get3A_3720 : i32 to index
      %get3A_3722 = arith.index_cast %scan3A_3568 : i32 to index
      %get3A_3723 = arith.constant 48 : index
      %get3A_3724 = tpu.vector_load %arg11[%get3A_3721, %get3A_3722, %get3A_3723] {strides = array<i32>} : memref<5x128x64xf32, #tpu.memory_space<vmem>>, vector<1x1x16xf32>,
      %get3A_3725 = vector.shape_cast %get3A_3724 : vector<1x1x16xf32> to vector<16xf32>
      %add3A_3726 = arith.addf %get3A_3719, %get3A_3725 : vector<16xf32>
      %get3A_3727 = arith.constant 2 : i32
      %get3A_3728 = arith.index_cast %get3A_3727 : i32 to index
      %get3A_3729 = arith.index_cast %scan3A_3568 : i32 to index
      %get3A_3730 = arith.constant 48 : index
      %get3A_3731 = tpu.vector_load %arg11[%get3A_3728, %get3A_3729, %get3A_3730] {strides = array<i32>} : memref<5x128x64xf32, #tpu.memory_space<vmem>>, vector<1x1x16xf32>,
      %get3A_3732 = vector.shape_cast %get3A_3731 : vector<1x1x16xf32> to vector<16xf32>
      %get3A_3733 = arith.constant 3 : i32
      %get3A_3734 = arith.index_cast %get3A_3733 : i32 to index
      %get3A_3735 = arith.index_cast %scan3A_3568 : i32 to index
      %get3A_3736 = arith.constant 48 : index
      %get3A_3737 = tpu.vector_load %arg11[%get3A_3734, %get3A_3735, %get3A_3736] {strides = array<i32>} : memref<5x128x64xf32, #tpu.memory_space<vmem>>, vector<1x1x16xf32>,
      %get3A_3738 = vector.shape_cast %get3A_3737 : vector<1x1x16xf32> to vector<16xf32>
      %add3A_3739 = arith.addf %get3A_3732, %get3A_3738 : vector<16xf32>
      %add3A_3740 = arith.addf %add3A_3726, %add3A_3739 : vector<16xf32>
      %get3A_3741 = arith.constant 4 : i32
      %get3A_3742 = arith.index_cast %get3A_3741 : i32 to index
      %get3A_3743 = arith.index_cast %scan3A_3568 : i32 to index
      %get3A_3744 = arith.constant 48 : index
      %get3A_3745 = tpu.vector_load %arg11[%get3A_3742, %get3A_3743, %get3A_3744] {strides = array<i32>} : memref<5x128x64xf32, #tpu.memory_space<vmem>>, vector<1x1x16xf32>,
      %get3A_3746 = vector.shape_cast %get3A_3745 : vector<1x1x16xf32> to vector<16xf32>
      %add3A_3747 = arith.addf %add3A_3740, %get3A_3746 : vector<16xf32>
      %get3A_3748 = arith.constant 2 : i32
      %get3A_3749 = arith.index_cast %get3A_3748 : i32 to index
      %get3A_3750 = arith.index_cast %scan3A_3568 : i32 to index
      %get3A_3751 = arith.constant 48 : index
      %get3A_3752 = tpu.vector_load %arg10[%get3A_3749, %get3A_3750, %get3A_3751] {strides = array<i32>} : memref<4x128x64xf32, #tpu.memory_space<vmem>>, vector<1x1x16xf32>,
      %get3A_3753 = vector.shape_cast %get3A_3752 : vector<1x1x16xf32> to vector<16xf32>
      %add3A_3754 = arith.addf %get3A_3753, %add3A_3747 : vector<16xf32>
      %swap3A_3755 = arith.constant 2 : i32
      %swap3A_3756 = arith.index_cast %swap3A_3755 : i32 to index
      %swap3A_3757 = arith.index_cast %scan3A_3568 : i32 to index
      %swap3A_3758 = arith.constant 48 : index
      %swap3A_3759 = tpu.vector_load %arg10[%swap3A_3756, %swap3A_3757, %swap3A_3758] {strides = array<i32>} : memref<4x128x64xf32, #tpu.memory_space<vmem>>, vector<1x1x16xf32>,
      %swap3A_3760 = vector.shape_cast %swap3A_3759 : vector<1x1x16xf32> to vector<16xf32>
      %swap3A_3761 = vector.shape_cast %add3A_3754 : vector<16xf32> to vector<1x1x16xf32>
      tpu.vector_store %arg10[%swap3A_3756, %swap3A_3757, %swap3A_3758], %swap3A_3761 {strides = array<i32>} : memref<4x128x64xf32, #tpu.memory_space<vmem>>, vector<1x1x16xf32>,
      %scan3A_3762 = arith.constant 0 : i32
      scf.yield %scan3A_3762 : i32
    }
    %scan3A_3406 = arith.constant 128 : i32
    %add3A_3407 = arith.constant 256 : i32
    %add3A_3408 = arith.addi %mul3A_2, %add3A_3407 : i32
    %dma_start3A_3409 = arith.constant 2 : i32
    %dma_start3A_3410 = arith.constant 0 : i32
    %dma_start3A_3411 = arith.constant 0 : i32
    %dma_start3A_3412 = tpu.memref_slice %arg10[%dma_start3A_3409, %dma_start3A_3410, %dma_start3A_3411] : memref<4x128x64xf32, #tpu.memory_space<vmem>> -> memref<1x128x64xf32, #tpu.memory_space<vmem>>
    %dma_start3A_3413 = tpu.memref_squeeze %dma_start3A_3412 : memref<1x128x64xf32, #tpu.memory_space<vmem>> -> memref<128x64xf32, #tpu.memory_space<vmem>>
    %dma_start3A_3414 = arith.constant 0 : i32
    %dma_start3A_3415 = tpu.memref_slice %arg6[%add3A_3408, %dma_start3A_3414] : memref<16384x64xf32, #tpu.memory_space<hbm>> -> memref<128x64xf32, #tpu.memory_space<hbm>>
    %dma_start3A_3416 = arith.constant 0 : i32
    %dma_start3A_3417 = tpu.memref_slice %arg6[%add3A_3408, %dma_start3A_3416] : memref<16384x64xf32, #tpu.memory_space<hbm>> -> memref<128x64xf32, #tpu.memory_space<hbm>>
    %dma_start3A_3418 = arith.constant 0 : i32
    %dma_start3A_3419 = arith.constant 0 : i32
    %dma_start3A_3420 = tpu.memref_slice %arg10[%dma_start3A_3409, %dma_start3A_3418, %dma_start3A_3419] : memref<4x128x64xf32, #tpu.memory_space<vmem>> -> memref<1x128x64xf32, #tpu.memory_space<vmem>>
    %dma_start3A_3421 = tpu.memref_squeeze %dma_start3A_3420 : memref<1x128x64xf32, #tpu.memory_space<vmem>> -> memref<128x64xf32, #tpu.memory_space<vmem>>
    tpu.enqueue_dma source(%dma_start3A_3421 : memref<128x64xf32, #tpu.memory_space<vmem>>) target(%dma_start3A_3417 : memref<128x64xf32, #tpu.memory_space<hbm>>) target_semaphore(%arg16 : memref<!tpu.dma_semaphore, #tpu.memory_space<semaphore_mem>>)
    %dma_wait3A_3422 = arith.constant 15 : i32
    %dma_wait3A_3423 = arith.constant 0 : i32
    %dma_wait3A_3424 = arith.constant 0 : i32
    %dma_wait3A_3425 = arith.constant 0 : i32
    %dma_wait3A_3426 = tpu.memref_slice %arg12[%dma_wait3A_3423, %dma_wait3A_3424, %dma_wait3A_3425] : memref<5x128x64xf32, #tpu.memory_space<vmem>> -> memref<1x128x64xf32, #tpu.memory_space<vmem>>
    %dma_wait3A_3427 = tpu.memref_squeeze %dma_wait3A_3426 : memref<1x128x64xf32, #tpu.memory_space<vmem>> -> memref<128x64xf32, #tpu.memory_space<vmem>>
    %dma_wait3A_3428 = arith.constant 0 : i32
    %dma_wait3A_3429 = tpu.memref_slice %arg9[%dma_wait3A_3422, %dma_wait3A_3428] : memref<20x128xi32, #tpu.memory_space<vmem>> -> memref<1x128xi32, #tpu.memory_space<vmem>>
    %dma_wait3A_3430 = tpu.memref_squeeze %dma_wait3A_3429 : memref<1x128xi32, #tpu.memory_space<vmem>> -> memref<128xi32, #tpu.memory_space<vmem>>
    %dma_wait3A_3431 = arith.constant 0 : i32
    %dma_wait3A_3432 = arith.constant 0 : i32
    %dma_wait3A_3433 = tpu.memref_slice %arg4[%dma_wait3A_3431, %dma_wait3A_3432] : memref<5008x64xf32, #tpu.memory_space<hbm>> -> memref<5008x64xf32, #tpu.memory_space<hbm>>
    tpu.wait_indirect_dma semaphore(%arg15 : memref<!tpu.dma_semaphore, #tpu.memory_space<semaphore_mem>>) src(%dma_wait3A_3433 : memref<5008x64xf32, #tpu.memory_space<hbm>>) dst(%dma_wait3A_3427 : memref<128x64xf32, #tpu.memory_space<vmem>>)
    %dma_wait3A_3434 = arith.constant 16 : i32
    %dma_wait3A_3435 = arith.constant 1 : i32
    %dma_wait3A_3436 = arith.constant 0 : i32
    %dma_wait3A_3437 = arith.constant 0 : i32
    %dma_wait3A_3438 = tpu.memref_slice %arg12[%dma_wait3A_3435, %dma_wait3A_3436, %dma_wait3A_3437] : memref<5x128x64xf32, #tpu.memory_space<vmem>> -> memref<1x128x64xf32, #tpu.memory_space<vmem>>
    %dma_wait3A_3439 = tpu.memref_squeeze %dma_wait3A_3438 : memref<1x128x64xf32, #tpu.memory_space<vmem>> -> memref<128x64xf32, #tpu.memory_space<vmem>>
    %dma_wait3A_3440 = arith.constant 0 : i32
    %dma_wait3A_3441 = tpu.memref_slice %arg9[%dma_wait3A_3434, %dma_wait3A_3440] : memref<20x128xi32, #tpu.memory_space<vmem>> -> memref<1x128xi32, #tpu.memory_space<vmem>>
    %dma_wait3A_3442 = tpu.memref_squeeze %dma_wait3A_3441 : memref<1x128xi32, #tpu.memory_space<vmem>> -> memref<128xi32, #tpu.memory_space<vmem>>
    %dma_wait3A_3443 = arith.constant 0 : i32
    %dma_wait3A_3444 = arith.constant 0 : i32
    %dma_wait3A_3445 = tpu.memref_slice %arg4[%dma_wait3A_3443, %dma_wait3A_3444] : memref<5008x64xf32, #tpu.memory_space<hbm>> -> memref<5008x64xf32, #tpu.memory_space<hbm>>
    tpu.wait_indirect_dma semaphore(%arg15 : memref<!tpu.dma_semaphore, #tpu.memory_space<semaphore_mem>>) src(%dma_wait3A_3445 : memref<5008x64xf32, #tpu.memory_space<hbm>>) dst(%dma_wait3A_3439 : memref<128x64xf32, #tpu.memory_space<vmem>>)
    %dma_wait3A_3446 = arith.constant 17 : i32
    %dma_wait3A_3447 = arith.constant 2 : i32
    %dma_wait3A_3448 = arith.constant 0 : i32
    %dma_wait3A_3449 = arith.constant 0 : i32
    %dma_wait3A_3450 = tpu.memref_slice %arg12[%dma_wait3A_3447, %dma_wait3A_3448, %dma_wait3A_3449] : memref<5x128x64xf32, #tpu.memory_space<vmem>> -> memref<1x128x64xf32, #tpu.memory_space<vmem>>
    %dma_wait3A_3451 = tpu.memref_squeeze %dma_wait3A_3450 : memref<1x128x64xf32, #tpu.memory_space<vmem>> -> memref<128x64xf32, #tpu.memory_space<vmem>>
    %dma_wait3A_3452 = arith.constant 0 : i32
    %dma_wait3A_3453 = tpu.memref_slice %arg9[%dma_wait3A_3446, %dma_wait3A_3452] : memref<20x128xi32, #tpu.memory_space<vmem>> -> memref<1x128xi32, #tpu.memory_space<vmem>>
    %dma_wait3A_3454 = tpu.memref_squeeze %dma_wait3A_3453 : memref<1x128xi32, #tpu.memory_space<vmem>> -> memref<128xi32, #tpu.memory_space<vmem>>
    %dma_wait3A_3455 = arith.constant 0 : i32
    %dma_wait3A_3456 = arith.constant 0 : i32
    %dma_wait3A_3457 = tpu.memref_slice %arg4[%dma_wait3A_3455, %dma_wait3A_3456] : memref<5008x64xf32, #tpu.memory_space<hbm>> -> memref<5008x64xf32, #tpu.memory_space<hbm>>
    tpu.wait_indirect_dma semaphore(%arg15 : memref<!tpu.dma_semaphore, #tpu.memory_space<semaphore_mem>>) src(%dma_wait3A_3457 : memref<5008x64xf32, #tpu.memory_space<hbm>>) dst(%dma_wait3A_3451 : memref<128x64xf32, #tpu.memory_space<vmem>>)
    %dma_wait3A_3458 = arith.constant 18 : i32
    %dma_wait3A_3459 = arith.constant 3 : i32
    %dma_wait3A_3460 = arith.constant 0 : i32
    %dma_wait3A_3461 = arith.constant 0 : i32
    %dma_wait3A_3462 = tpu.memref_slice %arg12[%dma_wait3A_3459, %dma_wait3A_3460, %dma_wait3A_3461] : memref<5x128x64xf32, #tpu.memory_space<vmem>> -> memref<1x128x64xf32, #tpu.memory_space<vmem>>
    %dma_wait3A_3463 = tpu.memref_squeeze %dma_wait3A_3462 : memref<1x128x64xf32, #tpu.memory_space<vmem>> -> memref<128x64xf32, #tpu.memory_space<vmem>>
    %dma_wait3A_3464 = arith.constant 0 : i32
    %dma_wait3A_3465 = tpu.memref_slice %arg9[%dma_wait3A_3458, %dma_wait3A_3464] : memref<20x128xi32, #tpu.memory_space<vmem>> -> memref<1x128xi32, #tpu.memory_space<vmem>>
    %dma_wait3A_3466 = tpu.memref_squeeze %dma_wait3A_3465 : memref<1x128xi32, #tpu.memory_space<vmem>> -> memref<128xi32, #tpu.memory_space<vmem>>
    %dma_wait3A_3467 = arith.constant 0 : i32
    %dma_wait3A_3468 = arith.constant 0 : i32
    %dma_wait3A_3469 = tpu.memref_slice %arg4[%dma_wait3A_3467, %dma_wait3A_3468] : memref<5008x64xf32, #tpu.memory_space<hbm>> -> memref<5008x64xf32, #tpu.memory_space<hbm>>
    tpu.wait_indirect_dma semaphore(%arg15 : memref<!tpu.dma_semaphore, #tpu.memory_space<semaphore_mem>>) src(%dma_wait3A_3469 : memref<5008x64xf32, #tpu.memory_space<hbm>>) dst(%dma_wait3A_3463 : memref<128x64xf32, #tpu.memory_space<vmem>>)
    %dma_wait3A_3470 = arith.constant 19 : i32
    %dma_wait3A_3471 = arith.constant 4 : i32
    %dma_wait3A_3472 = arith.constant 0 : i32
    %dma_wait3A_3473 = arith.constant 0 : i32
    %dma_wait3A_3474 = tpu.memref_slice %arg12[%dma_wait3A_3471, %dma_wait3A_3472, %dma_wait3A_3473] : memref<5x128x64xf32, #tpu.memory_space<vmem>> -> memref<1x128x64xf32, #tpu.memory_space<vmem>>
    %dma_wait3A_3475 = tpu.memref_squeeze %dma_wait3A_3474 : memref<1x128x64xf32, #tpu.memory_space<vmem>> -> memref<128x64xf32, #tpu.memory_space<vmem>>
    %dma_wait3A_3476 = arith.constant 0 : i32
    %dma_wait3A_3477 = tpu.memref_slice %arg9[%dma_wait3A_3470, %dma_wait3A_3476] : memref<20x128xi32, #tpu.memory_space<vmem>> -> memref<1x128xi32, #tpu.memory_space<vmem>>
    %dma_wait3A_3478 = tpu.memref_squeeze %dma_wait3A_3477 : memref<1x128xi32, #tpu.memory_space<vmem>> -> memref<128xi32, #tpu.memory_space<vmem>>
    %dma_wait3A_3479 = arith.constant 0 : i32
    %dma_wait3A_3480 = arith.constant 0 : i32
    %dma_wait3A_3481 = tpu.memref_slice %arg4[%dma_wait3A_3479, %dma_wait3A_3480] : memref<5008x64xf32, #tpu.memory_space<hbm>> -> memref<5008x64xf32, #tpu.memory_space<hbm>>
    tpu.wait_indirect_dma semaphore(%arg15 : memref<!tpu.dma_semaphore, #tpu.memory_space<semaphore_mem>>) src(%dma_wait3A_3481 : memref<5008x64xf32, #tpu.memory_space<hbm>>) dst(%dma_wait3A_3475 : memref<128x64xf32, #tpu.memory_space<vmem>>)
    %dma_wait3A_3482 = arith.constant 3 : i32
    %dma_wait3A_3483 = arith.constant 3 : i32
    %dma_wait3A_3484 = arith.constant 0 : i32
    %dma_wait3A_3485 = arith.constant 0 : i32
    %dma_wait3A_3486 = tpu.memref_slice %arg10[%dma_wait3A_3483, %dma_wait3A_3484, %dma_wait3A_3485] : memref<4x128x64xf32, #tpu.memory_space<vmem>> -> memref<1x128x64xf32, #tpu.memory_space<vmem>>
    %dma_wait3A_3487 = tpu.memref_squeeze %dma_wait3A_3486 : memref<1x128x64xf32, #tpu.memory_space<vmem>> -> memref<128x64xf32, #tpu.memory_space<vmem>>
    %dma_wait3A_3488 = arith.constant 0 : i32
    %dma_wait3A_3489 = tpu.memref_slice %arg7[%dma_wait3A_3482, %dma_wait3A_3488] : memref<4x128xi32, #tpu.memory_space<vmem>> -> memref<1x128xi32, #tpu.memory_space<vmem>>
    %dma_wait3A_3490 = tpu.memref_squeeze %dma_wait3A_3489 : memref<1x128xi32, #tpu.memory_space<vmem>> -> memref<128xi32, #tpu.memory_space<vmem>>
    %dma_wait3A_3491 = arith.constant 0 : i32
    %dma_wait3A_3492 = arith.constant 0 : i32
    %dma_wait3A_3493 = tpu.memref_slice %arg3[%dma_wait3A_3491, %dma_wait3A_3492] : memref<1000000x64xf32, #tpu.memory_space<hbm>> -> memref<1000000x64xf32, #tpu.memory_space<hbm>>
    tpu.wait_indirect_dma semaphore(%arg13 : memref<!tpu.dma_semaphore, #tpu.memory_space<semaphore_mem>>) src(%dma_wait3A_3493 : memref<1000000x64xf32, #tpu.memory_space<hbm>>) dst(%dma_wait3A_3487 : memref<128x64xf32, #tpu.memory_space<vmem>>)
    %scan3A_3494 = arith.constant 0 : i32
    %scan3A_3495 = arith.constant 0 : i32
    %scan3A_3496 = arith.constant 128 : i32
    %scan3A_3497 = arith.addi %scan3A_3495, %scan3A_3496 : i32
    %scan3A_3498 = arith.constant 1 : i32
    %scan3A_3499 = scf.for %scan3A_3568 = %scan3A_3495 to %scan3A_3497 step %scan3A_3498 iter_args(%scan3A_3569 = %scan3A_3494) -> (i32)  : i32 {
      %get3A_3570 = arith.constant 0 : i32
      %get3A_3571 = arith.index_cast %get3A_3570 : i32 to index
      %get3A_3572 = arith.index_cast %scan3A_3568 : i32 to index
      %get3A_3573 = arith.constant 0 : index
      %get3A_3574 = tpu.vector_load %arg12[%get3A_3571, %get3A_3572, %get3A_3573] {strides = array<i32>} : memref<5x128x64xf32, #tpu.memory_space<vmem>>, vector<1x1x16xf32>,
      %get3A_3575 = vector.shape_cast %get3A_3574 : vector<1x1x16xf32> to vector<16xf32>
      %get3A_3576 = arith.constant 1 : i32
      %get3A_3577 = arith.index_cast %get3A_3576 : i32 to index
      %get3A_3578 = arith.index_cast %scan3A_3568 : i32 to index
      %get3A_3579 = arith.constant 0 : index
      %get3A_3580 = tpu.vector_load %arg12[%get3A_3577, %get3A_3578, %get3A_3579] {strides = array<i32>} : memref<5x128x64xf32, #tpu.memory_space<vmem>>, vector<1x1x16xf32>,
      %get3A_3581 = vector.shape_cast %get3A_3580 : vector<1x1x16xf32> to vector<16xf32>
      %add3A_3582 = arith.addf %get3A_3575, %get3A_3581 : vector<16xf32>
      %get3A_3583 = arith.constant 2 : i32
      %get3A_3584 = arith.index_cast %get3A_3583 : i32 to index
      %get3A_3585 = arith.index_cast %scan3A_3568 : i32 to index
      %get3A_3586 = arith.constant 0 : index
      %get3A_3587 = tpu.vector_load %arg12[%get3A_3584, %get3A_3585, %get3A_3586] {strides = array<i32>} : memref<5x128x64xf32, #tpu.memory_space<vmem>>, vector<1x1x16xf32>,
      %get3A_3588 = vector.shape_cast %get3A_3587 : vector<1x1x16xf32> to vector<16xf32>
      %get3A_3589 = arith.constant 3 : i32
      %get3A_3590 = arith.index_cast %get3A_3589 : i32 to index
      %get3A_3591 = arith.index_cast %scan3A_3568 : i32 to index
      %get3A_3592 = arith.constant 0 : index
      %get3A_3593 = tpu.vector_load %arg12[%get3A_3590, %get3A_3591, %get3A_3592] {strides = array<i32>} : memref<5x128x64xf32, #tpu.memory_space<vmem>>, vector<1x1x16xf32>,
      %get3A_3594 = vector.shape_cast %get3A_3593 : vector<1x1x16xf32> to vector<16xf32>
      %add3A_3595 = arith.addf %get3A_3588, %get3A_3594 : vector<16xf32>
      %add3A_3596 = arith.addf %add3A_3582, %add3A_3595 : vector<16xf32>
      %get3A_3597 = arith.constant 4 : i32
      %get3A_3598 = arith.index_cast %get3A_3597 : i32 to index
      %get3A_3599 = arith.index_cast %scan3A_3568 : i32 to index
      %get3A_3600 = arith.constant 0 : index
      %get3A_3601 = tpu.vector_load %arg12[%get3A_3598, %get3A_3599, %get3A_3600] {strides = array<i32>} : memref<5x128x64xf32, #tpu.memory_space<vmem>>, vector<1x1x16xf32>,
      %get3A_3602 = vector.shape_cast %get3A_3601 : vector<1x1x16xf32> to vector<16xf32>
      %add3A_3603 = arith.addf %add3A_3596, %get3A_3602 : vector<16xf32>
      %get3A_3604 = arith.constant 3 : i32
      %get3A_3605 = arith.index_cast %get3A_3604 : i32 to index
      %get3A_3606 = arith.index_cast %scan3A_3568 : i32 to index
      %get3A_3607 = arith.constant 0 : index
      %get3A_3608 = tpu.vector_load %arg10[%get3A_3605, %get3A_3606, %get3A_3607] {strides = array<i32>} : memref<4x128x64xf32, #tpu.memory_space<vmem>>, vector<1x1x16xf32>,
      %get3A_3609 = vector.shape_cast %get3A_3608 : vector<1x1x16xf32> to vector<16xf32>
      %add3A_3610 = arith.addf %get3A_3609, %add3A_3603 : vector<16xf32>
      %swap3A_3611 = arith.constant 3 : i32
      %swap3A_3612 = arith.index_cast %swap3A_3611 : i32 to index
      %swap3A_3613 = arith.index_cast %scan3A_3568 : i32 to index
      %swap3A_3614 = arith.constant 0 : index
      %swap3A_3615 = tpu.vector_load %arg10[%swap3A_3612, %swap3A_3613, %swap3A_3614] {strides = array<i32>} : memref<4x128x64xf32, #tpu.memory_space<vmem>>, vector<1x1x16xf32>,
      %swap3A_3616 = vector.shape_cast %swap3A_3615 : vector<1x1x16xf32> to vector<16xf32>
      %swap3A_3617 = vector.shape_cast %add3A_3610 : vector<16xf32> to vector<1x1x16xf32>
      tpu.vector_store %arg10[%swap3A_3612, %swap3A_3613, %swap3A_3614], %swap3A_3617 {strides = array<i32>} : memref<4x128x64xf32, #tpu.memory_space<vmem>>, vector<1x1x16xf32>,
      %get3A_3618 = arith.constant 0 : i32
      %get3A_3619 = arith.index_cast %get3A_3618 : i32 to index
      %get3A_3620 = arith.index_cast %scan3A_3568 : i32 to index
      %get3A_3621 = arith.constant 16 : index
      %get3A_3622 = tpu.vector_load %arg12[%get3A_3619, %get3A_3620, %get3A_3621] {strides = array<i32>} : memref<5x128x64xf32, #tpu.memory_space<vmem>>, vector<1x1x16xf32>,
      %get3A_3623 = vector.shape_cast %get3A_3622 : vector<1x1x16xf32> to vector<16xf32>
      %get3A_3624 = arith.constant 1 : i32
      %get3A_3625 = arith.index_cast %get3A_3624 : i32 to index
      %get3A_3626 = arith.index_cast %scan3A_3568 : i32 to index
      %get3A_3627 = arith.constant 16 : index
      %get3A_3628 = tpu.vector_load %arg12[%get3A_3625, %get3A_3626, %get3A_3627] {strides = array<i32>} : memref<5x128x64xf32, #tpu.memory_space<vmem>>, vector<1x1x16xf32>,
      %get3A_3629 = vector.shape_cast %get3A_3628 : vector<1x1x16xf32> to vector<16xf32>
      %add3A_3630 = arith.addf %get3A_3623, %get3A_3629 : vector<16xf32>
      %get3A_3631 = arith.constant 2 : i32
      %get3A_3632 = arith.index_cast %get3A_3631 : i32 to index
      %get3A_3633 = arith.index_cast %scan3A_3568 : i32 to index
      %get3A_3634 = arith.constant 16 : index
      %get3A_3635 = tpu.vector_load %arg12[%get3A_3632, %get3A_3633, %get3A_3634] {strides = array<i32>} : memref<5x128x64xf32, #tpu.memory_space<vmem>>, vector<1x1x16xf32>,
      %get3A_3636 = vector.shape_cast %get3A_3635 : vector<1x1x16xf32> to vector<16xf32>
      %get3A_3637 = arith.constant 3 : i32
      %get3A_3638 = arith.index_cast %get3A_3637 : i32 to index
      %get3A_3639 = arith.index_cast %scan3A_3568 : i32 to index
      %get3A_3640 = arith.constant 16 : index
      %get3A_3641 = tpu.vector_load %arg12[%get3A_3638, %get3A_3639, %get3A_3640] {strides = array<i32>} : memref<5x128x64xf32, #tpu.memory_space<vmem>>, vector<1x1x16xf32>,
      %get3A_3642 = vector.shape_cast %get3A_3641 : vector<1x1x16xf32> to vector<16xf32>
      %add3A_3643 = arith.addf %get3A_3636, %get3A_3642 : vector<16xf32>
      %add3A_3644 = arith.addf %add3A_3630, %add3A_3643 : vector<16xf32>
      %get3A_3645 = arith.constant 4 : i32
      %get3A_3646 = arith.index_cast %get3A_3645 : i32 to index
      %get3A_3647 = arith.index_cast %scan3A_3568 : i32 to index
      %get3A_3648 = arith.constant 16 : index
      %get3A_3649 = tpu.vector_load %arg12[%get3A_3646, %get3A_3647, %get3A_3648] {strides = array<i32>} : memref<5x128x64xf32, #tpu.memory_space<vmem>>, vector<1x1x16xf32>,
      %get3A_3650 = vector.shape_cast %get3A_3649 : vector<1x1x16xf32> to vector<16xf32>
      %add3A_3651 = arith.addf %add3A_3644, %get3A_3650 : vector<16xf32>
      %get3A_3652 = arith.constant 3 : i32
      %get3A_3653 = arith.index_cast %get3A_3652 : i32 to index
      %get3A_3654 = arith.index_cast %scan3A_3568 : i32 to index
      %get3A_3655 = arith.constant 16 : index
      %get3A_3656 = tpu.vector_load %arg10[%get3A_3653, %get3A_3654, %get3A_3655] {strides = array<i32>} : memref<4x128x64xf32, #tpu.memory_space<vmem>>, vector<1x1x16xf32>,
      %get3A_3657 = vector.shape_cast %get3A_3656 : vector<1x1x16xf32> to vector<16xf32>
      %add3A_3658 = arith.addf %get3A_3657, %add3A_3651 : vector<16xf32>
      %swap3A_3659 = arith.constant 3 : i32
      %swap3A_3660 = arith.index_cast %swap3A_3659 : i32 to index
      %swap3A_3661 = arith.index_cast %scan3A_3568 : i32 to index
      %swap3A_3662 = arith.constant 16 : index
      %swap3A_3663 = tpu.vector_load %arg10[%swap3A_3660, %swap3A_3661, %swap3A_3662] {strides = array<i32>} : memref<4x128x64xf32, #tpu.memory_space<vmem>>, vector<1x1x16xf32>,
      %swap3A_3664 = vector.shape_cast %swap3A_3663 : vector<1x1x16xf32> to vector<16xf32>
      %swap3A_3665 = vector.shape_cast %add3A_3658 : vector<16xf32> to vector<1x1x16xf32>
      tpu.vector_store %arg10[%swap3A_3660, %swap3A_3661, %swap3A_3662], %swap3A_3665 {strides = array<i32>} : memref<4x128x64xf32, #tpu.memory_space<vmem>>, vector<1x1x16xf32>,
      %get3A_3666 = arith.constant 0 : i32
      %get3A_3667 = arith.index_cast %get3A_3666 : i32 to index
      %get3A_3668 = arith.index_cast %scan3A_3568 : i32 to index
      %get3A_3669 = arith.constant 32 : index
      %get3A_3670 = tpu.vector_load %arg12[%get3A_3667, %get3A_3668, %get3A_3669] {strides = array<i32>} : memref<5x128x64xf32, #tpu.memory_space<vmem>>, vector<1x1x16xf32>,
      %get3A_3671 = vector.shape_cast %get3A_3670 : vector<1x1x16xf32> to vector<16xf32>
      %get3A_3672 = arith.constant 1 : i32
      %get3A_3673 = arith.index_cast %get3A_3672 : i32 to index
      %get3A_3674 = arith.index_cast %scan3A_3568 : i32 to index
      %get3A_3675 = arith.constant 32 : index
      %get3A_3676 = tpu.vector_load %arg12[%get3A_3673, %get3A_3674, %get3A_3675] {strides = array<i32>} : memref<5x128x64xf32, #tpu.memory_space<vmem>>, vector<1x1x16xf32>,
      %get3A_3677 = vector.shape_cast %get3A_3676 : vector<1x1x16xf32> to vector<16xf32>
      %add3A_3678 = arith.addf %get3A_3671, %get3A_3677 : vector<16xf32>
      %get3A_3679 = arith.constant 2 : i32
      %get3A_3680 = arith.index_cast %get3A_3679 : i32 to index
      %get3A_3681 = arith.index_cast %scan3A_3568 : i32 to index
      %get3A_3682 = arith.constant 32 : index
      %get3A_3683 = tpu.vector_load %arg12[%get3A_3680, %get3A_3681, %get3A_3682] {strides = array<i32>} : memref<5x128x64xf32, #tpu.memory_space<vmem>>, vector<1x1x16xf32>,
      %get3A_3684 = vector.shape_cast %get3A_3683 : vector<1x1x16xf32> to vector<16xf32>
      %get3A_3685 = arith.constant 3 : i32
      %get3A_3686 = arith.index_cast %get3A_3685 : i32 to index
      %get3A_3687 = arith.index_cast %scan3A_3568 : i32 to index
      %get3A_3688 = arith.constant 32 : index
      %get3A_3689 = tpu.vector_load %arg12[%get3A_3686, %get3A_3687, %get3A_3688] {strides = array<i32>} : memref<5x128x64xf32, #tpu.memory_space<vmem>>, vector<1x1x16xf32>,
      %get3A_3690 = vector.shape_cast %get3A_3689 : vector<1x1x16xf32> to vector<16xf32>
      %add3A_3691 = arith.addf %get3A_3684, %get3A_3690 : vector<16xf32>
      %add3A_3692 = arith.addf %add3A_3678, %add3A_3691 : vector<16xf32>
      %get3A_3693 = arith.constant 4 : i32
      %get3A_3694 = arith.index_cast %get3A_3693 : i32 to index
      %get3A_3695 = arith.index_cast %scan3A_3568 : i32 to index
      %get3A_3696 = arith.constant 32 : index
      %get3A_3697 = tpu.vector_load %arg12[%get3A_3694, %get3A_3695, %get3A_3696] {strides = array<i32>} : memref<5x128x64xf32, #tpu.memory_space<vmem>>, vector<1x1x16xf32>,
      %get3A_3698 = vector.shape_cast %get3A_3697 : vector<1x1x16xf32> to vector<16xf32>
      %add3A_3699 = arith.addf %add3A_3692, %get3A_3698 : vector<16xf32>
      %get3A_3700 = arith.constant 3 : i32
      %get3A_3701 = arith.index_cast %get3A_3700 : i32 to index
      %get3A_3702 = arith.index_cast %scan3A_3568 : i32 to index
      %get3A_3703 = arith.constant 32 : index
      %get3A_3704 = tpu.vector_load %arg10[%get3A_3701, %get3A_3702, %get3A_3703] {strides = array<i32>} : memref<4x128x64xf32, #tpu.memory_space<vmem>>, vector<1x1x16xf32>,
      %get3A_3705 = vector.shape_cast %get3A_3704 : vector<1x1x16xf32> to vector<16xf32>
      %add3A_3706 = arith.addf %get3A_3705, %add3A_3699 : vector<16xf32>
      %swap3A_3707 = arith.constant 3 : i32
      %swap3A_3708 = arith.index_cast %swap3A_3707 : i32 to index
      %swap3A_3709 = arith.index_cast %scan3A_3568 : i32 to index
      %swap3A_3710 = arith.constant 32 : index
      %swap3A_3711 = tpu.vector_load %arg10[%swap3A_3708, %swap3A_3709, %swap3A_3710] {strides = array<i32>} : memref<4x128x64xf32, #tpu.memory_space<vmem>>, vector<1x1x16xf32>,
      %swap3A_3712 = vector.shape_cast %swap3A_3711 : vector<1x1x16xf32> to vector<16xf32>
      %swap3A_3713 = vector.shape_cast %add3A_3706 : vector<16xf32> to vector<1x1x16xf32>
      tpu.vector_store %arg10[%swap3A_3708, %swap3A_3709, %swap3A_3710], %swap3A_3713 {strides = array<i32>} : memref<4x128x64xf32, #tpu.memory_space<vmem>>, vector<1x1x16xf32>,
      %get3A_3714 = arith.constant 0 : i32
      %get3A_3715 = arith.index_cast %get3A_3714 : i32 to index
      %get3A_3716 = arith.index_cast %scan3A_3568 : i32 to index
      %get3A_3717 = arith.constant 48 : index
      %get3A_3718 = tpu.vector_load %arg12[%get3A_3715, %get3A_3716, %get3A_3717] {strides = array<i32>} : memref<5x128x64xf32, #tpu.memory_space<vmem>>, vector<1x1x16xf32>,
      %get3A_3719 = vector.shape_cast %get3A_3718 : vector<1x1x16xf32> to vector<16xf32>
      %get3A_3720 = arith.constant 1 : i32
      %get3A_3721 = arith.index_cast %get3A_3720 : i32 to index
      %get3A_3722 = arith.index_cast %scan3A_3568 : i32 to index
      %get3A_3723 = arith.constant 48 : index
      %get3A_3724 = tpu.vector_load %arg12[%get3A_3721, %get3A_3722, %get3A_3723] {strides = array<i32>} : memref<5x128x64xf32, #tpu.memory_space<vmem>>, vector<1x1x16xf32>,
      %get3A_3725 = vector.shape_cast %get3A_3724 : vector<1x1x16xf32> to vector<16xf32>
      %add3A_3726 = arith.addf %get3A_3719, %get3A_3725 : vector<16xf32>
      %get3A_3727 = arith.constant 2 : i32
      %get3A_3728 = arith.index_cast %get3A_3727 : i32 to index
      %get3A_3729 = arith.index_cast %scan3A_3568 : i32 to index
      %get3A_3730 = arith.constant 48 : index
      %get3A_3731 = tpu.vector_load %arg12[%get3A_3728, %get3A_3729, %get3A_3730] {strides = array<i32>} : memref<5x128x64xf32, #tpu.memory_space<vmem>>, vector<1x1x16xf32>,
      %get3A_3732 = vector.shape_cast %get3A_3731 : vector<1x1x16xf32> to vector<16xf32>
      %get3A_3733 = arith.constant 3 : i32
      %get3A_3734 = arith.index_cast %get3A_3733 : i32 to index
      %get3A_3735 = arith.index_cast %scan3A_3568 : i32 to index
      %get3A_3736 = arith.constant 48 : index
      %get3A_3737 = tpu.vector_load %arg12[%get3A_3734, %get3A_3735, %get3A_3736] {strides = array<i32>} : memref<5x128x64xf32, #tpu.memory_space<vmem>>, vector<1x1x16xf32>,
      %get3A_3738 = vector.shape_cast %get3A_3737 : vector<1x1x16xf32> to vector<16xf32>
      %add3A_3739 = arith.addf %get3A_3732, %get3A_3738 : vector<16xf32>
      %add3A_3740 = arith.addf %add3A_3726, %add3A_3739 : vector<16xf32>
      %get3A_3741 = arith.constant 4 : i32
      %get3A_3742 = arith.index_cast %get3A_3741 : i32 to index
      %get3A_3743 = arith.index_cast %scan3A_3568 : i32 to index
      %get3A_3744 = arith.constant 48 : index
      %get3A_3745 = tpu.vector_load %arg12[%get3A_3742, %get3A_3743, %get3A_3744] {strides = array<i32>} : memref<5x128x64xf32, #tpu.memory_space<vmem>>, vector<1x1x16xf32>,
      %get3A_3746 = vector.shape_cast %get3A_3745 : vector<1x1x16xf32> to vector<16xf32>
      %add3A_3747 = arith.addf %add3A_3740, %get3A_3746 : vector<16xf32>
      %get3A_3748 = arith.constant 3 : i32
      %get3A_3749 = arith.index_cast %get3A_3748 : i32 to index
      %get3A_3750 = arith.index_cast %scan3A_3568 : i32 to index
      %get3A_3751 = arith.constant 48 : index
      %get3A_3752 = tpu.vector_load %arg10[%get3A_3749, %get3A_3750, %get3A_3751] {strides = array<i32>} : memref<4x128x64xf32, #tpu.memory_space<vmem>>, vector<1x1x16xf32>,
      %get3A_3753 = vector.shape_cast %get3A_3752 : vector<1x1x16xf32> to vector<16xf32>
      %add3A_3754 = arith.addf %get3A_3753, %add3A_3747 : vector<16xf32>
      %swap3A_3755 = arith.constant 3 : i32
      %swap3A_3756 = arith.index_cast %swap3A_3755 : i32 to index
      %swap3A_3757 = arith.index_cast %scan3A_3568 : i32 to index
      %swap3A_3758 = arith.constant 48 : index
      %swap3A_3759 = tpu.vector_load %arg10[%swap3A_3756, %swap3A_3757, %swap3A_3758] {strides = array<i32>} : memref<4x128x64xf32, #tpu.memory_space<vmem>>, vector<1x1x16xf32>,
      %swap3A_3760 = vector.shape_cast %swap3A_3759 : vector<1x1x16xf32> to vector<16xf32>
      %swap3A_3761 = vector.shape_cast %add3A_3754 : vector<16xf32> to vector<1x1x16xf32>
      tpu.vector_store %arg10[%swap3A_3756, %swap3A_3757, %swap3A_3758], %swap3A_3761 {strides = array<i32>} : memref<4x128x64xf32, #tpu.memory_space<vmem>>, vector<1x1x16xf32>,
      %scan3A_3762 = arith.constant 0 : i32
      scf.yield %scan3A_3762 : i32
    }
    %scan3A_3500 = arith.constant 128 : i32
    %add3A_3501 = arith.constant 384 : i32
    %add3A_3502 = arith.addi %mul3A_2, %add3A_3501 : i32
    %dma_start3A_3503 = arith.constant 3 : i32
    %dma_start3A_3504 = arith.constant 0 : i32
    %dma_start3A_3505 = arith.constant 0 : i32
    %dma_start3A_3506 = tpu.memref_slice %arg10[%dma_start3A_3503, %dma_start3A_3504, %dma_start3A_3505] : memref<4x128x64xf32, #tpu.memory_space<vmem>> -> memref<1x128x64xf32, #tpu.memory_space<vmem>>
    %dma_start3A_3507 = tpu.memref_squeeze %dma_start3A_3506 : memref<1x128x64xf32, #tpu.memory_space<vmem>> -> memref<128x64xf32, #tpu.memory_space<vmem>>
    %dma_start3A_3508 = arith.constant 0 : i32
    %dma_start3A_3509 = tpu.memref_slice %arg6[%add3A_3502, %dma_start3A_3508] : memref<16384x64xf32, #tpu.memory_space<hbm>> -> memref<128x64xf32, #tpu.memory_space<hbm>>
    %dma_start3A_3510 = arith.constant 0 : i32
    %dma_start3A_3511 = tpu.memref_slice %arg6[%add3A_3502, %dma_start3A_3510] : memref<16384x64xf32, #tpu.memory_space<hbm>> -> memref<128x64xf32, #tpu.memory_space<hbm>>
    %dma_start3A_3512 = arith.constant 0 : i32
    %dma_start3A_3513 = arith.constant 0 : i32
    %dma_start3A_3514 = tpu.memref_slice %arg10[%dma_start3A_3503, %dma_start3A_3512, %dma_start3A_3513] : memref<4x128x64xf32, #tpu.memory_space<vmem>> -> memref<1x128x64xf32, #tpu.memory_space<vmem>>
    %dma_start3A_3515 = tpu.memref_squeeze %dma_start3A_3514 : memref<1x128x64xf32, #tpu.memory_space<vmem>> -> memref<128x64xf32, #tpu.memory_space<vmem>>
    tpu.enqueue_dma source(%dma_start3A_3515 : memref<128x64xf32, #tpu.memory_space<vmem>>) target(%dma_start3A_3511 : memref<128x64xf32, #tpu.memory_space<hbm>>) target_semaphore(%arg16 : memref<!tpu.dma_semaphore, #tpu.memory_space<semaphore_mem>>)
    %dma_wait3A_3516 = arith.constant 0 : i32
    %dma_wait3A_3517 = arith.constant 0 : i32
    %dma_wait3A_3518 = arith.constant 0 : i32
    %dma_wait3A_3519 = tpu.memref_slice %arg10[%dma_wait3A_3516, %dma_wait3A_3517, %dma_wait3A_3518] : memref<4x128x64xf32, #tpu.memory_space<vmem>> -> memref<1x128x64xf32, #tpu.memory_space<vmem>>
    %dma_wait3A_3520 = tpu.memref_squeeze %dma_wait3A_3519 : memref<1x128x64xf32, #tpu.memory_space<vmem>> -> memref<128x64xf32, #tpu.memory_space<vmem>>
    %dma_wait3A_3521 = arith.constant 0 : i32
    %dma_wait3A_3522 = tpu.memref_slice %arg6[%add3A_3100, %dma_wait3A_3521] : memref<16384x64xf32, #tpu.memory_space<hbm>> -> memref<128x64xf32, #tpu.memory_space<hbm>>
    %dma_wait3A_3523 = arith.constant 0 : i32
    %dma_wait3A_3524 = tpu.memref_slice %arg6[%add3A_3100, %dma_wait3A_3523] : memref<16384x64xf32, #tpu.memory_space<hbm>> -> memref<128x64xf32, #tpu.memory_space<hbm>>
    %dma_wait3A_3525 = arith.constant 0 : i32
    %dma_wait3A_3526 = arith.constant 0 : i32
    %dma_wait3A_3527 = tpu.memref_slice %arg10[%dma_wait3A_3516, %dma_wait3A_3525, %dma_wait3A_3526] : memref<4x128x64xf32, #tpu.memory_space<vmem>> -> memref<1x128x64xf32, #tpu.memory_space<vmem>>
    %dma_wait3A_3528 = tpu.memref_squeeze %dma_wait3A_3527 : memref<1x128x64xf32, #tpu.memory_space<vmem>> -> memref<128x64xf32, #tpu.memory_space<vmem>>
    tpu.wait_dma2 semaphore(%arg16 : memref<!tpu.dma_semaphore, #tpu.memory_space<semaphore_mem>>) src(%dma_wait3A_3528 : memref<128x64xf32, #tpu.memory_space<vmem>>) dst(%dma_wait3A_3524 : memref<128x64xf32, #tpu.memory_space<hbm>>)
    %dma_wait3A_3529 = arith.constant 1 : i32
    %dma_wait3A_3530 = arith.constant 0 : i32
    %dma_wait3A_3531 = arith.constant 0 : i32
    %dma_wait3A_3532 = tpu.memref_slice %arg10[%dma_wait3A_3529, %dma_wait3A_3530, %dma_wait3A_3531] : memref<4x128x64xf32, #tpu.memory_space<vmem>> -> memref<1x128x64xf32, #tpu.memory_space<vmem>>
    %dma_wait3A_3533 = tpu.memref_squeeze %dma_wait3A_3532 : memref<1x128x64xf32, #tpu.memory_space<vmem>> -> memref<128x64xf32, #tpu.memory_space<vmem>>
    %dma_wait3A_3534 = arith.constant 0 : i32
    %dma_wait3A_3535 = tpu.memref_slice %arg6[%add3A_3254, %dma_wait3A_3534] : memref<16384x64xf32, #tpu.memory_space<hbm>> -> memref<128x64xf32, #tpu.memory_space<hbm>>
    %dma_wait3A_3536 = arith.constant 0 : i32
    %dma_wait3A_3537 = tpu.memref_slice %arg6[%add3A_3254, %dma_wait3A_3536] : memref<16384x64xf32, #tpu.memory_space<hbm>> -> memref<128x64xf32, #tpu.memory_space<hbm>>
    %dma_wait3A_3538 = arith.constant 0 : i32
    %dma_wait3A_3539 = arith.constant 0 : i32
    %dma_wait3A_3540 = tpu.memref_slice %arg10[%dma_wait3A_3529, %dma_wait3A_3538, %dma_wait3A_3539] : memref<4x128x64xf32, #tpu.memory_space<vmem>> -> memref<1x128x64xf32, #tpu.memory_space<vmem>>
    %dma_wait3A_3541 = tpu.memref_squeeze %dma_wait3A_3540 : memref<1x128x64xf32, #tpu.memory_space<vmem>> -> memref<128x64xf32, #tpu.memory_space<vmem>>
    tpu.wait_dma2 semaphore(%arg16 : memref<!tpu.dma_semaphore, #tpu.memory_space<semaphore_mem>>) src(%dma_wait3A_3541 : memref<128x64xf32, #tpu.memory_space<vmem>>) dst(%dma_wait3A_3537 : memref<128x64xf32, #tpu.memory_space<hbm>>)
    %dma_wait3A_3542 = arith.constant 2 : i32
    %dma_wait3A_3543 = arith.constant 0 : i32
    %dma_wait3A_3544 = arith.constant 0 : i32
    %dma_wait3A_3545 = tpu.memref_slice %arg10[%dma_wait3A_3542, %dma_wait3A_3543, %dma_wait3A_3544] : memref<4x128x64xf32, #tpu.memory_space<vmem>> -> memref<1x128x64xf32, #tpu.memory_space<vmem>>
    %dma_wait3A_3546 = tpu.memref_squeeze %dma_wait3A_3545 : memref<1x128x64xf32, #tpu.memory_space<vmem>> -> memref<128x64xf32, #tpu.memory_space<vmem>>
    %dma_wait3A_3547 = arith.constant 0 : i32
    %dma_wait3A_3548 = tpu.memref_slice %arg6[%add3A_3408, %dma_wait3A_3547] : memref<16384x64xf32, #tpu.memory_space<hbm>> -> memref<128x64xf32, #tpu.memory_space<hbm>>
    %dma_wait3A_3549 = arith.constant 0 : i32
    %dma_wait3A_3550 = tpu.memref_slice %arg6[%add3A_3408, %dma_wait3A_3549] : memref<16384x64xf32, #tpu.memory_space<hbm>> -> memref<128x64xf32, #tpu.memory_space<hbm>>
    %dma_wait3A_3551 = arith.constant 0 : i32
    %dma_wait3A_3552 = arith.constant 0 : i32
    %dma_wait3A_3553 = tpu.memref_slice %arg10[%dma_wait3A_3542, %dma_wait3A_3551, %dma_wait3A_3552] : memref<4x128x64xf32, #tpu.memory_space<vmem>> -> memref<1x128x64xf32, #tpu.memory_space<vmem>>
    %dma_wait3A_3554 = tpu.memref_squeeze %dma_wait3A_3553 : memref<1x128x64xf32, #tpu.memory_space<vmem>> -> memref<128x64xf32, #tpu.memory_space<vmem>>
    tpu.wait_dma2 semaphore(%arg16 : memref<!tpu.dma_semaphore, #tpu.memory_space<semaphore_mem>>) src(%dma_wait3A_3554 : memref<128x64xf32, #tpu.memory_space<vmem>>) dst(%dma_wait3A_3550 : memref<128x64xf32, #tpu.memory_space<hbm>>)
    %dma_wait3A_3555 = arith.constant 3 : i32
    %dma_wait3A_3556 = arith.constant 0 : i32
    %dma_wait3A_3557 = arith.constant 0 : i32
    %dma_wait3A_3558 = tpu.memref_slice %arg10[%dma_wait3A_3555, %dma_wait3A_3556, %dma_wait3A_3557] : memref<4x128x64xf32, #tpu.memory_space<vmem>> -> memref<1x128x64xf32, #tpu.memory_space<vmem>>
    %dma_wait3A_3559 = tpu.memref_squeeze %dma_wait3A_3558 : memref<1x128x64xf32, #tpu.memory_space<vmem>> -> memref<128x64xf32, #tpu.memory_space<vmem>>
    %dma_wait3A_3560 = arith.constant 0 : i32
    %dma_wait3A_3561 = tpu.memref_slice %arg6[%add3A_3502, %dma_wait3A_3560] : memref<16384x64xf32, #tpu.memory_space<hbm>> -> memref<128x64xf32, #tpu.memory_space<hbm>>
    %dma_wait3A_3562 = arith.constant 0 : i32
    %dma_wait3A_3563 = tpu.memref_slice %arg6[%add3A_3502, %dma_wait3A_3562] : memref<16384x64xf32, #tpu.memory_space<hbm>> -> memref<128x64xf32, #tpu.memory_space<hbm>>
    %dma_wait3A_3564 = arith.constant 0 : i32
    %dma_wait3A_3565 = arith.constant 0 : i32
    %dma_wait3A_3566 = tpu.memref_slice %arg10[%dma_wait3A_3555, %dma_wait3A_3564, %dma_wait3A_3565] : memref<4x128x64xf32, #tpu.memory_space<vmem>> -> memref<1x128x64xf32, #tpu.memory_space<vmem>>
    %dma_wait3A_3567 = tpu.memref_squeeze %dma_wait3A_3566 : memref<1x128x64xf32, #tpu.memory_space<vmem>> -> memref<128x64xf32, #tpu.memory_space<vmem>>
    tpu.wait_dma2 semaphore(%arg16 : memref<!tpu.dma_semaphore, #tpu.memory_space<semaphore_mem>>) src(%dma_wait3A_3567 : memref<128x64xf32, #tpu.memory_space<vmem>>) dst(%dma_wait3A_3563 : memref<128x64xf32, #tpu.memory_space<hbm>>)
    return
  }
}

</mosaic_0001>

<sc_bundles>
// kernel: gather_offload_async_start
scs
__scs_entry_jumppad:
0x0: {  	(pc) =	sbr.rel $0x88, $3  }
0x1: {  	(tag) =	ssettag $0x0;
	lr =	simm.s32 $0x1  }
0x2: {  	[smem:$0x3F9D] =	sst lr;
	_ =	strace $0xD0000000  }
0x3: {  	_ = 	snop  }
0x4: {  	_ = 	snop  }
0x5: {  	_ = 	snop  }
0x6: {  	_ = 	snop  }
0x7: {  	_ = 	snop  }
__scs_overlays_trampoline_lowered:
0x8: {  	[smem:$0x3FAC] =	sst s0  }
0x9: {  	[smem:$0x3FAD] =	sst s1  }
0xa: {  	[smem:$0x3FAE] =	sst s2  }
0xb: {  	[smem:$0x3FAF] =	sst s3  }
0xc: {  	[smem:$0x3FB0] =	sst s4  }
0xd: {  	[smem:$0x3FB1] =	sst s5  }
0xe: {  	[smem:$0x3FB2] =	sst s6  }
0xf: {  	[smem:$0x3FB3] =	sst s7  }
0x10: {  	[smem:$0x3FB4] =	sst s8  }
0x11: {  	[smem:$0x3FB5] =	sst s9;
	s0 =	simm.s32 @!p0 $0x0  }
0x12: {  	s1 =	sld [smem:$0x3F9B];
	s0 =	simm.s32 @p0 $0x1  }
0x13: {  	[smem:$0x3FB6] =	sst s0;
	s0 =	simm.s32 @!p1 $0x0  }
0x14: {  	s2 =	sld [smem:$0x3F9A];
	s0 =	simm.s32 @p1 $0x1  }
0x15: {  	[smem:$0x3FB7] =	sst s0;
	s0 =	simm.s32 @!p2 $0x0  }
0x16: {  	s3 =	sld [smem:$0x3FDB];
	s0 =	simm.s32 @p2 $0x1  }
0x17: {  	s4 =	simm.s32 $0x1BF5;
	[smem:$0x3FB9] =	sst s0  }
0x18: {  	s0 =	sld [smem:$0x3F9C];
	_ =	swait.ge [sflag:s4], $0x0  }
0x19: {  	s7 =	sld [smem:$0x3F9D]  }
0x1a: {  	s8 =	sadd.s32 $0xFFFFE003, lr  }
0x1b: {  	s9 =	sadd.s32 $0xFFFFFEF7, lr;
	s5 =	simm.s32 $0xFFFFFFFF;
	p2 =	slt.u32 s8, $0xFFFFF086  }
0x1c: {  	p1 =	slt.u32 s9, $0xF7A;
	s5 =	simm.s32 @!p2 $0x0  }
0x1d: {  	s5 =	simm.s32 @p1 $0x1;
	p0 =	seq.s32 s7, s2  }
0x1e: {  	s7 =	smul.u32 @!p0 $0xF7A, s2;
	p2 =	seq.s32 @!p0 s5, $0x0  }
0x1f: {  	s9 =	smul.u32 $0xF7A, s1;
	s8 =	simm.s32 @!p0 $0x1BF5;
	p2 =	por !p2, p0  }
0x20: {  	[sflag:s8] =	ssyncset.s32 @!p0 $0xFFFFF086;
	s6 =	sadd.s32 @!p0 s3, s7;
	s7 =	simm.s32 @!p0 $0x108  }
0x21: {  	s3 =	sadd.s32 s3, s9;
	s6 =	sadd.s32 @!p0 $0x88, s6;
	s7 =	simm.s32 @p2 $0x1082  }
0x22: {  	[simem:s7], [sflag:s8] =	dma.local @!p0 [hbm:s6], $0xF7A  }
0x23: {  	s9 =	sor.u32 $0xD0000000, s2;
	s6 =	simm.s32 $0x108;
	_ =	swait.ge @!p0 [sflag:s8], $0x0  }
0x24: {  	s3 =	sadd.s32 $0x88, s3;
	s6 =	simm.s32 @!p1 $0x1082;
	[sflag:s4] =	ssyncset.s32 $0xFFFFF086  }
0x25: {  	[simem:s6], [sflag:s4] =	dma.local [hbm:s3], $0xF7A  }
0x26: {  	[smem:$0x3F9D] =	sst s1;
	(tag) =	ssettag s2;
	_ =	strace s9  }
0x27: {  	s1 =	sld [smem:$0x3FAD]  }
0x28: {  	s2 =	sld [smem:$0x3FAE]  }
0x29: {  	s4 =	sld [smem:$0x3FB0]  }
0x2a: {  	p0 =	seq.s32 s5, $0x0;
	s5 =	sld [smem:$0x3FB1]  }
0x2b: {  	s6 =	sld [smem:$0x3FB2]  }
0x2c: {  	s7 =	sld [smem:$0x3FB3]  }
0x2d: {  	s3 =	simm.s32 $0x108;
	s8 =	sld [smem:$0x3FB4]  }
0x2e: {  	s3 =	simm.s32 @!p0 $0x1082;
	s9 =	sld [smem:$0x3FB5]  }
0x2f: {  	lr =	sadd.s32 s0, s3;
	s0 =	sld [smem:$0x3FAC]  }
0x30: {  	s3 =	sld [smem:$0x3FAF]  }
0x31: {  	[smem:$0x3FB8] =	sst s10  }
0x32: {  	s10 =	sld [smem:$0x3FB6];
	_ =	sdelay $0x3  }
0x33: {  	p0 =	seq.s32 s10, $0x1;
	s10 =	sld [smem:$0x3FB8];
	_ =	sdelay $0x3  }
0x34: {  	[smem:$0x3FB8] =	sst s10  }
0x35: {  	s10 =	sld [smem:$0x3FB7];
	_ =	sdelay $0x3  }
0x36: {  	p1 =	seq.s32 s10, $0x1;
	s10 =	sld [smem:$0x3FB8];
	_ =	sdelay $0x3  }
0x37: {  	[smem:$0x3FB8] =	sst s10  }
0x38: {  	s10 =	sld [smem:$0x3FB9]  }
0x39: {  	_ = 	snop;
	(pc) =	sbr.ind lr, $3  }
0x3a: {  	_ = 	snop  }
0x3b: {  	_ = 	snop  }
0x3c: {  	p2 =	seq.s32 s10, $0x1;
	s10 =	sld [smem:$0x3FB8]  }
0x3d: {  	_ =	shalt  }
0x3e: {  	_ =	shalt  }
0x3f: {  	_ =	shalt  }
0x40: {  	_ =	shalt  }
0x41: {  	_ =	shalt  }
0x42: {  	_ =	shalt  }
0x43: {  	_ =	shalt  }
0x44: {  	_ =	shalt  }
0x45: {  	_ =	shalt  }
0x46: {  	_ =	shalt  }
0x47: {  	_ =	shalt  }
0x48: {  	_ =	shalt  }
0x49: {  	_ =	shalt  }
0x4a: {  	_ =	shalt  }
0x4b: {  	_ =	shalt  }
0x4c: {  	_ =	shalt  }
0x4d: {  	_ =	shalt  }
0x4e: {  	_ =	shalt  }
0x4f: {  	_ =	shalt  }
0x50: {  	_ =	shalt  }
0x51: {  	_ =	shalt  }
0x52: {  	_ =	shalt  }
0x53: {  	_ =	shalt  }
0x54: {  	_ =	shalt  }
0x55: {  	_ =	shalt  }
0x56: {  	_ =	shalt  }
0x57: {  	_ =	shalt  }
0x58: {  	_ =	shalt  }
0x59: {  	_ =	shalt  }
0x5a: {  	_ =	shalt  }
0x5b: {  	_ =	shalt  }
0x5c: {  	_ =	shalt  }
0x5d: {  	_ =	shalt  }
0x5e: {  	_ =	shalt  }
0x5f: {  	_ =	shalt  }
0x60: {  	_ =	shalt  }
0x61: {  	_ =	shalt  }
0x62: {  	_ =	shalt  }
0x63: {  	_ =	shalt  }
0x64: {  	_ =	shalt  }
0x65: {  	_ =	shalt  }
0x66: {  	_ =	shalt  }
0x67: {  	_ =	shalt  }
0x68: {  	_ =	shalt  }
0x69: {  	_ =	shalt  }
0x6a: {  	_ =	shalt  }
0x6b: {  	_ =	shalt  }
0x6c: {  	_ =	shalt  }
0x6d: {  	_ =	shalt  }
0x6e: {  	_ =	shalt  }
0x6f: {  	_ =	shalt  }
0x70: {  	_ =	shalt  }
0x71: {  	_ =	shalt  }
0x72: {  	_ =	shalt  }
0x73: {  	_ =	shalt  }
0x74: {  	_ =	shalt  }
0x75: {  	_ =	shalt  }
0x76: {  	_ =	shalt  }
0x77: {  	_ =	shalt  }
0x78: {  	_ =	shalt  }
0x79: {  	_ =	shalt  }
0x7a: {  	_ =	shalt  }
0x7b: {  	_ =	shalt  }
0x7c: {  	_ =	shalt  }
0x7d: {  	_ =	shalt  }
0x7e: {  	_ =	shalt  }
0x7f: {  	_ =	shalt  }
0x80: {  	_ =	shalt  }
0x81: {  	_ =	shalt  }
0x82: {  	_ =	shalt  }
0x83: {  	_ =	shalt  }
0x84: {  	_ =	shalt  }
0x85: {  	_ =	shalt  }
0x86: {  	_ =	shalt  }
0x87: {  	_ =	shalt  }
.Lfunc_end0:
.L_simem_size_0:
called_computation_lowered:
.L_overlay_start_0:
0x88: {  	s2 =	sld [smem:$0x3FD9]  }
0x89: {  	s3 =	sld [smem:$0x3FFE];
	_ =	sdelay $0x1  }
0x8a: {  	s1 =	srdreg.scid  }
0x8b: {  	s0 =	sand.u32 $0x1, s1  }
0x8c: {  	s17 =	sshll.u32 s0, $0xA;
	s2 =	sadd.s32 s3, s2  }
0x8d: {  	s2 =	sadd.s32 s2, s17  }
0x8e: {  	[smem:$0x3FC4] =	sst s2  }
0x8f: {  	_ = 	snop  }
0x90: {  	s2 =	sld [smem:$0x3FC6]  }
0x91: {  	s18 =	sld [smem:$0x3FD0];
	(tm) =	ssettm $0x1  }
0x92: {  	s4 =	sld [smem:$0x3FFB];
	_ =	sdelay $0x3  }
0x93: {  	_ =	strace s4  }
0x94: {  	s4 =	sld [smem:$0x3FFC];
	_ =	sdelay $0x3  }
0x95: {  	_ =	strace s4  }
0x96: {  	s4 =	sld [smem:$0x3FFD];
	_ =	sdelay $0x3  }
0x97: {  	_ =	strace s4  }
0x98: {  	_ =	strace $0x8FFFFFFF  }
0x99: {  	s19 =	sld [smem:$0x3FDB];
	_ =	sdelay $0x1  }
0x9a: {  	s5 =	simm.s32 $_scs_section_size  }
0x9b: {  	s6 =	simm.s32 $_size__tile_overlayer_lowered;
	s7 =	simm.s32 $_tile_overlayer_lowered  }
0x9c: {  	s22 =	simm.s32 $0x1BFF;
	s21 =	sshll.u32 s7, $0x1;
	s4 =	sadd.s32 s5, s19  }
0x9d: {  	s8 =	simm.s32 $0x0;
	s20 =	sshll.u32 s6, $0x1;
	s6 =	sadd.s32 s21, s4  }
0x9e: {  	[timem:s8], [sflag:s22] =	dma.local [hbm:s6], s20  }
0x9f: {  	_ =	swait.ge [sflag:s22], s20  }
0xa0: {  	s5 =	ssub.s32 $0x0, s20;
	[sflag:s22] =	ssyncset.done $0x0  }
0xa1: {  	[sflag:s22] =	ssyncadd.s32 s5;
	_ =	sdelay $0x1  }
0xa2: {  	s23 =	simm.s32 $0x1B8B  }
0xa3: {  	_ =	swait.ge [sflag:s23], $0x1  }
0xa4: {  	[sflag:s23] =	ssyncset.done $0x0  }
0xa5: {  	s25 =	simm.s32 $0x1B8E;
	s24 =	sld [smem:$0x3FFE];
	[sflag:s23] =	ssyncadd.s32 $0xFFFFFFFF  }
0xa6: {  	s26 =	simm.s32 $execute0_lowered;
	[smem:$0x3FD2] =	sst s25  }
0xa7: {  	s6 =	sshll.u32 s26, $0x1;
	_ =	strace $0x80000046;
	[dreg:$0x1] =	wrdreg $0xFFFFFFFF  }
0xa8: {  	s28 =	simm.s32 $_size_execute0_lowered;
	s4 =	sadd.s32 s4, s6;
	[dreg:$0x0] =	wrdreg $0x0  }
0xa9: {  	s6 =	sshll.u32 s28, $0x1;
	[dreg:$0x2] =	wrdreg s4  }
0xaa: {  	[dreg:$0x3] =	wrdreg s6  }
0xab: {  	[dreg:$0x4] =	wrdreg $0xC0  }
0xac: {  	_ =	task [dreg:s8], $0x5FFFF  }
0xad: {  	[dreg:$0x1] =	wrdreg $0xFFFFFFFF  }
0xae: {  	[dreg:$0x0] =	wrdreg $0x60  }
0xaf: {  	[dreg:$0x2] =	wrdreg s2  }
0xb0: {  	[dreg:$0x3] =	wrdreg s24  }
0xb1: {  	[dreg:$0x4] =	wrdreg s18  }
0xb2: {  	[dreg:$0x5] =	wrdreg $0x9  }
0xb3: {  	_ =	task.clear_ibuf [dreg:s8], $0x6FFFF;
	_ =	strace $0x90000046  }
0xb4: {  	s29 =	simm.s32 $0x9;
	_ =	strace $0x80000048  }
0xb5: {  	_ =	swait.ge [sflag:s29], $0x1  }
0xb6: {  	[sflag:s29] =	ssyncadd.s32 $0xFFFFFFFF  }
0xb7: {  	_ =	strace $0x90000048  }
0xb8: {  	_ =	sfence  }
0xb9: {  	s30 =	sld [smem:$0x0];
	_ =	sdelay $0x2  }
0xba: {  	s31 =	sshll.u32 s1, $0xD;
	s1 =	sshrl.u32 s1, $0x2  }
0xbb: {  	s3 =	sand.u32 $0x4000, s31;
	s1 =	sadd.s32 s1, s30  }
0xbc: {  	s0 =	sor.u32 s3, s0;
	s1 =	sshll.u32 s1, $0x11  }
0xbd: {  	s0 =	sor.u32 s1, s0  }
0xbe: {  	s0 =	sadd.s32 $0x8F2B, s0  }
0xbf: {  	[sflag:s0] =	ssyncadd.remote.s32 $0x1  }
0xc0: {  	_ =	sfence.sel $0xFFFF  }
0xc1: {  	[dreg:$0x0] =	wrdreg $0xFFFFFFFF;
	(pc) =	sbr.abs _section_cstart, $3  }
0xc2: {  	[dreg:$0x1] =	wrdreg $0xFFFFFFFF  }
0xc3: {  	_ =	task.clear_ibuf [dreg:s8], $0x2FFFF;
	_ =	strace $0x9FFFFFFF  }
0xc4: {  	(tm) =	ssettm $0x7FFFFFFF  }
0xc5: {  	_ =	shalt  }
tec
execute0_lowered:
.L_overlay_start_1:
0x0: {  	(tag) =	ssettag $0x1  }
0x1: {  	s2 =	rddreg [dreg:$0x0]  }
0x2: {  	s7 =	rddreg [dreg:$0x1];
	s0 =	srdreg.scid  }
0x3: {  	s3 =	rddreg [dreg:$0x2];
	s1 =	stileid.u32;
	s6 =	simm.s32 $0x2  }
0x4: {  	s11 =	simm.s32 $0x3;
	s12 =	simm.s32 $0x0;
	s4 =	sshll.u32 s0, $0x9  }
0x5: {  	s0 =	rddreg [dreg:$0x3];
	s5 =	sshll.u32 s1, $0xA;
	s4 =	sand.u32 $0x200, s4  }
0x6: {  	_ =	strace $0x80000047;
	s4 =	sor.u32 s5, s4;
	s5 =	simm.s32 $0x1  }
0x7: {  	s8 =	sshrl.u32 s4, $0x3;
	s9 =	ssub.s32 $0x4000, s4;
	[sflag:s5] =	ssyncpa.u1 $0x0  }
.Ltmp0:
0x8: {  	s10 =	sand.u32 $0x3E00, s9;
	[sflag:s6] =	ssyncpa.u1 $0x0;
	(pc) =	sbr.rel .LBB2_1-.Ltmp0, $4  }
0x9: {  	s9 =	sshrl.u32 s9, $0xE;
	p0 =	sne.s32 s10, $0x0;
	s10 =	simm.s32 $0x1  }
0xa: {  	s8 =	sadd.s32 s8, s7;
	[sflag:s11] =	ssyncpa.u1 $0x0;
	s10 =	simm.s32 @!p0 $0x0  }
0xb: {  	s8 =	sadd.s32 $0xE00, s8;
	s11 =	simm.s32 $0x0;
	s7 =	sadd.s32 s10, s9  }
0xc: {  	vm0 =	vmmov $0xffff;
	p0 =	por $0x0, $0x0;
	s10 =	simm.s32 $0x0;
	s9 =	sadd.s32 $0x1, s7  }
.LBB2_4:
0xd: {  	_ =	sdelay $0x3  }
0xe: {  	[tilespmem:s17], [sflag:$0x1] =	stream.indirect_vreg.gather [hbm4b:s2+s10], $0x1, v0, vm0, $0x4038;
	[tilespmem:$0x2400] =	vst v63  }
0xf: {  	s14 =	sshll.u32 s12, $0x3  }
0x10: {  	s31 =	sand.u32 $0x78, s12;
	s14 =	sand.u32 $0x7FFFFC00, s14  }
0x11: {  	_ =	swait.ge [sflag:s5], $0x1000;
	s12 =	sor.u32 s31, s14  }
0x12: {  	[sflag:s5] =	ssyncset.done $0x0;
	s12 =	sshrl.u32 s12, $0x3  }
0x13: {  	[sflag:s5] =	ssyncadd.s32 $0xFFFFF000;
	s12 =	sadd.s32 s3, s12  }
0x14: {  	[hbm:s12] =	stream.linear.scatter [tilespmem:s13], [sflag:$0x3], $0x1000, $0x38;
	[tilespmem:$0x2400] =	vst v63  }
.LBB2_5:
0x15: {  	p2 =	sne.s32 s11, s9  }
.Ltmp1:
0x16: {  	p1 =	slt.u32 s11, $0x2;
	(pc) =	sbr.rel @!p2 .LBB2_6-.Ltmp1, $4  }
0x17: {  	s12 =	simm.s32 @!p1 $0x3  }
0x18: {  	_ =	swait.ge @!p1 [sflag:s12], $0x1000  }
0x19: {  	s13 =	sadd.s32 $0x1, s11;
	p0 =	por !p0, !p0;
	[sflag:s12] =	ssyncset.done @!p1 $0x0  }
0x1a: {  	s11 =	smov.u32 s13;
	[sflag:s12] =	ssyncadd.s32 @!p1 $0xFFFFF000;
	s12 =	smov.u32 s4  }
.LBB2_1:
0x1b: {  	p1 =	sge.u32 s11, s7  }
0x1c: {  	s13 =	sxor.u32 @!p1 $0xFFFFFFFF, s11  }
0x1d: {  	s13 =	sshll.u32 @!p1 s13, $0x9  }
0x1e: {  	s31 =	sadd.s32 $0xFFFFFFFF, s11;
	s14 =	simm.s32 @!p1 $0x0;
	s13 =	sand.u32 @!p1 $0x200, s13  }
0x1f: {  	[tilespmem:s13], [sflag:$0x2] =	stream.linear.gather @!p1 [hbm4b:s8+s14], $0x200, $0x38;
	[tilespmem:$0x2400] =	vst v63  }
0x20: {  	p1 =	sge.u32 s31, s7  }
.Ltmp2:
0x21: {  	_ = 	snop;
	(pc) =	sbr.rel @p1 .LBB2_5-.Ltmp2, $1  }
0x22: {  	_ =	sdelay $0x3  }
0x23: {  	s13 =	simm.s32 $0x1;
	_ =	swait.ge [sflag:s6], $0x200  }
0x24: {  	s13 =	simm.s32 @!p0 $0x0;
	[sflag:s6] =	ssyncset.done $0x0  }
0x25: {  	s15 =	sshll.u32 s13, $0x9;
	[sflag:s6] =	ssyncadd.s32 $0xFFFFFE00  }
0x26: {  	v0 =	vld.msk [tilespmem:s15+$0x0 ss:$0x1], $0xffff;
	_ =	sdelay $0x4  }
0x27: {  	vm1 =	vgt.s32 v0, $0x0  }
0x28: {  	v0 =	vnsel vm1, $0x0, v0  }
0x29: {  	v0 =	vmin.u32 v0, $0xF423F  }
0x2a: {  	v1 =	vshll.u32 v0, $0x3  }
0x2b: {  	v0 =	vand.u32 $0x7F, v0;
	v1 =	vand.u32 $0x7FFC00, v1  }
0x2c: {  	s26 =	sand.u32 $0x1, s11;
	v0 =	vor.u32 v0, v1  }
0x2d: {  	s16 =	simm.s32 $0x0;
	s13 =	sshll.u32 s26, $0xC  }
0x2e: {  	s14 =	sand.u32 $0xC00, s16;
	s13 =	sor.u32 $0x400, s13  }
0x2f: {  	s17 =	sand.u32 $0x70, s16;
	(ifvalue) =	ssetifvalue $0x7FFFFFFF;
	s14 =	sadd.s32 s14, s13;
	v1 =	vor.u32 $0x80, v0  }
0x30: {  	(ifvalue) =	ssetifvalue $0x7FFFFFFF;
	s17 =	sadd.s32 s17, s14  }
0x31: {  	[tilespmem:s17], [sflag:$0x1] =	stream.indirect_vreg.gather [hbm4b:s2+s10], $0x1, v0, vm0, $0x4038;
	[tilespmem:$0x2400] =	vst v63  }
0x32: {  	v2 =	vor.u32 $0x100, v0;
	(ifvalue) =	ssetifvalue $0x7FFFFFFF  }
0x33: {  	s14 =	sadd.s32 $0x80, s17;
	(ifvalue) =	ssetifvalue $0x7FFFFFFF  }
0x34: {  	[tilespmem:s14], [sflag:$0x1] =	stream.indirect_vreg.gather [hbm4b:s2+s10], $0x1, v1, vm0, $0x4038;
	[tilespmem:$0x2400] =	vst v63  }
0x35: {  	v1 =	vor.u32 $0x180, v0;
	(ifvalue) =	ssetifvalue $0x7FFFFFFF  }
0x36: {  	s28 =	sadd.s32 $0x100, s17;
	(ifvalue) =	ssetifvalue $0x7FFFFFFF  }
0x37: {  	[tilespmem:s28], [sflag:$0x1] =	stream.indirect_vreg.gather [hbm4b:s2+s10], $0x1, v2, vm0, $0x4038;
	[tilespmem:$0x2400] =	vst v63  }
0x38: {  	v2 =	vor.u32 $0x200, v0;
	(ifvalue) =	ssetifvalue $0x7FFFFFFF  }
0x39: {  	s29 =	sadd.s32 $0x180, s17;
	(ifvalue) =	ssetifvalue $0x7FFFFFFF  }
0x3a: {  	[tilespmem:s29], [sflag:$0x1] =	stream.indirect_vreg.gather [hbm4b:s2+s10], $0x1, v1, vm0, $0x4038;
	[tilespmem:$0x2400] =	vst v63  }
0x3b: {  	(ifvalue) =	ssetifvalue $0x7FFFFFFF;
	v1 =	vor.u32 $0x280, v0  }
0x3c: {  	s30 =	sadd.s32 $0x200, s17;
	(ifvalue) =	ssetifvalue $0x7FFFFFFF  }
0x3d: {  	[tilespmem:s30], [sflag:$0x1] =	stream.indirect_vreg.gather [hbm4b:s2+s10], $0x1, v2, vm0, $0x4038;
	[tilespmem:$0x2400] =	vst v63  }
0x3e: {  	(ifvalue) =	ssetifvalue $0x7FFFFFFF;
	v2 =	vor.u32 $0x300, v0  }
0x3f: {  	s31 =	sadd.s32 $0x280, s17;
	(ifvalue) =	ssetifvalue $0x7FFFFFFF  }
0x40: {  	[tilespmem:s31], [sflag:$0x1] =	stream.indirect_vreg.gather [hbm4b:s2+s10], $0x1, v1, vm0, $0x4038;
	[tilespmem:$0x2400] =	vst v63  }
0x41: {  	s16 =	sor.u32 s16, s16;
	v0 =	vor.u32 $0x380, v0;
	(ifvalue) =	ssetifvalue $0x7FFFFFFF  }
0x42: {  	s16 =	sor.u32 $0x380, s16;
	s17 =	sadd.s32 $0x300, s17;
	(ifvalue) =	ssetifvalue $0x7FFFFFFF  }
0x43: {  	[tilespmem:s17], [sflag:$0x1] =	stream.indirect_vreg.gather [hbm4b:s2+s10], $0x1, v2, vm0, $0x4038;
	[tilespmem:$0x2400] =	vst v63  }
0x44: {  	s15 =	sadd.s32 $0x10, s15;
	s14 =	simm.s32 $0x10;
	(ifvalue) =	ssetifvalue $0x7FFFFFFF  }
0x45: {  	s17 =	sadd.s32 s16, s13;
	s16 =	simm.s32 $0x80;
	(ifvalue) =	ssetifvalue $0x7FFFFFFF  }
.LBB2_3:
0x46: {  	[tilespmem:s17], [sflag:$0x1] =	stream.indirect_vreg.gather [hbm4b:s2+s10], $0x1, v0, vm0, $0x4038;
	[tilespmem:$0x2400] =	vst v63  }
0x47: {  	p1 =	sne.s32 s14, $0x1F0;
	s17 =	smov.u32 s14;
	s14 =	sadd.s32 $0x10, s14;
	v0 =	vld.msk [tilespmem:s15+$0x0 ss:$0x1], $0xffff  }
0x48: {  	(ifvalue) =	ssetifvalue $0x7FFFFFFF;
	_ =	sdelay $0x4  }
0x49: {  	vm1 =	vgt.s32 v0, $0x0  }
0x4a: {  	v0 =	vnsel vm1, $0x0, v0  }
0x4b: {  	v0 =	vmin.u32 v0, $0xF423F  }
0x4c: {  	v1 =	vshll.u32 v0, $0x3  }
0x4d: {  	v0 =	vand.u32 $0x7F, v0;
	v1 =	vand.u32 $0x7FFC00, v1  }
0x4e: {  	v0 =	vor.u32 v0, v1;
	_ =	sdelay $0x1  }
0x4f: {  	s18 =	sand.u32 $0xC00, s16  }
0x50: {  	s19 =	sand.u32 $0x70, s17;
	s18 =	sadd.s32 s18, s13;
	v1 =	vor.u32 $0x80, v0  }
0x51: {  	s18 =	sadd.s32 s19, s18;
	(ifvalue) =	ssetifvalue $0x7FFFFFFF  }
0x52: {  	[tilespmem:s18], [sflag:$0x1] =	stream.indirect_vreg.gather [hbm4b:s2+s10], $0x1, v0, vm0, $0x4038;
	[tilespmem:$0x2400] =	vst v63  }
0x53: {  	v2 =	vor.u32 $0x100, v0;
	(ifvalue) =	ssetifvalue $0x7FFFFFFF  }
0x54: {  	s19 =	sadd.s32 $0x80, s18;
	(ifvalue) =	ssetifvalue $0x7FFFFFFF  }
0x55: {  	[tilespmem:s19], [sflag:$0x1] =	stream.indirect_vreg.gather [hbm4b:s2+s10], $0x1, v1, vm0, $0x4038;
	[tilespmem:$0x2400] =	vst v63  }
0x56: {  	v1 =	vor.u32 $0x180, v0;
	(ifvalue) =	ssetifvalue $0x7FFFFFFF  }
0x57: {  	s19 =	sadd.s32 $0x100, s18;
	(ifvalue) =	ssetifvalue $0x7FFFFFFF  }
0x58: {  	[tilespmem:s19], [sflag:$0x1] =	stream.indirect_vreg.gather [hbm4b:s2+s10], $0x1, v2, vm0, $0x4038;
	[tilespmem:$0x2400] =	vst v63  }
0x59: {  	v2 =	vor.u32 $0x200, v0;
	(ifvalue) =	ssetifvalue $0x7FFFFFFF  }
0x5a: {  	s19 =	sadd.s32 $0x180, s18;
	(ifvalue) =	ssetifvalue $0x7FFFFFFF  }
0x5b: {  	[tilespmem:s19], [sflag:$0x1] =	stream.indirect_vreg.gather [hbm4b:s2+s10], $0x1, v1, vm0, $0x4038;
	[tilespmem:$0x2400] =	vst v63  }
0x5c: {  	v1 =	vor.u32 $0x280, v0;
	(ifvalue) =	ssetifvalue $0x7FFFFFFF  }
0x5d: {  	s19 =	sadd.s32 $0x200, s18;
	(ifvalue) =	ssetifvalue $0x7FFFFFFF  }
0x5e: {  	[tilespmem:s19], [sflag:$0x1] =	stream.indirect_vreg.gather [hbm4b:s2+s10], $0x1, v2, vm0, $0x4038;
	[tilespmem:$0x2400] =	vst v63  }
0x5f: {  	v2 =	vor.u32 $0x300, v0;
	(ifvalue) =	ssetifvalue $0x7FFFFFFF  }
0x60: {  	s19 =	sadd.s32 $0x280, s18;
	(ifvalue) =	ssetifvalue $0x7FFFFFFF  }
0x61: {  	[tilespmem:s19], [sflag:$0x1] =	stream.indirect_vreg.gather [hbm4b:s2+s10], $0x1, v1, vm0, $0x4038;
	[tilespmem:$0x2400] =	vst v63  }
.Ltmp3:
0x62: {  	v0 =	vor.u32 $0x380, v0;
	(ifvalue) =	ssetifvalue $0x7FFFFFFF;
	(pc) =	sbr.rel @p1 .LBB2_3-.Ltmp3, $4  }
0x63: {  	s17 =	sor.u32 s16, s17;
	s18 =	sadd.s32 $0x300, s18;
	(ifvalue) =	ssetifvalue $0x7FFFFFFF  }
0x64: {  	[tilespmem:s18], [sflag:$0x1] =	stream.indirect_vreg.gather [hbm4b:s2+s10], $0x1, v2, vm0, $0x4038;
	[tilespmem:$0x2400] =	vst v63  }
0x65: {  	s15 =	sadd.s32 $0x10, s15;
	s17 =	sor.u32 $0x380, s17;
	(ifvalue) =	ssetifvalue $0x7FFFFFFF  }
0x66: {  	s16 =	sadd.s32 $0x80, s16;
	s17 =	sadd.s32 s17, s13;
	(ifvalue) =	ssetifvalue $0x7FFFFFFF  }
.Ltmp4:
0x67: {  	_ = 	snop;
	(pc) =	sbr.rel .LBB2_4-.Ltmp4, $1  }
0x68: {  	_ =	sdelay $0x3  }
.LBB2_6:
0x69: {  	_ =	sfence.sel $0x180000  }
0x6a: {  	s2 =	simm.s32 $0x2;
	[bflag:$0x0] =	sbarrier.arrive $0xFFFF  }
0x6b: {  	s30 =	simm.s32 $0x3;
	[sflag:s2] =	ssyncpa.u1 $0x1  }
0x6c: {  	s31 =	simm.s32 $0x1;
	[sflag:s30] =	ssyncpa.u1 $0x1  }
0x6d: {  	[sflag:s31] =	ssyncpa.u1 $0x1  }
0x6e: {  	p0 =	sne.s32 s1, $0x0;
	_ =	strace $0x90000047  }
0x6f: {  	s0 =	sadd.s32 @!p0 $0x100000, s0;
	[bflag:$0x2] =	sbarrier.arrive $0xFFFF  }
0x70: {  	[sflag:s0] =	ssyncadd.tile.s32 @!p0 $0x1;
	_ =	shalt  }
.Lfunc_end2:
_tile_overlayer_lowered:
.L_overlay_start_2:
0x71: {  	(tag) =	ssettag $0x2  }
0x72: {  	s0 =	rddreg [dreg:$0x0];
	s2 =	stileid.u32  }
0x73: {  	s1 =	rddreg [dreg:$0x1];
	p0 =	sne.s32 s2, $0x0  }
0x74: {  	s3 =	rddreg [dreg:$0x2];
	[bflag:$0x3] =	sbarrier.arrive $0xFFFF;
	s2 =	simm.s32 @!p0 $0x1C01  }
0x75: {  	[timem:s3], [sflag:s2] =	dma.local @!p0 [hbm:s0], s1  }
0x76: {  	s0 =	simm.s32 @!p0 $0x1  }
0x77: {  	_ =	swait.ge @!p0 [sflag:s0], s1  }
0x78: {  	s1 =	ssub.s32 @!p0 $0x0, s1;
	[sflag:s0] =	ssyncset.done @!p0 $0x0  }
0x79: {  	[sflag:s0] =	ssyncadd.s32 @!p0 s1  }
0x7a: {  	[bflag:$0x3] =	sbarrier.arrive $0xFFFF  }
0x7b: {  	_ =	shalt  }

// kernel: kernel.3.cloned.1.call-start
scs
__scs_entry_jumppad:
0x0: {  	(pc) =	sbr.rel $0x88, $3  }
0x1: {  	(tag) =	ssettag $0x0;
	lr =	simm.s32 $0x1  }
0x2: {  	[smem:$0x3F9D] =	sst lr;
	_ =	strace $0xD0000000  }
0x3: {  	_ = 	snop  }
0x4: {  	_ = 	snop  }
0x5: {  	_ = 	snop  }
0x6: {  	_ = 	snop  }
0x7: {  	_ = 	snop  }
__scs_overlays_trampoline_lowered:
0x8: {  	[smem:$0x3FAC] =	sst s0  }
0x9: {  	[smem:$0x3FAD] =	sst s1  }
0xa: {  	[smem:$0x3FAE] =	sst s2  }
0xb: {  	[smem:$0x3FAF] =	sst s3  }
0xc: {  	[smem:$0x3FB0] =	sst s4  }
0xd: {  	[smem:$0x3FB1] =	sst s5  }
0xe: {  	[smem:$0x3FB2] =	sst s6  }
0xf: {  	[smem:$0x3FB3] =	sst s7  }
0x10: {  	[smem:$0x3FB4] =	sst s8  }
0x11: {  	[smem:$0x3FB5] =	sst s9;
	s0 =	simm.s32 @!p0 $0x0  }
0x12: {  	s1 =	sld [smem:$0x3F9B];
	s0 =	simm.s32 @p0 $0x1  }
0x13: {  	[smem:$0x3FB6] =	sst s0;
	s0 =	simm.s32 @!p1 $0x0  }
0x14: {  	s2 =	sld [smem:$0x3F9A];
	s0 =	simm.s32 @p1 $0x1  }
0x15: {  	[smem:$0x3FB7] =	sst s0;
	s0 =	simm.s32 @!p2 $0x0  }
0x16: {  	s3 =	sld [smem:$0x3FDB];
	s0 =	simm.s32 @p2 $0x1  }
0x17: {  	s4 =	simm.s32 $0x1BF5;
	[smem:$0x3FB9] =	sst s0  }
0x18: {  	s0 =	sld [smem:$0x3F9C];
	_ =	swait.ge [sflag:s4], $0x0  }
0x19: {  	s7 =	sld [smem:$0x3F9D]  }
0x1a: {  	s8 =	sadd.s32 $0xFFFFE003, lr  }
0x1b: {  	s9 =	sadd.s32 $0xFFFFFEF7, lr;
	s5 =	simm.s32 $0xFFFFFFFF;
	p2 =	slt.u32 s8, $0xFFFFF086  }
0x1c: {  	p1 =	slt.u32 s9, $0xF7A;
	s5 =	simm.s32 @!p2 $0x0  }
0x1d: {  	s5 =	simm.s32 @p1 $0x1;
	p0 =	seq.s32 s7, s2  }
0x1e: {  	s7 =	smul.u32 @!p0 $0xF7A, s2;
	p2 =	seq.s32 @!p0 s5, $0x0  }
0x1f: {  	s9 =	smul.u32 $0xF7A, s1;
	s8 =	simm.s32 @!p0 $0x1BF5;
	p2 =	por !p2, p0  }
0x20: {  	[sflag:s8] =	ssyncset.s32 @!p0 $0xFFFFF086;
	s6 =	sadd.s32 @!p0 s3, s7;
	s7 =	simm.s32 @!p0 $0x108  }
0x21: {  	s3 =	sadd.s32 s3, s9;
	s6 =	sadd.s32 @!p0 $0x88, s6;
	s7 =	simm.s32 @p2 $0x1082  }
0x22: {  	[simem:s7], [sflag:s8] =	dma.local @!p0 [hbm:s6], $0xF7A  }
0x23: {  	s9 =	sor.u32 $0xD0000000, s2;
	s6 =	simm.s32 $0x108;
	_ =	swait.ge @!p0 [sflag:s8], $0x0  }
0x24: {  	s3 =	sadd.s32 $0x88, s3;
	s6 =	simm.s32 @!p1 $0x1082;
	[sflag:s4] =	ssyncset.s32 $0xFFFFF086  }
0x25: {  	[simem:s6], [sflag:s4] =	dma.local [hbm:s3], $0xF7A  }
0x26: {  	[smem:$0x3F9D] =	sst s1;
	(tag) =	ssettag s2;
	_ =	strace s9  }
0x27: {  	s1 =	sld [smem:$0x3FAD]  }
0x28: {  	s2 =	sld [smem:$0x3FAE]  }
0x29: {  	s4 =	sld [smem:$0x3FB0]  }
0x2a: {  	p0 =	seq.s32 s5, $0x0;
	s5 =	sld [smem:$0x3FB1]  }
0x2b: {  	s6 =	sld [smem:$0x3FB2]  }
0x2c: {  	s7 =	sld [smem:$0x3FB3]  }
0x2d: {  	s3 =	simm.s32 $0x108;
	s8 =	sld [smem:$0x3FB4]  }
0x2e: {  	s3 =	simm.s32 @!p0 $0x1082;
	s9 =	sld [smem:$0x3FB5]  }
0x2f: {  	lr =	sadd.s32 s0, s3;
	s0 =	sld [smem:$0x3FAC]  }
0x30: {  	s3 =	sld [smem:$0x3FAF]  }
0x31: {  	[smem:$0x3FB8] =	sst s10  }
0x32: {  	s10 =	sld [smem:$0x3FB6];
	_ =	sdelay $0x3  }
0x33: {  	p0 =	seq.s32 s10, $0x1;
	s10 =	sld [smem:$0x3FB8];
	_ =	sdelay $0x3  }
0x34: {  	[smem:$0x3FB8] =	sst s10  }
0x35: {  	s10 =	sld [smem:$0x3FB7];
	_ =	sdelay $0x3  }
0x36: {  	p1 =	seq.s32 s10, $0x1;
	s10 =	sld [smem:$0x3FB8];
	_ =	sdelay $0x3  }
0x37: {  	[smem:$0x3FB8] =	sst s10  }
0x38: {  	s10 =	sld [smem:$0x3FB9]  }
0x39: {  	_ = 	snop;
	(pc) =	sbr.ind lr, $3  }
0x3a: {  	_ = 	snop  }
0x3b: {  	_ = 	snop  }
0x3c: {  	p2 =	seq.s32 s10, $0x1;
	s10 =	sld [smem:$0x3FB8]  }
0x3d: {  	_ =	shalt  }
0x3e: {  	_ =	shalt  }
0x3f: {  	_ =	shalt  }
0x40: {  	_ =	shalt  }
0x41: {  	_ =	shalt  }
0x42: {  	_ =	shalt  }
0x43: {  	_ =	shalt  }
0x44: {  	_ =	shalt  }
0x45: {  	_ =	shalt  }
0x46: {  	_ =	shalt  }
0x47: {  	_ =	shalt  }
0x48: {  	_ =	shalt  }
0x49: {  	_ =	shalt  }
0x4a: {  	_ =	shalt  }
0x4b: {  	_ =	shalt  }
0x4c: {  	_ =	shalt  }
0x4d: {  	_ =	shalt  }
0x4e: {  	_ =	shalt  }
0x4f: {  	_ =	shalt  }
0x50: {  	_ =	shalt  }
0x51: {  	_ =	shalt  }
0x52: {  	_ =	shalt  }
0x53: {  	_ =	shalt  }
0x54: {  	_ =	shalt  }
0x55: {  	_ =	shalt  }
0x56: {  	_ =	shalt  }
0x57: {  	_ =	shalt  }
0x58: {  	_ =	shalt  }
0x59: {  	_ =	shalt  }
0x5a: {  	_ =	shalt  }
0x5b: {  	_ =	shalt  }
0x5c: {  	_ =	shalt  }
0x5d: {  	_ =	shalt  }
0x5e: {  	_ =	shalt  }
0x5f: {  	_ =	shalt  }
0x60: {  	_ =	shalt  }
0x61: {  	_ =	shalt  }
0x62: {  	_ =	shalt  }
0x63: {  	_ =	shalt  }
0x64: {  	_ =	shalt  }
0x65: {  	_ =	shalt  }
0x66: {  	_ =	shalt  }
0x67: {  	_ =	shalt  }
0x68: {  	_ =	shalt  }
0x69: {  	_ =	shalt  }
0x6a: {  	_ =	shalt  }
0x6b: {  	_ =	shalt  }
0x6c: {  	_ =	shalt  }
0x6d: {  	_ =	shalt  }
0x6e: {  	_ =	shalt  }
0x6f: {  	_ =	shalt  }
0x70: {  	_ =	shalt  }
0x71: {  	_ =	shalt  }
0x72: {  	_ =	shalt  }
0x73: {  	_ =	shalt  }
0x74: {  	_ =	shalt  }
0x75: {  	_ =	shalt  }
0x76: {  	_ =	shalt  }
0x77: {  	_ =	shalt  }
0x78: {  	_ =	shalt  }
0x79: {  	_ =	shalt  }
0x7a: {  	_ =	shalt  }
0x7b: {  	_ =	shalt  }
0x7c: {  	_ =	shalt  }
0x7d: {  	_ =	shalt  }
0x7e: {  	_ =	shalt  }
0x7f: {  	_ =	shalt  }
0x80: {  	_ =	shalt  }
0x81: {  	_ =	shalt  }
0x82: {  	_ =	shalt  }
0x83: {  	_ =	shalt  }
0x84: {  	_ =	shalt  }
0x85: {  	_ =	shalt  }
0x86: {  	_ =	shalt  }
0x87: {  	_ =	shalt  }
.Lfunc_end0:
.L_simem_size_0:
called_computation.1_lowered:
.L_overlay_start_0:
0x88: {  	s2 =	sld [smem:$0x3FD9]  }
0x89: {  	s3 =	sld [smem:$0x3FFE];
	_ =	sdelay $0x1  }
0x8a: {  	s1 =	srdreg.scid  }
0x8b: {  	s0 =	sand.u32 $0x1, s1  }
0x8c: {  	s17 =	sshll.u32 s0, $0xA;
	s2 =	sadd.s32 s3, s2  }
0x8d: {  	s2 =	sadd.s32 s2, s17  }
0x8e: {  	[smem:$0x3FC4] =	sst s2  }
0x8f: {  	_ = 	snop  }
0x90: {  	s2 =	sld [smem:$0x3FC9]  }
0x91: {  	s18 =	sld [smem:$0x3FD0];
	(tm) =	ssettm $0x1  }
0x92: {  	s4 =	sld [smem:$0x3FFB];
	_ =	sdelay $0x3  }
0x93: {  	_ =	strace s4  }
0x94: {  	s4 =	sld [smem:$0x3FFC];
	_ =	sdelay $0x3  }
0x95: {  	_ =	strace s4  }
0x96: {  	s4 =	sld [smem:$0x3FFD];
	_ =	sdelay $0x3  }
0x97: {  	_ =	strace s4  }
0x98: {  	_ =	strace $0x8FFFFFFF  }
0x99: {  	s19 =	sld [smem:$0x3FDB];
	_ =	sdelay $0x1  }
0x9a: {  	s5 =	simm.s32 $_scs_section_size  }
0x9b: {  	s6 =	simm.s32 $_size__tile_overlayer_lowered;
	s7 =	simm.s32 $_tile_overlayer_lowered  }
0x9c: {  	s22 =	simm.s32 $0x1BFF;
	s21 =	sshll.u32 s7, $0x1;
	s4 =	sadd.s32 s5, s19  }
0x9d: {  	s8 =	simm.s32 $0x0;
	s20 =	sshll.u32 s6, $0x1;
	s6 =	sadd.s32 s21, s4  }
0x9e: {  	[timem:s8], [sflag:s22] =	dma.local [hbm:s6], s20  }
0x9f: {  	_ =	swait.ge [sflag:s22], s20  }
0xa0: {  	s5 =	ssub.s32 $0x0, s20;
	[sflag:s22] =	ssyncset.done $0x0  }
0xa1: {  	[sflag:s22] =	ssyncadd.s32 s5;
	_ =	sdelay $0x1  }
0xa2: {  	s23 =	simm.s32 $0x1B8B  }
0xa3: {  	_ =	swait.ge [sflag:s23], $0x1  }
0xa4: {  	[sflag:s23] =	ssyncset.done $0x0  }
0xa5: {  	s25 =	simm.s32 $0x1B8E;
	s24 =	sld [smem:$0x3FFE];
	[sflag:s23] =	ssyncadd.s32 $0xFFFFFFFF  }
0xa6: {  	s26 =	simm.s32 $execute0_lowered;
	[smem:$0x3FD2] =	sst s25  }
0xa7: {  	s6 =	sshll.u32 s26, $0x1;
	_ =	strace $0x80000049;
	[dreg:$0x1] =	wrdreg $0xFFFFFFFF  }
0xa8: {  	s28 =	simm.s32 $_size_execute0_lowered;
	s4 =	sadd.s32 s4, s6;
	[dreg:$0x0] =	wrdreg $0x0  }
0xa9: {  	s6 =	sshll.u32 s28, $0x1;
	[dreg:$0x2] =	wrdreg s4  }
0xaa: {  	[dreg:$0x3] =	wrdreg s6  }
0xab: {  	[dreg:$0x4] =	wrdreg $0xC0  }
0xac: {  	_ =	task [dreg:s8], $0x5FFFF  }
0xad: {  	[dreg:$0x1] =	wrdreg $0xFFFFFFFF  }
0xae: {  	[dreg:$0x0] =	wrdreg $0x60  }
0xaf: {  	[dreg:$0x2] =	wrdreg s2  }
0xb0: {  	[dreg:$0x3] =	wrdreg s24  }
0xb1: {  	[dreg:$0x4] =	wrdreg s18  }
0xb2: {  	[dreg:$0x5] =	wrdreg $0x9  }
0xb3: {  	_ =	task.clear_ibuf [dreg:s8], $0x6FFFF;
	_ =	strace $0x90000049  }
0xb4: {  	s29 =	simm.s32 $0x9;
	_ =	strace $0x8000004B  }
0xb5: {  	_ =	swait.ge [sflag:s29], $0x1  }
0xb6: {  	[sflag:s29] =	ssyncadd.s32 $0xFFFFFFFF  }
0xb7: {  	_ =	strace $0x9000004B  }
0xb8: {  	_ =	sfence  }
0xb9: {  	s30 =	sld [smem:$0x0];
	_ =	sdelay $0x2  }
0xba: {  	s31 =	sshll.u32 s1, $0xD;
	s1 =	sshrl.u32 s1, $0x2  }
0xbb: {  	s3 =	sand.u32 $0x4000, s31;
	s1 =	sadd.s32 s1, s30  }
0xbc: {  	s0 =	sor.u32 s3, s0;
	s1 =	sshll.u32 s1, $0x11  }
0xbd: {  	s0 =	sor.u32 s1, s0  }
0xbe: {  	s0 =	sadd.s32 $0x8F2B, s0  }
0xbf: {  	[sflag:s0] =	ssyncadd.remote.s32 $0x1  }
0xc0: {  	_ =	sfence.sel $0xFFFF  }
0xc1: {  	[dreg:$0x0] =	wrdreg $0xFFFFFFFF;
	(pc) =	sbr.abs _section_cstart, $3  }
0xc2: {  	[dreg:$0x1] =	wrdreg $0xFFFFFFFF  }
0xc3: {  	_ =	task.clear_ibuf [dreg:s8], $0x2FFFF;
	_ =	strace $0x9FFFFFFF  }
0xc4: {  	(tm) =	ssettm $0x7FFFFFFF  }
0xc5: {  	_ =	shalt  }
tec
execute0_lowered:
.L_overlay_start_1:
0x0: {  	(tag) =	ssettag $0x1  }
0x1: {  	s0 =	rddreg [dreg:$0x0]  }
0x2: {  	s2 =	rddreg [dreg:$0x1]  }
0x3: {  	s5 =	rddreg [dreg:$0x2];
	s1 =	simm.s32 $0x0;
	s4 =	srdreg.scid  }
0x4: {  	s7 =	stileid.u32;
	s28 =	simm.s32 $0x7600;
	[smem:$0x7FF] =	sst s1  }
0x5: {  	s3 =	sadd.s32 $0xF43C00, s2;
	s6 =	sand.u32 $0x1, s4;
	s4 =	sadd.s32 $0x1800, s2  }
0x6: {  	s7 =	sshll.u32 s7, $0xA;
	s2 =	sadd.s32 $0xB600, s2;
	s8 =	sshll.u32 s6, $0x9  }
0x7: {  	_ =	strace $0x8000004A;
	s6 =	ssub.s32 $0x2, s6;
	s8 =	sor.u32 s8, s7  }
0x8: {  	s9 =	sshrl.u32 s8, $0x3;
	s10 =	sor.u32 $0x80, s8;
	s12 =	sor.u32 $0x100, s8  }
0x9: {  	s13 =	sor.u32 $0x180, s8;
	s19 =	sadd.s32 s0, s9;
	s11 =	sshrl.u32 s10, $0x3  }
0xa: {  	s14 =	sshrl.u32 s12, $0x3;
	[dreg:$0x4] =	wrdreg s19;
	s20 =	sadd.s32 s0, s11  }
0xb: {  	s15 =	sshrl.u32 s13, $0x3;
	s21 =	sadd.s32 s0, s14;
	[dreg:$0x5] =	wrdreg s20  }
0xc: {  	s7 =	sadd.s32 s2, s9;
	s0 =	sadd.s32 s0, s15;
	[dreg:$0x6] =	wrdreg s21  }
0xd: {  	s18 =	sshrl.u32 s6, $0x1;
	s22 =	sadd.s32 $0x800, s7;
	[dreg:$0x7] =	wrdreg s0  }
0xe: {  	s6 =	ssub.s32 s6, s18;
	s23 =	sadd.s32 $0x1000, s7;
	[dreg:$0x8] =	wrdreg s22  }
0xf: {  	s17 =	sshll.u32 s8, $0x3;
	s24 =	sadd.s32 $0x1800, s7;
	[dreg:$0x9] =	wrdreg s23  }
0x10: {  	s8 =	simm.s32 $0x80;
	s25 =	sadd.s32 $0x2000, s7;
	[dreg:$0xa] =	wrdreg s24  }
0x11: {  	s26 =	sadd.s32 s2, s11;
	s9 =	sadd.s32 $0x810, s7;
	[dreg:$0xb] =	wrdreg s25  }
0x12: {  	s11 =	sadd.s32 $0x1010, s7;
	s14 =	sadd.s32 s2, s14;
	[dreg:$0xc] =	wrdreg s26  }
0x13: {  	s16 =	sadd.s32 s2, s15;
	s18 =	sadd.s32 $0x1810, s7;
	[dreg:$0xd] =	wrdreg s9  }
0x14: {  	s19 =	sshll.u32 s10, $0x3;
	s29 =	sadd.s32 $0x1820, s7;
	[dreg:$0xe] =	wrdreg s11  }
0x15: {  	s30 =	sadd.s32 $0x2020, s7;
	s31 =	sadd.s32 $0x830, s7;
	[dreg:$0xf] =	wrdreg s14  }
0x16: {  	s2 =	sadd.s32 $0x1830, s7;
	s15 =	simm.s32 $0x2;
	[dreg:$0x10] =	wrdreg s16  }
0x17: {  	s10 =	simm.s32 $0x11600;
	[dreg:$0x11] =	wrdreg s18;
	s0 =	sadd.s32 s5, s17  }
0x18: {  	s20 =	sshll.u32 s12, $0x3;
	s21 =	sshll.u32 s13, $0x3;
	s23 =	sadd.s32 $0x2010, s7  }
0x19: {  	s24 =	smax.u32 s6, $0x1;
	s25 =	sadd.s32 $0x820, s7;
	s26 =	sadd.s32 $0x1020, s7  }
0x1a: {  	s6 =	simm.s32 $0x5;
	s16 =	simm.s32 $0x9600;
	s17 =	simm.s32 $0xB600  }
0x1b: {  	s9 =	simm.s32 $0xD600;
	s18 =	simm.s32 $0xF600;
	[dreg:$0x12] =	wrdreg s0  }
0x1c: {  	s11 =	simm.s32 $0x3;
	s12 =	simm.s32 $0x15600;
	[dreg:$0x16] =	wrdreg s23  }
0x1d: {  	s13 =	simm.s32 $0x19600;
	s14 =	simm.s32 $0x1B600;
	[dreg:$0x17] =	wrdreg s24  }
0x1e: {  	s0 =	sadd.s32 s5, s19;
	s22 =	sadd.s32 s5, s21;
	[dreg:$0x18] =	wrdreg s25  }
0x1f: {  	[dreg:$0x19] =	wrdreg s26;
	s19 =	simm.s32 $0x13600;
	s21 =	simm.s32 $0x1  }
0x20: {  	s23 =	simm.s32 $0x0;
	[dreg:$0x13] =	wrdreg s0;
	s0 =	sadd.s32 s5, s20  }
0x21: {  	v0 =	vlaneseq.u32;
	[dreg:$0x15] =	wrdreg s22;
	s5 =	sadd.s32 $0x2030, s7;
	s20 =	simm.s32 $0x17600  }
0x22: {  	v0 =	vor.u32 $0x1388, v0;
	s22 =	simm.s32 $0x4;
	[dreg:$0x14] =	wrdreg s0;
	s0 =	sadd.s32 $0x1030, s7  }
.LBB2_1:
0x23: {  	s24 =	rddreg [dreg:$0x4]  }
0x24: {  	[tilespmem:s1], [sflag:$0x5] =	stream.linear.gather [hbm4b:s24+s1], $0x80, $0x38;
	[tilespmem:$0x1D600] =	vst v63  }
0x25: {  	_ =	swait.ge [sflag:s6], $0x80  }
0x26: {  	[sflag:s6] =	ssyncset.done $0x0  }
0x27: {  	s25 =	rddreg [dreg:$0x5];
	[sflag:s6] =	ssyncadd.s32 $0xFFFFFF80  }
0x28: {  	[tilespmem:s8], [sflag:$0x5] =	stream.linear.gather [hbm4b:s25+s1], $0x80, $0x38;
	[tilespmem:$0x1D600] =	vst v63  }
0x29: {  	_ =	swait.ge [sflag:s6], $0x80  }
0x2a: {  	[sflag:s6] =	ssyncset.done $0x0  }
0x2b: {  	s25 =	simm.s32 $0x100;
	s26 =	rddreg [dreg:$0x6];
	[sflag:s6] =	ssyncadd.s32 $0xFFFFFF80  }
0x2c: {  	[tilespmem:s25], [sflag:$0x5] =	stream.linear.gather [hbm4b:s26+s1], $0x80, $0x38;
	[tilespmem:$0x1D600] =	vst v63  }
0x2d: {  	_ =	swait.ge [sflag:s6], $0x80  }
0x2e: {  	[sflag:s6] =	ssyncset.done $0x0  }
0x2f: {  	s26 =	simm.s32 $0x180;
	s24 =	rddreg [dreg:$0x7];
	[sflag:s6] =	ssyncadd.s32 $0xFFFFFF80  }
0x30: {  	[tilespmem:s26], [sflag:$0x5] =	stream.linear.gather [hbm4b:s24+s1], $0x80, $0x38;
	[tilespmem:$0x1D600] =	vst v63  }
0x31: {  	_ =	swait.ge [sflag:s6], $0x80  }
0x32: {  	[sflag:s6] =	ssyncset.done $0x0  }
0x33: {  	s24 =	simm.s32 $0x1600;
	[sflag:s6] =	ssyncadd.s32 $0xFFFFFF80  }
0x34: {  	[tilespmem:s24], [sflag:$0x1] =	stream.indirect.gather [hbm4b:s3+s8], $0x40, s1, s8, $0xb8;
	[tilespmem:$0x1D600] =	vst v63  }
0x35: {  	s24 =	simm.s32 $0x3600  }
0x36: {  	[tilespmem:s24], [sflag:$0x1] =	stream.indirect.gather [hbm4b:s3+s8], $0x40, s8, s8, $0xb8;
	[tilespmem:$0x1D600] =	vst v63  }
0x37: {  	s24 =	simm.s32 $0x5600  }
0x38: {  	[tilespmem:s24], [sflag:$0x1] =	stream.indirect.gather [hbm4b:s3+s8], $0x40, s25, s8, $0xb8;
	[tilespmem:$0x1D600] =	vst v63  }
0x39: {  	_ = 	snop  }
0x3a: {  	[tilespmem:s28], [sflag:$0x1] =	stream.indirect.gather [hbm4b:s3+s8], $0x40, s26, s8, $0xb8;
	[tilespmem:$0x1D600] =	vst v63  }
0x3b: {  	s26 =	simm.s32 $0x200  }
0x3c: {  	[tilespmem:s26], [sflag:$0x2] =	stream.linear.gather [hbm4b:s7+s1], $0x80, $0x38;
	[tilespmem:$0x1D600] =	vst v63  }
0x3d: {  	s25 =	rddreg [dreg:$0x8];
	s26 =	simm.s32 $0x280  }
0x3e: {  	[tilespmem:s26], [sflag:$0x2] =	stream.linear.gather [hbm4b:s25+s1], $0x80, $0x38;
	[tilespmem:$0x1D600] =	vst v63  }
0x3f: {  	s25 =	rddreg [dreg:$0x9];
	s26 =	simm.s32 $0x300  }
0x40: {  	[tilespmem:s26], [sflag:$0x2] =	stream.linear.gather [hbm4b:s25+s1], $0x80, $0x38;
	[tilespmem:$0x1D600] =	vst v63  }
0x41: {  	s25 =	rddreg [dreg:$0xa];
	s26 =	simm.s32 $0x380  }
0x42: {  	[tilespmem:s26], [sflag:$0x2] =	stream.linear.gather [hbm4b:s25+s1], $0x80, $0x38;
	[tilespmem:$0x1D600] =	vst v63  }
0x43: {  	s25 =	rddreg [dreg:$0xb];
	s26 =	simm.s32 $0x400  }
0x44: {  	[tilespmem:s26], [sflag:$0x2] =	stream.linear.gather [hbm4b:s25+s1], $0x80, $0x38;
	[tilespmem:$0x1D600] =	vst v63  }
0x45: {  	s25 =	rddreg [dreg:$0xc];
	s26 =	simm.s32 $0x480  }
0x46: {  	[tilespmem:s26], [sflag:$0x2] =	stream.linear.gather [hbm4b:s25+s1], $0x80, $0x38;
	[tilespmem:$0x1D600] =	vst v63  }
0x47: {  	s25 =	rddreg [dreg:$0xd];
	s26 =	simm.s32 $0x500  }
0x48: {  	[tilespmem:s26], [sflag:$0x2] =	stream.linear.gather [hbm4b:s25+s1], $0x80, $0x38;
	[tilespmem:$0x1D600] =	vst v63  }
0x49: {  	s25 =	rddreg [dreg:$0xe];
	s26 =	simm.s32 $0x580  }
0x4a: {  	[tilespmem:s26], [sflag:$0x2] =	stream.linear.gather [hbm4b:s25+s1], $0x80, $0x38;
	[tilespmem:$0x1D600] =	vst v63  }
0x4b: {  	s25 =	rddreg [dreg:$0x11];
	s26 =	simm.s32 $0x600  }
0x4c: {  	[tilespmem:s26], [sflag:$0x2] =	stream.linear.gather [hbm4b:s25+s1], $0x80, $0x38;
	[tilespmem:$0x1D600] =	vst v63  }
0x4d: {  	s25 =	rddreg [dreg:$0x16];
	s26 =	simm.s32 $0x680  }
0x4e: {  	[tilespmem:s26], [sflag:$0x2] =	stream.linear.gather [hbm4b:s25+s1], $0x80, $0x38;
	[tilespmem:$0x1D600] =	vst v63  }
0x4f: {  	s25 =	rddreg [dreg:$0xf];
	s26 =	simm.s32 $0x700  }
0x50: {  	[tilespmem:s26], [sflag:$0x2] =	stream.linear.gather [hbm4b:s25+s1], $0x80, $0x38;
	[tilespmem:$0x1D600] =	vst v63  }
0x51: {  	s25 =	rddreg [dreg:$0x18];
	s26 =	simm.s32 $0x780  }
0x52: {  	[tilespmem:s26], [sflag:$0x2] =	stream.linear.gather [hbm4b:s25+s1], $0x80, $0x38;
	[tilespmem:$0x1D600] =	vst v63  }
0x53: {  	s25 =	rddreg [dreg:$0x19];
	s26 =	simm.s32 $0x800  }
0x54: {  	[tilespmem:s26], [sflag:$0x2] =	stream.linear.gather [hbm4b:s25+s1], $0x80, $0x38;
	[tilespmem:$0x1D600] =	vst v63  }
0x55: {  	s25 =	simm.s32 $0x880  }
0x56: {  	[tilespmem:s25], [sflag:$0x2] =	stream.linear.gather [hbm4b:s29+s1], $0x80, $0x38;
	[tilespmem:$0x1D600] =	vst v63  }
0x57: {  	s26 =	simm.s32 $0x900  }
0x58: {  	[tilespmem:s26], [sflag:$0x2] =	stream.linear.gather [hbm4b:s30+s1], $0x80, $0x38;
	[tilespmem:$0x1D600] =	vst v63  }
0x59: {  	s25 =	rddreg [dreg:$0x10];
	s26 =	simm.s32 $0x980  }
0x5a: {  	[tilespmem:s26], [sflag:$0x2] =	stream.linear.gather [hbm4b:s25+s1], $0x80, $0x38;
	[tilespmem:$0x1D600] =	vst v63  }
0x5b: {  	s25 =	simm.s32 $0xA00  }
0x5c: {  	[tilespmem:s25], [sflag:$0x2] =	stream.linear.gather [hbm4b:s31+s1], $0x80, $0x38;
	[tilespmem:$0x1D600] =	vst v63  }
0x5d: {  	s26 =	simm.s32 $0xA80  }
0x5e: {  	[tilespmem:s26], [sflag:$0x2] =	stream.linear.gather [hbm4b:s0+s1], $0x80, $0x38;
	[tilespmem:$0x1D600] =	vst v63  }
0x5f: {  	s25 =	simm.s32 $0xB00  }
0x60: {  	[tilespmem:s25], [sflag:$0x2] =	stream.linear.gather [hbm4b:s2+s1], $0x80, $0x38;
	[tilespmem:$0x1D600] =	vst v63  }
0x61: {  	s26 =	simm.s32 $0xB80  }
0x62: {  	[tilespmem:s26], [sflag:$0x2] =	stream.linear.gather [hbm4b:s5+s1], $0x80, $0x38;
	[tilespmem:$0x1D600] =	vst v63  }
0x63: {  	_ =	swait.ge [sflag:s15], $0x80  }
0x64: {  	[sflag:s15] =	ssyncset.done $0x0  }
0x65: {  	[sflag:s15] =	ssyncadd.s32 $0xFFFFFF80  }
0x66: {  	_ =	swait.ge [sflag:s15], $0x80  }
0x67: {  	[sflag:s15] =	ssyncset.done $0x0  }
0x68: {  	[sflag:s15] =	ssyncadd.s32 $0xFFFFFF80  }
0x69: {  	_ =	swait.ge [sflag:s15], $0x80  }
0x6a: {  	[sflag:s15] =	ssyncset.done $0x0  }
0x6b: {  	[sflag:s15] =	ssyncadd.s32 $0xFFFFFF80  }
0x6c: {  	_ =	swait.ge [sflag:s15], $0x80  }
0x6d: {  	[sflag:s15] =	ssyncset.done $0x0  }
0x6e: {  	[sflag:s15] =	ssyncadd.s32 $0xFFFFFF80  }
0x6f: {  	_ =	swait.ge [sflag:s15], $0x80  }
0x70: {  	[sflag:s15] =	ssyncset.done $0x0  }
0x71: {  	[sflag:s15] =	ssyncadd.s32 $0xFFFFFF80  }
0x72: {  	_ =	swait.ge [sflag:s15], $0x80  }
0x73: {  	[sflag:s15] =	ssyncset.done $0x0  }
0x74: {  	[sflag:s15] =	ssyncadd.s32 $0xFFFFFF80  }
0x75: {  	_ =	swait.ge [sflag:s15], $0x80  }
0x76: {  	[sflag:s15] =	ssyncset.done $0x0  }
0x77: {  	[sflag:s15] =	ssyncadd.s32 $0xFFFFFF80  }
0x78: {  	_ =	swait.ge [sflag:s15], $0x80  }
0x79: {  	[sflag:s15] =	ssyncset.done $0x0  }
0x7a: {  	[sflag:s15] =	ssyncadd.s32 $0xFFFFFF80  }
0x7b: {  	_ =	swait.ge [sflag:s15], $0x80  }
0x7c: {  	[sflag:s15] =	ssyncset.done $0x0  }
0x7d: {  	[sflag:s15] =	ssyncadd.s32 $0xFFFFFF80  }
0x7e: {  	_ =	swait.ge [sflag:s15], $0x80  }
0x7f: {  	[sflag:s15] =	ssyncset.done $0x0  }
0x80: {  	[sflag:s15] =	ssyncadd.s32 $0xFFFFFF80  }
0x81: {  	_ =	swait.ge [sflag:s15], $0x80  }
0x82: {  	[sflag:s15] =	ssyncset.done $0x0  }
0x83: {  	[sflag:s15] =	ssyncadd.s32 $0xFFFFFF80  }
0x84: {  	_ =	swait.ge [sflag:s15], $0x80  }
0x85: {  	[sflag:s15] =	ssyncset.done $0x0  }
0x86: {  	[sflag:s15] =	ssyncadd.s32 $0xFFFFFF80  }
0x87: {  	_ =	swait.ge [sflag:s15], $0x80  }
0x88: {  	[sflag:s15] =	ssyncset.done $0x0  }
0x89: {  	[sflag:s15] =	ssyncadd.s32 $0xFFFFFF80  }
0x8a: {  	_ =	swait.ge [sflag:s15], $0x80  }
0x8b: {  	[sflag:s15] =	ssyncset.done $0x0  }
0x8c: {  	[sflag:s15] =	ssyncadd.s32 $0xFFFFFF80  }
0x8d: {  	_ =	swait.ge [sflag:s15], $0x80  }
0x8e: {  	[sflag:s15] =	ssyncset.done $0x0  }
0x8f: {  	[sflag:s15] =	ssyncadd.s32 $0xFFFFFF80  }
0x90: {  	_ =	swait.ge [sflag:s15], $0x80  }
0x91: {  	[sflag:s15] =	ssyncset.done $0x0  }
0x92: {  	[sflag:s15] =	ssyncadd.s32 $0xFFFFFF80  }
0x93: {  	_ =	swait.ge [sflag:s15], $0x80  }
0x94: {  	[sflag:s15] =	ssyncset.done $0x0  }
0x95: {  	[sflag:s15] =	ssyncadd.s32 $0xFFFFFF80  }
0x96: {  	_ =	swait.ge [sflag:s15], $0x80  }
0x97: {  	[sflag:s15] =	ssyncset.done $0x0  }
0x98: {  	[sflag:s15] =	ssyncadd.s32 $0xFFFFFF80  }
0x99: {  	_ =	swait.ge [sflag:s15], $0x80  }
0x9a: {  	[sflag:s15] =	ssyncset.done $0x0  }
0x9b: {  	[sflag:s15] =	ssyncadd.s32 $0xFFFFFF80  }
0x9c: {  	_ =	swait.ge [sflag:s15], $0x80  }
0x9d: {  	[sflag:s15] =	ssyncset.done $0x0  }
0x9e: {  	[sflag:s15] =	ssyncadd.s32 $0xFFFFFF80  }
0x9f: {  	v1 =	vld [tilespmem:$0x200]  }
0xa0: {  	v2 =	vld [tilespmem:$0x210]  }
0xa1: {  	v3 =	vld [tilespmem:$0x220]  }
0xa2: {  	v4 =	vld [tilespmem:$0x230]  }
0xa3: {  	v5 =	vld [tilespmem:$0x240]  }
0xa4: {  	v6 =	vld [tilespmem:$0x250];
	vm0 =	veq.s32 v1, $0x0  }
0xa5: {  	v7 =	vld [tilespmem:$0x260];
	vm13 =	veq.s32 v2, $0x0;
	v1 =	vsel vm0, v0, v1  }
0xa6: {  	vm14 =	veq.s32 v3, $0x0;
	[tilespmem:$0xC00] =	vst v1;
	v1 =	vsel vm13, v0, v2;
	v2 =	vld [tilespmem:$0x270]  }
0xa7: {  	vm15 =	veq.s32 v4, $0x0;
	[tilespmem:$0xC10] =	vst v1;
	v1 =	vsel vm14, v0, v3;
	v3 =	vld [tilespmem:$0x280]  }
0xa8: {  	vm4 =	veq.s32 v5, $0x0;
	[tilespmem:$0xC20] =	vst v1;
	v1 =	vsel vm15, v0, v4;
	v4 =	vld [tilespmem:$0x290]  }
0xa9: {  	vm5 =	veq.s32 v6, $0x0;
	[tilespmem:$0xC30] =	vst v1;
	v1 =	vsel vm4, v0, v5;
	v5 =	vld [tilespmem:$0x2A0]  }
0xaa: {  	vm6 =	veq.s32 v7, $0x0;
	[tilespmem:$0xC40] =	vst v1;
	v1 =	vsel vm5, v0, v6;
	v6 =	vld [tilespmem:$0x2B0]  }
0xab: {  	[tilespmem:$0xC50] =	vst v1;
	v1 =	vsel vm6, v0, v7;
	vm7 =	veq.s32 v2, $0x0;
	v7 =	vld [tilespmem:$0x2C0]  }
0xac: {  	[tilespmem:$0xC60] =	vst v1;
	v1 =	vsel vm7, v0, v2;
	vm8 =	veq.s32 v3, $0x0;
	v2 =	vld [tilespmem:$0x2D0]  }
0xad: {  	[tilespmem:$0xC70] =	vst v1;
	v1 =	vsel vm8, v0, v3;
	vm9 =	veq.s32 v4, $0x0;
	v3 =	vld [tilespmem:$0x2E0]  }
0xae: {  	[tilespmem:$0xC80] =	vst v1;
	v1 =	vsel vm9, v0, v4;
	vm10 =	veq.s32 v5, $0x0;
	v4 =	vld [tilespmem:$0x2F0]  }
0xaf: {  	[tilespmem:$0xC90] =	vst v1;
	v1 =	vsel vm10, v0, v5;
	vm11 =	veq.s32 v6, $0x0;
	v5 =	vld [tilespmem:$0x300]  }
0xb0: {  	[tilespmem:$0xCA0] =	vst v1;
	v1 =	vsel vm11, v0, v6;
	vm12 =	veq.s32 v7, $0x0;
	v6 =	vld [tilespmem:$0x310]  }
0xb1: {  	[tilespmem:$0xCB0] =	vst v1;
	v1 =	vsel vm12, v0, v7;
	vm13 =	veq.s32 v2, $0x0;
	v7 =	vld [tilespmem:$0x320]  }
0xb2: {  	[tilespmem:$0xCC0] =	vst v1;
	v1 =	vsel vm13, v0, v2;
	vm14 =	veq.s32 v3, $0x0;
	v2 =	vld [tilespmem:$0x330]  }
0xb3: {  	[tilespmem:$0xCD0] =	vst v1;
	v1 =	vsel vm14, v0, v3;
	vm15 =	veq.s32 v4, $0x0;
	v3 =	vld [tilespmem:$0x340]  }
0xb4: {  	[tilespmem:$0xCE0] =	vst v1;
	v1 =	vsel vm15, v0, v4;
	vm4 =	veq.s32 v5, $0x0;
	v4 =	vld [tilespmem:$0x350]  }
0xb5: {  	[tilespmem:$0xCF0] =	vst v1;
	v1 =	vsel vm4, v0, v5;
	vm5 =	veq.s32 v6, $0x0;
	v5 =	vld [tilespmem:$0x360]  }
0xb6: {  	[tilespmem:$0xD00] =	vst v1;
	v1 =	vsel vm5, v0, v6;
	vm6 =	veq.s32 v7, $0x0;
	v6 =	vld [tilespmem:$0x370]  }
0xb7: {  	[tilespmem:$0xD10] =	vst v1;
	v1 =	vsel vm6, v0, v7;
	vm7 =	veq.s32 v2, $0x0;
	v7 =	vld [tilespmem:$0x380]  }
0xb8: {  	[tilespmem:$0xD20] =	vst v1;
	v1 =	vsel vm7, v0, v2;
	vm8 =	veq.s32 v3, $0x0;
	v2 =	vld [tilespmem:$0x390]  }
0xb9: {  	[tilespmem:$0xD30] =	vst v1;
	v1 =	vsel vm8, v0, v3;
	vm9 =	veq.s32 v4, $0x0;
	v3 =	vld [tilespmem:$0x3A0]  }
0xba: {  	[tilespmem:$0xD40] =	vst v1;
	v1 =	vsel vm9, v0, v4;
	vm10 =	veq.s32 v5, $0x0;
	v4 =	vld [tilespmem:$0x3B0]  }
0xbb: {  	[tilespmem:$0xD50] =	vst v1;
	v1 =	vsel vm10, v0, v5;
	vm11 =	veq.s32 v6, $0x0;
	v5 =	vld [tilespmem:$0x3C0]  }
0xbc: {  	[tilespmem:$0xD60] =	vst v1;
	v1 =	vsel vm11, v0, v6;
	vm12 =	veq.s32 v7, $0x0;
	v6 =	vld [tilespmem:$0x3D0]  }
0xbd: {  	[tilespmem:$0xD70] =	vst v1;
	v1 =	vsel vm12, v0, v7;
	vm13 =	veq.s32 v2, $0x0;
	v7 =	vld [tilespmem:$0x3E0]  }
0xbe: {  	[tilespmem:$0xD80] =	vst v1;
	v1 =	vsel vm13, v0, v2;
	vm14 =	veq.s32 v3, $0x0;
	v2 =	vld [tilespmem:$0x3F0]  }
0xbf: {  	[tilespmem:$0xD90] =	vst v1;
	v1 =	vsel vm14, v0, v3;
	vm15 =	veq.s32 v4, $0x0;
	v3 =	vld [tilespmem:$0x400]  }
0xc0: {  	[tilespmem:$0xDA0] =	vst v1;
	v1 =	vsel vm15, v0, v4;
	vm4 =	veq.s32 v5, $0x0;
	v4 =	vld [tilespmem:$0x410]  }
0xc1: {  	[tilespmem:$0xDB0] =	vst v1;
	v1 =	vsel vm4, v0, v5;
	vm5 =	veq.s32 v6, $0x0;
	v5 =	vld [tilespmem:$0x420]  }
0xc2: {  	[tilespmem:$0xDC0] =	vst v1;
	v1 =	vsel vm5, v0, v6;
	vm6 =	veq.s32 v7, $0x0;
	v6 =	vld [tilespmem:$0x430]  }
0xc3: {  	[tilespmem:$0xDD0] =	vst v1;
	v1 =	vsel vm6, v0, v7;
	vm7 =	veq.s32 v2, $0x0;
	v7 =	vld [tilespmem:$0x440]  }
0xc4: {  	[tilespmem:$0xDE0] =	vst v1;
	v1 =	vsel vm7, v0, v2;
	vm8 =	veq.s32 v3, $0x0;
	v2 =	vld [tilespmem:$0x450]  }
0xc5: {  	[tilespmem:$0xDF0] =	vst v1;
	v1 =	vsel vm8, v0, v3;
	vm9 =	veq.s32 v4, $0x0;
	v3 =	vld [tilespmem:$0x460]  }
0xc6: {  	[tilespmem:$0xE00] =	vst v1;
	v1 =	vsel vm9, v0, v4;
	vm10 =	veq.s32 v5, $0x0;
	v4 =	vld [tilespmem:$0x470]  }
0xc7: {  	[tilespmem:$0xE10] =	vst v1;
	v1 =	vsel vm10, v0, v5;
	vm11 =	veq.s32 v6, $0x0;
	v5 =	vld [tilespmem:$0x480]  }
0xc8: {  	[tilespmem:$0xE20] =	vst v1;
	v1 =	vsel vm11, v0, v6;
	vm12 =	veq.s32 v7, $0x0;
	v6 =	vld [tilespmem:$0x490]  }
0xc9: {  	[tilespmem:$0xE30] =	vst v1;
	v1 =	vsel vm12, v0, v7;
	vm13 =	veq.s32 v2, $0x0;
	v7 =	vld [tilespmem:$0x4A0]  }
0xca: {  	[tilespmem:$0xE40] =	vst v1;
	v1 =	vsel vm13, v0, v2;
	vm14 =	veq.s32 v3, $0x0;
	v2 =	vld [tilespmem:$0x4B0]  }
0xcb: {  	[tilespmem:$0xE50] =	vst v1;
	v1 =	vsel vm14, v0, v3;
	vm15 =	veq.s32 v4, $0x0;
	v3 =	vld [tilespmem:$0x4C0]  }
0xcc: {  	[tilespmem:$0xE60] =	vst v1;
	v1 =	vsel vm15, v0, v4;
	vm4 =	veq.s32 v5, $0x0;
	v4 =	vld [tilespmem:$0x4D0]  }
0xcd: {  	[tilespmem:$0xE70] =	vst v1;
	v1 =	vsel vm4, v0, v5;
	vm5 =	veq.s32 v6, $0x0;
	v5 =	vld [tilespmem:$0x4E0]  }
0xce: {  	[tilespmem:$0xE80] =	vst v1;
	v1 =	vsel vm5, v0, v6;
	vm6 =	veq.s32 v7, $0x0;
	v6 =	vld [tilespmem:$0x4F0]  }
0xcf: {  	[tilespmem:$0xE90] =	vst v1;
	v1 =	vsel vm6, v0, v7;
	vm7 =	veq.s32 v2, $0x0;
	v7 =	vld [tilespmem:$0x500]  }
0xd0: {  	[tilespmem:$0xEA0] =	vst v1;
	v1 =	vsel vm7, v0, v2;
	vm8 =	veq.s32 v3, $0x0;
	v2 =	vld [tilespmem:$0x510]  }
0xd1: {  	[tilespmem:$0xEB0] =	vst v1;
	v1 =	vsel vm8, v0, v3;
	vm9 =	veq.s32 v4, $0x0;
	v3 =	vld [tilespmem:$0x520]  }
0xd2: {  	[tilespmem:$0xEC0] =	vst v1;
	v1 =	vsel vm9, v0, v4;
	vm10 =	veq.s32 v5, $0x0;
	v4 =	vld [tilespmem:$0x530]  }
0xd3: {  	[tilespmem:$0xED0] =	vst v1;
	v1 =	vsel vm10, v0, v5;
	vm11 =	veq.s32 v6, $0x0;
	v5 =	vld [tilespmem:$0x540]  }
0xd4: {  	[tilespmem:$0xEE0] =	vst v1;
	v1 =	vsel vm11, v0, v6;
	vm12 =	veq.s32 v7, $0x0;
	v6 =	vld [tilespmem:$0x550]  }
0xd5: {  	[tilespmem:$0xEF0] =	vst v1;
	v1 =	vsel vm12, v0, v7;
	vm13 =	veq.s32 v2, $0x0;
	v7 =	vld [tilespmem:$0x560]  }
0xd6: {  	[tilespmem:$0xF00] =	vst v1;
	v1 =	vsel vm13, v0, v2;
	vm14 =	veq.s32 v3, $0x0;
	v2 =	vld [tilespmem:$0x570]  }
0xd7: {  	[tilespmem:$0xF10] =	vst v1;
	v1 =	vsel vm14, v0, v3;
	vm15 =	veq.s32 v4, $0x0;
	v3 =	vld [tilespmem:$0x580]  }
0xd8: {  	[tilespmem:$0xF20] =	vst v1;
	v1 =	vsel vm15, v0, v4;
	vm4 =	veq.s32 v5, $0x0;
	v4 =	vld [tilespmem:$0x590]  }
0xd9: {  	[tilespmem:$0xF30] =	vst v1;
	v1 =	vsel vm4, v0, v5;
	vm5 =	veq.s32 v6, $0x0;
	v5 =	vld [tilespmem:$0x5A0]  }
0xda: {  	[tilespmem:$0xF40] =	vst v1;
	v1 =	vsel vm5, v0, v6;
	vm6 =	veq.s32 v7, $0x0;
	v6 =	vld [tilespmem:$0x5B0]  }
0xdb: {  	[tilespmem:$0xF50] =	vst v1;
	v1 =	vsel vm6, v0, v7;
	vm7 =	veq.s32 v2, $0x0;
	v7 =	vld [tilespmem:$0x5C0]  }
0xdc: {  	[tilespmem:$0xF60] =	vst v1;
	v1 =	vsel vm7, v0, v2;
	vm8 =	veq.s32 v3, $0x0;
	v2 =	vld [tilespmem:$0x5D0]  }
0xdd: {  	[tilespmem:$0xF70] =	vst v1;
	v1 =	vsel vm8, v0, v3;
	vm9 =	veq.s32 v4, $0x0;
	v3 =	vld [tilespmem:$0x5E0]  }
0xde: {  	[tilespmem:$0xF80] =	vst v1;
	v1 =	vsel vm9, v0, v4;
	vm10 =	veq.s32 v5, $0x0;
	v4 =	vld [tilespmem:$0x5F0]  }
0xdf: {  	[tilespmem:$0xF90] =	vst v1;
	v1 =	vsel vm10, v0, v5;
	vm11 =	veq.s32 v6, $0x0;
	v5 =	vld [tilespmem:$0x600]  }
0xe0: {  	[tilespmem:$0xFA0] =	vst v1;
	v1 =	vsel vm11, v0, v6;
	vm12 =	veq.s32 v7, $0x0;
	v6 =	vld [tilespmem:$0x610]  }
0xe1: {  	[tilespmem:$0xFB0] =	vst v1;
	v1 =	vsel vm12, v0, v7;
	vm13 =	veq.s32 v2, $0x0;
	v7 =	vld [tilespmem:$0x620]  }
0xe2: {  	[tilespmem:$0xFC0] =	vst v1;
	v1 =	vsel vm13, v0, v2;
	vm14 =	veq.s32 v3, $0x0;
	v2 =	vld [tilespmem:$0x630]  }
0xe3: {  	[tilespmem:$0xFD0] =	vst v1;
	v1 =	vsel vm14, v0, v3;
	vm15 =	veq.s32 v4, $0x0;
	v3 =	vld [tilespmem:$0x640]  }
0xe4: {  	[tilespmem:$0xFE0] =	vst v1;
	v1 =	vsel vm15, v0, v4;
	vm4 =	veq.s32 v5, $0x0;
	v4 =	vld [tilespmem:$0x650]  }
0xe5: {  	[tilespmem:$0xFF0] =	vst v1;
	v1 =	vsel vm4, v0, v5;
	vm5 =	veq.s32 v6, $0x0;
	v5 =	vld [tilespmem:$0x660]  }
0xe6: {  	[tilespmem:$0x1000] =	vst v1;
	v1 =	vsel vm5, v0, v6;
	vm6 =	veq.s32 v7, $0x0;
	v6 =	vld [tilespmem:$0x670]  }
0xe7: {  	[tilespmem:$0x1010] =	vst v1;
	v1 =	vsel vm6, v0, v7;
	vm7 =	veq.s32 v2, $0x0;
	v7 =	vld [tilespmem:$0x680]  }
0xe8: {  	[tilespmem:$0x1020] =	vst v1;
	v1 =	vsel vm7, v0, v2;
	vm8 =	veq.s32 v3, $0x0;
	v2 =	vld [tilespmem:$0x690]  }
0xe9: {  	[tilespmem:$0x1030] =	vst v1;
	v1 =	vsel vm8, v0, v3;
	vm9 =	veq.s32 v4, $0x0;
	v3 =	vld [tilespmem:$0x6A0]  }
0xea: {  	[tilespmem:$0x1040] =	vst v1;
	v1 =	vsel vm9, v0, v4;
	vm10 =	veq.s32 v5, $0x0;
	v4 =	vld [tilespmem:$0x6B0]  }
0xeb: {  	[tilespmem:$0x1050] =	vst v1;
	v1 =	vsel vm10, v0, v5;
	vm11 =	veq.s32 v6, $0x0;
	v5 =	vld [tilespmem:$0x6C0]  }
0xec: {  	[tilespmem:$0x1060] =	vst v1;
	v1 =	vsel vm11, v0, v6;
	vm12 =	veq.s32 v7, $0x0;
	v6 =	vld [tilespmem:$0x6D0]  }
0xed: {  	[tilespmem:$0x1070] =	vst v1;
	v1 =	vsel vm12, v0, v7;
	vm13 =	veq.s32 v2, $0x0;
	v7 =	vld [tilespmem:$0x6E0]  }
0xee: {  	[tilespmem:$0x1080] =	vst v1;
	v1 =	vsel vm13, v0, v2;
	vm14 =	veq.s32 v3, $0x0;
	v2 =	vld [tilespmem:$0x6F0]  }
0xef: {  	[tilespmem:$0x1090] =	vst v1;
	v1 =	vsel vm14, v0, v3;
	vm15 =	veq.s32 v4, $0x0;
	v3 =	vld [tilespmem:$0x700]  }
0xf0: {  	[tilespmem:$0x10A0] =	vst v1;
	v1 =	vsel vm15, v0, v4;
	vm4 =	veq.s32 v5, $0x0;
	v4 =	vld [tilespmem:$0x710]  }
0xf1: {  	[tilespmem:$0x10B0] =	vst v1;
	v1 =	vsel vm4, v0, v5;
	vm5 =	veq.s32 v6, $0x0;
	v5 =	vld [tilespmem:$0x720]  }
0xf2: {  	[tilespmem:$0x10C0] =	vst v1;
	v1 =	vsel vm5, v0, v6;
	vm6 =	veq.s32 v7, $0x0;
	v6 =	vld [tilespmem:$0x730]  }
0xf3: {  	[tilespmem:$0x10D0] =	vst v1;
	v1 =	vsel vm6, v0, v7;
	vm7 =	veq.s32 v2, $0x0;
	v7 =	vld [tilespmem:$0x740]  }
0xf4: {  	[tilespmem:$0x10E0] =	vst v1;
	v1 =	vsel vm7, v0, v2;
	vm8 =	veq.s32 v3, $0x0;
	v2 =	vld [tilespmem:$0x750]  }
0xf5: {  	[tilespmem:$0x10F0] =	vst v1;
	v1 =	vsel vm8, v0, v3;
	vm9 =	veq.s32 v4, $0x0;
	v3 =	vld [tilespmem:$0x760]  }
0xf6: {  	[tilespmem:$0x1100] =	vst v1;
	v1 =	vsel vm9, v0, v4;
	vm10 =	veq.s32 v5, $0x0;
	v4 =	vld [tilespmem:$0x770]  }
0xf7: {  	[tilespmem:$0x1110] =	vst v1;
	v1 =	vsel vm10, v0, v5;
	vm11 =	veq.s32 v6, $0x0;
	v5 =	vld [tilespmem:$0x780]  }
0xf8: {  	[tilespmem:$0x1120] =	vst v1;
	v1 =	vsel vm11, v0, v6;
	vm12 =	veq.s32 v7, $0x0;
	v6 =	vld [tilespmem:$0x790]  }
0xf9: {  	[tilespmem:$0x1130] =	vst v1;
	v1 =	vsel vm12, v0, v7;
	vm13 =	veq.s32 v2, $0x0;
	v7 =	vld [tilespmem:$0x7A0]  }
0xfa: {  	[tilespmem:$0x1140] =	vst v1;
	v1 =	vsel vm13, v0, v2;
	vm14 =	veq.s32 v3, $0x0;
	v2 =	vld [tilespmem:$0x7B0]  }
0xfb: {  	[tilespmem:$0x1150] =	vst v1;
	v1 =	vsel vm14, v0, v3;
	vm15 =	veq.s32 v4, $0x0;
	v3 =	vld [tilespmem:$0x7C0]  }
0xfc: {  	[tilespmem:$0x1160] =	vst v1;
	v1 =	vsel vm15, v0, v4;
	vm4 =	veq.s32 v5, $0x0;
	v4 =	vld [tilespmem:$0x7D0]  }
0xfd: {  	[tilespmem:$0x1170] =	vst v1;
	v1 =	vsel vm4, v0, v5;
	vm5 =	veq.s32 v6, $0x0;
	v5 =	vld [tilespmem:$0x7E0]  }
0xfe: {  	[tilespmem:$0x1180] =	vst v1;
	v1 =	vsel vm5, v0, v6;
	vm6 =	veq.s32 v7, $0x0;
	v6 =	vld [tilespmem:$0x7F0]  }
0xff: {  	[tilespmem:$0x1190] =	vst v1;
	v1 =	vsel vm6, v0, v7;
	vm7 =	veq.s32 v2, $0x0;
	v7 =	vld [tilespmem:$0x800]  }
0x100: {  	[tilespmem:$0x11A0] =	vst v1;
	v1 =	vsel vm7, v0, v2;
	vm8 =	veq.s32 v3, $0x0;
	v2 =	vld [tilespmem:$0x810]  }
0x101: {  	[tilespmem:$0x11B0] =	vst v1;
	v1 =	vsel vm8, v0, v3;
	vm9 =	veq.s32 v4, $0x0;
	v3 =	vld [tilespmem:$0x820]  }
0x102: {  	[tilespmem:$0x11C0] =	vst v1;
	v1 =	vsel vm9, v0, v4;
	vm10 =	veq.s32 v5, $0x0;
	v4 =	vld [tilespmem:$0x830]  }
0x103: {  	[tilespmem:$0x11D0] =	vst v1;
	v1 =	vsel vm10, v0, v5;
	vm11 =	veq.s32 v6, $0x0;
	v5 =	vld [tilespmem:$0x840]  }
0x104: {  	[tilespmem:$0x11E0] =	vst v1;
	v1 =	vsel vm11, v0, v6;
	vm12 =	veq.s32 v7, $0x0;
	v6 =	vld [tilespmem:$0x850]  }
0x105: {  	[tilespmem:$0x11F0] =	vst v1;
	v1 =	vsel vm12, v0, v7;
	vm13 =	veq.s32 v2, $0x0;
	v7 =	vld [tilespmem:$0x860]  }
0x106: {  	[tilespmem:$0x1200] =	vst v1;
	v1 =	vsel vm13, v0, v2;
	vm14 =	veq.s32 v3, $0x0;
	v2 =	vld [tilespmem:$0x870]  }
0x107: {  	[tilespmem:$0x1210] =	vst v1;
	v1 =	vsel vm14, v0, v3;
	vm15 =	veq.s32 v4, $0x0;
	v3 =	vld [tilespmem:$0x880]  }
0x108: {  	[tilespmem:$0x1220] =	vst v1;
	v1 =	vsel vm15, v0, v4;
	vm4 =	veq.s32 v5, $0x0;
	v4 =	vld [tilespmem:$0x890]  }
0x109: {  	[tilespmem:$0x1230] =	vst v1;
	v1 =	vsel vm4, v0, v5;
	vm5 =	veq.s32 v6, $0x0;
	v5 =	vld [tilespmem:$0x8A0]  }
0x10a: {  	[tilespmem:$0x1240] =	vst v1;
	v1 =	vsel vm5, v0, v6;
	vm6 =	veq.s32 v7, $0x0;
	v6 =	vld [tilespmem:$0x8B0]  }
0x10b: {  	[tilespmem:$0x1250] =	vst v1;
	v1 =	vsel vm6, v0, v7;
	vm7 =	veq.s32 v2, $0x0;
	v7 =	vld [tilespmem:$0x8C0]  }
0x10c: {  	[tilespmem:$0x1260] =	vst v1;
	v1 =	vsel vm7, v0, v2;
	vm8 =	veq.s32 v3, $0x0;
	v2 =	vld [tilespmem:$0x8D0]  }
0x10d: {  	[tilespmem:$0x1270] =	vst v1;
	v1 =	vsel vm8, v0, v3;
	vm9 =	veq.s32 v4, $0x0;
	v3 =	vld [tilespmem:$0x8E0]  }
0x10e: {  	[tilespmem:$0x1280] =	vst v1;
	v1 =	vsel vm9, v0, v4;
	vm10 =	veq.s32 v5, $0x0;
	v4 =	vld [tilespmem:$0x8F0]  }
0x10f: {  	[tilespmem:$0x1290] =	vst v1;
	v1 =	vsel vm10, v0, v5;
	vm11 =	veq.s32 v6, $0x0;
	v5 =	vld [tilespmem:$0x900]  }
0x110: {  	[tilespmem:$0x12A0] =	vst v1;
	v1 =	vsel vm11, v0, v6;
	vm12 =	veq.s32 v7, $0x0;
	v6 =	vld [tilespmem:$0x910]  }
0x111: {  	[tilespmem:$0x12B0] =	vst v1;
	v1 =	vsel vm12, v0, v7;
	vm13 =	veq.s32 v2, $0x0;
	v7 =	vld [tilespmem:$0x920]  }
0x112: {  	[tilespmem:$0x12C0] =	vst v1;
	v1 =	vsel vm13, v0, v2;
	vm14 =	veq.s32 v3, $0x0;
	v2 =	vld [tilespmem:$0x930]  }
0x113: {  	[tilespmem:$0x12D0] =	vst v1;
	v1 =	vsel vm14, v0, v3;
	vm15 =	veq.s32 v4, $0x0;
	v3 =	vld [tilespmem:$0x940]  }
0x114: {  	[tilespmem:$0x12E0] =	vst v1;
	v1 =	vsel vm15, v0, v4;
	vm4 =	veq.s32 v5, $0x0;
	v4 =	vld [tilespmem:$0x950]  }
0x115: {  	[tilespmem:$0x12F0] =	vst v1;
	v1 =	vsel vm4, v0, v5;
	vm5 =	veq.s32 v6, $0x0;
	v5 =	vld [tilespmem:$0x960]  }
0x116: {  	[tilespmem:$0x1300] =	vst v1;
	v1 =	vsel vm5, v0, v6;
	vm6 =	veq.s32 v7, $0x0;
	v6 =	vld [tilespmem:$0x970]  }
0x117: {  	[tilespmem:$0x1310] =	vst v1;
	v1 =	vsel vm6, v0, v7;
	vm7 =	veq.s32 v2, $0x0;
	v7 =	vld [tilespmem:$0x980]  }
0x118: {  	[tilespmem:$0x1320] =	vst v1;
	v1 =	vsel vm7, v0, v2;
	vm8 =	veq.s32 v3, $0x0;
	v2 =	vld [tilespmem:$0x990]  }
0x119: {  	[tilespmem:$0x1330] =	vst v1;
	v1 =	vsel vm8, v0, v3;
	vm9 =	veq.s32 v4, $0x0;
	v3 =	vld [tilespmem:$0x9A0]  }
0x11a: {  	[tilespmem:$0x1340] =	vst v1;
	v1 =	vsel vm9, v0, v4;
	vm10 =	veq.s32 v5, $0x0;
	v4 =	vld [tilespmem:$0x9B0]  }
0x11b: {  	[tilespmem:$0x1350] =	vst v1;
	v1 =	vsel vm10, v0, v5;
	vm11 =	veq.s32 v6, $0x0;
	v5 =	vld [tilespmem:$0x9C0]  }
0x11c: {  	[tilespmem:$0x1360] =	vst v1;
	v1 =	vsel vm11, v0, v6;
	vm12 =	veq.s32 v7, $0x0;
	v6 =	vld [tilespmem:$0x9D0]  }
0x11d: {  	[tilespmem:$0x1370] =	vst v1;
	v1 =	vsel vm12, v0, v7;
	vm13 =	veq.s32 v2, $0x0;
	v7 =	vld [tilespmem:$0x9E0]  }
0x11e: {  	[tilespmem:$0x1380] =	vst v1;
	v1 =	vsel vm13, v0, v2;
	vm14 =	veq.s32 v3, $0x0;
	v2 =	vld [tilespmem:$0x9F0]  }
0x11f: {  	[tilespmem:$0x1390] =	vst v1;
	v1 =	vsel vm14, v0, v3;
	vm15 =	veq.s32 v4, $0x0;
	v3 =	vld [tilespmem:$0xA00]  }
0x120: {  	[tilespmem:$0x13A0] =	vst v1;
	v1 =	vsel vm15, v0, v4;
	vm4 =	veq.s32 v5, $0x0;
	v4 =	vld [tilespmem:$0xA10]  }
0x121: {  	[tilespmem:$0x13B0] =	vst v1;
	v1 =	vsel vm4, v0, v5;
	vm5 =	veq.s32 v6, $0x0;
	v5 =	vld [tilespmem:$0xA20]  }
0x122: {  	[tilespmem:$0x13C0] =	vst v1;
	v1 =	vsel vm5, v0, v6;
	vm6 =	veq.s32 v7, $0x0;
	v6 =	vld [tilespmem:$0xA30]  }
0x123: {  	[tilespmem:$0x13D0] =	vst v1;
	v1 =	vsel vm6, v0, v7;
	vm7 =	veq.s32 v2, $0x0;
	v7 =	vld [tilespmem:$0xA40]  }
0x124: {  	[tilespmem:$0x13E0] =	vst v1;
	v1 =	vsel vm7, v0, v2;
	vm8 =	veq.s32 v3, $0x0;
	v2 =	vld [tilespmem:$0xA50]  }
0x125: {  	[tilespmem:$0x13F0] =	vst v1;
	v1 =	vsel vm8, v0, v3;
	vm9 =	veq.s32 v4, $0x0;
	v3 =	vld [tilespmem:$0xA60]  }
0x126: {  	[tilespmem:$0x1400] =	vst v1;
	v1 =	vsel vm9, v0, v4;
	vm10 =	veq.s32 v5, $0x0;
	v4 =	vld [tilespmem:$0xA70]  }
0x127: {  	[tilespmem:$0x1410] =	vst v1;
	v1 =	vsel vm10, v0, v5;
	vm11 =	veq.s32 v6, $0x0;
	v5 =	vld [tilespmem:$0xA80]  }
0x128: {  	[tilespmem:$0x1420] =	vst v1;
	v1 =	vsel vm11, v0, v6;
	vm12 =	veq.s32 v7, $0x0;
	v6 =	vld [tilespmem:$0xA90]  }
0x129: {  	[tilespmem:$0x1430] =	vst v1;
	v1 =	vsel vm12, v0, v7;
	vm13 =	veq.s32 v2, $0x0;
	v7 =	vld [tilespmem:$0xAA0]  }
0x12a: {  	[tilespmem:$0x1440] =	vst v1;
	v1 =	vsel vm13, v0, v2;
	vm14 =	veq.s32 v3, $0x0;
	v2 =	vld [tilespmem:$0xAB0]  }
0x12b: {  	[tilespmem:$0x1450] =	vst v1;
	v1 =	vsel vm14, v0, v3;
	vm15 =	veq.s32 v4, $0x0;
	v3 =	vld [tilespmem:$0xAC0]  }
0x12c: {  	[tilespmem:$0x1460] =	vst v1;
	v1 =	vsel vm15, v0, v4;
	vm4 =	veq.s32 v5, $0x0;
	v4 =	vld [tilespmem:$0xAD0]  }
0x12d: {  	[tilespmem:$0x1470] =	vst v1;
	v1 =	vsel vm4, v0, v5;
	vm5 =	veq.s32 v6, $0x0;
	v5 =	vld [tilespmem:$0xAE0]  }
0x12e: {  	[tilespmem:$0x1480] =	vst v1;
	v1 =	vsel vm5, v0, v6;
	vm6 =	veq.s32 v7, $0x0;
	v6 =	vld [tilespmem:$0xAF0]  }
0x12f: {  	[tilespmem:$0x1490] =	vst v1;
	v1 =	vsel vm6, v0, v7;
	vm7 =	veq.s32 v2, $0x0;
	v7 =	vld [tilespmem:$0xB00]  }
0x130: {  	[tilespmem:$0x14A0] =	vst v1;
	v1 =	vsel vm7, v0, v2;
	vm8 =	veq.s32 v3, $0x0;
	v2 =	vld [tilespmem:$0xB10]  }
0x131: {  	[tilespmem:$0x14B0] =	vst v1;
	v1 =	vsel vm8, v0, v3;
	vm9 =	veq.s32 v4, $0x0;
	v3 =	vld [tilespmem:$0xB20]  }
0x132: {  	[tilespmem:$0x14C0] =	vst v1;
	v1 =	vsel vm9, v0, v4;
	vm10 =	veq.s32 v5, $0x0;
	v4 =	vld [tilespmem:$0xB30]  }
0x133: {  	[tilespmem:$0x14D0] =	vst v1;
	v1 =	vsel vm10, v0, v5;
	vm11 =	veq.s32 v6, $0x0;
	v5 =	vld [tilespmem:$0xB40]  }
0x134: {  	[tilespmem:$0x14E0] =	vst v1;
	v1 =	vsel vm11, v0, v6;
	vm12 =	veq.s32 v7, $0x0;
	v6 =	vld [tilespmem:$0xB50]  }
0x135: {  	[tilespmem:$0x14F0] =	vst v1;
	v1 =	vsel vm12, v0, v7;
	vm13 =	veq.s32 v2, $0x0;
	v7 =	vld [tilespmem:$0xB60]  }
0x136: {  	[tilespmem:$0x1500] =	vst v1;
	v1 =	vsel vm13, v0, v2;
	vm14 =	veq.s32 v3, $0x0;
	v2 =	vld [tilespmem:$0xB70]  }
0x137: {  	[tilespmem:$0x1510] =	vst v1;
	v1 =	vsel vm14, v0, v3;
	vm15 =	veq.s32 v4, $0x0;
	v3 =	vld [tilespmem:$0xB80]  }
0x138: {  	[tilespmem:$0x1520] =	vst v1;
	v1 =	vsel vm15, v0, v4;
	vm4 =	veq.s32 v5, $0x0;
	v4 =	vld [tilespmem:$0xB90]  }
0x139: {  	[tilespmem:$0x1530] =	vst v1;
	v1 =	vsel vm4, v0, v5;
	vm5 =	veq.s32 v6, $0x0;
	v5 =	vld [tilespmem:$0xBA0]  }
0x13a: {  	[tilespmem:$0x1540] =	vst v1;
	v1 =	vsel vm5, v0, v6;
	vm6 =	veq.s32 v7, $0x0;
	v6 =	vld [tilespmem:$0xBB0]  }
0x13b: {  	[tilespmem:$0x1550] =	vst v1;
	v1 =	vsel vm6, v0, v7;
	vm7 =	veq.s32 v2, $0x0;
	v7 =	vld [tilespmem:$0xBC0]  }
0x13c: {  	[tilespmem:$0x1560] =	vst v1;
	v1 =	vsel vm7, v0, v2;
	vm8 =	veq.s32 v3, $0x0;
	v2 =	vld [tilespmem:$0xBD0]  }
0x13d: {  	[tilespmem:$0x1570] =	vst v1;
	v1 =	vsel vm8, v0, v3;
	vm9 =	veq.s32 v4, $0x0;
	v3 =	vld [tilespmem:$0xBE0]  }
0x13e: {  	[tilespmem:$0x1580] =	vst v1;
	v1 =	vsel vm9, v0, v4;
	vm10 =	veq.s32 v5, $0x0;
	v4 =	vld [tilespmem:$0xBF0]  }
0x13f: {  	[tilespmem:$0x1590] =	vst v1;
	v1 =	vsel vm10, v0, v5;
	vm11 =	veq.s32 v6, $0x0  }
0x140: {  	[tilespmem:$0x15A0] =	vst v1;
	v1 =	vsel vm11, v0, v6;
	vm12 =	veq.s32 v7, $0x0  }
0x141: {  	[tilespmem:$0x15B0] =	vst v1;
	v1 =	vsel vm12, v0, v7;
	vm13 =	veq.s32 v2, $0x0  }
0x142: {  	[tilespmem:$0x15C0] =	vst v1;
	v1 =	vsel vm13, v0, v2;
	vm14 =	veq.s32 v3, $0x0  }
0x143: {  	[tilespmem:$0x15D0] =	vst v1;
	v1 =	vsel vm14, v0, v3;
	vm15 =	veq.s32 v4, $0x0  }
0x144: {  	[tilespmem:$0x15E0] =	vst v1;
	v1 =	vsel vm15, v0, v4  }
0x145: {  	s25 =	simm.s32 $0xC00;
	[tilespmem:$0x15F0] =	vst v1  }
0x146: {  	[tilespmem:s16], [sflag:$0x3] =	stream.indirect.gather [hbm4b:s4+s8], $0x40, s25, s8, $0xb8;
	[tilespmem:$0x1D600] =	vst v63  }
0x147: {  	s26 =	simm.s32 $0xC80  }
0x148: {  	[tilespmem:s17], [sflag:$0x3] =	stream.indirect.gather [hbm4b:s4+s8], $0x40, s26, s8, $0xb8;
	[tilespmem:$0x1D600] =	vst v63  }
0x149: {  	s25 =	simm.s32 $0xD00  }
0x14a: {  	[tilespmem:s9], [sflag:$0x3] =	stream.indirect.gather [hbm4b:s4+s8], $0x40, s25, s8, $0xb8;
	[tilespmem:$0x1D600] =	vst v63  }
0x14b: {  	s26 =	simm.s32 $0xD80  }
0x14c: {  	[tilespmem:s18], [sflag:$0x3] =	stream.indirect.gather [hbm4b:s4+s8], $0x40, s26, s8, $0xb8;
	[tilespmem:$0x1D600] =	vst v63  }
0x14d: {  	s25 =	simm.s32 $0xE00  }
0x14e: {  	[tilespmem:s10], [sflag:$0x3] =	stream.indirect.gather [hbm4b:s4+s8], $0x40, s25, s8, $0xb8;
	[tilespmem:$0x1D600] =	vst v63  }
0x14f: {  	_ =	swait.ge [sflag:s11], $0x2000  }
0x150: {  	[sflag:s11] =	ssyncset.done $0x0  }
0x151: {  	[sflag:s11] =	ssyncadd.s32 $0xFFFFE000  }
0x152: {  	_ =	swait.ge [sflag:s11], $0x2000  }
0x153: {  	[sflag:s11] =	ssyncset.done $0x0  }
0x154: {  	[sflag:s11] =	ssyncadd.s32 $0xFFFFE000  }
0x155: {  	_ =	swait.ge [sflag:s11], $0x2000  }
0x156: {  	[sflag:s11] =	ssyncset.done $0x0  }
0x157: {  	[sflag:s11] =	ssyncadd.s32 $0xFFFFE000  }
0x158: {  	_ =	swait.ge [sflag:s11], $0x2000  }
0x159: {  	[sflag:s11] =	ssyncset.done $0x0  }
0x15a: {  	[sflag:s11] =	ssyncadd.s32 $0xFFFFE000  }
0x15b: {  	_ =	swait.ge [sflag:s11], $0x2000  }
0x15c: {  	[sflag:s11] =	ssyncset.done $0x0  }
0x15d: {  	s26 =	simm.s32 $0xE80;
	[sflag:s11] =	ssyncadd.s32 $0xFFFFE000  }
0x15e: {  	[tilespmem:s19], [sflag:$0x3] =	stream.indirect.gather [hbm4b:s4+s8], $0x40, s26, s8, $0xb8;
	[tilespmem:$0x1D600] =	vst v63  }
0x15f: {  	s25 =	simm.s32 $0xF00  }
0x160: {  	[tilespmem:s12], [sflag:$0x3] =	stream.indirect.gather [hbm4b:s4+s8], $0x40, s25, s8, $0xb8;
	[tilespmem:$0x1D600] =	vst v63  }
0x161: {  	s26 =	simm.s32 $0xF80  }
0x162: {  	[tilespmem:s20], [sflag:$0x3] =	stream.indirect.gather [hbm4b:s4+s8], $0x40, s26, s8, $0xb8;
	[tilespmem:$0x1D600] =	vst v63  }
0x163: {  	s25 =	simm.s32 $0x1000  }
0x164: {  	[tilespmem:s13], [sflag:$0x3] =	stream.indirect.gather [hbm4b:s4+s8], $0x40, s25, s8, $0xb8;
	[tilespmem:$0x1D600] =	vst v63  }
0x165: {  	s26 =	simm.s32 $0x1080  }
0x166: {  	[tilespmem:s14], [sflag:$0x3] =	stream.indirect.gather [hbm4b:s4+s8], $0x40, s26, s8, $0xb8;
	[tilespmem:$0x1D600] =	vst v63  }
0x167: {  	_ =	swait.ge [sflag:s21], $0x2000  }
0x168: {  	[sflag:s21] =	ssyncset.done $0x0  }
0x169: {  	s24 =	simm.s32 $0x0;
	[sflag:s21] =	ssyncadd.s32 $0xFFFFE000  }
0x16a: {  	v2 =	vld [tilespmem:s24+$0x11600]  }
0x16b: {  	v1 =	vld [tilespmem:s24+$0x11610]  }
0x16c: {  	v3 =	vld [tilespmem:s24+$0x9600]  }
0x16d: {  	v4 =	vld [tilespmem:s24+$0xB600]  }
0x16e: {  	v5 =	vld [tilespmem:s24+$0xD600]  }
0x16f: {  	v7 =	vld [tilespmem:s24+$0xF600]  }
0x170: {  	v6 =	vld [tilespmem:s24+$0x9610]  }
0x171: {  	v8 =	vld [tilespmem:s24+$0xB610]  }
0x172: {  	v10 =	vld [tilespmem:s24+$0xD610]  }
0x173: {  	v14 =	vld [tilespmem:s24+$0xF610]  }
0x174: {  	v9 =	vld [tilespmem:s24+$0x9620]  }
0x175: {  	v12 =	vld [tilespmem:s24+$0xB620]  }
0x176: {  	v15 =	vld [tilespmem:s24+$0xD620]  }
0x177: {  	v17 =	vld [tilespmem:s24+$0xF620]  }
0x178: {  	v13 =	vld [tilespmem:s24+$0x9630]  }
0x179: {  	v16 =	vld [tilespmem:s24+$0xB630]  }
0x17a: {  	s25 =	simm.s32 $0x100;
	v11 =	vld [tilespmem:s24+$0xD630]  }
.LBB2_2:
0x17b: {  	p0 =	sne.s32 s25, $0x7F00;
	v18 =	vld [tilespmem:s24+$0xF630]  }
0x17c: {  	v3 =	vadd.f32 v4, v3;
	v4 =	vadd.f32 v7, v5;
	v5 =	vld [tilespmem:s24+$0x11620]  }
0x17d: {  	v6 =	vadd.f32 v8, v6;
	v7 =	vadd.f32 v14, v10;
	v8 =	vld [tilespmem:s24+$0x11630]  }
0x17e: {  	v9 =	vadd.f32 v12, v9;
	v12 =	vadd.f32 v17, v15;
	v10 =	vld [tilespmem:s24+$0x1600]  }
0x17f: {  	v3 =	vadd.f32 v4, v3;
	v13 =	vadd.f32 v16, v13;
	v4 =	vld [tilespmem:s24+$0x1610]  }
0x180: {  	v6 =	vadd.f32 v7, v6;
	v7 =	vld [tilespmem:s24+$0x1620];
	v11 =	vadd.f32 v18, v11  }
0x181: {  	s26 =	sshra.s32 s25, $0x2;
	v9 =	vadd.f32 v12, v9;
	v3 =	vadd.f32 v3, v2;
	v12 =	vld [tilespmem:s24+$0x1630]  }
0x182: {  	v6 =	vadd.f32 v6, v1;
	v2 =	vld [tilespmem:s26+$0x11600];
	v11 =	vadd.f32 v11, v13  }
0x183: {  	v5 =	vadd.f32 v9, v5;
	v1 =	vld [tilespmem:s26+$0x11610];
	v10 =	vadd.f32 v3, v10  }
0x184: {  	v3 =	vld [tilespmem:s26+$0x9600];
	v6 =	vadd.f32 v6, v4;
	v8 =	vadd.f32 v11, v8  }
0x185: {  	v4 =	vld [tilespmem:s26+$0xB600];
	[tilespmem:s24+$0x1600] =	vst v10;
	v9 =	vadd.f32 v5, v7  }
0x186: {  	v5 =	vld [tilespmem:s26+$0xD600];
	[tilespmem:s24+$0x1610] =	vst v6;
	v8 =	vadd.f32 v8, v12  }
0x187: {  	v7 =	vld [tilespmem:s26+$0xF600];
	[tilespmem:s24+$0x1620] =	vst v9  }
0x188: {  	v6 =	vld [tilespmem:s26+$0x9610];
	[tilespmem:s24+$0x1630] =	vst v8;
	s24 =	smov.u32 s26  }
0x189: {  	v8 =	vld [tilespmem:s24+$0xB610]  }
0x18a: {  	v10 =	vld [tilespmem:s24+$0xD610]  }
0x18b: {  	v14 =	vld [tilespmem:s24+$0xF610]  }
0x18c: {  	v9 =	vld [tilespmem:s24+$0x9620]  }
0x18d: {  	v12 =	vld [tilespmem:s24+$0xB620]  }
.Ltmp0:
0x18e: {  	v15 =	vld [tilespmem:s24+$0xD620];
	(pc) =	sbr.rel @p0 .LBB2_2-.Ltmp0, $4  }
0x18f: {  	v17 =	vld [tilespmem:s24+$0xF620]  }
0x190: {  	v13 =	vld [tilespmem:s24+$0x9630]  }
0x191: {  	v16 =	vld [tilespmem:s24+$0xB630]  }
0x192: {  	s25 =	sadd.s32 $0x100, s25;
	v11 =	vld [tilespmem:s24+$0xD630]  }
0x193: {  	v18 =	vld [tilespmem:s24+$0xF630]  }
0x194: {  	v3 =	vadd.f32 v4, v3;
	v4 =	vadd.f32 v7, v5;
	v5 =	vld [tilespmem:s24+$0x11620]  }
0x195: {  	v6 =	vadd.f32 v8, v6;
	v7 =	vadd.f32 v14, v10;
	v8 =	vld [tilespmem:s24+$0x11630]  }
0x196: {  	v10 =	vld [tilespmem:s24+$0x1600];
	v9 =	vadd.f32 v12, v9;
	v12 =	vadd.f32 v17, v15  }
0x197: {  	v3 =	vadd.f32 v4, v3;
	v4 =	vld [tilespmem:s24+$0x1610];
	v6 =	vadd.f32 v7, v6  }
0x198: {  	v7 =	vld [tilespmem:s24+$0x1620];
	v13 =	vadd.f32 v16, v13;
	v11 =	vadd.f32 v18, v11  }
0x199: {  	v2 =	vadd.f32 v3, v2;
	v3 =	vadd.f32 v12, v9;
	v9 =	vld [tilespmem:s24+$0x1630]  }
0x19a: {  	v1 =	vadd.f32 v6, v1;
	v6 =	vadd.f32 v11, v13  }
0x19b: {  	v2 =	vadd.f32 v2, v10;
	v3 =	vadd.f32 v3, v5  }
0x19c: {  	v1 =	vadd.f32 v1, v4;
	v4 =	vadd.f32 v6, v8  }
0x19d: {  	[tilespmem:s24+$0x1600] =	vst v2;
	v2 =	vadd.f32 v3, v7  }
0x19e: {  	[tilespmem:s24+$0x1610] =	vst v1;
	v1 =	vadd.f32 v4, v9  }
0x19f: {  	[tilespmem:s24+$0x1620] =	vst v2  }
0x1a0: {  	s25 =	rddreg [dreg:$0x12];
	s26 =	simm.s32 $0x1600;
	[tilespmem:s24+$0x1630] =	vst v1;
	s24 =	simm.s32 $0x0  }
0x1a1: {  	[hbm4b:s25+s24] =	stream.linear.scatter [tilespmem:s26], [sflag:$0x4], $0x2000, $0x38;
	[tilespmem:$0x1D600] =	vst v63  }
0x1a2: {  	_ =	swait.ge [sflag:s11], $0x2000  }
0x1a3: {  	[sflag:s11] =	ssyncset.done $0x0  }
0x1a4: {  	[sflag:s11] =	ssyncadd.s32 $0xFFFFE000  }
0x1a5: {  	_ =	swait.ge [sflag:s11], $0x2000  }
0x1a6: {  	[sflag:s11] =	ssyncset.done $0x0  }
0x1a7: {  	[sflag:s11] =	ssyncadd.s32 $0xFFFFE000  }
0x1a8: {  	_ =	swait.ge [sflag:s11], $0x2000  }
0x1a9: {  	[sflag:s11] =	ssyncset.done $0x0  }
0x1aa: {  	[sflag:s11] =	ssyncadd.s32 $0xFFFFE000  }
0x1ab: {  	_ =	swait.ge [sflag:s11], $0x2000  }
0x1ac: {  	[sflag:s11] =	ssyncset.done $0x0  }
0x1ad: {  	[sflag:s11] =	ssyncadd.s32 $0xFFFFE000  }
0x1ae: {  	_ =	swait.ge [sflag:s11], $0x2000  }
0x1af: {  	[sflag:s11] =	ssyncset.done $0x0  }
0x1b0: {  	s26 =	simm.s32 $0x1100;
	[sflag:s11] =	ssyncadd.s32 $0xFFFFE000  }
0x1b1: {  	[tilespmem:s16], [sflag:$0x3] =	stream.indirect.gather [hbm4b:s4+s8], $0x40, s26, s8, $0xb8;
	[tilespmem:$0x1D600] =	vst v63  }
0x1b2: {  	s25 =	simm.s32 $0x1180  }
0x1b3: {  	[tilespmem:s17], [sflag:$0x3] =	stream.indirect.gather [hbm4b:s4+s8], $0x40, s25, s8, $0xb8;
	[tilespmem:$0x1D600] =	vst v63  }
0x1b4: {  	s26 =	simm.s32 $0x1200  }
0x1b5: {  	[tilespmem:s9], [sflag:$0x3] =	stream.indirect.gather [hbm4b:s4+s8], $0x40, s26, s8, $0xb8;
	[tilespmem:$0x1D600] =	vst v63  }
0x1b6: {  	s25 =	simm.s32 $0x1280  }
0x1b7: {  	[tilespmem:s18], [sflag:$0x3] =	stream.indirect.gather [hbm4b:s4+s8], $0x40, s25, s8, $0xb8;
	[tilespmem:$0x1D600] =	vst v63  }
0x1b8: {  	s26 =	simm.s32 $0x1300  }
0x1b9: {  	[tilespmem:s10], [sflag:$0x3] =	stream.indirect.gather [hbm4b:s4+s8], $0x40, s26, s8, $0xb8;
	[tilespmem:$0x1D600] =	vst v63  }
0x1ba: {  	_ =	swait.ge [sflag:s21], $0x2000  }
0x1bb: {  	[sflag:s21] =	ssyncset.done $0x0  }
0x1bc: {  	s24 =	simm.s32 $0x0;
	[sflag:s21] =	ssyncadd.s32 $0xFFFFE000  }
0x1bd: {  	v2 =	vld [tilespmem:s24+$0x1B600]  }
0x1be: {  	v1 =	vld [tilespmem:s24+$0x1B610]  }
0x1bf: {  	v3 =	vld [tilespmem:s24+$0x13600]  }
0x1c0: {  	v4 =	vld [tilespmem:s24+$0x15600]  }
0x1c1: {  	v5 =	vld [tilespmem:s24+$0x17600]  }
0x1c2: {  	v7 =	vld [tilespmem:s24+$0x19600]  }
0x1c3: {  	v6 =	vld [tilespmem:s24+$0x13610]  }
0x1c4: {  	v8 =	vld [tilespmem:s24+$0x15610]  }
0x1c5: {  	v10 =	vld [tilespmem:s24+$0x17610]  }
0x1c6: {  	v14 =	vld [tilespmem:s24+$0x19610]  }
0x1c7: {  	v9 =	vld [tilespmem:s24+$0x13620]  }
0x1c8: {  	v12 =	vld [tilespmem:s24+$0x15620]  }
0x1c9: {  	v15 =	vld [tilespmem:s24+$0x17620]  }
0x1ca: {  	v17 =	vld [tilespmem:s24+$0x19620]  }
0x1cb: {  	v13 =	vld [tilespmem:s24+$0x13630]  }
0x1cc: {  	v16 =	vld [tilespmem:s24+$0x15630]  }
0x1cd: {  	s25 =	simm.s32 $0x100;
	v11 =	vld [tilespmem:s24+$0x17630]  }
.LBB2_4:
0x1ce: {  	p0 =	sne.s32 s25, $0x7F00;
	v18 =	vld [tilespmem:s24+$0x19630]  }
0x1cf: {  	v3 =	vadd.f32 v4, v3;
	v4 =	vadd.f32 v7, v5;
	v5 =	vld [tilespmem:s24+$0x1B620]  }
0x1d0: {  	v6 =	vadd.f32 v8, v6;
	v7 =	vadd.f32 v14, v10;
	v8 =	vld [tilespmem:s24+$0x1B630]  }
0x1d1: {  	v9 =	vadd.f32 v12, v9;
	v12 =	vadd.f32 v17, v15;
	v10 =	vld [tilespmem:s24+$0x3600]  }
0x1d2: {  	v3 =	vadd.f32 v4, v3;
	v13 =	vadd.f32 v16, v13;
	v4 =	vld [tilespmem:s24+$0x3610]  }
0x1d3: {  	v6 =	vadd.f32 v7, v6;
	v7 =	vld [tilespmem:s24+$0x3620];
	v11 =	vadd.f32 v18, v11  }
0x1d4: {  	s26 =	sshra.s32 s25, $0x2;
	v9 =	vadd.f32 v12, v9;
	v3 =	vadd.f32 v3, v2;
	v12 =	vld [tilespmem:s24+$0x3630]  }
0x1d5: {  	v6 =	vadd.f32 v6, v1;
	v2 =	vld [tilespmem:s26+$0x1B600];
	v11 =	vadd.f32 v11, v13  }
0x1d6: {  	v5 =	vadd.f32 v9, v5;
	v1 =	vld [tilespmem:s26+$0x1B610];
	v10 =	vadd.f32 v3, v10  }
0x1d7: {  	v3 =	vld [tilespmem:s26+$0x13600];
	v6 =	vadd.f32 v6, v4;
	v8 =	vadd.f32 v11, v8  }
0x1d8: {  	v4 =	vld [tilespmem:s26+$0x15600];
	[tilespmem:s24+$0x3600] =	vst v10;
	v9 =	vadd.f32 v5, v7  }
0x1d9: {  	v5 =	vld [tilespmem:s26+$0x17600];
	[tilespmem:s24+$0x3610] =	vst v6;
	v8 =	vadd.f32 v8, v12  }
0x1da: {  	v7 =	vld [tilespmem:s26+$0x19600];
	[tilespmem:s24+$0x3620] =	vst v9  }
0x1db: {  	v6 =	vld [tilespmem:s26+$0x13610];
	[tilespmem:s24+$0x3630] =	vst v8;
	s24 =	smov.u32 s26  }
0x1dc: {  	v8 =	vld [tilespmem:s24+$0x15610]  }
0x1dd: {  	v10 =	vld [tilespmem:s24+$0x17610]  }
0x1de: {  	v14 =	vld [tilespmem:s24+$0x19610]  }
0x1df: {  	v9 =	vld [tilespmem:s24+$0x13620]  }
0x1e0: {  	v12 =	vld [tilespmem:s24+$0x15620]  }
.Ltmp1:
0x1e1: {  	v15 =	vld [tilespmem:s24+$0x17620];
	(pc) =	sbr.rel @p0 .LBB2_4-.Ltmp1, $4  }
0x1e2: {  	v17 =	vld [tilespmem:s24+$0x19620]  }
0x1e3: {  	v13 =	vld [tilespmem:s24+$0x13630]  }
0x1e4: {  	v16 =	vld [tilespmem:s24+$0x15630]  }
0x1e5: {  	s25 =	sadd.s32 $0x100, s25;
	v11 =	vld [tilespmem:s24+$0x17630]  }
0x1e6: {  	v18 =	vld [tilespmem:s24+$0x19630]  }
0x1e7: {  	v3 =	vadd.f32 v4, v3;
	v4 =	vadd.f32 v7, v5;
	v5 =	vld [tilespmem:s24+$0x1B620]  }
0x1e8: {  	v6 =	vadd.f32 v8, v6;
	v7 =	vadd.f32 v14, v10;
	v8 =	vld [tilespmem:s24+$0x1B630]  }
0x1e9: {  	v10 =	vld [tilespmem:s24+$0x3600];
	v9 =	vadd.f32 v12, v9;
	v12 =	vadd.f32 v17, v15  }
0x1ea: {  	v3 =	vadd.f32 v4, v3;
	v4 =	vld [tilespmem:s24+$0x3610];
	v6 =	vadd.f32 v7, v6  }
0x1eb: {  	v7 =	vld [tilespmem:s24+$0x3620];
	v13 =	vadd.f32 v16, v13;
	v11 =	vadd.f32 v18, v11  }
0x1ec: {  	v2 =	vadd.f32 v3, v2;
	v3 =	vadd.f32 v12, v9;
	v9 =	vld [tilespmem:s24+$0x3630]  }
0x1ed: {  	v1 =	vadd.f32 v6, v1;
	v6 =	vadd.f32 v11, v13  }
0x1ee: {  	v2 =	vadd.f32 v2, v10;
	v3 =	vadd.f32 v3, v5  }
0x1ef: {  	v1 =	vadd.f32 v1, v4;
	v4 =	vadd.f32 v6, v8  }
0x1f0: {  	[tilespmem:s24+$0x3600] =	vst v2;
	v2 =	vadd.f32 v3, v7  }
0x1f1: {  	[tilespmem:s24+$0x3610] =	vst v1;
	v1 =	vadd.f32 v4, v9  }
0x1f2: {  	[tilespmem:s24+$0x3620] =	vst v2  }
0x1f3: {  	s25 =	rddreg [dreg:$0x13];
	s26 =	simm.s32 $0x3600;
	[tilespmem:s24+$0x3630] =	vst v1;
	s24 =	simm.s32 $0x0  }
0x1f4: {  	[hbm4b:s25+s24] =	stream.linear.scatter [tilespmem:s26], [sflag:$0x4], $0x2000, $0x38;
	[tilespmem:$0x1D600] =	vst v63  }
0x1f5: {  	_ =	swait.ge [sflag:s11], $0x2000  }
0x1f6: {  	[sflag:s11] =	ssyncset.done $0x0  }
0x1f7: {  	[sflag:s11] =	ssyncadd.s32 $0xFFFFE000  }
0x1f8: {  	_ =	swait.ge [sflag:s11], $0x2000  }
0x1f9: {  	[sflag:s11] =	ssyncset.done $0x0  }
0x1fa: {  	[sflag:s11] =	ssyncadd.s32 $0xFFFFE000  }
0x1fb: {  	_ =	swait.ge [sflag:s11], $0x2000  }
0x1fc: {  	[sflag:s11] =	ssyncset.done $0x0  }
0x1fd: {  	[sflag:s11] =	ssyncadd.s32 $0xFFFFE000  }
0x1fe: {  	_ =	swait.ge [sflag:s11], $0x2000  }
0x1ff: {  	[sflag:s11] =	ssyncset.done $0x0  }
0x200: {  	[sflag:s11] =	ssyncadd.s32 $0xFFFFE000  }
0x201: {  	_ =	swait.ge [sflag:s11], $0x2000  }
0x202: {  	[sflag:s11] =	ssyncset.done $0x0  }
0x203: {  	s26 =	simm.s32 $0x1380;
	[sflag:s11] =	ssyncadd.s32 $0xFFFFE000  }
0x204: {  	[tilespmem:s19], [sflag:$0x3] =	stream.indirect.gather [hbm4b:s4+s8], $0x40, s26, s8, $0xb8;
	[tilespmem:$0x1D600] =	vst v63  }
0x205: {  	s25 =	simm.s32 $0x1400  }
0x206: {  	[tilespmem:s12], [sflag:$0x3] =	stream.indirect.gather [hbm4b:s4+s8], $0x40, s25, s8, $0xb8;
	[tilespmem:$0x1D600] =	vst v63  }
0x207: {  	s26 =	simm.s32 $0x1480  }
0x208: {  	[tilespmem:s20], [sflag:$0x3] =	stream.indirect.gather [hbm4b:s4+s8], $0x40, s26, s8, $0xb8;
	[tilespmem:$0x1D600] =	vst v63  }
0x209: {  	s25 =	simm.s32 $0x1500  }
0x20a: {  	[tilespmem:s13], [sflag:$0x3] =	stream.indirect.gather [hbm4b:s4+s8], $0x40, s25, s8, $0xb8;
	[tilespmem:$0x1D600] =	vst v63  }
0x20b: {  	s26 =	simm.s32 $0x1580  }
0x20c: {  	[tilespmem:s14], [sflag:$0x3] =	stream.indirect.gather [hbm4b:s4+s8], $0x40, s26, s8, $0xb8;
	[tilespmem:$0x1D600] =	vst v63  }
0x20d: {  	_ =	swait.ge [sflag:s21], $0x2000  }
0x20e: {  	[sflag:s21] =	ssyncset.done $0x0  }
0x20f: {  	s24 =	simm.s32 $0x0;
	[sflag:s21] =	ssyncadd.s32 $0xFFFFE000  }
0x210: {  	v2 =	vld [tilespmem:s24+$0x11600]  }
0x211: {  	v1 =	vld [tilespmem:s24+$0x11610]  }
0x212: {  	v3 =	vld [tilespmem:s24+$0x9600]  }
0x213: {  	v4 =	vld [tilespmem:s24+$0xB600]  }
0x214: {  	v5 =	vld [tilespmem:s24+$0xD600]  }
0x215: {  	v7 =	vld [tilespmem:s24+$0xF600]  }
0x216: {  	v6 =	vld [tilespmem:s24+$0x9610]  }
0x217: {  	v8 =	vld [tilespmem:s24+$0xB610]  }
0x218: {  	v10 =	vld [tilespmem:s24+$0xD610]  }
0x219: {  	v14 =	vld [tilespmem:s24+$0xF610]  }
0x21a: {  	v9 =	vld [tilespmem:s24+$0x9620]  }
0x21b: {  	v12 =	vld [tilespmem:s24+$0xB620]  }
0x21c: {  	v15 =	vld [tilespmem:s24+$0xD620]  }
0x21d: {  	v17 =	vld [tilespmem:s24+$0xF620]  }
0x21e: {  	v13 =	vld [tilespmem:s24+$0x9630]  }
0x21f: {  	v16 =	vld [tilespmem:s24+$0xB630]  }
0x220: {  	s25 =	simm.s32 $0x100;
	v11 =	vld [tilespmem:s24+$0xD630]  }
.LBB2_6:
0x221: {  	p0 =	sne.s32 s25, $0x7F00;
	v18 =	vld [tilespmem:s24+$0xF630]  }
0x222: {  	v3 =	vadd.f32 v4, v3;
	v4 =	vadd.f32 v7, v5;
	v5 =	vld [tilespmem:s24+$0x11620]  }
0x223: {  	v6 =	vadd.f32 v8, v6;
	v7 =	vadd.f32 v14, v10;
	v8 =	vld [tilespmem:s24+$0x11630]  }
0x224: {  	v9 =	vadd.f32 v12, v9;
	v12 =	vadd.f32 v17, v15;
	v10 =	vld [tilespmem:s24+$0x5600]  }
0x225: {  	v3 =	vadd.f32 v4, v3;
	v13 =	vadd.f32 v16, v13;
	v4 =	vld [tilespmem:s24+$0x5610]  }
0x226: {  	v6 =	vadd.f32 v7, v6;
	v7 =	vld [tilespmem:s24+$0x5620];
	v11 =	vadd.f32 v18, v11  }
0x227: {  	s26 =	sshra.s32 s25, $0x2;
	v9 =	vadd.f32 v12, v9;
	v3 =	vadd.f32 v3, v2;
	v12 =	vld [tilespmem:s24+$0x5630]  }
0x228: {  	v6 =	vadd.f32 v6, v1;
	v2 =	vld [tilespmem:s26+$0x11600];
	v11 =	vadd.f32 v11, v13  }
0x229: {  	v5 =	vadd.f32 v9, v5;
	v1 =	vld [tilespmem:s26+$0x11610];
	v10 =	vadd.f32 v3, v10  }
0x22a: {  	v3 =	vld [tilespmem:s26+$0x9600];
	v6 =	vadd.f32 v6, v4;
	v8 =	vadd.f32 v11, v8  }
0x22b: {  	v4 =	vld [tilespmem:s26+$0xB600];
	[tilespmem:s24+$0x5600] =	vst v10;
	v9 =	vadd.f32 v5, v7  }
0x22c: {  	v5 =	vld [tilespmem:s26+$0xD600];
	[tilespmem:s24+$0x5610] =	vst v6;
	v8 =	vadd.f32 v8, v12  }
0x22d: {  	v7 =	vld [tilespmem:s26+$0xF600];
	[tilespmem:s24+$0x5620] =	vst v9  }
0x22e: {  	v6 =	vld [tilespmem:s26+$0x9610];
	[tilespmem:s24+$0x5630] =	vst v8;
	s24 =	smov.u32 s26  }
0x22f: {  	v8 =	vld [tilespmem:s24+$0xB610]  }
0x230: {  	v10 =	vld [tilespmem:s24+$0xD610]  }
0x231: {  	v14 =	vld [tilespmem:s24+$0xF610]  }
0x232: {  	v9 =	vld [tilespmem:s24+$0x9620]  }
0x233: {  	v12 =	vld [tilespmem:s24+$0xB620]  }
.Ltmp2:
0x234: {  	v15 =	vld [tilespmem:s24+$0xD620];
	(pc) =	sbr.rel @p0 .LBB2_6-.Ltmp2, $4  }
0x235: {  	v17 =	vld [tilespmem:s24+$0xF620]  }
0x236: {  	v13 =	vld [tilespmem:s24+$0x9630]  }
0x237: {  	v16 =	vld [tilespmem:s24+$0xB630]  }
0x238: {  	s25 =	sadd.s32 $0x100, s25;
	v11 =	vld [tilespmem:s24+$0xD630]  }
0x239: {  	v18 =	vld [tilespmem:s24+$0xF630]  }
0x23a: {  	v3 =	vadd.f32 v4, v3;
	v4 =	vadd.f32 v7, v5;
	v5 =	vld [tilespmem:s24+$0x11620]  }
0x23b: {  	v6 =	vadd.f32 v8, v6;
	v7 =	vadd.f32 v14, v10;
	v8 =	vld [tilespmem:s24+$0x11630]  }
0x23c: {  	v10 =	vld [tilespmem:s24+$0x5600];
	v9 =	vadd.f32 v12, v9;
	v12 =	vadd.f32 v17, v15  }
0x23d: {  	v3 =	vadd.f32 v4, v3;
	v4 =	vld [tilespmem:s24+$0x5610];
	v6 =	vadd.f32 v7, v6  }
0x23e: {  	v7 =	vld [tilespmem:s24+$0x5620];
	v13 =	vadd.f32 v16, v13;
	v11 =	vadd.f32 v18, v11  }
0x23f: {  	v2 =	vadd.f32 v3, v2;
	v3 =	vadd.f32 v12, v9;
	v9 =	vld [tilespmem:s24+$0x5630]  }
0x240: {  	v1 =	vadd.f32 v6, v1;
	v6 =	vadd.f32 v11, v13  }
0x241: {  	v2 =	vadd.f32 v2, v10;
	v3 =	vadd.f32 v3, v5  }
0x242: {  	v1 =	vadd.f32 v1, v4;
	v4 =	vadd.f32 v6, v8  }
0x243: {  	[tilespmem:s24+$0x5600] =	vst v2;
	v2 =	vadd.f32 v3, v7  }
0x244: {  	[tilespmem:s24+$0x5610] =	vst v1;
	v1 =	vadd.f32 v4, v9  }
0x245: {  	[tilespmem:s24+$0x5620] =	vst v2  }
0x246: {  	s25 =	rddreg [dreg:$0x14];
	s26 =	simm.s32 $0x5600;
	[tilespmem:s24+$0x5630] =	vst v1;
	s24 =	simm.s32 $0x0  }
0x247: {  	[hbm4b:s25+s24] =	stream.linear.scatter [tilespmem:s26], [sflag:$0x4], $0x2000, $0x38;
	[tilespmem:$0x1D600] =	vst v63  }
0x248: {  	_ =	swait.ge [sflag:s11], $0x2000  }
0x249: {  	[sflag:s11] =	ssyncset.done $0x0  }
0x24a: {  	[sflag:s11] =	ssyncadd.s32 $0xFFFFE000  }
0x24b: {  	_ =	swait.ge [sflag:s11], $0x2000  }
0x24c: {  	[sflag:s11] =	ssyncset.done $0x0  }
0x24d: {  	[sflag:s11] =	ssyncadd.s32 $0xFFFFE000  }
0x24e: {  	_ =	swait.ge [sflag:s11], $0x2000  }
0x24f: {  	[sflag:s11] =	ssyncset.done $0x0  }
0x250: {  	[sflag:s11] =	ssyncadd.s32 $0xFFFFE000  }
0x251: {  	_ =	swait.ge [sflag:s11], $0x2000  }
0x252: {  	[sflag:s11] =	ssyncset.done $0x0  }
0x253: {  	[sflag:s11] =	ssyncadd.s32 $0xFFFFE000  }
0x254: {  	_ =	swait.ge [sflag:s11], $0x2000  }
0x255: {  	[sflag:s11] =	ssyncset.done $0x0  }
0x256: {  	[sflag:s11] =	ssyncadd.s32 $0xFFFFE000  }
0x257: {  	_ =	swait.ge [sflag:s21], $0x2000  }
0x258: {  	[sflag:s21] =	ssyncset.done $0x0  }
0x259: {  	s24 =	simm.s32 $0x0;
	[sflag:s21] =	ssyncadd.s32 $0xFFFFE000  }
0x25a: {  	v2 =	vld [tilespmem:s24+$0x1B600]  }
0x25b: {  	v1 =	vld [tilespmem:s24+$0x1B610]  }
0x25c: {  	v3 =	vld [tilespmem:s24+$0x13600]  }
0x25d: {  	v4 =	vld [tilespmem:s24+$0x15600]  }
0x25e: {  	v5 =	vld [tilespmem:s24+$0x17600]  }
0x25f: {  	v7 =	vld [tilespmem:s24+$0x19600]  }
0x260: {  	v6 =	vld [tilespmem:s24+$0x13610]  }
0x261: {  	v8 =	vld [tilespmem:s24+$0x15610]  }
0x262: {  	v10 =	vld [tilespmem:s24+$0x17610]  }
0x263: {  	v14 =	vld [tilespmem:s24+$0x19610]  }
0x264: {  	v9 =	vld [tilespmem:s24+$0x13620]  }
0x265: {  	v12 =	vld [tilespmem:s24+$0x15620]  }
0x266: {  	v15 =	vld [tilespmem:s24+$0x17620]  }
0x267: {  	v17 =	vld [tilespmem:s24+$0x19620]  }
0x268: {  	v13 =	vld [tilespmem:s24+$0x13630]  }
0x269: {  	v16 =	vld [tilespmem:s24+$0x15630]  }
0x26a: {  	s25 =	simm.s32 $0x100;
	v11 =	vld [tilespmem:s24+$0x17630]  }
.LBB2_8:
0x26b: {  	p0 =	sne.s32 s25, $0x7F00;
	v18 =	vld [tilespmem:s24+$0x19630]  }
0x26c: {  	v3 =	vadd.f32 v4, v3;
	v4 =	vadd.f32 v7, v5;
	v5 =	vld [tilespmem:s24+$0x1B620]  }
0x26d: {  	v6 =	vadd.f32 v8, v6;
	v7 =	vadd.f32 v14, v10;
	v8 =	vld [tilespmem:s24+$0x1B630]  }
0x26e: {  	v9 =	vadd.f32 v12, v9;
	v12 =	vadd.f32 v17, v15;
	v10 =	vld [tilespmem:s24+$0x7600]  }
0x26f: {  	v3 =	vadd.f32 v4, v3;
	v13 =	vadd.f32 v16, v13;
	v4 =	vld [tilespmem:s24+$0x7610]  }
0x270: {  	v6 =	vadd.f32 v7, v6;
	v7 =	vld [tilespmem:s24+$0x7620];
	v11 =	vadd.f32 v18, v11  }
0x271: {  	s26 =	sshra.s32 s25, $0x2;
	v9 =	vadd.f32 v12, v9;
	v3 =	vadd.f32 v3, v2;
	v12 =	vld [tilespmem:s24+$0x7630]  }
0x272: {  	v6 =	vadd.f32 v6, v1;
	v2 =	vld [tilespmem:s26+$0x1B600];
	v11 =	vadd.f32 v11, v13  }
0x273: {  	v5 =	vadd.f32 v9, v5;
	v1 =	vld [tilespmem:s26+$0x1B610];
	v10 =	vadd.f32 v3, v10  }
0x274: {  	v3 =	vld [tilespmem:s26+$0x13600];
	v6 =	vadd.f32 v6, v4;
	v8 =	vadd.f32 v11, v8  }
0x275: {  	v4 =	vld [tilespmem:s26+$0x15600];
	[tilespmem:s24+$0x7600] =	vst v10;
	v9 =	vadd.f32 v5, v7  }
0x276: {  	v5 =	vld [tilespmem:s26+$0x17600];
	[tilespmem:s24+$0x7610] =	vst v6;
	v8 =	vadd.f32 v8, v12  }
0x277: {  	v7 =	vld [tilespmem:s26+$0x19600];
	[tilespmem:s24+$0x7620] =	vst v9  }
0x278: {  	v6 =	vld [tilespmem:s26+$0x13610];
	[tilespmem:s24+$0x7630] =	vst v8;
	s24 =	smov.u32 s26  }
0x279: {  	v8 =	vld [tilespmem:s24+$0x15610]  }
0x27a: {  	v10 =	vld [tilespmem:s24+$0x17610]  }
0x27b: {  	v14 =	vld [tilespmem:s24+$0x19610]  }
0x27c: {  	v9 =	vld [tilespmem:s24+$0x13620]  }
0x27d: {  	v12 =	vld [tilespmem:s24+$0x15620]  }
.Ltmp3:
0x27e: {  	v15 =	vld [tilespmem:s24+$0x17620];
	(pc) =	sbr.rel @p0 .LBB2_8-.Ltmp3, $4  }
0x27f: {  	v17 =	vld [tilespmem:s24+$0x19620]  }
0x280: {  	v13 =	vld [tilespmem:s24+$0x13630]  }
0x281: {  	v16 =	vld [tilespmem:s24+$0x15630]  }
0x282: {  	s25 =	sadd.s32 $0x100, s25;
	v11 =	vld [tilespmem:s24+$0x17630]  }
0x283: {  	v18 =	vld [tilespmem:s24+$0x19630]  }
0x284: {  	v3 =	vadd.f32 v4, v3;
	v53 =	vadd.f32 v7, v5;
	v54 =	vld [tilespmem:s24+$0x1B620]  }
0x285: {  	v6 =	vadd.f32 v8, v6;
	v55 =	vadd.f32 v14, v10;
	v56 =	vld [tilespmem:s24+$0x1B630]  }
0x286: {  	v57 =	vld [tilespmem:s24+$0x7600];
	v9 =	vadd.f32 v12, v9;
	v58 =	vadd.f32 v17, v15  }
0x287: {  	v59 =	vld [tilespmem:s24+$0x7610];
	v3 =	vadd.f32 v53, v3;
	v6 =	vadd.f32 v55, v6  }
0x288: {  	v60 =	vld [tilespmem:s24+$0x7620];
	v13 =	vadd.f32 v16, v13;
	v11 =	vadd.f32 v18, v11  }
0x289: {  	v61 =	vld [tilespmem:s24+$0x7630];
	v2 =	vadd.f32 v3, v2;
	v3 =	vadd.f32 v58, v9  }
0x28a: {  	v1 =	vadd.f32 v6, v1;
	v62 =	vadd.f32 v11, v13  }
0x28b: {  	v2 =	vadd.f32 v2, v57;
	v3 =	vadd.f32 v3, v54  }
0x28c: {  	v1 =	vadd.f32 v1, v59;
	v63 =	vadd.f32 v62, v56  }
0x28d: {  	[tilespmem:s24+$0x7600] =	vst v2;
	v2 =	vadd.f32 v3, v60  }
0x28e: {  	[tilespmem:s24+$0x7610] =	vst v1;
	v1 =	vadd.f32 v63, v61  }
0x28f: {  	[tilespmem:s24+$0x7620] =	vst v2  }
0x290: {  	s26 =	rddreg [dreg:$0x15];
	s25 =	simm.s32 $0x7600;
	[tilespmem:s24+$0x7630] =	vst v1  }
0x291: {  	[hbm4b:s26+s1] =	stream.linear.scatter [tilespmem:s25], [sflag:$0x4], $0x2000, $0x38;
	[tilespmem:$0x1D600] =	vst v63  }
0x292: {  	_ =	swait.ge [sflag:s22], $0x2000  }
0x293: {  	[sflag:s22] =	ssyncset.done $0x0  }
0x294: {  	[sflag:s22] =	ssyncadd.s32 $0xFFFFE000  }
0x295: {  	_ =	swait.ge [sflag:s22], $0x2000  }
0x296: {  	[sflag:s22] =	ssyncset.done $0x0  }
0x297: {  	[sflag:s22] =	ssyncadd.s32 $0xFFFFE000  }
0x298: {  	_ =	swait.ge [sflag:s22], $0x2000  }
0x299: {  	[sflag:s22] =	ssyncset.done $0x0  }
0x29a: {  	[sflag:s22] =	ssyncadd.s32 $0xFFFFE000  }
0x29b: {  	_ =	swait.ge [sflag:s22], $0x2000  }
0x29c: {  	s23 =	sadd.s32 $0x1, s23;
	s26 =	rddreg [dreg:$0x17]  }
0x29d: {  	p0 =	sne.s32 s23, s26  }
.Ltmp4:
0x29e: {  	_ = 	snop;
	(pc) =	sbr.rel @p0 .LBB2_1-.Ltmp4, $3  }
0x29f: {  	_ =	sdelay $0x1  }
0x2a0: {  	[sflag:s22] =	ssyncset.done $0x0  }
0x2a1: {  	[sflag:s22] =	ssyncadd.s32 $0xFFFFE000  }
0x2a2: {  	_ =	sfence.sel $0x180000  }
0x2a3: {  	[bflag:$0x0] =	sbarrier.arrive $0xFFFF  }
0x2a4: {  	_ =	strace $0x9000004A  }
0x2a5: {  	s0 =	stileid.u32;
	[bflag:$0x2] =	sbarrier.arrive $0xFFFF  }
0x2a6: {  	p0 =	sne.s32 s0, $0x0;
	s0 =	rddreg [dreg:$0x3]  }
0x2a7: {  	s0 =	sadd.s32 @!p0 $0x100000, s0  }
0x2a8: {  	[sflag:s0] =	ssyncadd.tile.s32 @!p0 $0x1;
	_ =	shalt  }
.Lfunc_end2:
_tile_overlayer_lowered:
.L_overlay_start_2:
0x2a9: {  	(tag) =	ssettag $0x2  }
0x2aa: {  	s0 =	rddreg [dreg:$0x0];
	s2 =	stileid.u32  }
0x2ab: {  	s1 =	rddreg [dreg:$0x1];
	p0 =	sne.s32 s2, $0x0  }
0x2ac: {  	s3 =	rddreg [dreg:$0x2];
	[bflag:$0x3] =	sbarrier.arrive $0xFFFF;
	s2 =	simm.s32 @!p0 $0x1C05  }
0x2ad: {  	[timem:s3], [sflag:s2] =	dma.local @!p0 [hbm:s0], s1  }
0x2ae: {  	s0 =	simm.s32 @!p0 $0x5  }
0x2af: {  	_ =	swait.ge @!p0 [sflag:s0], s1  }
0x2b0: {  	s1 =	ssub.s32 @!p0 $0x0, s1;
	[sflag:s0] =	ssyncset.done @!p0 $0x0  }
0x2b1: {  	[sflag:s0] =	ssyncadd.s32 @!p0 s1  }
0x2b2: {  	[bflag:$0x3] =	sbarrier.arrive $0xFFFF  }
0x2b3: {  	_ =	shalt  }

</sc_bundles>
